<compile_context>
chip_gen: v7x
topology: tpu7x:2x2x1
jax: 0.10.2.dev20260603
libtpu: 0.0.44.dev20260713+nightly
codegen_flags: <defaults>
</compile_context>

<pallas_src>
import jax
import jax.numpy as jnp
from jax import lax
from jax.experimental import pallas as pl
from jax.experimental.pallas import tpu as pltpu
from jax.experimental.pallas import tpu_sc as plsc

N_POINTS = 1600000
N_SEG = 100000
F1 = 9
F2 = 32
EPS = 1e-5

BLK = 16000
GRID = N_POINTS // BLK
CH = 112
N_PAD = N_POINTS + CH
N_TILES = 32
SEG_T = 3128
N_SEG_PAD = N_TILES * SEG_T


def _stats1_body(x_ref, w1t_ref, b1_ref, out_ref):
    i = pl.program_id(0)
    h = jnp.dot(x_ref[...], w1t_ref[...], preferred_element_type=jnp.float32)
    h = h + b1_ref[...]
    s = jnp.sum(h, axis=0, keepdims=True)
    ss = jnp.sum(h * h, axis=0, keepdims=True)
    blk = jnp.concatenate([s, ss], axis=0)

    @pl.when(i == 0)
    def _():
        out_ref[...] = blk

    @pl.when(i != 0)
    def _():
        out_ref[...] = out_ref[...] + blk


def _fwd_body(x_ref, w1t_ref, b1_ref, sc1_ref, sh1_ref, w2t_ref, b2_ref,
              h2_ref, st_ref):
    i = pl.program_id(0)
    h1 = jnp.dot(x_ref[...], w1t_ref[...], preferred_element_type=jnp.float32)
    h1 = h1 + b1_ref[...]
    f1 = jnp.maximum(h1 * sc1_ref[...] + sh1_ref[...], 0.0)
    h2 = jnp.dot(f1, w2t_ref[...], preferred_element_type=jnp.float32)
    h2 = h2 + b2_ref[...]
    h2_ref[...] = h2
    s = jnp.sum(h2, axis=0, keepdims=True)
    ss = jnp.sum(h2 * h2, axis=0, keepdims=True)
    blk = jnp.concatenate([s, ss], axis=0)

    @pl.when(i == 0)
    def _():
        st_ref[...] = blk

    @pl.when(i != 0)
    def _():
        st_ref[...] = st_ref[...] + blk


def _segmax_body(h2_hbm, idx_hbm, splits_hbm, aff_hbm, out_hbm,
                 splits_v, aff_v, idxbuf0, idxbuf1, rowbuf0, rowbuf1,
                 slab, sem0, sem1):
    cid = lax.axis_index("c")
    sid = lax.axis_index("s")
    wid = sid * 2 + cid
    pltpu.sync_copy(splits_hbm, splits_v)
    pltpu.sync_copy(aff_hbm, aff_v)
    seg_lo = pl.multiple_of(wid * SEG_T, 8)
    rvec = splits_v[pl.ds(wid, 16)]
    r0 = rvec[0]
    r1 = rvec[1]
    r0a = jnp.bitwise_and(r0, jnp.int32(-8))
    nchunks = (r1 - r0a + (CH - 1)) // CH

    def start(c, ib, rb, sem):
        base = pl.multiple_of(r0a + c * CH, 8)
        pltpu.async_copy(idx_hbm.at[pl.ds(base, CH)], ib, sem)
        pltpu.async_copy(h2_hbm.at[pl.ds(base, CH), :], rb, sem)

    def drain(ib, rb, sem):
        pltpu.make_async_copy(idx_hbm.at[pl.ds(0, CH)], ib, sem).wait()
        pltpu.make_async_copy(h2_hbm.at[pl.ds(0, CH), :], rb, sem).wait()

    @pl.when(nchunks > 0)
    def _():
        start(0, idxbuf0, rowbuf0, sem0)

    @pl.when(nchunks > 1)
    def _():
        start(1, idxbuf1, rowbuf1, sem1)

    ninf = jnp.full((16,), -jnp.inf, dtype=jnp.float32)

    def init_body(s, carry):
        slab[pl.ds(s * F2, 16)] = ninf
        slab[pl.ds(s * F2 + 16, 16)] = ninf
        return carry

    lax.fori_loop(0, SEG_T, init_body, 0)

    def do_row(local, rb, r):
        @pl.when(jnp.logical_and(local >= 0, local < SEG_T))
        def _():
            o = local * F2
            slab[pl.ds(o, 16)] = jnp.maximum(slab[pl.ds(o, 16)],
                                             rb[r, 0:16])
            slab[pl.ds(o + 16, 16)] = jnp.maximum(slab[pl.ds(o + 16, 16)],
                                                  rb[r, 16:32])

    def process(ib, rb):
        def group_body(g, carry):
            iv = ib[pl.ds(g * 16, 16)]
            for j in range(16):
                do_row(iv[j] - seg_lo, rb, g * 16 + j)
            return carry
        lax.fori_loop(0, CH // 16, group_body, 0)

    def pair_body(k, carry):
        c0 = 2 * k
        c1 = c0 + 1

        @pl.when(c0 < nchunks)
        def _():
            drain(idxbuf0, rowbuf0, sem0)
            process(idxbuf0, rowbuf0)

            @pl.when(c0 + 2 < nchunks)
            def _():
                start(c0 + 2, idxbuf0, rowbuf0, sem0)

        @pl.when(c1 < nchunks)
        def _():
            drain(idxbuf1, rowbuf1, sem1)
            process(idxbuf1, rowbuf1)

            @pl.when(c1 + 2 < nchunks)
            def _():
                start(c1 + 2, idxbuf1, rowbuf1, sem1)

        return carry

    lax.fori_loop(0, (nchunks + 1) // 2, pair_body, 0)

    sca = aff_v[pl.ds(0, 16)]
    scb = aff_v[pl.ds(16, 16)]
    sha = aff_v[pl.ds(32, 16)]
    shb = aff_v[pl.ds(48, 16)]
    zero = jnp.zeros((16,), dtype=jnp.float32)

    def fin_body(s, carry):
        o = s * F2
        slab[pl.ds(o, 16)] = jnp.maximum(slab[pl.ds(o, 16)] * sca + sha, zero)
        slab[pl.ds(o + 16, 16)] = jnp.maximum(
            slab[pl.ds(o + 16, 16)] * scb + shb, zero)
        return carry

    lax.fori_loop(0, SEG_T, fin_body, 0)
    out_lo = pl.multiple_of(wid * (SEG_T * F2), 8)
    pltpu.sync_copy(slab, out_hbm.at[pl.ds(out_lo, SEG_T * F2)])


def kernel(points, inverse_indices, W1, b1, g1, be1, W2, b2, g2, be2):
    idx = inverse_indices.astype(jnp.int32)
    w1t = W1.T
    w2t = W2.T
    b1r = b1.reshape(1, F2)

    st1 = pl.pallas_call(
        _stats1_body,
        grid=(GRID,),
        in_specs=[
            pl.BlockSpec((BLK, F1), lambda i: (i, 0)),
            pl.BlockSpec((F1, F2), lambda i: (0, 0)),
            pl.BlockSpec((1, F2), lambda i: (0, 0)),
        ],
        out_specs=pl.BlockSpec((2, F2), lambda i: (0, 0)),
        out_shape=jax.ShapeDtypeStruct((2, F2), jnp.float32),
        compiler_params=pltpu.CompilerParams(
            dimension_semantics=("arbitrary",)),
    )(points, w1t, b1r)

    inv_n = jnp.float32(1.0 / N_POINTS)
    mean1 = st1[0] * inv_n
    var1 = st1[1] * inv_n - mean1 * mean1
    sc1 = g1 / jnp.sqrt(var1 + EPS)
    sh1 = be1 - mean1 * sc1

    h2p, st2 = pl.pallas_call(
        _fwd_body,
        grid=(GRID,),
        in_specs=[
            pl.BlockSpec((BLK, F1), lambda i: (i, 0)),
            pl.BlockSpec((F1, F2), lambda i: (0, 0)),
            pl.BlockSpec((1, F2), lambda i: (0, 0)),
            pl.BlockSpec((1, F2), lambda i: (0, 0)),
            pl.BlockSpec((1, F2), lambda i: (0, 0)),
            pl.BlockSpec((F2, F2), lambda i: (0, 0)),
            pl.BlockSpec((1, F2), lambda i: (0, 0)),
        ],
        out_specs=[
            pl.BlockSpec((BLK, F2), lambda i: (i, 0)),
            pl.BlockSpec((2, F2), lambda i: (0, 0)),
        ],
        out_shape=[
            jax.ShapeDtypeStruct((N_PAD, F2), jnp.float32),
            jax.ShapeDtypeStruct((2, F2), jnp.float32),
        ],
        compiler_params=pltpu.CompilerParams(
            dimension_semantics=("arbitrary",)),
    )(points, w1t, b1r, sc1.reshape(1, F2), sh1.reshape(1, F2), w2t,
      b2.reshape(1, F2))

    mean2 = st2[0] * inv_n
    var2 = st2[1] * inv_n - mean2 * mean2
    sc2 = g2 / jnp.sqrt(var2 + EPS)
    sh2 = be2 - mean2 * sc2
    aff = jnp.concatenate([sc2, sh2]).astype(jnp.float32)

    idx_pad = jnp.concatenate(
        [idx, jnp.full((CH,), jnp.int32(2**31 - 2))])
    bounds = jnp.arange(0, N_SEG_PAD + 1, SEG_T, dtype=jnp.int32)
    splits = jnp.searchsorted(idx, bounds).astype(jnp.int32)
    splits = jnp.concatenate([splits, jnp.zeros((15,), jnp.int32)])

    mesh = plsc.VectorSubcoreMesh(core_axis_name="c", subcore_axis_name="s")
    out = pl.kernel(
        _segmax_body,
        mesh=mesh,
        out_type=jax.ShapeDtypeStruct((N_SEG_PAD * F2,), jnp.float32),
        scratch_types=[
            pltpu.VMEM((48,), jnp.int32),
            pltpu.VMEM((2 * F2,), jnp.float32),
            pltpu.VMEM((CH,), jnp.int32),
            pltpu.VMEM((CH,), jnp.int32),
            pltpu.VMEM((CH, F2), jnp.float32),
            pltpu.VMEM((CH, F2), jnp.float32),
            pltpu.VMEM((SEG_T * F2,), jnp.float32),
            pltpu.SemaphoreType.DMA,
            pltpu.SemaphoreType.DMA,
        ],
    )(h2p, idx_pad, splits, aff)
    return out.reshape(N_SEG_PAD, F2)[:N_SEG]

# --- scband reference (transcript-rebuilt; emitter-appended) ---
"""Pipeline reference for scband-dynamic-point-net-42932493091360 (READ-ONLY COPY).

The authoritative reference and input builder live on the scoring server;
editing this copy changes nothing except your own understanding.
"""

import jax, jax.numpy as jnp
import numpy as np

NUM_SEGMENTS = 100000
EPS = 1e-5

def setup_inputs(seed: int = 0) -> dict:
    key = jax.random.key(seed)
    ks = jax.random.split(key, 10)
    N = 1600000
    points = jax.random.normal(ks[0], (N, 9), dtype=jnp.float32)
    inverse_indices = jnp.sort(jax.random.randint(ks[1], (N,), 0, NUM_SEGMENTS, dtype=jnp.int64))
    # Linear layer 1: 9 -> 32 (torch Linear: W [out,in], b [out])
    W1 = jax.random.normal(ks[2], (32, 9), dtype=jnp.float32) * (1.0 / np.sqrt(9))
    b1 = jnp.zeros((32,), dtype=jnp.float32)
    g1 = jnp.ones((32,), dtype=jnp.float32)
    be1 = jnp.zeros((32,), dtype=jnp.float32)
    # Linear layer 2: 32 -> 32
    W2 = jax.random.normal(ks[3], (32, 32), dtype=jnp.float32) * (1.0 / np.sqrt(32))
    b2 = jnp.zeros((32,), dtype=jnp.float32)
    g2 = jnp.ones((32,), dtype=jnp.float32)
    be2 = jnp.zeros((32,), dtype=jnp.float32)
    return {"points": points, "inverse_indices": inverse_indices,
            "W1": W1, "b1": b1, "g1": g1, "be1": be1,
            "W2": W2, "b2": b2, "g2": g2, "be2": be2}

def _block(x, W, b, g, be):
    h = x @ W.T + b
    mean = jnp.mean(h, axis=0)
    var = jnp.var(h, axis=0)  # biased, matches torch BN normalization in train mode
    h = (h - mean) / jnp.sqrt(var + EPS) * g + be
    return jnp.maximum(h, 0.0)

def reference(points, inverse_indices, W1, b1, g1, be1, W2, b2, g2, be2):
    feat = _block(points, W1, b1, g1, be1)
    feat = _block(feat, W2, b2, g2, be2)
    feat_max = jax.ops.segment_max(feat, inverse_indices, num_segments=NUM_SEGMENTS)
    # empty segments produce -inf in segment_max; torch_scatter fills them with 0
    feat_max = jnp.where(jnp.isneginf(feat_max), 0.0, feat_max)
    return feat_max

if __name__ == "__main__":
    import jax
    _d = setup_inputs()
    print(jax.jit(kernel)(*tuple(_d.values())))

</pallas_src>

<mosaic_0001>
#map = affine_map<(d0, d1) -> (0, 0)>
#map1 = affine_map<(d0, d1) -> (0)>
module attributes {stable_mosaic.version = 14 : i64} {
  func.func @_segmax_body(%arg0: i32, %arg1: i32, %arg2: memref<1600112x32xf32, #tpu.memory_space<hbm>>, %arg3: memref<1600112xi32, #tpu.memory_space<hbm>>, %arg4: memref<48xi32, #tpu.memory_space<hbm>>, %arg5: memref<64xf32, #tpu.memory_space<hbm>>, %arg6: memref<3203072xf32, #tpu.memory_space<hbm>>, %arg7: memref<48xi32, #tpu.memory_space<vmem>>, %arg8: memref<64xf32, #tpu.memory_space<vmem>>, %arg9: memref<112xi32, #tpu.memory_space<vmem>>, %arg10: memref<112xi32, #tpu.memory_space<vmem>>, %arg11: memref<112x32xf32, #tpu.memory_space<vmem>>, %arg12: memref<112x32xf32, #tpu.memory_space<vmem>>, %arg13: memref<100096xf32, #tpu.memory_space<vmem>>, %arg14: memref<!tpu.dma_semaphore, #tpu.memory_space<semaphore_mem>>, %arg15: memref<!tpu.dma_semaphore, #tpu.memory_space<semaphore_mem>>) attributes {dimension_semantics = [#tpu.dimension_semantics<core_parallel>, #tpu.dimension_semantics<subcore_parallel>], iteration_bounds = array<i64: 2, 16>, scalar_prefetch = 0 : i64, scratch_operands = 9 : i64, tpu.core_type = #tpu.core_type<sc_vector_subcore>, window_params = [{transform_indices = #map}, {transform_indices = #map1}, {transform_indices = #map1}, {transform_indices = #map1}, {transform_indices = #map1}]} {
    %mul3A = arith.constant 2 : i32
    %mul3A_0 = arith.muli %arg1, %mul3A : i32
    %add3A = arith.addi %mul3A_0, %arg0 : i32
    "tpu.region"() ({
      %run_scoped3A = tpu.sem_alloc : memref<!tpu.dma_semaphore, #tpu.memory_space<semaphore_mem>>
      tpu.enqueue_dma source(%arg4 : memref<48xi32, #tpu.memory_space<hbm>>) target(%arg7 : memref<48xi32, #tpu.memory_space<vmem>>) target_semaphore(%run_scoped3A : memref<!tpu.dma_semaphore, #tpu.memory_space<semaphore_mem>>)
      tpu.wait_dma2 semaphore(%run_scoped3A : memref<!tpu.dma_semaphore, #tpu.memory_space<semaphore_mem>>) src(%arg4 : memref<48xi32, #tpu.memory_space<hbm>>) dst(%arg7 : memref<48xi32, #tpu.memory_space<vmem>>)
      tpu.yield
    }) : () -> ()
    "tpu.region"() ({
      %run_scoped3A = tpu.sem_alloc : memref<!tpu.dma_semaphore, #tpu.memory_space<semaphore_mem>>
      tpu.enqueue_dma source(%arg5 : memref<64xf32, #tpu.memory_space<hbm>>) target(%arg8 : memref<64xf32, #tpu.memory_space<vmem>>) target_semaphore(%run_scoped3A : memref<!tpu.dma_semaphore, #tpu.memory_space<semaphore_mem>>)
      tpu.wait_dma2 semaphore(%run_scoped3A : memref<!tpu.dma_semaphore, #tpu.memory_space<semaphore_mem>>) src(%arg5 : memref<64xf32, #tpu.memory_space<hbm>>) dst(%arg8 : memref<64xf32, #tpu.memory_space<vmem>>)
      tpu.yield
    }) : () -> ()
    %mul3A_1 = arith.constant 3128 : i32
    %mul3A_2 = arith.muli %add3A, %mul3A_1 : i32
    %multiple_of3A = tpu.assume_multiple %mul3A_2, 8 : i32
    %get3A = arith.index_cast %add3A : i32 to index
    %get3A_3 = tpu.vector_load %arg7[%get3A] {strides = array<i32>} : memref<48xi32, #tpu.memory_space<vmem>>, vector<16xi32>,
    %get3A_4 = vector.shape_cast %get3A_3 : vector<16xi32> to vector<16xi32>
    %slice3A = vector.extract_strided_slice %get3A_4 {offsets = [0], sizes = [1], strides = [1]} : vector<16xi32> to vector<1xi32>
    %squeeze3A = vector.extract %slice3A[0] : i32 from vector<1xi32>
    %slice3A_5 = vector.extract_strided_slice %get3A_4 {offsets = [1], sizes = [1], strides = [1]} : vector<16xi32> to vector<1xi32>
    %squeeze3A_6 = vector.extract %slice3A_5[0] : i32 from vector<1xi32>
    %and3A = arith.constant -8 : i32
    %and3A_7 = arith.andi %squeeze3A, %and3A : i32
    %sub3A = arith.subi %squeeze3A_6, %and3A_7 : i32
    %add3A_8 = arith.constant 111 : i32
    %add3A_9 = arith.addi %sub3A, %add3A_8 : i32
    %jit3A = arith.constant 112 : i32
    %div3A = arith.divsi %add3A_9, %jit3A : i32
    %sign3A = arith.constant 0 : i32
    %sign3A_10 = arith.cmpi sgt, %add3A_9, %sign3A : i32
    %sign3A_11 = arith.extui %sign3A_10 : i1 to i32
    %sign3A_12 = arith.constant 0 : i32
    %sign3A_13 = arith.cmpi slt, %add3A_9, %sign3A_12 : i32
    %sign3A_14 = arith.extui %sign3A_13 : i1 to i32
    %sign3A_15 = arith.subi %sign3A_11, %sign3A_14 : i32
    %sign3A_16 = arith.constant 0 : i32
    %sign3A_17 = arith.cmpi sgt, %jit3A, %sign3A_16 : i32
    %sign3A_18 = arith.extui %sign3A_17 : i1 to i32
    %sign3A_19 = arith.constant 0 : i32
    %sign3A_20 = arith.cmpi slt, %jit3A, %sign3A_19 : i32
    %sign3A_21 = arith.extui %sign3A_20 : i1 to i32
    %sign3A_22 = arith.subi %sign3A_18, %sign3A_21 : i32
    %ne3A = arith.cmpi ne, %sign3A_15, %sign3A_22 : i32
    %rem3A = arith.remsi %add3A_9, %jit3A : i32
    %ne3A_23 = arith.constant 0 : i32
    %ne3A_24 = arith.cmpi ne, %rem3A, %ne3A_23 : i32
    %and3A_25 = arith.andi %ne3A, %ne3A_24 : i1
    %sub3A_26 = arith.constant 1 : i32
    %sub3A_27 = arith.subi %div3A, %sub3A_26 : i32
    %select_n3A = arith.select %and3A_25, %sub3A_27, %div3A : i32
    %gt3A = arith.constant 0 : i32
    %gt3A_28 = arith.cmpi sgt, %select_n3A, %gt3A : i32
    %convert_element_type3A = arith.extui %gt3A_28 : i1 to i32
    %cond3A = arith.constant 0 : i32
    %cond3A_29 = arith.cmpi ne, %convert_element_type3A, %cond3A : i32
    scf.if %cond3A_29 {
      %add3A_99 = arith.constant 0 : i32
      %add3A_100 = arith.addi %and3A_7, %add3A_99 : i32
      %multiple_of3A_101 = tpu.assume_multiple %add3A_100, 8 : i32
      %dma_start3A = tpu.memref_slice %arg3[%multiple_of3A_101] : memref<1600112xi32, #tpu.memory_space<hbm>> -> memref<112xi32, #tpu.memory_space<hbm>>
      %dma_start3A_102 = tpu.memref_slice %arg3[%multiple_of3A_101] : memref<1600112xi32, #tpu.memory_space<hbm>> -> memref<112xi32, #tpu.memory_space<hbm>>
      tpu.enqueue_dma source(%dma_start3A_102 : memref<112xi32, #tpu.memory_space<hbm>>) target(%arg9 : memref<112xi32, #tpu.memory_space<vmem>>) target_semaphore(%arg14 : memref<!tpu.dma_semaphore, #tpu.memory_space<semaphore_mem>>)
      %dma_start3A_103 = arith.constant 0 : i32
      %dma_start3A_104 = tpu.memref_slice %arg2[%multiple_of3A_101, %dma_start3A_103] : memref<1600112x32xf32, #tpu.memory_space<hbm>> -> memref<112x32xf32, #tpu.memory_space<hbm>>
      %dma_start3A_105 = arith.constant 0 : i32
      %dma_start3A_106 = tpu.memref_slice %arg2[%multiple_of3A_101, %dma_start3A_105] : memref<1600112x32xf32, #tpu.memory_space<hbm>> -> memref<112x32xf32, #tpu.memory_space<hbm>>
      tpu.enqueue_dma source(%dma_start3A_106 : memref<112x32xf32, #tpu.memory_space<hbm>>) target(%arg11 : memref<112x32xf32, #tpu.memory_space<vmem>>) target_semaphore(%arg14 : memref<!tpu.dma_semaphore, #tpu.memory_space<semaphore_mem>>)
    } else {
    }
    %gt3A_30 = arith.constant 1 : i32
    %gt3A_31 = arith.cmpi sgt, %select_n3A, %gt3A_30 : i32
    %convert_element_type3A_32 = arith.extui %gt3A_31 : i1 to i32
    %cond3A_33 = arith.constant 0 : i32
    %cond3A_34 = arith.cmpi ne, %convert_element_type3A_32, %cond3A_33 : i32
    scf.if %cond3A_34 {
      %add3A_99 = arith.constant 112 : i32
      %add3A_100 = arith.addi %and3A_7, %add3A_99 : i32
      %multiple_of3A_101 = tpu.assume_multiple %add3A_100, 8 : i32
      %dma_start3A = tpu.memref_slice %arg3[%multiple_of3A_101] : memref<1600112xi32, #tpu.memory_space<hbm>> -> memref<112xi32, #tpu.memory_space<hbm>>
      %dma_start3A_102 = tpu.memref_slice %arg3[%multiple_of3A_101] : memref<1600112xi32, #tpu.memory_space<hbm>> -> memref<112xi32, #tpu.memory_space<hbm>>
      tpu.enqueue_dma source(%dma_start3A_102 : memref<112xi32, #tpu.memory_space<hbm>>) target(%arg10 : memref<112xi32, #tpu.memory_space<vmem>>) target_semaphore(%arg15 : memref<!tpu.dma_semaphore, #tpu.memory_space<semaphore_mem>>)
      %dma_start3A_103 = arith.constant 0 : i32
      %dma_start3A_104 = tpu.memref_slice %arg2[%multiple_of3A_101, %dma_start3A_103] : memref<1600112x32xf32, #tpu.memory_space<hbm>> -> memref<112x32xf32, #tpu.memory_space<hbm>>
      %dma_start3A_105 = arith.constant 0 : i32
      %dma_start3A_106 = tpu.memref_slice %arg2[%multiple_of3A_101, %dma_start3A_105] : memref<1600112x32xf32, #tpu.memory_space<hbm>> -> memref<112x32xf32, #tpu.memory_space<hbm>>
      tpu.enqueue_dma source(%dma_start3A_106 : memref<112x32xf32, #tpu.memory_space<hbm>>) target(%arg12 : memref<112x32xf32, #tpu.memory_space<vmem>>) target_semaphore(%arg15 : memref<!tpu.dma_semaphore, #tpu.memory_space<semaphore_mem>>)
    } else {
    }
    %broadcast_in_dim3A = arith.constant 0xFF800000 : f32
    %broadcast_in_dim3A_35 = vector.broadcast %broadcast_in_dim3A : f32 to vector<16xf32>
    %scan3A = arith.constant 0 : i32
    %scan3A_36 = arith.constant 0 : i32
    %scan3A_37 = arith.constant 3128 : i32
    %scan3A_38 = arith.addi %scan3A_36, %scan3A_37 : i32
    %scan3A_39 = arith.constant 1 : i32
    scf.for %scan3A_99 = %scan3A_36 to %scan3A_38 step %scan3A_39  : i32 {
      %mul3A_100 = arith.constant 32 : i32
      %mul3A_101 = arith.muli %scan3A_99, %mul3A_100 : i32
      %swap3A = arith.index_cast %mul3A_101 : i32 to index
      %swap3A_102 = tpu.vector_load %arg13[%swap3A] {strides = array<i32>} : memref<100096xf32, #tpu.memory_space<vmem>>, vector<16xf32>,
      %swap3A_103 = vector.shape_cast %swap3A_102 : vector<16xf32> to vector<16xf32>
      %swap3A_104 = vector.shape_cast %broadcast_in_dim3A_35 : vector<16xf32> to vector<16xf32>
      tpu.vector_store %arg13[%swap3A], %swap3A_104 {strides = array<i32>} : memref<100096xf32, #tpu.memory_space<vmem>>, vector<16xf32>,
      %mul3A_105 = arith.constant 32 : i32
      %mul3A_106 = arith.muli %scan3A_99, %mul3A_105 : i32
      %add3A_107 = arith.constant 16 : i32
      %add3A_108 = arith.addi %mul3A_106, %add3A_107 : i32
      %swap3A_109 = arith.index_cast %add3A_108 : i32 to index
      %swap3A_110 = tpu.vector_load %arg13[%swap3A_109] {strides = array<i32>} : memref<100096xf32, #tpu.memory_space<vmem>>, vector<16xf32>,
      %swap3A_111 = vector.shape_cast %swap3A_110 : vector<16xf32> to vector<16xf32>
      %swap3A_112 = vector.shape_cast %broadcast_in_dim3A_35 : vector<16xf32> to vector<16xf32>
      tpu.vector_store %arg13[%swap3A_109], %swap3A_112 {strides = array<i32>} : memref<100096xf32, #tpu.memory_space<vmem>>, vector<16xf32>,
    }
    %scan3A_40 = arith.constant 3128 : i32
    %add3A_41 = arith.constant 1 : i32
    %add3A_42 = arith.addi %select_n3A, %add3A_41 : i32
    %jit3A_43 = arith.constant 2 : i32
    %div3A_44 = arith.divsi %add3A_42, %jit3A_43 : i32
    %sign3A_45 = arith.constant 0 : i32
    %sign3A_46 = arith.cmpi sgt, %add3A_42, %sign3A_45 : i32
    %sign3A_47 = arith.extui %sign3A_46 : i1 to i32
    %sign3A_48 = arith.constant 0 : i32
    %sign3A_49 = arith.cmpi slt, %add3A_42, %sign3A_48 : i32
    %sign3A_50 = arith.extui %sign3A_49 : i1 to i32
    %sign3A_51 = arith.subi %sign3A_47, %sign3A_50 : i32
    %sign3A_52 = arith.constant 0 : i32
    %sign3A_53 = arith.cmpi sgt, %jit3A_43, %sign3A_52 : i32
    %sign3A_54 = arith.extui %sign3A_53 : i1 to i32
    %sign3A_55 = arith.constant 0 : i32
    %sign3A_56 = arith.cmpi slt, %jit3A_43, %sign3A_55 : i32
    %sign3A_57 = arith.extui %sign3A_56 : i1 to i32
    %sign3A_58 = arith.subi %sign3A_54, %sign3A_57 : i32
    %ne3A_59 = arith.cmpi ne, %sign3A_51, %sign3A_58 : i32
    %rem3A_60 = arith.remsi %add3A_42, %jit3A_43 : i32
    %ne3A_61 = arith.constant 0 : i32
    %ne3A_62 = arith.cmpi ne, %rem3A_60, %ne3A_61 : i32
    %and3A_63 = arith.andi %ne3A_59, %ne3A_62 : i1
    %sub3A_64 = arith.constant 1 : i32
    %sub3A_65 = arith.subi %div3A_44, %sub3A_64 : i32
    %select_n3A_66 = arith.select %and3A_63, %sub3A_65, %div3A_44 : i32
    %while3A = arith.constant 0 : i32
    %while3A_67 = arith.constant 0 : i32
    %while3A_68 = arith.subi %select_n3A_66, %while3A_67 : i32
    %while3A_69 = arith.addi %while3A_67, %while3A_68 : i32
    %while3A_70 = arith.constant 1 : i32
    %while3A_71 = arith.divsi %while3A_68, %while3A_70 : i32
    %while3A_72 = arith.muli %while3A_71, %while3A_70 : i32
    %while3A_73 = arith.addi %while3A_67, %while3A_72 : i32
    %while3A_74 = arith.constant 1 : i32
    scf.for %while3A_99 = %while3A_67 to %while3A_73 step %while3A_74  : i32 {
      %mul3A_100 = arith.constant 2 : i32
      %mul3A_101 = arith.muli %mul3A_100, %while3A_99 : i32
      %add3A_102 = arith.constant 1 : i32
      %add3A_103 = arith.addi %mul3A_101, %add3A_102 : i32
      %lt3A = arith.cmpi slt, %mul3A_101, %select_n3A : i32
      %convert_element_type3A_104 = arith.extui %lt3A : i1 to i32
      %cond3A_105 = arith.constant 0 : i32
      %cond3A_106 = arith.cmpi ne, %convert_element_type3A_104, %cond3A_105 : i32
      scf.if %cond3A_106 {
        %dma_wait3A = arith.constant 0 : i32
        %dma_wait3A_111 = tpu.memref_slice %arg3[%dma_wait3A] : memref<1600112xi32, #tpu.memory_space<hbm>> -> memref<112xi32, #tpu.memory_space<hbm>>
        %dma_wait3A_112 = arith.constant 0 : i32
        %dma_wait3A_113 = tpu.memref_slice %arg3[%dma_wait3A_112] : memref<1600112xi32, #tpu.memory_space<hbm>> -> memref<112xi32, #tpu.memory_space<hbm>>
        tpu.wait_dma2 semaphore(%arg14 : memref<!tpu.dma_semaphore, #tpu.memory_space<semaphore_mem>>) src(%dma_wait3A_113 : memref<112xi32, #tpu.memory_space<hbm>>) dst(%arg9 : memref<112xi32, #tpu.memory_space<vmem>>)
        %dma_wait3A_114 = arith.constant 0 : i32
        %dma_wait3A_115 = arith.constant 0 : i32
        %dma_wait3A_116 = tpu.memref_slice %arg2[%dma_wait3A_114, %dma_wait3A_115] : memref<1600112x32xf32, #tpu.memory_space<hbm>> -> memref<112x32xf32, #tpu.memory_space<hbm>>
        %dma_wait3A_117 = arith.constant 0 : i32
        %dma_wait3A_118 = arith.constant 0 : i32
        %dma_wait3A_119 = tpu.memref_slice %arg2[%dma_wait3A_117, %dma_wait3A_118] : memref<1600112x32xf32, #tpu.memory_space<hbm>> -> memref<112x32xf32, #tpu.memory_space<hbm>>
        tpu.wait_dma2 semaphore(%arg14 : memref<!tpu.dma_semaphore, #tpu.memory_space<semaphore_mem>>) src(%dma_wait3A_119 : memref<112x32xf32, #tpu.memory_space<hbm>>) dst(%arg11 : memref<112x32xf32, #tpu.memory_space<vmem>>)
        %scan3A_120 = arith.constant 0 : i32
        %scan3A_121 = arith.constant 0 : i32
        %scan3A_122 = arith.constant 7 : i32
        %scan3A_123 = arith.addi %scan3A_121, %scan3A_122 : i32
        %scan3A_124 = arith.constant 1 : i32
        scf.for %scan3A_132 = %scan3A_121 to %scan3A_123 step %scan3A_124  : i32 {
          %mul3A_133 = arith.constant 16 : i32
          %mul3A_134 = arith.muli %scan3A_132, %mul3A_133 : i32
          %get3A_135 = arith.index_cast %mul3A_134 : i32 to index
          %get3A_136 = tpu.vector_load %arg9[%get3A_135] {strides = array<i32>} : memref<112xi32, #tpu.memory_space<vmem>>, vector<16xi32>,
          %get3A_137 = vector.shape_cast %get3A_136 : vector<16xi32> to vector<16xi32>
          %slice3A_138 = vector.extract_strided_slice %get3A_137 {offsets = [0], sizes = [1], strides = [1]} : vector<16xi32> to vector<1xi32>
          %squeeze3A_139 = vector.extract %slice3A_138[0] : i32 from vector<1xi32>
          %sub3A_140 = arith.subi %squeeze3A_139, %multiple_of3A : i32
          %mul3A_141 = arith.constant 16 : i32
          %mul3A_142 = arith.muli %scan3A_132, %mul3A_141 : i32
          %add3A_143 = arith.constant 0 : i32
          %add3A_144 = arith.addi %mul3A_142, %add3A_143 : i32
          %ge3A = arith.constant 0 : i32
          %ge3A_145 = arith.cmpi sge, %sub3A_140, %ge3A : i32
          %lt3A_146 = arith.constant 3128 : i32
          %lt3A_147 = arith.cmpi slt, %sub3A_140, %lt3A_146 : i32
          %and3A_148 = arith.andi %ge3A_145, %lt3A_147 : i1
          %convert_element_type3A_149 = arith.extui %and3A_148 : i1 to i32
          %cond3A_150 = arith.constant 0 : i32
          %cond3A_151 = arith.cmpi ne, %convert_element_type3A_149, %cond3A_150 : i32
          scf.if %cond3A_151 {
            %mul3A_377 = arith.constant 32 : i32
            %mul3A_378 = arith.muli %sub3A_140, %mul3A_377 : i32
            %get3A_379 = arith.index_cast %mul3A_378 : i32 to index
            %get3A_380 = tpu.vector_load %arg13[%get3A_379] {strides = array<i32>} : memref<100096xf32, #tpu.memory_space<vmem>>, vector<16xf32>,
            %get3A_381 = vector.shape_cast %get3A_380 : vector<16xf32> to vector<16xf32>
            %get3A_382 = arith.index_cast %add3A_144 : i32 to index
            %get3A_383 = arith.constant 0 : index
            %get3A_384 = tpu.vector_load %arg11[%get3A_382, %get3A_383] {strides = array<i32>} : memref<112x32xf32, #tpu.memory_space<vmem>>, vector<1x16xf32>,
            %get3A_385 = vector.shape_cast %get3A_384 : vector<1x16xf32> to vector<16xf32>
            %max3A = arith.maximumf %get3A_381, %get3A_385 : vector<16xf32>
            %swap3A = arith.index_cast %mul3A_378 : i32 to index
            %swap3A_386 = tpu.vector_load %arg13[%swap3A] {strides = array<i32>} : memref<100096xf32, #tpu.memory_space<vmem>>, vector<16xf32>,
            %swap3A_387 = vector.shape_cast %swap3A_386 : vector<16xf32> to vector<16xf32>
            %swap3A_388 = vector.shape_cast %max3A : vector<16xf32> to vector<16xf32>
            tpu.vector_store %arg13[%swap3A], %swap3A_388 {strides = array<i32>} : memref<100096xf32, #tpu.memory_space<vmem>>, vector<16xf32>,
            %add3A_389 = arith.constant 16 : i32
            %add3A_390 = arith.addi %mul3A_378, %add3A_389 : i32
            %get3A_391 = arith.index_cast %add3A_390 : i32 to index
            %get3A_392 = tpu.vector_load %arg13[%get3A_391] {strides = array<i32>} : memref<100096xf32, #tpu.memory_space<vmem>>, vector<16xf32>,
            %get3A_393 = vector.shape_cast %get3A_392 : vector<16xf32> to vector<16xf32>
            %get3A_394 = arith.index_cast %add3A_144 : i32 to index
            %get3A_395 = arith.constant 16 : index
            %get3A_396 = tpu.vector_load %arg11[%get3A_394, %get3A_395] {strides = array<i32>} : memref<112x32xf32, #tpu.memory_space<vmem>>, vector<1x16xf32>,
            %get3A_397 = vector.shape_cast %get3A_396 : vector<1x16xf32> to vector<16xf32>
            %max3A_398 = arith.maximumf %get3A_393, %get3A_397 : vector<16xf32>
            %add3A_399 = arith.constant 16 : i32
            %add3A_400 = arith.addi %mul3A_378, %add3A_399 : i32
            %swap3A_401 = arith.index_cast %add3A_400 : i32 to index
            %swap3A_402 = tpu.vector_load %arg13[%swap3A_401] {strides = array<i32>} : memref<100096xf32, #tpu.memory_space<vmem>>, vector<16xf32>,
            %swap3A_403 = vector.shape_cast %swap3A_402 : vector<16xf32> to vector<16xf32>
            %swap3A_404 = vector.shape_cast %max3A_398 : vector<16xf32> to vector<16xf32>
            tpu.vector_store %arg13[%swap3A_401], %swap3A_404 {strides = array<i32>} : memref<100096xf32, #tpu.memory_space<vmem>>, vector<16xf32>,
          } else {
          }
          %slice3A_152 = vector.extract_strided_slice %get3A_137 {offsets = [1], sizes = [1], strides = [1]} : vector<16xi32> to vector<1xi32>
          %squeeze3A_153 = vector.extract %slice3A_152[0] : i32 from vector<1xi32>
          %sub3A_154 = arith.subi %squeeze3A_153, %multiple_of3A : i32
          %mul3A_155 = arith.constant 16 : i32
          %mul3A_156 = arith.muli %scan3A_132, %mul3A_155 : i32
          %add3A_157 = arith.constant 1 : i32
          %add3A_158 = arith.addi %mul3A_156, %add3A_157 : i32
          %ge3A_159 = arith.constant 0 : i32
          %ge3A_160 = arith.cmpi sge, %sub3A_154, %ge3A_159 : i32
          %lt3A_161 = arith.constant 3128 : i32
          %lt3A_162 = arith.cmpi slt, %sub3A_154, %lt3A_161 : i32
          %and3A_163 = arith.andi %ge3A_160, %lt3A_162 : i1
          %convert_element_type3A_164 = arith.extui %and3A_163 : i1 to i32
          %cond3A_165 = arith.constant 0 : i32
          %cond3A_166 = arith.cmpi ne, %convert_element_type3A_164, %cond3A_165 : i32
          scf.if %cond3A_166 {
            %mul3A_377 = arith.constant 32 : i32
            %mul3A_378 = arith.muli %sub3A_154, %mul3A_377 : i32
            %get3A_379 = arith.index_cast %mul3A_378 : i32 to index
            %get3A_380 = tpu.vector_load %arg13[%get3A_379] {strides = array<i32>} : memref<100096xf32, #tpu.memory_space<vmem>>, vector<16xf32>,
            %get3A_381 = vector.shape_cast %get3A_380 : vector<16xf32> to vector<16xf32>
            %get3A_382 = arith.index_cast %add3A_158 : i32 to index
            %get3A_383 = arith.constant 0 : index
            %get3A_384 = tpu.vector_load %arg11[%get3A_382, %get3A_383] {strides = array<i32>} : memref<112x32xf32, #tpu.memory_space<vmem>>, vector<1x16xf32>,
            %get3A_385 = vector.shape_cast %get3A_384 : vector<1x16xf32> to vector<16xf32>
            %max3A = arith.maximumf %get3A_381, %get3A_385 : vector<16xf32>
            %swap3A = arith.index_cast %mul3A_378 : i32 to index
            %swap3A_386 = tpu.vector_load %arg13[%swap3A] {strides = array<i32>} : memref<100096xf32, #tpu.memory_space<vmem>>, vector<16xf32>,
            %swap3A_387 = vector.shape_cast %swap3A_386 : vector<16xf32> to vector<16xf32>
            %swap3A_388 = vector.shape_cast %max3A : vector<16xf32> to vector<16xf32>
            tpu.vector_store %arg13[%swap3A], %swap3A_388 {strides = array<i32>} : memref<100096xf32, #tpu.memory_space<vmem>>, vector<16xf32>,
            %add3A_389 = arith.constant 16 : i32
            %add3A_390 = arith.addi %mul3A_378, %add3A_389 : i32
            %get3A_391 = arith.index_cast %add3A_390 : i32 to index
            %get3A_392 = tpu.vector_load %arg13[%get3A_391] {strides = array<i32>} : memref<100096xf32, #tpu.memory_space<vmem>>, vector<16xf32>,
            %get3A_393 = vector.shape_cast %get3A_392 : vector<16xf32> to vector<16xf32>
            %get3A_394 = arith.index_cast %add3A_158 : i32 to index
            %get3A_395 = arith.constant 16 : index
            %get3A_396 = tpu.vector_load %arg11[%get3A_394, %get3A_395] {strides = array<i32>} : memref<112x32xf32, #tpu.memory_space<vmem>>, vector<1x16xf32>,
            %get3A_397 = vector.shape_cast %get3A_396 : vector<1x16xf32> to vector<16xf32>
            %max3A_398 = arith.maximumf %get3A_393, %get3A_397 : vector<16xf32>
            %add3A_399 = arith.constant 16 : i32
            %add3A_400 = arith.addi %mul3A_378, %add3A_399 : i32
            %swap3A_401 = arith.index_cast %add3A_400 : i32 to index
            %swap3A_402 = tpu.vector_load %arg13[%swap3A_401] {strides = array<i32>} : memref<100096xf32, #tpu.memory_space<vmem>>, vector<16xf32>,
            %swap3A_403 = vector.shape_cast %swap3A_402 : vector<16xf32> to vector<16xf32>
            %swap3A_404 = vector.shape_cast %max3A_398 : vector<16xf32> to vector<16xf32>
            tpu.vector_store %arg13[%swap3A_401], %swap3A_404 {strides = array<i32>} : memref<100096xf32, #tpu.memory_space<vmem>>, vector<16xf32>,
          } else {
          }
          %slice3A_167 = vector.extract_strided_slice %get3A_137 {offsets = [2], sizes = [1], strides = [1]} : vector<16xi32> to vector<1xi32>
          %squeeze3A_168 = vector.extract %slice3A_167[0] : i32 from vector<1xi32>
          %sub3A_169 = arith.subi %squeeze3A_168, %multiple_of3A : i32
          %mul3A_170 = arith.constant 16 : i32
          %mul3A_171 = arith.muli %scan3A_132, %mul3A_170 : i32
          %add3A_172 = arith.constant 2 : i32
          %add3A_173 = arith.addi %mul3A_171, %add3A_172 : i32
          %ge3A_174 = arith.constant 0 : i32
          %ge3A_175 = arith.cmpi sge, %sub3A_169, %ge3A_174 : i32
          %lt3A_176 = arith.constant 3128 : i32
          %lt3A_177 = arith.cmpi slt, %sub3A_169, %lt3A_176 : i32
          %and3A_178 = arith.andi %ge3A_175, %lt3A_177 : i1
          %convert_element_type3A_179 = arith.extui %and3A_178 : i1 to i32
          %cond3A_180 = arith.constant 0 : i32
          %cond3A_181 = arith.cmpi ne, %convert_element_type3A_179, %cond3A_180 : i32
          scf.if %cond3A_181 {
            %mul3A_377 = arith.constant 32 : i32
            %mul3A_378 = arith.muli %sub3A_169, %mul3A_377 : i32
            %get3A_379 = arith.index_cast %mul3A_378 : i32 to index
            %get3A_380 = tpu.vector_load %arg13[%get3A_379] {strides = array<i32>} : memref<100096xf32, #tpu.memory_space<vmem>>, vector<16xf32>,
            %get3A_381 = vector.shape_cast %get3A_380 : vector<16xf32> to vector<16xf32>
            %get3A_382 = arith.index_cast %add3A_173 : i32 to index
            %get3A_383 = arith.constant 0 : index
            %get3A_384 = tpu.vector_load %arg11[%get3A_382, %get3A_383] {strides = array<i32>} : memref<112x32xf32, #tpu.memory_space<vmem>>, vector<1x16xf32>,
            %get3A_385 = vector.shape_cast %get3A_384 : vector<1x16xf32> to vector<16xf32>
            %max3A = arith.maximumf %get3A_381, %get3A_385 : vector<16xf32>
            %swap3A = arith.index_cast %mul3A_378 : i32 to index
            %swap3A_386 = tpu.vector_load %arg13[%swap3A] {strides = array<i32>} : memref<100096xf32, #tpu.memory_space<vmem>>, vector<16xf32>,
            %swap3A_387 = vector.shape_cast %swap3A_386 : vector<16xf32> to vector<16xf32>
            %swap3A_388 = vector.shape_cast %max3A : vector<16xf32> to vector<16xf32>
            tpu.vector_store %arg13[%swap3A], %swap3A_388 {strides = array<i32>} : memref<100096xf32, #tpu.memory_space<vmem>>, vector<16xf32>,
            %add3A_389 = arith.constant 16 : i32
            %add3A_390 = arith.addi %mul3A_378, %add3A_389 : i32
            %get3A_391 = arith.index_cast %add3A_390 : i32 to index
            %get3A_392 = tpu.vector_load %arg13[%get3A_391] {strides = array<i32>} : memref<100096xf32, #tpu.memory_space<vmem>>, vector<16xf32>,
            %get3A_393 = vector.shape_cast %get3A_392 : vector<16xf32> to vector<16xf32>
            %get3A_394 = arith.index_cast %add3A_173 : i32 to index
            %get3A_395 = arith.constant 16 : index
            %get3A_396 = tpu.vector_load %arg11[%get3A_394, %get3A_395] {strides = array<i32>} : memref<112x32xf32, #tpu.memory_space<vmem>>, vector<1x16xf32>,
            %get3A_397 = vector.shape_cast %get3A_396 : vector<1x16xf32> to vector<16xf32>
            %max3A_398 = arith.maximumf %get3A_393, %get3A_397 : vector<16xf32>
            %add3A_399 = arith.constant 16 : i32
            %add3A_400 = arith.addi %mul3A_378, %add3A_399 : i32
            %swap3A_401 = arith.index_cast %add3A_400 : i32 to index
            %swap3A_402 = tpu.vector_load %arg13[%swap3A_401] {strides = array<i32>} : memref<100096xf32, #tpu.memory_space<vmem>>, vector<16xf32>,
            %swap3A_403 = vector.shape_cast %swap3A_402 : vector<16xf32> to vector<16xf32>
            %swap3A_404 = vector.shape_cast %max3A_398 : vector<16xf32> to vector<16xf32>
            tpu.vector_store %arg13[%swap3A_401], %swap3A_404 {strides = array<i32>} : memref<100096xf32, #tpu.memory_space<vmem>>, vector<16xf32>,
          } else {
          }
          %slice3A_182 = vector.extract_strided_slice %get3A_137 {offsets = [3], sizes = [1], strides = [1]} : vector<16xi32> to vector<1xi32>
          %squeeze3A_183 = vector.extract %slice3A_182[0] : i32 from vector<1xi32>
          %sub3A_184 = arith.subi %squeeze3A_183, %multiple_of3A : i32
          %mul3A_185 = arith.constant 16 : i32
          %mul3A_186 = arith.muli %scan3A_132, %mul3A_185 : i32
          %add3A_187 = arith.constant 3 : i32
          %add3A_188 = arith.addi %mul3A_186, %add3A_187 : i32
          %ge3A_189 = arith.constant 0 : i32
          %ge3A_190 = arith.cmpi sge, %sub3A_184, %ge3A_189 : i32
          %lt3A_191 = arith.constant 3128 : i32
          %lt3A_192 = arith.cmpi slt, %sub3A_184, %lt3A_191 : i32
          %and3A_193 = arith.andi %ge3A_190, %lt3A_192 : i1
          %convert_element_type3A_194 = arith.extui %and3A_193 : i1 to i32
          %cond3A_195 = arith.constant 0 : i32
          %cond3A_196 = arith.cmpi ne, %convert_element_type3A_194, %cond3A_195 : i32
          scf.if %cond3A_196 {
            %mul3A_377 = arith.constant 32 : i32
            %mul3A_378 = arith.muli %sub3A_184, %mul3A_377 : i32
            %get3A_379 = arith.index_cast %mul3A_378 : i32 to index
            %get3A_380 = tpu.vector_load %arg13[%get3A_379] {strides = array<i32>} : memref<100096xf32, #tpu.memory_space<vmem>>, vector<16xf32>,
            %get3A_381 = vector.shape_cast %get3A_380 : vector<16xf32> to vector<16xf32>
            %get3A_382 = arith.index_cast %add3A_188 : i32 to index
            %get3A_383 = arith.constant 0 : index
            %get3A_384 = tpu.vector_load %arg11[%get3A_382, %get3A_383] {strides = array<i32>} : memref<112x32xf32, #tpu.memory_space<vmem>>, vector<1x16xf32>,
            %get3A_385 = vector.shape_cast %get3A_384 : vector<1x16xf32> to vector<16xf32>
            %max3A = arith.maximumf %get3A_381, %get3A_385 : vector<16xf32>
            %swap3A = arith.index_cast %mul3A_378 : i32 to index
            %swap3A_386 = tpu.vector_load %arg13[%swap3A] {strides = array<i32>} : memref<100096xf32, #tpu.memory_space<vmem>>, vector<16xf32>,
            %swap3A_387 = vector.shape_cast %swap3A_386 : vector<16xf32> to vector<16xf32>
            %swap3A_388 = vector.shape_cast %max3A : vector<16xf32> to vector<16xf32>
            tpu.vector_store %arg13[%swap3A], %swap3A_388 {strides = array<i32>} : memref<100096xf32, #tpu.memory_space<vmem>>, vector<16xf32>,
            %add3A_389 = arith.constant 16 : i32
            %add3A_390 = arith.addi %mul3A_378, %add3A_389 : i32
            %get3A_391 = arith.index_cast %add3A_390 : i32 to index
            %get3A_392 = tpu.vector_load %arg13[%get3A_391] {strides = array<i32>} : memref<100096xf32, #tpu.memory_space<vmem>>, vector<16xf32>,
            %get3A_393 = vector.shape_cast %get3A_392 : vector<16xf32> to vector<16xf32>
            %get3A_394 = arith.index_cast %add3A_188 : i32 to index
            %get3A_395 = arith.constant 16 : index
            %get3A_396 = tpu.vector_load %arg11[%get3A_394, %get3A_395] {strides = array<i32>} : memref<112x32xf32, #tpu.memory_space<vmem>>, vector<1x16xf32>,
            %get3A_397 = vector.shape_cast %get3A_396 : vector<1x16xf32> to vector<16xf32>
            %max3A_398 = arith.maximumf %get3A_393, %get3A_397 : vector<16xf32>
            %add3A_399 = arith.constant 16 : i32
            %add3A_400 = arith.addi %mul3A_378, %add3A_399 : i32
            %swap3A_401 = arith.index_cast %add3A_400 : i32 to index
            %swap3A_402 = tpu.vector_load %arg13[%swap3A_401] {strides = array<i32>} : memref<100096xf32, #tpu.memory_space<vmem>>, vector<16xf32>,
            %swap3A_403 = vector.shape_cast %swap3A_402 : vector<16xf32> to vector<16xf32>
            %swap3A_404 = vector.shape_cast %max3A_398 : vector<16xf32> to vector<16xf32>
            tpu.vector_store %arg13[%swap3A_401], %swap3A_404 {strides = array<i32>} : memref<100096xf32, #tpu.memory_space<vmem>>, vector<16xf32>,
          } else {
          }
          %slice3A_197 = vector.extract_strided_slice %get3A_137 {offsets = [4], sizes = [1], strides = [1]} : vector<16xi32> to vector<1xi32>
          %squeeze3A_198 = vector.extract %slice3A_197[0] : i32 from vector<1xi32>
          %sub3A_199 = arith.subi %squeeze3A_198, %multiple_of3A : i32
          %mul3A_200 = arith.constant 16 : i32
          %mul3A_201 = arith.muli %scan3A_132, %mul3A_200 : i32
          %add3A_202 = arith.constant 4 : i32
          %add3A_203 = arith.addi %mul3A_201, %add3A_202 : i32
          %ge3A_204 = arith.constant 0 : i32
          %ge3A_205 = arith.cmpi sge, %sub3A_199, %ge3A_204 : i32
          %lt3A_206 = arith.constant 3128 : i32
          %lt3A_207 = arith.cmpi slt, %sub3A_199, %lt3A_206 : i32
          %and3A_208 = arith.andi %ge3A_205, %lt3A_207 : i1
          %convert_element_type3A_209 = arith.extui %and3A_208 : i1 to i32
          %cond3A_210 = arith.constant 0 : i32
          %cond3A_211 = arith.cmpi ne, %convert_element_type3A_209, %cond3A_210 : i32
          scf.if %cond3A_211 {
            %mul3A_377 = arith.constant 32 : i32
            %mul3A_378 = arith.muli %sub3A_199, %mul3A_377 : i32
            %get3A_379 = arith.index_cast %mul3A_378 : i32 to index
            %get3A_380 = tpu.vector_load %arg13[%get3A_379] {strides = array<i32>} : memref<100096xf32, #tpu.memory_space<vmem>>, vector<16xf32>,
            %get3A_381 = vector.shape_cast %get3A_380 : vector<16xf32> to vector<16xf32>
            %get3A_382 = arith.index_cast %add3A_203 : i32 to index
            %get3A_383 = arith.constant 0 : index
            %get3A_384 = tpu.vector_load %arg11[%get3A_382, %get3A_383] {strides = array<i32>} : memref<112x32xf32, #tpu.memory_space<vmem>>, vector<1x16xf32>,
            %get3A_385 = vector.shape_cast %get3A_384 : vector<1x16xf32> to vector<16xf32>
            %max3A = arith.maximumf %get3A_381, %get3A_385 : vector<16xf32>
            %swap3A = arith.index_cast %mul3A_378 : i32 to index
            %swap3A_386 = tpu.vector_load %arg13[%swap3A] {strides = array<i32>} : memref<100096xf32, #tpu.memory_space<vmem>>, vector<16xf32>,
            %swap3A_387 = vector.shape_cast %swap3A_386 : vector<16xf32> to vector<16xf32>
            %swap3A_388 = vector.shape_cast %max3A : vector<16xf32> to vector<16xf32>
            tpu.vector_store %arg13[%swap3A], %swap3A_388 {strides = array<i32>} : memref<100096xf32, #tpu.memory_space<vmem>>, vector<16xf32>,
            %add3A_389 = arith.constant 16 : i32
            %add3A_390 = arith.addi %mul3A_378, %add3A_389 : i32
            %get3A_391 = arith.index_cast %add3A_390 : i32 to index
            %get3A_392 = tpu.vector_load %arg13[%get3A_391] {strides = array<i32>} : memref<100096xf32, #tpu.memory_space<vmem>>, vector<16xf32>,
            %get3A_393 = vector.shape_cast %get3A_392 : vector<16xf32> to vector<16xf32>
            %get3A_394 = arith.index_cast %add3A_203 : i32 to index
            %get3A_395 = arith.constant 16 : index
            %get3A_396 = tpu.vector_load %arg11[%get3A_394, %get3A_395] {strides = array<i32>} : memref<112x32xf32, #tpu.memory_space<vmem>>, vector<1x16xf32>,
            %get3A_397 = vector.shape_cast %get3A_396 : vector<1x16xf32> to vector<16xf32>
            %max3A_398 = arith.maximumf %get3A_393, %get3A_397 : vector<16xf32>
            %add3A_399 = arith.constant 16 : i32
            %add3A_400 = arith.addi %mul3A_378, %add3A_399 : i32
            %swap3A_401 = arith.index_cast %add3A_400 : i32 to index
            %swap3A_402 = tpu.vector_load %arg13[%swap3A_401] {strides = array<i32>} : memref<100096xf32, #tpu.memory_space<vmem>>, vector<16xf32>,
            %swap3A_403 = vector.shape_cast %swap3A_402 : vector<16xf32> to vector<16xf32>
            %swap3A_404 = vector.shape_cast %max3A_398 : vector<16xf32> to vector<16xf32>
            tpu.vector_store %arg13[%swap3A_401], %swap3A_404 {strides = array<i32>} : memref<100096xf32, #tpu.memory_space<vmem>>, vector<16xf32>,
          } else {
          }
          %slice3A_212 = vector.extract_strided_slice %get3A_137 {offsets = [5], sizes = [1], strides = [1]} : vector<16xi32> to vector<1xi32>
          %squeeze3A_213 = vector.extract %slice3A_212[0] : i32 from vector<1xi32>
          %sub3A_214 = arith.subi %squeeze3A_213, %multiple_of3A : i32
          %mul3A_215 = arith.constant 16 : i32
          %mul3A_216 = arith.muli %scan3A_132, %mul3A_215 : i32
          %add3A_217 = arith.constant 5 : i32
          %add3A_218 = arith.addi %mul3A_216, %add3A_217 : i32
          %ge3A_219 = arith.constant 0 : i32
          %ge3A_220 = arith.cmpi sge, %sub3A_214, %ge3A_219 : i32
          %lt3A_221 = arith.constant 3128 : i32
          %lt3A_222 = arith.cmpi slt, %sub3A_214, %lt3A_221 : i32
          %and3A_223 = arith.andi %ge3A_220, %lt3A_222 : i1
          %convert_element_type3A_224 = arith.extui %and3A_223 : i1 to i32
          %cond3A_225 = arith.constant 0 : i32
          %cond3A_226 = arith.cmpi ne, %convert_element_type3A_224, %cond3A_225 : i32
          scf.if %cond3A_226 {
            %mul3A_377 = arith.constant 32 : i32
            %mul3A_378 = arith.muli %sub3A_214, %mul3A_377 : i32
            %get3A_379 = arith.index_cast %mul3A_378 : i32 to index
            %get3A_380 = tpu.vector_load %arg13[%get3A_379] {strides = array<i32>} : memref<100096xf32, #tpu.memory_space<vmem>>, vector<16xf32>,
            %get3A_381 = vector.shape_cast %get3A_380 : vector<16xf32> to vector<16xf32>
            %get3A_382 = arith.index_cast %add3A_218 : i32 to index
            %get3A_383 = arith.constant 0 : index
            %get3A_384 = tpu.vector_load %arg11[%get3A_382, %get3A_383] {strides = array<i32>} : memref<112x32xf32, #tpu.memory_space<vmem>>, vector<1x16xf32>,
            %get3A_385 = vector.shape_cast %get3A_384 : vector<1x16xf32> to vector<16xf32>
            %max3A = arith.maximumf %get3A_381, %get3A_385 : vector<16xf32>
            %swap3A = arith.index_cast %mul3A_378 : i32 to index
            %swap3A_386 = tpu.vector_load %arg13[%swap3A] {strides = array<i32>} : memref<100096xf32, #tpu.memory_space<vmem>>, vector<16xf32>,
            %swap3A_387 = vector.shape_cast %swap3A_386 : vector<16xf32> to vector<16xf32>
            %swap3A_388 = vector.shape_cast %max3A : vector<16xf32> to vector<16xf32>
            tpu.vector_store %arg13[%swap3A], %swap3A_388 {strides = array<i32>} : memref<100096xf32, #tpu.memory_space<vmem>>, vector<16xf32>,
            %add3A_389 = arith.constant 16 : i32
            %add3A_390 = arith.addi %mul3A_378, %add3A_389 : i32
            %get3A_391 = arith.index_cast %add3A_390 : i32 to index
            %get3A_392 = tpu.vector_load %arg13[%get3A_391] {strides = array<i32>} : memref<100096xf32, #tpu.memory_space<vmem>>, vector<16xf32>,
            %get3A_393 = vector.shape_cast %get3A_392 : vector<16xf32> to vector<16xf32>
            %get3A_394 = arith.index_cast %add3A_218 : i32 to index
            %get3A_395 = arith.constant 16 : index
            %get3A_396 = tpu.vector_load %arg11[%get3A_394, %get3A_395] {strides = array<i32>} : memref<112x32xf32, #tpu.memory_space<vmem>>, vector<1x16xf32>,
            %get3A_397 = vector.shape_cast %get3A_396 : vector<1x16xf32> to vector<16xf32>
            %max3A_398 = arith.maximumf %get3A_393, %get3A_397 : vector<16xf32>
            %add3A_399 = arith.constant 16 : i32
            %add3A_400 = arith.addi %mul3A_378, %add3A_399 : i32
            %swap3A_401 = arith.index_cast %add3A_400 : i32 to index
            %swap3A_402 = tpu.vector_load %arg13[%swap3A_401] {strides = array<i32>} : memref<100096xf32, #tpu.memory_space<vmem>>, vector<16xf32>,
            %swap3A_403 = vector.shape_cast %swap3A_402 : vector<16xf32> to vector<16xf32>
            %swap3A_404 = vector.shape_cast %max3A_398 : vector<16xf32> to vector<16xf32>
            tpu.vector_store %arg13[%swap3A_401], %swap3A_404 {strides = array<i32>} : memref<100096xf32, #tpu.memory_space<vmem>>, vector<16xf32>,
          } else {
          }
          %slice3A_227 = vector.extract_strided_slice %get3A_137 {offsets = [6], sizes = [1], strides = [1]} : vector<16xi32> to vector<1xi32>
          %squeeze3A_228 = vector.extract %slice3A_227[0] : i32 from vector<1xi32>
          %sub3A_229 = arith.subi %squeeze3A_228, %multiple_of3A : i32
          %mul3A_230 = arith.constant 16 : i32
          %mul3A_231 = arith.muli %scan3A_132, %mul3A_230 : i32
          %add3A_232 = arith.constant 6 : i32
          %add3A_233 = arith.addi %mul3A_231, %add3A_232 : i32
          %ge3A_234 = arith.constant 0 : i32
          %ge3A_235 = arith.cmpi sge, %sub3A_229, %ge3A_234 : i32
          %lt3A_236 = arith.constant 3128 : i32
          %lt3A_237 = arith.cmpi slt, %sub3A_229, %lt3A_236 : i32
          %and3A_238 = arith.andi %ge3A_235, %lt3A_237 : i1
          %convert_element_type3A_239 = arith.extui %and3A_238 : i1 to i32
          %cond3A_240 = arith.constant 0 : i32
          %cond3A_241 = arith.cmpi ne, %convert_element_type3A_239, %cond3A_240 : i32
          scf.if %cond3A_241 {
            %mul3A_377 = arith.constant 32 : i32
            %mul3A_378 = arith.muli %sub3A_229, %mul3A_377 : i32
            %get3A_379 = arith.index_cast %mul3A_378 : i32 to index
            %get3A_380 = tpu.vector_load %arg13[%get3A_379] {strides = array<i32>} : memref<100096xf32, #tpu.memory_space<vmem>>, vector<16xf32>,
            %get3A_381 = vector.shape_cast %get3A_380 : vector<16xf32> to vector<16xf32>
            %get3A_382 = arith.index_cast %add3A_233 : i32 to index
            %get3A_383 = arith.constant 0 : index
            %get3A_384 = tpu.vector_load %arg11[%get3A_382, %get3A_383] {strides = array<i32>} : memref<112x32xf32, #tpu.memory_space<vmem>>, vector<1x16xf32>,
            %get3A_385 = vector.shape_cast %get3A_384 : vector<1x16xf32> to vector<16xf32>
            %max3A = arith.maximumf %get3A_381, %get3A_385 : vector<16xf32>
            %swap3A = arith.index_cast %mul3A_378 : i32 to index
            %swap3A_386 = tpu.vector_load %arg13[%swap3A] {strides = array<i32>} : memref<100096xf32, #tpu.memory_space<vmem>>, vector<16xf32>,
            %swap3A_387 = vector.shape_cast %swap3A_386 : vector<16xf32> to vector<16xf32>
            %swap3A_388 = vector.shape_cast %max3A : vector<16xf32> to vector<16xf32>
            tpu.vector_store %arg13[%swap3A], %swap3A_388 {strides = array<i32>} : memref<100096xf32, #tpu.memory_space<vmem>>, vector<16xf32>,
            %add3A_389 = arith.constant 16 : i32
            %add3A_390 = arith.addi %mul3A_378, %add3A_389 : i32
            %get3A_391 = arith.index_cast %add3A_390 : i32 to index
            %get3A_392 = tpu.vector_load %arg13[%get3A_391] {strides = array<i32>} : memref<100096xf32, #tpu.memory_space<vmem>>, vector<16xf32>,
            %get3A_393 = vector.shape_cast %get3A_392 : vector<16xf32> to vector<16xf32>
            %get3A_394 = arith.index_cast %add3A_233 : i32 to index
            %get3A_395 = arith.constant 16 : index
            %get3A_396 = tpu.vector_load %arg11[%get3A_394, %get3A_395] {strides = array<i32>} : memref<112x32xf32, #tpu.memory_space<vmem>>, vector<1x16xf32>,
            %get3A_397 = vector.shape_cast %get3A_396 : vector<1x16xf32> to vector<16xf32>
            %max3A_398 = arith.maximumf %get3A_393, %get3A_397 : vector<16xf32>
            %add3A_399 = arith.constant 16 : i32
            %add3A_400 = arith.addi %mul3A_378, %add3A_399 : i32
            %swap3A_401 = arith.index_cast %add3A_400 : i32 to index
            %swap3A_402 = tpu.vector_load %arg13[%swap3A_401] {strides = array<i32>} : memref<100096xf32, #tpu.memory_space<vmem>>, vector<16xf32>,
            %swap3A_403 = vector.shape_cast %swap3A_402 : vector<16xf32> to vector<16xf32>
            %swap3A_404 = vector.shape_cast %max3A_398 : vector<16xf32> to vector<16xf32>
            tpu.vector_store %arg13[%swap3A_401], %swap3A_404 {strides = array<i32>} : memref<100096xf32, #tpu.memory_space<vmem>>, vector<16xf32>,
          } else {
          }
          %slice3A_242 = vector.extract_strided_slice %get3A_137 {offsets = [7], sizes = [1], strides = [1]} : vector<16xi32> to vector<1xi32>
          %squeeze3A_243 = vector.extract %slice3A_242[0] : i32 from vector<1xi32>
          %sub3A_244 = arith.subi %squeeze3A_243, %multiple_of3A : i32
          %mul3A_245 = arith.constant 16 : i32
          %mul3A_246 = arith.muli %scan3A_132, %mul3A_245 : i32
          %add3A_247 = arith.constant 7 : i32
          %add3A_248 = arith.addi %mul3A_246, %add3A_247 : i32
          %ge3A_249 = arith.constant 0 : i32
          %ge3A_250 = arith.cmpi sge, %sub3A_244, %ge3A_249 : i32
          %lt3A_251 = arith.constant 3128 : i32
          %lt3A_252 = arith.cmpi slt, %sub3A_244, %lt3A_251 : i32
          %and3A_253 = arith.andi %ge3A_250, %lt3A_252 : i1
          %convert_element_type3A_254 = arith.extui %and3A_253 : i1 to i32
          %cond3A_255 = arith.constant 0 : i32
          %cond3A_256 = arith.cmpi ne, %convert_element_type3A_254, %cond3A_255 : i32
          scf.if %cond3A_256 {
            %mul3A_377 = arith.constant 32 : i32
            %mul3A_378 = arith.muli %sub3A_244, %mul3A_377 : i32
            %get3A_379 = arith.index_cast %mul3A_378 : i32 to index
            %get3A_380 = tpu.vector_load %arg13[%get3A_379] {strides = array<i32>} : memref<100096xf32, #tpu.memory_space<vmem>>, vector<16xf32>,
            %get3A_381 = vector.shape_cast %get3A_380 : vector<16xf32> to vector<16xf32>
            %get3A_382 = arith.index_cast %add3A_248 : i32 to index
            %get3A_383 = arith.constant 0 : index
            %get3A_384 = tpu.vector_load %arg11[%get3A_382, %get3A_383] {strides = array<i32>} : memref<112x32xf32, #tpu.memory_space<vmem>>, vector<1x16xf32>,
            %get3A_385 = vector.shape_cast %get3A_384 : vector<1x16xf32> to vector<16xf32>
            %max3A = arith.maximumf %get3A_381, %get3A_385 : vector<16xf32>
            %swap3A = arith.index_cast %mul3A_378 : i32 to index
            %swap3A_386 = tpu.vector_load %arg13[%swap3A] {strides = array<i32>} : memref<100096xf32, #tpu.memory_space<vmem>>, vector<16xf32>,
            %swap3A_387 = vector.shape_cast %swap3A_386 : vector<16xf32> to vector<16xf32>
            %swap3A_388 = vector.shape_cast %max3A : vector<16xf32> to vector<16xf32>
            tpu.vector_store %arg13[%swap3A], %swap3A_388 {strides = array<i32>} : memref<100096xf32, #tpu.memory_space<vmem>>, vector<16xf32>,
            %add3A_389 = arith.constant 16 : i32
            %add3A_390 = arith.addi %mul3A_378, %add3A_389 : i32
            %get3A_391 = arith.index_cast %add3A_390 : i32 to index
            %get3A_392 = tpu.vector_load %arg13[%get3A_391] {strides = array<i32>} : memref<100096xf32, #tpu.memory_space<vmem>>, vector<16xf32>,
            %get3A_393 = vector.shape_cast %get3A_392 : vector<16xf32> to vector<16xf32>
            %get3A_394 = arith.index_cast %add3A_248 : i32 to index
            %get3A_395 = arith.constant 16 : index
            %get3A_396 = tpu.vector_load %arg11[%get3A_394, %get3A_395] {strides = array<i32>} : memref<112x32xf32, #tpu.memory_space<vmem>>, vector<1x16xf32>,
            %get3A_397 = vector.shape_cast %get3A_396 : vector<1x16xf32> to vector<16xf32>
            %max3A_398 = arith.maximumf %get3A_393, %get3A_397 : vector<16xf32>
            %add3A_399 = arith.constant 16 : i32
            %add3A_400 = arith.addi %mul3A_378, %add3A_399 : i32
            %swap3A_401 = arith.index_cast %add3A_400 : i32 to index
            %swap3A_402 = tpu.vector_load %arg13[%swap3A_401] {strides = array<i32>} : memref<100096xf32, #tpu.memory_space<vmem>>, vector<16xf32>,
            %swap3A_403 = vector.shape_cast %swap3A_402 : vector<16xf32> to vector<16xf32>
            %swap3A_404 = vector.shape_cast %max3A_398 : vector<16xf32> to vector<16xf32>
            tpu.vector_store %arg13[%swap3A_401], %swap3A_404 {strides = array<i32>} : memref<100096xf32, #tpu.memory_space<vmem>>, vector<16xf32>,
          } else {
          }
          %slice3A_257 = vector.extract_strided_slice %get3A_137 {offsets = [8], sizes = [1], strides = [1]} : vector<16xi32> to vector<1xi32>
          %squeeze3A_258 = vector.extract %slice3A_257[0] : i32 from vector<1xi32>
          %sub3A_259 = arith.subi %squeeze3A_258, %multiple_of3A : i32
          %mul3A_260 = arith.constant 16 : i32
          %mul3A_261 = arith.muli %scan3A_132, %mul3A_260 : i32
          %add3A_262 = arith.constant 8 : i32
          %add3A_263 = arith.addi %mul3A_261, %add3A_262 : i32
          %ge3A_264 = arith.constant 0 : i32
          %ge3A_265 = arith.cmpi sge, %sub3A_259, %ge3A_264 : i32
          %lt3A_266 = arith.constant 3128 : i32
          %lt3A_267 = arith.cmpi slt, %sub3A_259, %lt3A_266 : i32
          %and3A_268 = arith.andi %ge3A_265, %lt3A_267 : i1
          %convert_element_type3A_269 = arith.extui %and3A_268 : i1 to i32
          %cond3A_270 = arith.constant 0 : i32
          %cond3A_271 = arith.cmpi ne, %convert_element_type3A_269, %cond3A_270 : i32
          scf.if %cond3A_271 {
            %mul3A_377 = arith.constant 32 : i32
            %mul3A_378 = arith.muli %sub3A_259, %mul3A_377 : i32
            %get3A_379 = arith.index_cast %mul3A_378 : i32 to index
            %get3A_380 = tpu.vector_load %arg13[%get3A_379] {strides = array<i32>} : memref<100096xf32, #tpu.memory_space<vmem>>, vector<16xf32>,
            %get3A_381 = vector.shape_cast %get3A_380 : vector<16xf32> to vector<16xf32>
            %get3A_382 = arith.index_cast %add3A_263 : i32 to index
            %get3A_383 = arith.constant 0 : index
            %get3A_384 = tpu.vector_load %arg11[%get3A_382, %get3A_383] {strides = array<i32>} : memref<112x32xf32, #tpu.memory_space<vmem>>, vector<1x16xf32>,
            %get3A_385 = vector.shape_cast %get3A_384 : vector<1x16xf32> to vector<16xf32>
            %max3A = arith.maximumf %get3A_381, %get3A_385 : vector<16xf32>
            %swap3A = arith.index_cast %mul3A_378 : i32 to index
            %swap3A_386 = tpu.vector_load %arg13[%swap3A] {strides = array<i32>} : memref<100096xf32, #tpu.memory_space<vmem>>, vector<16xf32>,
            %swap3A_387 = vector.shape_cast %swap3A_386 : vector<16xf32> to vector<16xf32>
            %swap3A_388 = vector.shape_cast %max3A : vector<16xf32> to vector<16xf32>
            tpu.vector_store %arg13[%swap3A], %swap3A_388 {strides = array<i32>} : memref<100096xf32, #tpu.memory_space<vmem>>, vector<16xf32>,
            %add3A_389 = arith.constant 16 : i32
            %add3A_390 = arith.addi %mul3A_378, %add3A_389 : i32
            %get3A_391 = arith.index_cast %add3A_390 : i32 to index
            %get3A_392 = tpu.vector_load %arg13[%get3A_391] {strides = array<i32>} : memref<100096xf32, #tpu.memory_space<vmem>>, vector<16xf32>,
            %get3A_393 = vector.shape_cast %get3A_392 : vector<16xf32> to vector<16xf32>
            %get3A_394 = arith.index_cast %add3A_263 : i32 to index
            %get3A_395 = arith.constant 16 : index
            %get3A_396 = tpu.vector_load %arg11[%get3A_394, %get3A_395] {strides = array<i32>} : memref<112x32xf32, #tpu.memory_space<vmem>>, vector<1x16xf32>,
            %get3A_397 = vector.shape_cast %get3A_396 : vector<1x16xf32> to vector<16xf32>
            %max3A_398 = arith.maximumf %get3A_393, %get3A_397 : vector<16xf32>
            %add3A_399 = arith.constant 16 : i32
            %add3A_400 = arith.addi %mul3A_378, %add3A_399 : i32
            %swap3A_401 = arith.index_cast %add3A_400 : i32 to index
            %swap3A_402 = tpu.vector_load %arg13[%swap3A_401] {strides = array<i32>} : memref<100096xf32, #tpu.memory_space<vmem>>, vector<16xf32>,
            %swap3A_403 = vector.shape_cast %swap3A_402 : vector<16xf32> to vector<16xf32>
            %swap3A_404 = vector.shape_cast %max3A_398 : vector<16xf32> to vector<16xf32>
            tpu.vector_store %arg13[%swap3A_401], %swap3A_404 {strides = array<i32>} : memref<100096xf32, #tpu.memory_space<vmem>>, vector<16xf32>,
          } else {
          }
          %slice3A_272 = vector.extract_strided_slice %get3A_137 {offsets = [9], sizes = [1], strides = [1]} : vector<16xi32> to vector<1xi32>
          %squeeze3A_273 = vector.extract %slice3A_272[0] : i32 from vector<1xi32>
          %sub3A_274 = arith.subi %squeeze3A_273, %multiple_of3A : i32
          %mul3A_275 = arith.constant 16 : i32
          %mul3A_276 = arith.muli %scan3A_132, %mul3A_275 : i32
          %add3A_277 = arith.constant 9 : i32
          %add3A_278 = arith.addi %mul3A_276, %add3A_277 : i32
          %ge3A_279 = arith.constant 0 : i32
          %ge3A_280 = arith.cmpi sge, %sub3A_274, %ge3A_279 : i32
          %lt3A_281 = arith.constant 3128 : i32
          %lt3A_282 = arith.cmpi slt, %sub3A_274, %lt3A_281 : i32
          %and3A_283 = arith.andi %ge3A_280, %lt3A_282 : i1
          %convert_element_type3A_284 = arith.extui %and3A_283 : i1 to i32
          %cond3A_285 = arith.constant 0 : i32
          %cond3A_286 = arith.cmpi ne, %convert_element_type3A_284, %cond3A_285 : i32
          scf.if %cond3A_286 {
            %mul3A_377 = arith.constant 32 : i32
            %mul3A_378 = arith.muli %sub3A_274, %mul3A_377 : i32
            %get3A_379 = arith.index_cast %mul3A_378 : i32 to index
            %get3A_380 = tpu.vector_load %arg13[%get3A_379] {strides = array<i32>} : memref<100096xf32, #tpu.memory_space<vmem>>, vector<16xf32>,
            %get3A_381 = vector.shape_cast %get3A_380 : vector<16xf32> to vector<16xf32>
            %get3A_382 = arith.index_cast %add3A_278 : i32 to index
            %get3A_383 = arith.constant 0 : index
            %get3A_384 = tpu.vector_load %arg11[%get3A_382, %get3A_383] {strides = array<i32>} : memref<112x32xf32, #tpu.memory_space<vmem>>, vector<1x16xf32>,
            %get3A_385 = vector.shape_cast %get3A_384 : vector<1x16xf32> to vector<16xf32>
            %max3A = arith.maximumf %get3A_381, %get3A_385 : vector<16xf32>
            %swap3A = arith.index_cast %mul3A_378 : i32 to index
            %swap3A_386 = tpu.vector_load %arg13[%swap3A] {strides = array<i32>} : memref<100096xf32, #tpu.memory_space<vmem>>, vector<16xf32>,
            %swap3A_387 = vector.shape_cast %swap3A_386 : vector<16xf32> to vector<16xf32>
            %swap3A_388 = vector.shape_cast %max3A : vector<16xf32> to vector<16xf32>
            tpu.vector_store %arg13[%swap3A], %swap3A_388 {strides = array<i32>} : memref<100096xf32, #tpu.memory_space<vmem>>, vector<16xf32>,
            %add3A_389 = arith.constant 16 : i32
            %add3A_390 = arith.addi %mul3A_378, %add3A_389 : i32
            %get3A_391 = arith.index_cast %add3A_390 : i32 to index
            %get3A_392 = tpu.vector_load %arg13[%get3A_391] {strides = array<i32>} : memref<100096xf32, #tpu.memory_space<vmem>>, vector<16xf32>,
            %get3A_393 = vector.shape_cast %get3A_392 : vector<16xf32> to vector<16xf32>
            %get3A_394 = arith.index_cast %add3A_278 : i32 to index
            %get3A_395 = arith.constant 16 : index
            %get3A_396 = tpu.vector_load %arg11[%get3A_394, %get3A_395] {strides = array<i32>} : memref<112x32xf32, #tpu.memory_space<vmem>>, vector<1x16xf32>,
            %get3A_397 = vector.shape_cast %get3A_396 : vector<1x16xf32> to vector<16xf32>
            %max3A_398 = arith.maximumf %get3A_393, %get3A_397 : vector<16xf32>
            %add3A_399 = arith.constant 16 : i32
            %add3A_400 = arith.addi %mul3A_378, %add3A_399 : i32
            %swap3A_401 = arith.index_cast %add3A_400 : i32 to index
            %swap3A_402 = tpu.vector_load %arg13[%swap3A_401] {strides = array<i32>} : memref<100096xf32, #tpu.memory_space<vmem>>, vector<16xf32>,
            %swap3A_403 = vector.shape_cast %swap3A_402 : vector<16xf32> to vector<16xf32>
            %swap3A_404 = vector.shape_cast %max3A_398 : vector<16xf32> to vector<16xf32>
            tpu.vector_store %arg13[%swap3A_401], %swap3A_404 {strides = array<i32>} : memref<100096xf32, #tpu.memory_space<vmem>>, vector<16xf32>,
          } else {
          }
          %slice3A_287 = vector.extract_strided_slice %get3A_137 {offsets = [10], sizes = [1], strides = [1]} : vector<16xi32> to vector<1xi32>
          %squeeze3A_288 = vector.extract %slice3A_287[0] : i32 from vector<1xi32>
          %sub3A_289 = arith.subi %squeeze3A_288, %multiple_of3A : i32
          %mul3A_290 = arith.constant 16 : i32
          %mul3A_291 = arith.muli %scan3A_132, %mul3A_290 : i32
          %add3A_292 = arith.constant 10 : i32
          %add3A_293 = arith.addi %mul3A_291, %add3A_292 : i32
          %ge3A_294 = arith.constant 0 : i32
          %ge3A_295 = arith.cmpi sge, %sub3A_289, %ge3A_294 : i32
          %lt3A_296 = arith.constant 3128 : i32
          %lt3A_297 = arith.cmpi slt, %sub3A_289, %lt3A_296 : i32
          %and3A_298 = arith.andi %ge3A_295, %lt3A_297 : i1
          %convert_element_type3A_299 = arith.extui %and3A_298 : i1 to i32
          %cond3A_300 = arith.constant 0 : i32
          %cond3A_301 = arith.cmpi ne, %convert_element_type3A_299, %cond3A_300 : i32
          scf.if %cond3A_301 {
            %mul3A_377 = arith.constant 32 : i32
            %mul3A_378 = arith.muli %sub3A_289, %mul3A_377 : i32
            %get3A_379 = arith.index_cast %mul3A_378 : i32 to index
            %get3A_380 = tpu.vector_load %arg13[%get3A_379] {strides = array<i32>} : memref<100096xf32, #tpu.memory_space<vmem>>, vector<16xf32>,
            %get3A_381 = vector.shape_cast %get3A_380 : vector<16xf32> to vector<16xf32>
            %get3A_382 = arith.index_cast %add3A_293 : i32 to index
            %get3A_383 = arith.constant 0 : index
            %get3A_384 = tpu.vector_load %arg11[%get3A_382, %get3A_383] {strides = array<i32>} : memref<112x32xf32, #tpu.memory_space<vmem>>, vector<1x16xf32>,
            %get3A_385 = vector.shape_cast %get3A_384 : vector<1x16xf32> to vector<16xf32>
            %max3A = arith.maximumf %get3A_381, %get3A_385 : vector<16xf32>
            %swap3A = arith.index_cast %mul3A_378 : i32 to index
            %swap3A_386 = tpu.vector_load %arg13[%swap3A] {strides = array<i32>} : memref<100096xf32, #tpu.memory_space<vmem>>, vector<16xf32>,
            %swap3A_387 = vector.shape_cast %swap3A_386 : vector<16xf32> to vector<16xf32>
            %swap3A_388 = vector.shape_cast %max3A : vector<16xf32> to vector<16xf32>
            tpu.vector_store %arg13[%swap3A], %swap3A_388 {strides = array<i32>} : memref<100096xf32, #tpu.memory_space<vmem>>, vector<16xf32>,
            %add3A_389 = arith.constant 16 : i32
            %add3A_390 = arith.addi %mul3A_378, %add3A_389 : i32
            %get3A_391 = arith.index_cast %add3A_390 : i32 to index
            %get3A_392 = tpu.vector_load %arg13[%get3A_391] {strides = array<i32>} : memref<100096xf32, #tpu.memory_space<vmem>>, vector<16xf32>,
            %get3A_393 = vector.shape_cast %get3A_392 : vector<16xf32> to vector<16xf32>
            %get3A_394 = arith.index_cast %add3A_293 : i32 to index
            %get3A_395 = arith.constant 16 : index
            %get3A_396 = tpu.vector_load %arg11[%get3A_394, %get3A_395] {strides = array<i32>} : memref<112x32xf32, #tpu.memory_space<vmem>>, vector<1x16xf32>,
            %get3A_397 = vector.shape_cast %get3A_396 : vector<1x16xf32> to vector<16xf32>
            %max3A_398 = arith.maximumf %get3A_393, %get3A_397 : vector<16xf32>
            %add3A_399 = arith.constant 16 : i32
            %add3A_400 = arith.addi %mul3A_378, %add3A_399 : i32
            %swap3A_401 = arith.index_cast %add3A_400 : i32 to index
            %swap3A_402 = tpu.vector_load %arg13[%swap3A_401] {strides = array<i32>} : memref<100096xf32, #tpu.memory_space<vmem>>, vector<16xf32>,
            %swap3A_403 = vector.shape_cast %swap3A_402 : vector<16xf32> to vector<16xf32>
            %swap3A_404 = vector.shape_cast %max3A_398 : vector<16xf32> to vector<16xf32>
            tpu.vector_store %arg13[%swap3A_401], %swap3A_404 {strides = array<i32>} : memref<100096xf32, #tpu.memory_space<vmem>>, vector<16xf32>,
          } else {
          }
          %slice3A_302 = vector.extract_strided_slice %get3A_137 {offsets = [11], sizes = [1], strides = [1]} : vector<16xi32> to vector<1xi32>
          %squeeze3A_303 = vector.extract %slice3A_302[0] : i32 from vector<1xi32>
          %sub3A_304 = arith.subi %squeeze3A_303, %multiple_of3A : i32
          %mul3A_305 = arith.constant 16 : i32
          %mul3A_306 = arith.muli %scan3A_132, %mul3A_305 : i32
          %add3A_307 = arith.constant 11 : i32
          %add3A_308 = arith.addi %mul3A_306, %add3A_307 : i32
          %ge3A_309 = arith.constant 0 : i32
          %ge3A_310 = arith.cmpi sge, %sub3A_304, %ge3A_309 : i32
          %lt3A_311 = arith.constant 3128 : i32
          %lt3A_312 = arith.cmpi slt, %sub3A_304, %lt3A_311 : i32
          %and3A_313 = arith.andi %ge3A_310, %lt3A_312 : i1
          %convert_element_type3A_314 = arith.extui %and3A_313 : i1 to i32
          %cond3A_315 = arith.constant 0 : i32
          %cond3A_316 = arith.cmpi ne, %convert_element_type3A_314, %cond3A_315 : i32
          scf.if %cond3A_316 {
            %mul3A_377 = arith.constant 32 : i32
            %mul3A_378 = arith.muli %sub3A_304, %mul3A_377 : i32
            %get3A_379 = arith.index_cast %mul3A_378 : i32 to index
            %get3A_380 = tpu.vector_load %arg13[%get3A_379] {strides = array<i32>} : memref<100096xf32, #tpu.memory_space<vmem>>, vector<16xf32>,
            %get3A_381 = vector.shape_cast %get3A_380 : vector<16xf32> to vector<16xf32>
            %get3A_382 = arith.index_cast %add3A_308 : i32 to index
            %get3A_383 = arith.constant 0 : index
            %get3A_384 = tpu.vector_load %arg11[%get3A_382, %get3A_383] {strides = array<i32>} : memref<112x32xf32, #tpu.memory_space<vmem>>, vector<1x16xf32>,
            %get3A_385 = vector.shape_cast %get3A_384 : vector<1x16xf32> to vector<16xf32>
            %max3A = arith.maximumf %get3A_381, %get3A_385 : vector<16xf32>
            %swap3A = arith.index_cast %mul3A_378 : i32 to index
            %swap3A_386 = tpu.vector_load %arg13[%swap3A] {strides = array<i32>} : memref<100096xf32, #tpu.memory_space<vmem>>, vector<16xf32>,
            %swap3A_387 = vector.shape_cast %swap3A_386 : vector<16xf32> to vector<16xf32>
            %swap3A_388 = vector.shape_cast %max3A : vector<16xf32> to vector<16xf32>
            tpu.vector_store %arg13[%swap3A], %swap3A_388 {strides = array<i32>} : memref<100096xf32, #tpu.memory_space<vmem>>, vector<16xf32>,
            %add3A_389 = arith.constant 16 : i32
            %add3A_390 = arith.addi %mul3A_378, %add3A_389 : i32
            %get3A_391 = arith.index_cast %add3A_390 : i32 to index
            %get3A_392 = tpu.vector_load %arg13[%get3A_391] {strides = array<i32>} : memref<100096xf32, #tpu.memory_space<vmem>>, vector<16xf32>,
            %get3A_393 = vector.shape_cast %get3A_392 : vector<16xf32> to vector<16xf32>
            %get3A_394 = arith.index_cast %add3A_308 : i32 to index
            %get3A_395 = arith.constant 16 : index
            %get3A_396 = tpu.vector_load %arg11[%get3A_394, %get3A_395] {strides = array<i32>} : memref<112x32xf32, #tpu.memory_space<vmem>>, vector<1x16xf32>,
            %get3A_397 = vector.shape_cast %get3A_396 : vector<1x16xf32> to vector<16xf32>
            %max3A_398 = arith.maximumf %get3A_393, %get3A_397 : vector<16xf32>
            %add3A_399 = arith.constant 16 : i32
            %add3A_400 = arith.addi %mul3A_378, %add3A_399 : i32
            %swap3A_401 = arith.index_cast %add3A_400 : i32 to index
            %swap3A_402 = tpu.vector_load %arg13[%swap3A_401] {strides = array<i32>} : memref<100096xf32, #tpu.memory_space<vmem>>, vector<16xf32>,
            %swap3A_403 = vector.shape_cast %swap3A_402 : vector<16xf32> to vector<16xf32>
            %swap3A_404 = vector.shape_cast %max3A_398 : vector<16xf32> to vector<16xf32>
            tpu.vector_store %arg13[%swap3A_401], %swap3A_404 {strides = array<i32>} : memref<100096xf32, #tpu.memory_space<vmem>>, vector<16xf32>,
          } else {
          }
          %slice3A_317 = vector.extract_strided_slice %get3A_137 {offsets = [12], sizes = [1], strides = [1]} : vector<16xi32> to vector<1xi32>
          %squeeze3A_318 = vector.extract %slice3A_317[0] : i32 from vector<1xi32>
          %sub3A_319 = arith.subi %squeeze3A_318, %multiple_of3A : i32
          %mul3A_320 = arith.constant 16 : i32
          %mul3A_321 = arith.muli %scan3A_132, %mul3A_320 : i32
          %add3A_322 = arith.constant 12 : i32
          %add3A_323 = arith.addi %mul3A_321, %add3A_322 : i32
          %ge3A_324 = arith.constant 0 : i32
          %ge3A_325 = arith.cmpi sge, %sub3A_319, %ge3A_324 : i32
          %lt3A_326 = arith.constant 3128 : i32
          %lt3A_327 = arith.cmpi slt, %sub3A_319, %lt3A_326 : i32
          %and3A_328 = arith.andi %ge3A_325, %lt3A_327 : i1
          %convert_element_type3A_329 = arith.extui %and3A_328 : i1 to i32
          %cond3A_330 = arith.constant 0 : i32
          %cond3A_331 = arith.cmpi ne, %convert_element_type3A_329, %cond3A_330 : i32
          scf.if %cond3A_331 {
            %mul3A_377 = arith.constant 32 : i32
            %mul3A_378 = arith.muli %sub3A_319, %mul3A_377 : i32
            %get3A_379 = arith.index_cast %mul3A_378 : i32 to index
            %get3A_380 = tpu.vector_load %arg13[%get3A_379] {strides = array<i32>} : memref<100096xf32, #tpu.memory_space<vmem>>, vector<16xf32>,
            %get3A_381 = vector.shape_cast %get3A_380 : vector<16xf32> to vector<16xf32>
            %get3A_382 = arith.index_cast %add3A_323 : i32 to index
            %get3A_383 = arith.constant 0 : index
            %get3A_384 = tpu.vector_load %arg11[%get3A_382, %get3A_383] {strides = array<i32>} : memref<112x32xf32, #tpu.memory_space<vmem>>, vector<1x16xf32>,
            %get3A_385 = vector.shape_cast %get3A_384 : vector<1x16xf32> to vector<16xf32>
            %max3A = arith.maximumf %get3A_381, %get3A_385 : vector<16xf32>
            %swap3A = arith.index_cast %mul3A_378 : i32 to index
            %swap3A_386 = tpu.vector_load %arg13[%swap3A] {strides = array<i32>} : memref<100096xf32, #tpu.memory_space<vmem>>, vector<16xf32>,
            %swap3A_387 = vector.shape_cast %swap3A_386 : vector<16xf32> to vector<16xf32>
            %swap3A_388 = vector.shape_cast %max3A : vector<16xf32> to vector<16xf32>
            tpu.vector_store %arg13[%swap3A], %swap3A_388 {strides = array<i32>} : memref<100096xf32, #tpu.memory_space<vmem>>, vector<16xf32>,
            %add3A_389 = arith.constant 16 : i32
            %add3A_390 = arith.addi %mul3A_378, %add3A_389 : i32
            %get3A_391 = arith.index_cast %add3A_390 : i32 to index
            %get3A_392 = tpu.vector_load %arg13[%get3A_391] {strides = array<i32>} : memref<100096xf32, #tpu.memory_space<vmem>>, vector<16xf32>,
            %get3A_393 = vector.shape_cast %get3A_392 : vector<16xf32> to vector<16xf32>
            %get3A_394 = arith.index_cast %add3A_323 : i32 to index
            %get3A_395 = arith.constant 16 : index
            %get3A_396 = tpu.vector_load %arg11[%get3A_394, %get3A_395] {strides = array<i32>} : memref<112x32xf32, #tpu.memory_space<vmem>>, vector<1x16xf32>,
            %get3A_397 = vector.shape_cast %get3A_396 : vector<1x16xf32> to vector<16xf32>
            %max3A_398 = arith.maximumf %get3A_393, %get3A_397 : vector<16xf32>
            %add3A_399 = arith.constant 16 : i32
            %add3A_400 = arith.addi %mul3A_378, %add3A_399 : i32
            %swap3A_401 = arith.index_cast %add3A_400 : i32 to index
            %swap3A_402 = tpu.vector_load %arg13[%swap3A_401] {strides = array<i32>} : memref<100096xf32, #tpu.memory_space<vmem>>, vector<16xf32>,
            %swap3A_403 = vector.shape_cast %swap3A_402 : vector<16xf32> to vector<16xf32>
            %swap3A_404 = vector.shape_cast %max3A_398 : vector<16xf32> to vector<16xf32>
            tpu.vector_store %arg13[%swap3A_401], %swap3A_404 {strides = array<i32>} : memref<100096xf32, #tpu.memory_space<vmem>>, vector<16xf32>,
          } else {
          }
          %slice3A_332 = vector.extract_strided_slice %get3A_137 {offsets = [13], sizes = [1], strides = [1]} : vector<16xi32> to vector<1xi32>
          %squeeze3A_333 = vector.extract %slice3A_332[0] : i32 from vector<1xi32>
          %sub3A_334 = arith.subi %squeeze3A_333, %multiple_of3A : i32
          %mul3A_335 = arith.constant 16 : i32
          %mul3A_336 = arith.muli %scan3A_132, %mul3A_335 : i32
          %add3A_337 = arith.constant 13 : i32
          %add3A_338 = arith.addi %mul3A_336, %add3A_337 : i32
          %ge3A_339 = arith.constant 0 : i32
          %ge3A_340 = arith.cmpi sge, %sub3A_334, %ge3A_339 : i32
          %lt3A_341 = arith.constant 3128 : i32
          %lt3A_342 = arith.cmpi slt, %sub3A_334, %lt3A_341 : i32
          %and3A_343 = arith.andi %ge3A_340, %lt3A_342 : i1
          %convert_element_type3A_344 = arith.extui %and3A_343 : i1 to i32
          %cond3A_345 = arith.constant 0 : i32
          %cond3A_346 = arith.cmpi ne, %convert_element_type3A_344, %cond3A_345 : i32
          scf.if %cond3A_346 {
            %mul3A_377 = arith.constant 32 : i32
            %mul3A_378 = arith.muli %sub3A_334, %mul3A_377 : i32
            %get3A_379 = arith.index_cast %mul3A_378 : i32 to index
            %get3A_380 = tpu.vector_load %arg13[%get3A_379] {strides = array<i32>} : memref<100096xf32, #tpu.memory_space<vmem>>, vector<16xf32>,
            %get3A_381 = vector.shape_cast %get3A_380 : vector<16xf32> to vector<16xf32>
            %get3A_382 = arith.index_cast %add3A_338 : i32 to index
            %get3A_383 = arith.constant 0 : index
            %get3A_384 = tpu.vector_load %arg11[%get3A_382, %get3A_383] {strides = array<i32>} : memref<112x32xf32, #tpu.memory_space<vmem>>, vector<1x16xf32>,
            %get3A_385 = vector.shape_cast %get3A_384 : vector<1x16xf32> to vector<16xf32>
            %max3A = arith.maximumf %get3A_381, %get3A_385 : vector<16xf32>
            %swap3A = arith.index_cast %mul3A_378 : i32 to index
            %swap3A_386 = tpu.vector_load %arg13[%swap3A] {strides = array<i32>} : memref<100096xf32, #tpu.memory_space<vmem>>, vector<16xf32>,
            %swap3A_387 = vector.shape_cast %swap3A_386 : vector<16xf32> to vector<16xf32>
            %swap3A_388 = vector.shape_cast %max3A : vector<16xf32> to vector<16xf32>
            tpu.vector_store %arg13[%swap3A], %swap3A_388 {strides = array<i32>} : memref<100096xf32, #tpu.memory_space<vmem>>, vector<16xf32>,
            %add3A_389 = arith.constant 16 : i32
            %add3A_390 = arith.addi %mul3A_378, %add3A_389 : i32
            %get3A_391 = arith.index_cast %add3A_390 : i32 to index
            %get3A_392 = tpu.vector_load %arg13[%get3A_391] {strides = array<i32>} : memref<100096xf32, #tpu.memory_space<vmem>>, vector<16xf32>,
            %get3A_393 = vector.shape_cast %get3A_392 : vector<16xf32> to vector<16xf32>
            %get3A_394 = arith.index_cast %add3A_338 : i32 to index
            %get3A_395 = arith.constant 16 : index
            %get3A_396 = tpu.vector_load %arg11[%get3A_394, %get3A_395] {strides = array<i32>} : memref<112x32xf32, #tpu.memory_space<vmem>>, vector<1x16xf32>,
            %get3A_397 = vector.shape_cast %get3A_396 : vector<1x16xf32> to vector<16xf32>
            %max3A_398 = arith.maximumf %get3A_393, %get3A_397 : vector<16xf32>
            %add3A_399 = arith.constant 16 : i32
            %add3A_400 = arith.addi %mul3A_378, %add3A_399 : i32
            %swap3A_401 = arith.index_cast %add3A_400 : i32 to index
            %swap3A_402 = tpu.vector_load %arg13[%swap3A_401] {strides = array<i32>} : memref<100096xf32, #tpu.memory_space<vmem>>, vector<16xf32>,
            %swap3A_403 = vector.shape_cast %swap3A_402 : vector<16xf32> to vector<16xf32>
            %swap3A_404 = vector.shape_cast %max3A_398 : vector<16xf32> to vector<16xf32>
            tpu.vector_store %arg13[%swap3A_401], %swap3A_404 {strides = array<i32>} : memref<100096xf32, #tpu.memory_space<vmem>>, vector<16xf32>,
          } else {
          }
          %slice3A_347 = vector.extract_strided_slice %get3A_137 {offsets = [14], sizes = [1], strides = [1]} : vector<16xi32> to vector<1xi32>
          %squeeze3A_348 = vector.extract %slice3A_347[0] : i32 from vector<1xi32>
          %sub3A_349 = arith.subi %squeeze3A_348, %multiple_of3A : i32
          %mul3A_350 = arith.constant 16 : i32
          %mul3A_351 = arith.muli %scan3A_132, %mul3A_350 : i32
          %add3A_352 = arith.constant 14 : i32
          %add3A_353 = arith.addi %mul3A_351, %add3A_352 : i32
          %ge3A_354 = arith.constant 0 : i32
          %ge3A_355 = arith.cmpi sge, %sub3A_349, %ge3A_354 : i32
          %lt3A_356 = arith.constant 3128 : i32
          %lt3A_357 = arith.cmpi slt, %sub3A_349, %lt3A_356 : i32
          %and3A_358 = arith.andi %ge3A_355, %lt3A_357 : i1
          %convert_element_type3A_359 = arith.extui %and3A_358 : i1 to i32
          %cond3A_360 = arith.constant 0 : i32
          %cond3A_361 = arith.cmpi ne, %convert_element_type3A_359, %cond3A_360 : i32
          scf.if %cond3A_361 {
            %mul3A_377 = arith.constant 32 : i32
            %mul3A_378 = arith.muli %sub3A_349, %mul3A_377 : i32
            %get3A_379 = arith.index_cast %mul3A_378 : i32 to index
            %get3A_380 = tpu.vector_load %arg13[%get3A_379] {strides = array<i32>} : memref<100096xf32, #tpu.memory_space<vmem>>, vector<16xf32>,
            %get3A_381 = vector.shape_cast %get3A_380 : vector<16xf32> to vector<16xf32>
            %get3A_382 = arith.index_cast %add3A_353 : i32 to index
            %get3A_383 = arith.constant 0 : index
            %get3A_384 = tpu.vector_load %arg11[%get3A_382, %get3A_383] {strides = array<i32>} : memref<112x32xf32, #tpu.memory_space<vmem>>, vector<1x16xf32>,
            %get3A_385 = vector.shape_cast %get3A_384 : vector<1x16xf32> to vector<16xf32>
            %max3A = arith.maximumf %get3A_381, %get3A_385 : vector<16xf32>
            %swap3A = arith.index_cast %mul3A_378 : i32 to index
            %swap3A_386 = tpu.vector_load %arg13[%swap3A] {strides = array<i32>} : memref<100096xf32, #tpu.memory_space<vmem>>, vector<16xf32>,
            %swap3A_387 = vector.shape_cast %swap3A_386 : vector<16xf32> to vector<16xf32>
            %swap3A_388 = vector.shape_cast %max3A : vector<16xf32> to vector<16xf32>
            tpu.vector_store %arg13[%swap3A], %swap3A_388 {strides = array<i32>} : memref<100096xf32, #tpu.memory_space<vmem>>, vector<16xf32>,
            %add3A_389 = arith.constant 16 : i32
            %add3A_390 = arith.addi %mul3A_378, %add3A_389 : i32
            %get3A_391 = arith.index_cast %add3A_390 : i32 to index
            %get3A_392 = tpu.vector_load %arg13[%get3A_391] {strides = array<i32>} : memref<100096xf32, #tpu.memory_space<vmem>>, vector<16xf32>,
            %get3A_393 = vector.shape_cast %get3A_392 : vector<16xf32> to vector<16xf32>
            %get3A_394 = arith.index_cast %add3A_353 : i32 to index
            %get3A_395 = arith.constant 16 : index
            %get3A_396 = tpu.vector_load %arg11[%get3A_394, %get3A_395] {strides = array<i32>} : memref<112x32xf32, #tpu.memory_space<vmem>>, vector<1x16xf32>,
            %get3A_397 = vector.shape_cast %get3A_396 : vector<1x16xf32> to vector<16xf32>
            %max3A_398 = arith.maximumf %get3A_393, %get3A_397 : vector<16xf32>
            %add3A_399 = arith.constant 16 : i32
            %add3A_400 = arith.addi %mul3A_378, %add3A_399 : i32
            %swap3A_401 = arith.index_cast %add3A_400 : i32 to index
            %swap3A_402 = tpu.vector_load %arg13[%swap3A_401] {strides = array<i32>} : memref<100096xf32, #tpu.memory_space<vmem>>, vector<16xf32>,
            %swap3A_403 = vector.shape_cast %swap3A_402 : vector<16xf32> to vector<16xf32>
            %swap3A_404 = vector.shape_cast %max3A_398 : vector<16xf32> to vector<16xf32>
            tpu.vector_store %arg13[%swap3A_401], %swap3A_404 {strides = array<i32>} : memref<100096xf32, #tpu.memory_space<vmem>>, vector<16xf32>,
          } else {
          }
          %slice3A_362 = vector.extract_strided_slice %get3A_137 {offsets = [15], sizes = [1], strides = [1]} : vector<16xi32> to vector<1xi32>
          %squeeze3A_363 = vector.extract %slice3A_362[0] : i32 from vector<1xi32>
          %sub3A_364 = arith.subi %squeeze3A_363, %multiple_of3A : i32
          %mul3A_365 = arith.constant 16 : i32
          %mul3A_366 = arith.muli %scan3A_132, %mul3A_365 : i32
          %add3A_367 = arith.constant 15 : i32
          %add3A_368 = arith.addi %mul3A_366, %add3A_367 : i32
          %ge3A_369 = arith.constant 0 : i32
          %ge3A_370 = arith.cmpi sge, %sub3A_364, %ge3A_369 : i32
          %lt3A_371 = arith.constant 3128 : i32
          %lt3A_372 = arith.cmpi slt, %sub3A_364, %lt3A_371 : i32
          %and3A_373 = arith.andi %ge3A_370, %lt3A_372 : i1
          %convert_element_type3A_374 = arith.extui %and3A_373 : i1 to i32
          %cond3A_375 = arith.constant 0 : i32
          %cond3A_376 = arith.cmpi ne, %convert_element_type3A_374, %cond3A_375 : i32
          scf.if %cond3A_376 {
            %mul3A_377 = arith.constant 32 : i32
            %mul3A_378 = arith.muli %sub3A_364, %mul3A_377 : i32
            %get3A_379 = arith.index_cast %mul3A_378 : i32 to index
            %get3A_380 = tpu.vector_load %arg13[%get3A_379] {strides = array<i32>} : memref<100096xf32, #tpu.memory_space<vmem>>, vector<16xf32>,
            %get3A_381 = vector.shape_cast %get3A_380 : vector<16xf32> to vector<16xf32>
            %get3A_382 = arith.index_cast %add3A_368 : i32 to index
            %get3A_383 = arith.constant 0 : index
            %get3A_384 = tpu.vector_load %arg11[%get3A_382, %get3A_383] {strides = array<i32>} : memref<112x32xf32, #tpu.memory_space<vmem>>, vector<1x16xf32>,
            %get3A_385 = vector.shape_cast %get3A_384 : vector<1x16xf32> to vector<16xf32>
            %max3A = arith.maximumf %get3A_381, %get3A_385 : vector<16xf32>
            %swap3A = arith.index_cast %mul3A_378 : i32 to index
            %swap3A_386 = tpu.vector_load %arg13[%swap3A] {strides = array<i32>} : memref<100096xf32, #tpu.memory_space<vmem>>, vector<16xf32>,
            %swap3A_387 = vector.shape_cast %swap3A_386 : vector<16xf32> to vector<16xf32>
            %swap3A_388 = vector.shape_cast %max3A : vector<16xf32> to vector<16xf32>
            tpu.vector_store %arg13[%swap3A], %swap3A_388 {strides = array<i32>} : memref<100096xf32, #tpu.memory_space<vmem>>, vector<16xf32>,
            %add3A_389 = arith.constant 16 : i32
            %add3A_390 = arith.addi %mul3A_378, %add3A_389 : i32
            %get3A_391 = arith.index_cast %add3A_390 : i32 to index
            %get3A_392 = tpu.vector_load %arg13[%get3A_391] {strides = array<i32>} : memref<100096xf32, #tpu.memory_space<vmem>>, vector<16xf32>,
            %get3A_393 = vector.shape_cast %get3A_392 : vector<16xf32> to vector<16xf32>
            %get3A_394 = arith.index_cast %add3A_368 : i32 to index
            %get3A_395 = arith.constant 16 : index
            %get3A_396 = tpu.vector_load %arg11[%get3A_394, %get3A_395] {strides = array<i32>} : memref<112x32xf32, #tpu.memory_space<vmem>>, vector<1x16xf32>,
            %get3A_397 = vector.shape_cast %get3A_396 : vector<1x16xf32> to vector<16xf32>
            %max3A_398 = arith.maximumf %get3A_393, %get3A_397 : vector<16xf32>
            %add3A_399 = arith.constant 16 : i32
            %add3A_400 = arith.addi %mul3A_378, %add3A_399 : i32
            %swap3A_401 = arith.index_cast %add3A_400 : i32 to index
            %swap3A_402 = tpu.vector_load %arg13[%swap3A_401] {strides = array<i32>} : memref<100096xf32, #tpu.memory_space<vmem>>, vector<16xf32>,
            %swap3A_403 = vector.shape_cast %swap3A_402 : vector<16xf32> to vector<16xf32>
            %swap3A_404 = vector.shape_cast %max3A_398 : vector<16xf32> to vector<16xf32>
            tpu.vector_store %arg13[%swap3A_401], %swap3A_404 {strides = array<i32>} : memref<100096xf32, #tpu.memory_space<vmem>>, vector<16xf32>,
          } else {
          }
        }
        %scan3A_125 = arith.constant 7 : i32
        %add3A_126 = arith.constant 2 : i32
        %add3A_127 = arith.addi %mul3A_101, %add3A_126 : i32
        %lt3A_128 = arith.cmpi slt, %add3A_127, %select_n3A : i32
        %convert_element_type3A_129 = arith.extui %lt3A_128 : i1 to i32
        %cond3A_130 = arith.constant 0 : i32
        %cond3A_131 = arith.cmpi ne, %convert_element_type3A_129, %cond3A_130 : i32
        scf.if %cond3A_131 {
          %add3A_132 = arith.constant 2 : i32
          %add3A_133 = arith.addi %mul3A_101, %add3A_132 : i32
          %mul3A_134 = arith.constant 112 : i32
          %mul3A_135 = arith.muli %add3A_133, %mul3A_134 : i32
          %add3A_136 = arith.addi %and3A_7, %mul3A_135 : i32
          %multiple_of3A_137 = tpu.assume_multiple %add3A_136, 8 : i32
          %dma_start3A = tpu.memref_slice %arg3[%multiple_of3A_137] : memref<1600112xi32, #tpu.memory_space<hbm>> -> memref<112xi32, #tpu.memory_space<hbm>>
          %dma_start3A_138 = tpu.memref_slice %arg3[%multiple_of3A_137] : memref<1600112xi32, #tpu.memory_space<hbm>> -> memref<112xi32, #tpu.memory_space<hbm>>
          tpu.enqueue_dma source(%dma_start3A_138 : memref<112xi32, #tpu.memory_space<hbm>>) target(%arg9 : memref<112xi32, #tpu.memory_space<vmem>>) target_semaphore(%arg14 : memref<!tpu.dma_semaphore, #tpu.memory_space<semaphore_mem>>)
          %dma_start3A_139 = arith.constant 0 : i32
          %dma_start3A_140 = tpu.memref_slice %arg2[%multiple_of3A_137, %dma_start3A_139] : memref<1600112x32xf32, #tpu.memory_space<hbm>> -> memref<112x32xf32, #tpu.memory_space<hbm>>
          %dma_start3A_141 = arith.constant 0 : i32
          %dma_start3A_142 = tpu.memref_slice %arg2[%multiple_of3A_137, %dma_start3A_141] : memref<1600112x32xf32, #tpu.memory_space<hbm>> -> memref<112x32xf32, #tpu.memory_space<hbm>>
          tpu.enqueue_dma source(%dma_start3A_142 : memref<112x32xf32, #tpu.memory_space<hbm>>) target(%arg11 : memref<112x32xf32, #tpu.memory_space<vmem>>) target_semaphore(%arg14 : memref<!tpu.dma_semaphore, #tpu.memory_space<semaphore_mem>>)
        } else {
        }
      } else {
      }
      %lt3A_107 = arith.cmpi slt, %add3A_103, %select_n3A : i32
      %convert_element_type3A_108 = arith.extui %lt3A_107 : i1 to i32
      %cond3A_109 = arith.constant 0 : i32
      %cond3A_110 = arith.cmpi ne, %convert_element_type3A_108, %cond3A_109 : i32
      scf.if %cond3A_110 {
        %dma_wait3A = arith.constant 0 : i32
        %dma_wait3A_111 = tpu.memref_slice %arg3[%dma_wait3A] : memref<1600112xi32, #tpu.memory_space<hbm>> -> memref<112xi32, #tpu.memory_space<hbm>>
        %dma_wait3A_112 = arith.constant 0 : i32
        %dma_wait3A_113 = tpu.memref_slice %arg3[%dma_wait3A_112] : memref<1600112xi32, #tpu.memory_space<hbm>> -> memref<112xi32, #tpu.memory_space<hbm>>
        tpu.wait_dma2 semaphore(%arg15 : memref<!tpu.dma_semaphore, #tpu.memory_space<semaphore_mem>>) src(%dma_wait3A_113 : memref<112xi32, #tpu.memory_space<hbm>>) dst(%arg10 : memref<112xi32, #tpu.memory_space<vmem>>)
        %dma_wait3A_114 = arith.constant 0 : i32
        %dma_wait3A_115 = arith.constant 0 : i32
        %dma_wait3A_116 = tpu.memref_slice %arg2[%dma_wait3A_114, %dma_wait3A_115] : memref<1600112x32xf32, #tpu.memory_space<hbm>> -> memref<112x32xf32, #tpu.memory_space<hbm>>
        %dma_wait3A_117 = arith.constant 0 : i32
        %dma_wait3A_118 = arith.constant 0 : i32
        %dma_wait3A_119 = tpu.memref_slice %arg2[%dma_wait3A_117, %dma_wait3A_118] : memref<1600112x32xf32, #tpu.memory_space<hbm>> -> memref<112x32xf32, #tpu.memory_space<hbm>>
        tpu.wait_dma2 semaphore(%arg15 : memref<!tpu.dma_semaphore, #tpu.memory_space<semaphore_mem>>) src(%dma_wait3A_119 : memref<112x32xf32, #tpu.memory_space<hbm>>) dst(%arg12 : memref<112x32xf32, #tpu.memory_space<vmem>>)
        %scan3A_120 = arith.constant 0 : i32
        %scan3A_121 = arith.constant 0 : i32
        %scan3A_122 = arith.constant 7 : i32
        %scan3A_123 = arith.addi %scan3A_121, %scan3A_122 : i32
        %scan3A_124 = arith.constant 1 : i32
        scf.for %scan3A_132 = %scan3A_121 to %scan3A_123 step %scan3A_124  : i32 {
          %mul3A_133 = arith.constant 16 : i32
          %mul3A_134 = arith.muli %scan3A_132, %mul3A_133 : i32
          %get3A_135 = arith.index_cast %mul3A_134 : i32 to index
          %get3A_136 = tpu.vector_load %arg10[%get3A_135] {strides = array<i32>} : memref<112xi32, #tpu.memory_space<vmem>>, vector<16xi32>,
          %get3A_137 = vector.shape_cast %get3A_136 : vector<16xi32> to vector<16xi32>
          %slice3A_138 = vector.extract_strided_slice %get3A_137 {offsets = [0], sizes = [1], strides = [1]} : vector<16xi32> to vector<1xi32>
          %squeeze3A_139 = vector.extract %slice3A_138[0] : i32 from vector<1xi32>
          %sub3A_140 = arith.subi %squeeze3A_139, %multiple_of3A : i32
          %mul3A_141 = arith.constant 16 : i32
          %mul3A_142 = arith.muli %scan3A_132, %mul3A_141 : i32
          %add3A_143 = arith.constant 0 : i32
          %add3A_144 = arith.addi %mul3A_142, %add3A_143 : i32
          %ge3A = arith.constant 0 : i32
          %ge3A_145 = arith.cmpi sge, %sub3A_140, %ge3A : i32
          %lt3A_146 = arith.constant 3128 : i32
          %lt3A_147 = arith.cmpi slt, %sub3A_140, %lt3A_146 : i32
          %and3A_148 = arith.andi %ge3A_145, %lt3A_147 : i1
          %convert_element_type3A_149 = arith.extui %and3A_148 : i1 to i32
          %cond3A_150 = arith.constant 0 : i32
          %cond3A_151 = arith.cmpi ne, %convert_element_type3A_149, %cond3A_150 : i32
          scf.if %cond3A_151 {
            %mul3A_377 = arith.constant 32 : i32
            %mul3A_378 = arith.muli %sub3A_140, %mul3A_377 : i32
            %get3A_379 = arith.index_cast %mul3A_378 : i32 to index
            %get3A_380 = tpu.vector_load %arg13[%get3A_379] {strides = array<i32>} : memref<100096xf32, #tpu.memory_space<vmem>>, vector<16xf32>,
            %get3A_381 = vector.shape_cast %get3A_380 : vector<16xf32> to vector<16xf32>
            %get3A_382 = arith.index_cast %add3A_144 : i32 to index
            %get3A_383 = arith.constant 0 : index
            %get3A_384 = tpu.vector_load %arg12[%get3A_382, %get3A_383] {strides = array<i32>} : memref<112x32xf32, #tpu.memory_space<vmem>>, vector<1x16xf32>,
            %get3A_385 = vector.shape_cast %get3A_384 : vector<1x16xf32> to vector<16xf32>
            %max3A = arith.maximumf %get3A_381, %get3A_385 : vector<16xf32>
            %swap3A = arith.index_cast %mul3A_378 : i32 to index
            %swap3A_386 = tpu.vector_load %arg13[%swap3A] {strides = array<i32>} : memref<100096xf32, #tpu.memory_space<vmem>>, vector<16xf32>,
            %swap3A_387 = vector.shape_cast %swap3A_386 : vector<16xf32> to vector<16xf32>
            %swap3A_388 = vector.shape_cast %max3A : vector<16xf32> to vector<16xf32>
            tpu.vector_store %arg13[%swap3A], %swap3A_388 {strides = array<i32>} : memref<100096xf32, #tpu.memory_space<vmem>>, vector<16xf32>,
            %add3A_389 = arith.constant 16 : i32
            %add3A_390 = arith.addi %mul3A_378, %add3A_389 : i32
            %get3A_391 = arith.index_cast %add3A_390 : i32 to index
            %get3A_392 = tpu.vector_load %arg13[%get3A_391] {strides = array<i32>} : memref<100096xf32, #tpu.memory_space<vmem>>, vector<16xf32>,
            %get3A_393 = vector.shape_cast %get3A_392 : vector<16xf32> to vector<16xf32>
            %get3A_394 = arith.index_cast %add3A_144 : i32 to index
            %get3A_395 = arith.constant 16 : index
            %get3A_396 = tpu.vector_load %arg12[%get3A_394, %get3A_395] {strides = array<i32>} : memref<112x32xf32, #tpu.memory_space<vmem>>, vector<1x16xf32>,
            %get3A_397 = vector.shape_cast %get3A_396 : vector<1x16xf32> to vector<16xf32>
            %max3A_398 = arith.maximumf %get3A_393, %get3A_397 : vector<16xf32>
            %add3A_399 = arith.constant 16 : i32
            %add3A_400 = arith.addi %mul3A_378, %add3A_399 : i32
            %swap3A_401 = arith.index_cast %add3A_400 : i32 to index
            %swap3A_402 = tpu.vector_load %arg13[%swap3A_401] {strides = array<i32>} : memref<100096xf32, #tpu.memory_space<vmem>>, vector<16xf32>,
            %swap3A_403 = vector.shape_cast %swap3A_402 : vector<16xf32> to vector<16xf32>
            %swap3A_404 = vector.shape_cast %max3A_398 : vector<16xf32> to vector<16xf32>
            tpu.vector_store %arg13[%swap3A_401], %swap3A_404 {strides = array<i32>} : memref<100096xf32, #tpu.memory_space<vmem>>, vector<16xf32>,
          } else {
          }
          %slice3A_152 = vector.extract_strided_slice %get3A_137 {offsets = [1], sizes = [1], strides = [1]} : vector<16xi32> to vector<1xi32>
          %squeeze3A_153 = vector.extract %slice3A_152[0] : i32 from vector<1xi32>
          %sub3A_154 = arith.subi %squeeze3A_153, %multiple_of3A : i32
          %mul3A_155 = arith.constant 16 : i32
          %mul3A_156 = arith.muli %scan3A_132, %mul3A_155 : i32
          %add3A_157 = arith.constant 1 : i32
          %add3A_158 = arith.addi %mul3A_156, %add3A_157 : i32
          %ge3A_159 = arith.constant 0 : i32
          %ge3A_160 = arith.cmpi sge, %sub3A_154, %ge3A_159 : i32
          %lt3A_161 = arith.constant 3128 : i32
          %lt3A_162 = arith.cmpi slt, %sub3A_154, %lt3A_161 : i32
          %and3A_163 = arith.andi %ge3A_160, %lt3A_162 : i1
          %convert_element_type3A_164 = arith.extui %and3A_163 : i1 to i32
          %cond3A_165 = arith.constant 0 : i32
          %cond3A_166 = arith.cmpi ne, %convert_element_type3A_164, %cond3A_165 : i32
          scf.if %cond3A_166 {
            %mul3A_377 = arith.constant 32 : i32
            %mul3A_378 = arith.muli %sub3A_154, %mul3A_377 : i32
            %get3A_379 = arith.index_cast %mul3A_378 : i32 to index
            %get3A_380 = tpu.vector_load %arg13[%get3A_379] {strides = array<i32>} : memref<100096xf32, #tpu.memory_space<vmem>>, vector<16xf32>,
            %get3A_381 = vector.shape_cast %get3A_380 : vector<16xf32> to vector<16xf32>
            %get3A_382 = arith.index_cast %add3A_158 : i32 to index
            %get3A_383 = arith.constant 0 : index
            %get3A_384 = tpu.vector_load %arg12[%get3A_382, %get3A_383] {strides = array<i32>} : memref<112x32xf32, #tpu.memory_space<vmem>>, vector<1x16xf32>,
            %get3A_385 = vector.shape_cast %get3A_384 : vector<1x16xf32> to vector<16xf32>
            %max3A = arith.maximumf %get3A_381, %get3A_385 : vector<16xf32>
            %swap3A = arith.index_cast %mul3A_378 : i32 to index
            %swap3A_386 = tpu.vector_load %arg13[%swap3A] {strides = array<i32>} : memref<100096xf32, #tpu.memory_space<vmem>>, vector<16xf32>,
            %swap3A_387 = vector.shape_cast %swap3A_386 : vector<16xf32> to vector<16xf32>
            %swap3A_388 = vector.shape_cast %max3A : vector<16xf32> to vector<16xf32>
            tpu.vector_store %arg13[%swap3A], %swap3A_388 {strides = array<i32>} : memref<100096xf32, #tpu.memory_space<vmem>>, vector<16xf32>,
            %add3A_389 = arith.constant 16 : i32
            %add3A_390 = arith.addi %mul3A_378, %add3A_389 : i32
            %get3A_391 = arith.index_cast %add3A_390 : i32 to index
            %get3A_392 = tpu.vector_load %arg13[%get3A_391] {strides = array<i32>} : memref<100096xf32, #tpu.memory_space<vmem>>, vector<16xf32>,
            %get3A_393 = vector.shape_cast %get3A_392 : vector<16xf32> to vector<16xf32>
            %get3A_394 = arith.index_cast %add3A_158 : i32 to index
            %get3A_395 = arith.constant 16 : index
            %get3A_396 = tpu.vector_load %arg12[%get3A_394, %get3A_395] {strides = array<i32>} : memref<112x32xf32, #tpu.memory_space<vmem>>, vector<1x16xf32>,
            %get3A_397 = vector.shape_cast %get3A_396 : vector<1x16xf32> to vector<16xf32>
            %max3A_398 = arith.maximumf %get3A_393, %get3A_397 : vector<16xf32>
            %add3A_399 = arith.constant 16 : i32
            %add3A_400 = arith.addi %mul3A_378, %add3A_399 : i32
            %swap3A_401 = arith.index_cast %add3A_400 : i32 to index
            %swap3A_402 = tpu.vector_load %arg13[%swap3A_401] {strides = array<i32>} : memref<100096xf32, #tpu.memory_space<vmem>>, vector<16xf32>,
            %swap3A_403 = vector.shape_cast %swap3A_402 : vector<16xf32> to vector<16xf32>
            %swap3A_404 = vector.shape_cast %max3A_398 : vector<16xf32> to vector<16xf32>
            tpu.vector_store %arg13[%swap3A_401], %swap3A_404 {strides = array<i32>} : memref<100096xf32, #tpu.memory_space<vmem>>, vector<16xf32>,
          } else {
          }
          %slice3A_167 = vector.extract_strided_slice %get3A_137 {offsets = [2], sizes = [1], strides = [1]} : vector<16xi32> to vector<1xi32>
          %squeeze3A_168 = vector.extract %slice3A_167[0] : i32 from vector<1xi32>
          %sub3A_169 = arith.subi %squeeze3A_168, %multiple_of3A : i32
          %mul3A_170 = arith.constant 16 : i32
          %mul3A_171 = arith.muli %scan3A_132, %mul3A_170 : i32
          %add3A_172 = arith.constant 2 : i32
          %add3A_173 = arith.addi %mul3A_171, %add3A_172 : i32
          %ge3A_174 = arith.constant 0 : i32
          %ge3A_175 = arith.cmpi sge, %sub3A_169, %ge3A_174 : i32
          %lt3A_176 = arith.constant 3128 : i32
          %lt3A_177 = arith.cmpi slt, %sub3A_169, %lt3A_176 : i32
          %and3A_178 = arith.andi %ge3A_175, %lt3A_177 : i1
          %convert_element_type3A_179 = arith.extui %and3A_178 : i1 to i32
          %cond3A_180 = arith.constant 0 : i32
          %cond3A_181 = arith.cmpi ne, %convert_element_type3A_179, %cond3A_180 : i32
          scf.if %cond3A_181 {
            %mul3A_377 = arith.constant 32 : i32
            %mul3A_378 = arith.muli %sub3A_169, %mul3A_377 : i32
            %get3A_379 = arith.index_cast %mul3A_378 : i32 to index
            %get3A_380 = tpu.vector_load %arg13[%get3A_379] {strides = array<i32>} : memref<100096xf32, #tpu.memory_space<vmem>>, vector<16xf32>,
            %get3A_381 = vector.shape_cast %get3A_380 : vector<16xf32> to vector<16xf32>
            %get3A_382 = arith.index_cast %add3A_173 : i32 to index
            %get3A_383 = arith.constant 0 : index
            %get3A_384 = tpu.vector_load %arg12[%get3A_382, %get3A_383] {strides = array<i32>} : memref<112x32xf32, #tpu.memory_space<vmem>>, vector<1x16xf32>,
            %get3A_385 = vector.shape_cast %get3A_384 : vector<1x16xf32> to vector<16xf32>
            %max3A = arith.maximumf %get3A_381, %get3A_385 : vector<16xf32>
            %swap3A = arith.index_cast %mul3A_378 : i32 to index
            %swap3A_386 = tpu.vector_load %arg13[%swap3A] {strides = array<i32>} : memref<100096xf32, #tpu.memory_space<vmem>>, vector<16xf32>,
            %swap3A_387 = vector.shape_cast %swap3A_386 : vector<16xf32> to vector<16xf32>
            %swap3A_388 = vector.shape_cast %max3A : vector<16xf32> to vector<16xf32>
            tpu.vector_store %arg13[%swap3A], %swap3A_388 {strides = array<i32>} : memref<100096xf32, #tpu.memory_space<vmem>>, vector<16xf32>,
            %add3A_389 = arith.constant 16 : i32
            %add3A_390 = arith.addi %mul3A_378, %add3A_389 : i32
            %get3A_391 = arith.index_cast %add3A_390 : i32 to index
            %get3A_392 = tpu.vector_load %arg13[%get3A_391] {strides = array<i32>} : memref<100096xf32, #tpu.memory_space<vmem>>, vector<16xf32>,
            %get3A_393 = vector.shape_cast %get3A_392 : vector<16xf32> to vector<16xf32>
            %get3A_394 = arith.index_cast %add3A_173 : i32 to index
            %get3A_395 = arith.constant 16 : index
            %get3A_396 = tpu.vector_load %arg12[%get3A_394, %get3A_395] {strides = array<i32>} : memref<112x32xf32, #tpu.memory_space<vmem>>, vector<1x16xf32>,
            %get3A_397 = vector.shape_cast %get3A_396 : vector<1x16xf32> to vector<16xf32>
            %max3A_398 = arith.maximumf %get3A_393, %get3A_397 : vector<16xf32>
            %add3A_399 = arith.constant 16 : i32
            %add3A_400 = arith.addi %mul3A_378, %add3A_399 : i32
            %swap3A_401 = arith.index_cast %add3A_400 : i32 to index
            %swap3A_402 = tpu.vector_load %arg13[%swap3A_401] {strides = array<i32>} : memref<100096xf32, #tpu.memory_space<vmem>>, vector<16xf32>,
            %swap3A_403 = vector.shape_cast %swap3A_402 : vector<16xf32> to vector<16xf32>
            %swap3A_404 = vector.shape_cast %max3A_398 : vector<16xf32> to vector<16xf32>
            tpu.vector_store %arg13[%swap3A_401], %swap3A_404 {strides = array<i32>} : memref<100096xf32, #tpu.memory_space<vmem>>, vector<16xf32>,
          } else {
          }
          %slice3A_182 = vector.extract_strided_slice %get3A_137 {offsets = [3], sizes = [1], strides = [1]} : vector<16xi32> to vector<1xi32>
          %squeeze3A_183 = vector.extract %slice3A_182[0] : i32 from vector<1xi32>
          %sub3A_184 = arith.subi %squeeze3A_183, %multiple_of3A : i32
          %mul3A_185 = arith.constant 16 : i32
          %mul3A_186 = arith.muli %scan3A_132, %mul3A_185 : i32
          %add3A_187 = arith.constant 3 : i32
          %add3A_188 = arith.addi %mul3A_186, %add3A_187 : i32
          %ge3A_189 = arith.constant 0 : i32
          %ge3A_190 = arith.cmpi sge, %sub3A_184, %ge3A_189 : i32
          %lt3A_191 = arith.constant 3128 : i32
          %lt3A_192 = arith.cmpi slt, %sub3A_184, %lt3A_191 : i32
          %and3A_193 = arith.andi %ge3A_190, %lt3A_192 : i1
          %convert_element_type3A_194 = arith.extui %and3A_193 : i1 to i32
          %cond3A_195 = arith.constant 0 : i32
          %cond3A_196 = arith.cmpi ne, %convert_element_type3A_194, %cond3A_195 : i32
          scf.if %cond3A_196 {
            %mul3A_377 = arith.constant 32 : i32
            %mul3A_378 = arith.muli %sub3A_184, %mul3A_377 : i32
            %get3A_379 = arith.index_cast %mul3A_378 : i32 to index
            %get3A_380 = tpu.vector_load %arg13[%get3A_379] {strides = array<i32>} : memref<100096xf32, #tpu.memory_space<vmem>>, vector<16xf32>,
            %get3A_381 = vector.shape_cast %get3A_380 : vector<16xf32> to vector<16xf32>
            %get3A_382 = arith.index_cast %add3A_188 : i32 to index
            %get3A_383 = arith.constant 0 : index
            %get3A_384 = tpu.vector_load %arg12[%get3A_382, %get3A_383] {strides = array<i32>} : memref<112x32xf32, #tpu.memory_space<vmem>>, vector<1x16xf32>,
            %get3A_385 = vector.shape_cast %get3A_384 : vector<1x16xf32> to vector<16xf32>
            %max3A = arith.maximumf %get3A_381, %get3A_385 : vector<16xf32>
            %swap3A = arith.index_cast %mul3A_378 : i32 to index
            %swap3A_386 = tpu.vector_load %arg13[%swap3A] {strides = array<i32>} : memref<100096xf32, #tpu.memory_space<vmem>>, vector<16xf32>,
            %swap3A_387 = vector.shape_cast %swap3A_386 : vector<16xf32> to vector<16xf32>
            %swap3A_388 = vector.shape_cast %max3A : vector<16xf32> to vector<16xf32>
            tpu.vector_store %arg13[%swap3A], %swap3A_388 {strides = array<i32>} : memref<100096xf32, #tpu.memory_space<vmem>>, vector<16xf32>,
            %add3A_389 = arith.constant 16 : i32
            %add3A_390 = arith.addi %mul3A_378, %add3A_389 : i32
            %get3A_391 = arith.index_cast %add3A_390 : i32 to index
            %get3A_392 = tpu.vector_load %arg13[%get3A_391] {strides = array<i32>} : memref<100096xf32, #tpu.memory_space<vmem>>, vector<16xf32>,
            %get3A_393 = vector.shape_cast %get3A_392 : vector<16xf32> to vector<16xf32>
            %get3A_394 = arith.index_cast %add3A_188 : i32 to index
            %get3A_395 = arith.constant 16 : index
            %get3A_396 = tpu.vector_load %arg12[%get3A_394, %get3A_395] {strides = array<i32>} : memref<112x32xf32, #tpu.memory_space<vmem>>, vector<1x16xf32>,
            %get3A_397 = vector.shape_cast %get3A_396 : vector<1x16xf32> to vector<16xf32>
            %max3A_398 = arith.maximumf %get3A_393, %get3A_397 : vector<16xf32>
            %add3A_399 = arith.constant 16 : i32
            %add3A_400 = arith.addi %mul3A_378, %add3A_399 : i32
            %swap3A_401 = arith.index_cast %add3A_400 : i32 to index
            %swap3A_402 = tpu.vector_load %arg13[%swap3A_401] {strides = array<i32>} : memref<100096xf32, #tpu.memory_space<vmem>>, vector<16xf32>,
            %swap3A_403 = vector.shape_cast %swap3A_402 : vector<16xf32> to vector<16xf32>
            %swap3A_404 = vector.shape_cast %max3A_398 : vector<16xf32> to vector<16xf32>
            tpu.vector_store %arg13[%swap3A_401], %swap3A_404 {strides = array<i32>} : memref<100096xf32, #tpu.memory_space<vmem>>, vector<16xf32>,
          } else {
          }
          %slice3A_197 = vector.extract_strided_slice %get3A_137 {offsets = [4], sizes = [1], strides = [1]} : vector<16xi32> to vector<1xi32>
          %squeeze3A_198 = vector.extract %slice3A_197[0] : i32 from vector<1xi32>
          %sub3A_199 = arith.subi %squeeze3A_198, %multiple_of3A : i32
          %mul3A_200 = arith.constant 16 : i32
          %mul3A_201 = arith.muli %scan3A_132, %mul3A_200 : i32
          %add3A_202 = arith.constant 4 : i32
          %add3A_203 = arith.addi %mul3A_201, %add3A_202 : i32
          %ge3A_204 = arith.constant 0 : i32
          %ge3A_205 = arith.cmpi sge, %sub3A_199, %ge3A_204 : i32
          %lt3A_206 = arith.constant 3128 : i32
          %lt3A_207 = arith.cmpi slt, %sub3A_199, %lt3A_206 : i32
          %and3A_208 = arith.andi %ge3A_205, %lt3A_207 : i1
          %convert_element_type3A_209 = arith.extui %and3A_208 : i1 to i32
          %cond3A_210 = arith.constant 0 : i32
          %cond3A_211 = arith.cmpi ne, %convert_element_type3A_209, %cond3A_210 : i32
          scf.if %cond3A_211 {
            %mul3A_377 = arith.constant 32 : i32
            %mul3A_378 = arith.muli %sub3A_199, %mul3A_377 : i32
            %get3A_379 = arith.index_cast %mul3A_378 : i32 to index
            %get3A_380 = tpu.vector_load %arg13[%get3A_379] {strides = array<i32>} : memref<100096xf32, #tpu.memory_space<vmem>>, vector<16xf32>,
            %get3A_381 = vector.shape_cast %get3A_380 : vector<16xf32> to vector<16xf32>
            %get3A_382 = arith.index_cast %add3A_203 : i32 to index
            %get3A_383 = arith.constant 0 : index
            %get3A_384 = tpu.vector_load %arg12[%get3A_382, %get3A_383] {strides = array<i32>} : memref<112x32xf32, #tpu.memory_space<vmem>>, vector<1x16xf32>,
            %get3A_385 = vector.shape_cast %get3A_384 : vector<1x16xf32> to vector<16xf32>
            %max3A = arith.maximumf %get3A_381, %get3A_385 : vector<16xf32>
            %swap3A = arith.index_cast %mul3A_378 : i32 to index
            %swap3A_386 = tpu.vector_load %arg13[%swap3A] {strides = array<i32>} : memref<100096xf32, #tpu.memory_space<vmem>>, vector<16xf32>,
            %swap3A_387 = vector.shape_cast %swap3A_386 : vector<16xf32> to vector<16xf32>
            %swap3A_388 = vector.shape_cast %max3A : vector<16xf32> to vector<16xf32>
            tpu.vector_store %arg13[%swap3A], %swap3A_388 {strides = array<i32>} : memref<100096xf32, #tpu.memory_space<vmem>>, vector<16xf32>,
            %add3A_389 = arith.constant 16 : i32
            %add3A_390 = arith.addi %mul3A_378, %add3A_389 : i32
            %get3A_391 = arith.index_cast %add3A_390 : i32 to index
            %get3A_392 = tpu.vector_load %arg13[%get3A_391] {strides = array<i32>} : memref<100096xf32, #tpu.memory_space<vmem>>, vector<16xf32>,
            %get3A_393 = vector.shape_cast %get3A_392 : vector<16xf32> to vector<16xf32>
            %get3A_394 = arith.index_cast %add3A_203 : i32 to index
            %get3A_395 = arith.constant 16 : index
            %get3A_396 = tpu.vector_load %arg12[%get3A_394, %get3A_395] {strides = array<i32>} : memref<112x32xf32, #tpu.memory_space<vmem>>, vector<1x16xf32>,
            %get3A_397 = vector.shape_cast %get3A_396 : vector<1x16xf32> to vector<16xf32>
            %max3A_398 = arith.maximumf %get3A_393, %get3A_397 : vector<16xf32>
            %add3A_399 = arith.constant 16 : i32
            %add3A_400 = arith.addi %mul3A_378, %add3A_399 : i32
            %swap3A_401 = arith.index_cast %add3A_400 : i32 to index
            %swap3A_402 = tpu.vector_load %arg13[%swap3A_401] {strides = array<i32>} : memref<100096xf32, #tpu.memory_space<vmem>>, vector<16xf32>,
            %swap3A_403 = vector.shape_cast %swap3A_402 : vector<16xf32> to vector<16xf32>
            %swap3A_404 = vector.shape_cast %max3A_398 : vector<16xf32> to vector<16xf32>
            tpu.vector_store %arg13[%swap3A_401], %swap3A_404 {strides = array<i32>} : memref<100096xf32, #tpu.memory_space<vmem>>, vector<16xf32>,
          } else {
          }
          %slice3A_212 = vector.extract_strided_slice %get3A_137 {offsets = [5], sizes = [1], strides = [1]} : vector<16xi32> to vector<1xi32>
          %squeeze3A_213 = vector.extract %slice3A_212[0] : i32 from vector<1xi32>
          %sub3A_214 = arith.subi %squeeze3A_213, %multiple_of3A : i32
          %mul3A_215 = arith.constant 16 : i32
          %mul3A_216 = arith.muli %scan3A_132, %mul3A_215 : i32
          %add3A_217 = arith.constant 5 : i32
          %add3A_218 = arith.addi %mul3A_216, %add3A_217 : i32
          %ge3A_219 = arith.constant 0 : i32
          %ge3A_220 = arith.cmpi sge, %sub3A_214, %ge3A_219 : i32
          %lt3A_221 = arith.constant 3128 : i32
          %lt3A_222 = arith.cmpi slt, %sub3A_214, %lt3A_221 : i32
          %and3A_223 = arith.andi %ge3A_220, %lt3A_222 : i1
          %convert_element_type3A_224 = arith.extui %and3A_223 : i1 to i32
          %cond3A_225 = arith.constant 0 : i32
          %cond3A_226 = arith.cmpi ne, %convert_element_type3A_224, %cond3A_225 : i32
          scf.if %cond3A_226 {
            %mul3A_377 = arith.constant 32 : i32
            %mul3A_378 = arith.muli %sub3A_214, %mul3A_377 : i32
            %get3A_379 = arith.index_cast %mul3A_378 : i32 to index
            %get3A_380 = tpu.vector_load %arg13[%get3A_379] {strides = array<i32>} : memref<100096xf32, #tpu.memory_space<vmem>>, vector<16xf32>,
            %get3A_381 = vector.shape_cast %get3A_380 : vector<16xf32> to vector<16xf32>
            %get3A_382 = arith.index_cast %add3A_218 : i32 to index
            %get3A_383 = arith.constant 0 : index
            %get3A_384 = tpu.vector_load %arg12[%get3A_382, %get3A_383] {strides = array<i32>} : memref<112x32xf32, #tpu.memory_space<vmem>>, vector<1x16xf32>,
            %get3A_385 = vector.shape_cast %get3A_384 : vector<1x16xf32> to vector<16xf32>
            %max3A = arith.maximumf %get3A_381, %get3A_385 : vector<16xf32>
            %swap3A = arith.index_cast %mul3A_378 : i32 to index
            %swap3A_386 = tpu.vector_load %arg13[%swap3A] {strides = array<i32>} : memref<100096xf32, #tpu.memory_space<vmem>>, vector<16xf32>,
            %swap3A_387 = vector.shape_cast %swap3A_386 : vector<16xf32> to vector<16xf32>
            %swap3A_388 = vector.shape_cast %max3A : vector<16xf32> to vector<16xf32>
            tpu.vector_store %arg13[%swap3A], %swap3A_388 {strides = array<i32>} : memref<100096xf32, #tpu.memory_space<vmem>>, vector<16xf32>,
            %add3A_389 = arith.constant 16 : i32
            %add3A_390 = arith.addi %mul3A_378, %add3A_389 : i32
            %get3A_391 = arith.index_cast %add3A_390 : i32 to index
            %get3A_392 = tpu.vector_load %arg13[%get3A_391] {strides = array<i32>} : memref<100096xf32, #tpu.memory_space<vmem>>, vector<16xf32>,
            %get3A_393 = vector.shape_cast %get3A_392 : vector<16xf32> to vector<16xf32>
            %get3A_394 = arith.index_cast %add3A_218 : i32 to index
            %get3A_395 = arith.constant 16 : index
            %get3A_396 = tpu.vector_load %arg12[%get3A_394, %get3A_395] {strides = array<i32>} : memref<112x32xf32, #tpu.memory_space<vmem>>, vector<1x16xf32>,
            %get3A_397 = vector.shape_cast %get3A_396 : vector<1x16xf32> to vector<16xf32>
            %max3A_398 = arith.maximumf %get3A_393, %get3A_397 : vector<16xf32>
            %add3A_399 = arith.constant 16 : i32
            %add3A_400 = arith.addi %mul3A_378, %add3A_399 : i32
            %swap3A_401 = arith.index_cast %add3A_400 : i32 to index
            %swap3A_402 = tpu.vector_load %arg13[%swap3A_401] {strides = array<i32>} : memref<100096xf32, #tpu.memory_space<vmem>>, vector<16xf32>,
            %swap3A_403 = vector.shape_cast %swap3A_402 : vector<16xf32> to vector<16xf32>
            %swap3A_404 = vector.shape_cast %max3A_398 : vector<16xf32> to vector<16xf32>
            tpu.vector_store %arg13[%swap3A_401], %swap3A_404 {strides = array<i32>} : memref<100096xf32, #tpu.memory_space<vmem>>, vector<16xf32>,
          } else {
          }
          %slice3A_227 = vector.extract_strided_slice %get3A_137 {offsets = [6], sizes = [1], strides = [1]} : vector<16xi32> to vector<1xi32>
          %squeeze3A_228 = vector.extract %slice3A_227[0] : i32 from vector<1xi32>
          %sub3A_229 = arith.subi %squeeze3A_228, %multiple_of3A : i32
          %mul3A_230 = arith.constant 16 : i32
          %mul3A_231 = arith.muli %scan3A_132, %mul3A_230 : i32
          %add3A_232 = arith.constant 6 : i32
          %add3A_233 = arith.addi %mul3A_231, %add3A_232 : i32
          %ge3A_234 = arith.constant 0 : i32
          %ge3A_235 = arith.cmpi sge, %sub3A_229, %ge3A_234 : i32
          %lt3A_236 = arith.constant 3128 : i32
          %lt3A_237 = arith.cmpi slt, %sub3A_229, %lt3A_236 : i32
          %and3A_238 = arith.andi %ge3A_235, %lt3A_237 : i1
          %convert_element_type3A_239 = arith.extui %and3A_238 : i1 to i32
          %cond3A_240 = arith.constant 0 : i32
          %cond3A_241 = arith.cmpi ne, %convert_element_type3A_239, %cond3A_240 : i32
          scf.if %cond3A_241 {
            %mul3A_377 = arith.constant 32 : i32
            %mul3A_378 = arith.muli %sub3A_229, %mul3A_377 : i32
            %get3A_379 = arith.index_cast %mul3A_378 : i32 to index
            %get3A_380 = tpu.vector_load %arg13[%get3A_379] {strides = array<i32>} : memref<100096xf32, #tpu.memory_space<vmem>>, vector<16xf32>,
            %get3A_381 = vector.shape_cast %get3A_380 : vector<16xf32> to vector<16xf32>
            %get3A_382 = arith.index_cast %add3A_233 : i32 to index
            %get3A_383 = arith.constant 0 : index
            %get3A_384 = tpu.vector_load %arg12[%get3A_382, %get3A_383] {strides = array<i32>} : memref<112x32xf32, #tpu.memory_space<vmem>>, vector<1x16xf32>,
            %get3A_385 = vector.shape_cast %get3A_384 : vector<1x16xf32> to vector<16xf32>
            %max3A = arith.maximumf %get3A_381, %get3A_385 : vector<16xf32>
            %swap3A = arith.index_cast %mul3A_378 : i32 to index
            %swap3A_386 = tpu.vector_load %arg13[%swap3A] {strides = array<i32>} : memref<100096xf32, #tpu.memory_space<vmem>>, vector<16xf32>,
            %swap3A_387 = vector.shape_cast %swap3A_386 : vector<16xf32> to vector<16xf32>
            %swap3A_388 = vector.shape_cast %max3A : vector<16xf32> to vector<16xf32>
            tpu.vector_store %arg13[%swap3A], %swap3A_388 {strides = array<i32>} : memref<100096xf32, #tpu.memory_space<vmem>>, vector<16xf32>,
            %add3A_389 = arith.constant 16 : i32
            %add3A_390 = arith.addi %mul3A_378, %add3A_389 : i32
            %get3A_391 = arith.index_cast %add3A_390 : i32 to index
            %get3A_392 = tpu.vector_load %arg13[%get3A_391] {strides = array<i32>} : memref<100096xf32, #tpu.memory_space<vmem>>, vector<16xf32>,
            %get3A_393 = vector.shape_cast %get3A_392 : vector<16xf32> to vector<16xf32>
            %get3A_394 = arith.index_cast %add3A_233 : i32 to index
            %get3A_395 = arith.constant 16 : index
            %get3A_396 = tpu.vector_load %arg12[%get3A_394, %get3A_395] {strides = array<i32>} : memref<112x32xf32, #tpu.memory_space<vmem>>, vector<1x16xf32>,
            %get3A_397 = vector.shape_cast %get3A_396 : vector<1x16xf32> to vector<16xf32>
            %max3A_398 = arith.maximumf %get3A_393, %get3A_397 : vector<16xf32>
            %add3A_399 = arith.constant 16 : i32
            %add3A_400 = arith.addi %mul3A_378, %add3A_399 : i32
            %swap3A_401 = arith.index_cast %add3A_400 : i32 to index
            %swap3A_402 = tpu.vector_load %arg13[%swap3A_401] {strides = array<i32>} : memref<100096xf32, #tpu.memory_space<vmem>>, vector<16xf32>,
            %swap3A_403 = vector.shape_cast %swap3A_402 : vector<16xf32> to vector<16xf32>
            %swap3A_404 = vector.shape_cast %max3A_398 : vector<16xf32> to vector<16xf32>
            tpu.vector_store %arg13[%swap3A_401], %swap3A_404 {strides = array<i32>} : memref<100096xf32, #tpu.memory_space<vmem>>, vector<16xf32>,
          } else {
          }
          %slice3A_242 = vector.extract_strided_slice %get3A_137 {offsets = [7], sizes = [1], strides = [1]} : vector<16xi32> to vector<1xi32>
          %squeeze3A_243 = vector.extract %slice3A_242[0] : i32 from vector<1xi32>
          %sub3A_244 = arith.subi %squeeze3A_243, %multiple_of3A : i32
          %mul3A_245 = arith.constant 16 : i32
          %mul3A_246 = arith.muli %scan3A_132, %mul3A_245 : i32
          %add3A_247 = arith.constant 7 : i32
          %add3A_248 = arith.addi %mul3A_246, %add3A_247 : i32
          %ge3A_249 = arith.constant 0 : i32
          %ge3A_250 = arith.cmpi sge, %sub3A_244, %ge3A_249 : i32
          %lt3A_251 = arith.constant 3128 : i32
          %lt3A_252 = arith.cmpi slt, %sub3A_244, %lt3A_251 : i32
          %and3A_253 = arith.andi %ge3A_250, %lt3A_252 : i1
          %convert_element_type3A_254 = arith.extui %and3A_253 : i1 to i32
          %cond3A_255 = arith.constant 0 : i32
          %cond3A_256 = arith.cmpi ne, %convert_element_type3A_254, %cond3A_255 : i32
          scf.if %cond3A_256 {
            %mul3A_377 = arith.constant 32 : i32
            %mul3A_378 = arith.muli %sub3A_244, %mul3A_377 : i32
            %get3A_379 = arith.index_cast %mul3A_378 : i32 to index
            %get3A_380 = tpu.vector_load %arg13[%get3A_379] {strides = array<i32>} : memref<100096xf32, #tpu.memory_space<vmem>>, vector<16xf32>,
            %get3A_381 = vector.shape_cast %get3A_380 : vector<16xf32> to vector<16xf32>
            %get3A_382 = arith.index_cast %add3A_248 : i32 to index
            %get3A_383 = arith.constant 0 : index
            %get3A_384 = tpu.vector_load %arg12[%get3A_382, %get3A_383] {strides = array<i32>} : memref<112x32xf32, #tpu.memory_space<vmem>>, vector<1x16xf32>,
            %get3A_385 = vector.shape_cast %get3A_384 : vector<1x16xf32> to vector<16xf32>
            %max3A = arith.maximumf %get3A_381, %get3A_385 : vector<16xf32>
            %swap3A = arith.index_cast %mul3A_378 : i32 to index
            %swap3A_386 = tpu.vector_load %arg13[%swap3A] {strides = array<i32>} : memref<100096xf32, #tpu.memory_space<vmem>>, vector<16xf32>,
            %swap3A_387 = vector.shape_cast %swap3A_386 : vector<16xf32> to vector<16xf32>
            %swap3A_388 = vector.shape_cast %max3A : vector<16xf32> to vector<16xf32>
            tpu.vector_store %arg13[%swap3A], %swap3A_388 {strides = array<i32>} : memref<100096xf32, #tpu.memory_space<vmem>>, vector<16xf32>,
            %add3A_389 = arith.constant 16 : i32
            %add3A_390 = arith.addi %mul3A_378, %add3A_389 : i32
            %get3A_391 = arith.index_cast %add3A_390 : i32 to index
            %get3A_392 = tpu.vector_load %arg13[%get3A_391] {strides = array<i32>} : memref<100096xf32, #tpu.memory_space<vmem>>, vector<16xf32>,
            %get3A_393 = vector.shape_cast %get3A_392 : vector<16xf32> to vector<16xf32>
            %get3A_394 = arith.index_cast %add3A_248 : i32 to index
            %get3A_395 = arith.constant 16 : index
            %get3A_396 = tpu.vector_load %arg12[%get3A_394, %get3A_395] {strides = array<i32>} : memref<112x32xf32, #tpu.memory_space<vmem>>, vector<1x16xf32>,
            %get3A_397 = vector.shape_cast %get3A_396 : vector<1x16xf32> to vector<16xf32>
            %max3A_398 = arith.maximumf %get3A_393, %get3A_397 : vector<16xf32>
            %add3A_399 = arith.constant 16 : i32
            %add3A_400 = arith.addi %mul3A_378, %add3A_399 : i32
            %swap3A_401 = arith.index_cast %add3A_400 : i32 to index
            %swap3A_402 = tpu.vector_load %arg13[%swap3A_401] {strides = array<i32>} : memref<100096xf32, #tpu.memory_space<vmem>>, vector<16xf32>,
            %swap3A_403 = vector.shape_cast %swap3A_402 : vector<16xf32> to vector<16xf32>
            %swap3A_404 = vector.shape_cast %max3A_398 : vector<16xf32> to vector<16xf32>
            tpu.vector_store %arg13[%swap3A_401], %swap3A_404 {strides = array<i32>} : memref<100096xf32, #tpu.memory_space<vmem>>, vector<16xf32>,
          } else {
          }
          %slice3A_257 = vector.extract_strided_slice %get3A_137 {offsets = [8], sizes = [1], strides = [1]} : vector<16xi32> to vector<1xi32>
          %squeeze3A_258 = vector.extract %slice3A_257[0] : i32 from vector<1xi32>
          %sub3A_259 = arith.subi %squeeze3A_258, %multiple_of3A : i32
          %mul3A_260 = arith.constant 16 : i32
          %mul3A_261 = arith.muli %scan3A_132, %mul3A_260 : i32
          %add3A_262 = arith.constant 8 : i32
          %add3A_263 = arith.addi %mul3A_261, %add3A_262 : i32
          %ge3A_264 = arith.constant 0 : i32
          %ge3A_265 = arith.cmpi sge, %sub3A_259, %ge3A_264 : i32
          %lt3A_266 = arith.constant 3128 : i32
          %lt3A_267 = arith.cmpi slt, %sub3A_259, %lt3A_266 : i32
          %and3A_268 = arith.andi %ge3A_265, %lt3A_267 : i1
          %convert_element_type3A_269 = arith.extui %and3A_268 : i1 to i32
          %cond3A_270 = arith.constant 0 : i32
          %cond3A_271 = arith.cmpi ne, %convert_element_type3A_269, %cond3A_270 : i32
          scf.if %cond3A_271 {
            %mul3A_377 = arith.constant 32 : i32
            %mul3A_378 = arith.muli %sub3A_259, %mul3A_377 : i32
            %get3A_379 = arith.index_cast %mul3A_378 : i32 to index
            %get3A_380 = tpu.vector_load %arg13[%get3A_379] {strides = array<i32>} : memref<100096xf32, #tpu.memory_space<vmem>>, vector<16xf32>,
            %get3A_381 = vector.shape_cast %get3A_380 : vector<16xf32> to vector<16xf32>
            %get3A_382 = arith.index_cast %add3A_263 : i32 to index
            %get3A_383 = arith.constant 0 : index
            %get3A_384 = tpu.vector_load %arg12[%get3A_382, %get3A_383] {strides = array<i32>} : memref<112x32xf32, #tpu.memory_space<vmem>>, vector<1x16xf32>,
            %get3A_385 = vector.shape_cast %get3A_384 : vector<1x16xf32> to vector<16xf32>
            %max3A = arith.maximumf %get3A_381, %get3A_385 : vector<16xf32>
            %swap3A = arith.index_cast %mul3A_378 : i32 to index
            %swap3A_386 = tpu.vector_load %arg13[%swap3A] {strides = array<i32>} : memref<100096xf32, #tpu.memory_space<vmem>>, vector<16xf32>,
            %swap3A_387 = vector.shape_cast %swap3A_386 : vector<16xf32> to vector<16xf32>
            %swap3A_388 = vector.shape_cast %max3A : vector<16xf32> to vector<16xf32>
            tpu.vector_store %arg13[%swap3A], %swap3A_388 {strides = array<i32>} : memref<100096xf32, #tpu.memory_space<vmem>>, vector<16xf32>,
            %add3A_389 = arith.constant 16 : i32
            %add3A_390 = arith.addi %mul3A_378, %add3A_389 : i32
            %get3A_391 = arith.index_cast %add3A_390 : i32 to index
            %get3A_392 = tpu.vector_load %arg13[%get3A_391] {strides = array<i32>} : memref<100096xf32, #tpu.memory_space<vmem>>, vector<16xf32>,
            %get3A_393 = vector.shape_cast %get3A_392 : vector<16xf32> to vector<16xf32>
            %get3A_394 = arith.index_cast %add3A_263 : i32 to index
            %get3A_395 = arith.constant 16 : index
            %get3A_396 = tpu.vector_load %arg12[%get3A_394, %get3A_395] {strides = array<i32>} : memref<112x32xf32, #tpu.memory_space<vmem>>, vector<1x16xf32>,
            %get3A_397 = vector.shape_cast %get3A_396 : vector<1x16xf32> to vector<16xf32>
            %max3A_398 = arith.maximumf %get3A_393, %get3A_397 : vector<16xf32>
            %add3A_399 = arith.constant 16 : i32
            %add3A_400 = arith.addi %mul3A_378, %add3A_399 : i32
            %swap3A_401 = arith.index_cast %add3A_400 : i32 to index
            %swap3A_402 = tpu.vector_load %arg13[%swap3A_401] {strides = array<i32>} : memref<100096xf32, #tpu.memory_space<vmem>>, vector<16xf32>,
            %swap3A_403 = vector.shape_cast %swap3A_402 : vector<16xf32> to vector<16xf32>
            %swap3A_404 = vector.shape_cast %max3A_398 : vector<16xf32> to vector<16xf32>
            tpu.vector_store %arg13[%swap3A_401], %swap3A_404 {strides = array<i32>} : memref<100096xf32, #tpu.memory_space<vmem>>, vector<16xf32>,
          } else {
          }
          %slice3A_272 = vector.extract_strided_slice %get3A_137 {offsets = [9], sizes = [1], strides = [1]} : vector<16xi32> to vector<1xi32>
          %squeeze3A_273 = vector.extract %slice3A_272[0] : i32 from vector<1xi32>
          %sub3A_274 = arith.subi %squeeze3A_273, %multiple_of3A : i32
          %mul3A_275 = arith.constant 16 : i32
          %mul3A_276 = arith.muli %scan3A_132, %mul3A_275 : i32
          %add3A_277 = arith.constant 9 : i32
          %add3A_278 = arith.addi %mul3A_276, %add3A_277 : i32
          %ge3A_279 = arith.constant 0 : i32
          %ge3A_280 = arith.cmpi sge, %sub3A_274, %ge3A_279 : i32
          %lt3A_281 = arith.constant 3128 : i32
          %lt3A_282 = arith.cmpi slt, %sub3A_274, %lt3A_281 : i32
          %and3A_283 = arith.andi %ge3A_280, %lt3A_282 : i1
          %convert_element_type3A_284 = arith.extui %and3A_283 : i1 to i32
          %cond3A_285 = arith.constant 0 : i32
          %cond3A_286 = arith.cmpi ne, %convert_element_type3A_284, %cond3A_285 : i32
          scf.if %cond3A_286 {
            %mul3A_377 = arith.constant 32 : i32
            %mul3A_378 = arith.muli %sub3A_274, %mul3A_377 : i32
            %get3A_379 = arith.index_cast %mul3A_378 : i32 to index
            %get3A_380 = tpu.vector_load %arg13[%get3A_379] {strides = array<i32>} : memref<100096xf32, #tpu.memory_space<vmem>>, vector<16xf32>,
            %get3A_381 = vector.shape_cast %get3A_380 : vector<16xf32> to vector<16xf32>
            %get3A_382 = arith.index_cast %add3A_278 : i32 to index
            %get3A_383 = arith.constant 0 : index
            %get3A_384 = tpu.vector_load %arg12[%get3A_382, %get3A_383] {strides = array<i32>} : memref<112x32xf32, #tpu.memory_space<vmem>>, vector<1x16xf32>,
            %get3A_385 = vector.shape_cast %get3A_384 : vector<1x16xf32> to vector<16xf32>
            %max3A = arith.maximumf %get3A_381, %get3A_385 : vector<16xf32>
            %swap3A = arith.index_cast %mul3A_378 : i32 to index
            %swap3A_386 = tpu.vector_load %arg13[%swap3A] {strides = array<i32>} : memref<100096xf32, #tpu.memory_space<vmem>>, vector<16xf32>,
            %swap3A_387 = vector.shape_cast %swap3A_386 : vector<16xf32> to vector<16xf32>
            %swap3A_388 = vector.shape_cast %max3A : vector<16xf32> to vector<16xf32>
            tpu.vector_store %arg13[%swap3A], %swap3A_388 {strides = array<i32>} : memref<100096xf32, #tpu.memory_space<vmem>>, vector<16xf32>,
            %add3A_389 = arith.constant 16 : i32
            %add3A_390 = arith.addi %mul3A_378, %add3A_389 : i32
            %get3A_391 = arith.index_cast %add3A_390 : i32 to index
            %get3A_392 = tpu.vector_load %arg13[%get3A_391] {strides = array<i32>} : memref<100096xf32, #tpu.memory_space<vmem>>, vector<16xf32>,
            %get3A_393 = vector.shape_cast %get3A_392 : vector<16xf32> to vector<16xf32>
            %get3A_394 = arith.index_cast %add3A_278 : i32 to index
            %get3A_395 = arith.constant 16 : index
            %get3A_396 = tpu.vector_load %arg12[%get3A_394, %get3A_395] {strides = array<i32>} : memref<112x32xf32, #tpu.memory_space<vmem>>, vector<1x16xf32>,
            %get3A_397 = vector.shape_cast %get3A_396 : vector<1x16xf32> to vector<16xf32>
            %max3A_398 = arith.maximumf %get3A_393, %get3A_397 : vector<16xf32>
            %add3A_399 = arith.constant 16 : i32
            %add3A_400 = arith.addi %mul3A_378, %add3A_399 : i32
            %swap3A_401 = arith.index_cast %add3A_400 : i32 to index
            %swap3A_402 = tpu.vector_load %arg13[%swap3A_401] {strides = array<i32>} : memref<100096xf32, #tpu.memory_space<vmem>>, vector<16xf32>,
            %swap3A_403 = vector.shape_cast %swap3A_402 : vector<16xf32> to vector<16xf32>
            %swap3A_404 = vector.shape_cast %max3A_398 : vector<16xf32> to vector<16xf32>
            tpu.vector_store %arg13[%swap3A_401], %swap3A_404 {strides = array<i32>} : memref<100096xf32, #tpu.memory_space<vmem>>, vector<16xf32>,
          } else {
          }
          %slice3A_287 = vector.extract_strided_slice %get3A_137 {offsets = [10], sizes = [1], strides = [1]} : vector<16xi32> to vector<1xi32>
          %squeeze3A_288 = vector.extract %slice3A_287[0] : i32 from vector<1xi32>
          %sub3A_289 = arith.subi %squeeze3A_288, %multiple_of3A : i32
          %mul3A_290 = arith.constant 16 : i32
          %mul3A_291 = arith.muli %scan3A_132, %mul3A_290 : i32
          %add3A_292 = arith.constant 10 : i32
          %add3A_293 = arith.addi %mul3A_291, %add3A_292 : i32
          %ge3A_294 = arith.constant 0 : i32
          %ge3A_295 = arith.cmpi sge, %sub3A_289, %ge3A_294 : i32
          %lt3A_296 = arith.constant 3128 : i32
          %lt3A_297 = arith.cmpi slt, %sub3A_289, %lt3A_296 : i32
          %and3A_298 = arith.andi %ge3A_295, %lt3A_297 : i1
          %convert_element_type3A_299 = arith.extui %and3A_298 : i1 to i32
          %cond3A_300 = arith.constant 0 : i32
          %cond3A_301 = arith.cmpi ne, %convert_element_type3A_299, %cond3A_300 : i32
          scf.if %cond3A_301 {
            %mul3A_377 = arith.constant 32 : i32
            %mul3A_378 = arith.muli %sub3A_289, %mul3A_377 : i32
            %get3A_379 = arith.index_cast %mul3A_378 : i32 to index
            %get3A_380 = tpu.vector_load %arg13[%get3A_379] {strides = array<i32>} : memref<100096xf32, #tpu.memory_space<vmem>>, vector<16xf32>,
            %get3A_381 = vector.shape_cast %get3A_380 : vector<16xf32> to vector<16xf32>
            %get3A_382 = arith.index_cast %add3A_293 : i32 to index
            %get3A_383 = arith.constant 0 : index
            %get3A_384 = tpu.vector_load %arg12[%get3A_382, %get3A_383] {strides = array<i32>} : memref<112x32xf32, #tpu.memory_space<vmem>>, vector<1x16xf32>,
            %get3A_385 = vector.shape_cast %get3A_384 : vector<1x16xf32> to vector<16xf32>
            %max3A = arith.maximumf %get3A_381, %get3A_385 : vector<16xf32>
            %swap3A = arith.index_cast %mul3A_378 : i32 to index
            %swap3A_386 = tpu.vector_load %arg13[%swap3A] {strides = array<i32>} : memref<100096xf32, #tpu.memory_space<vmem>>, vector<16xf32>,
            %swap3A_387 = vector.shape_cast %swap3A_386 : vector<16xf32> to vector<16xf32>
            %swap3A_388 = vector.shape_cast %max3A : vector<16xf32> to vector<16xf32>
            tpu.vector_store %arg13[%swap3A], %swap3A_388 {strides = array<i32>} : memref<100096xf32, #tpu.memory_space<vmem>>, vector<16xf32>,
            %add3A_389 = arith.constant 16 : i32
            %add3A_390 = arith.addi %mul3A_378, %add3A_389 : i32
            %get3A_391 = arith.index_cast %add3A_390 : i32 to index
            %get3A_392 = tpu.vector_load %arg13[%get3A_391] {strides = array<i32>} : memref<100096xf32, #tpu.memory_space<vmem>>, vector<16xf32>,
            %get3A_393 = vector.shape_cast %get3A_392 : vector<16xf32> to vector<16xf32>
            %get3A_394 = arith.index_cast %add3A_293 : i32 to index
            %get3A_395 = arith.constant 16 : index
            %get3A_396 = tpu.vector_load %arg12[%get3A_394, %get3A_395] {strides = array<i32>} : memref<112x32xf32, #tpu.memory_space<vmem>>, vector<1x16xf32>,
            %get3A_397 = vector.shape_cast %get3A_396 : vector<1x16xf32> to vector<16xf32>
            %max3A_398 = arith.maximumf %get3A_393, %get3A_397 : vector<16xf32>
            %add3A_399 = arith.constant 16 : i32
            %add3A_400 = arith.addi %mul3A_378, %add3A_399 : i32
            %swap3A_401 = arith.index_cast %add3A_400 : i32 to index
            %swap3A_402 = tpu.vector_load %arg13[%swap3A_401] {strides = array<i32>} : memref<100096xf32, #tpu.memory_space<vmem>>, vector<16xf32>,
            %swap3A_403 = vector.shape_cast %swap3A_402 : vector<16xf32> to vector<16xf32>
            %swap3A_404 = vector.shape_cast %max3A_398 : vector<16xf32> to vector<16xf32>
            tpu.vector_store %arg13[%swap3A_401], %swap3A_404 {strides = array<i32>} : memref<100096xf32, #tpu.memory_space<vmem>>, vector<16xf32>,
          } else {
          }
          %slice3A_302 = vector.extract_strided_slice %get3A_137 {offsets = [11], sizes = [1], strides = [1]} : vector<16xi32> to vector<1xi32>
          %squeeze3A_303 = vector.extract %slice3A_302[0] : i32 from vector<1xi32>
          %sub3A_304 = arith.subi %squeeze3A_303, %multiple_of3A : i32
          %mul3A_305 = arith.constant 16 : i32
          %mul3A_306 = arith.muli %scan3A_132, %mul3A_305 : i32
          %add3A_307 = arith.constant 11 : i32
          %add3A_308 = arith.addi %mul3A_306, %add3A_307 : i32
          %ge3A_309 = arith.constant 0 : i32
          %ge3A_310 = arith.cmpi sge, %sub3A_304, %ge3A_309 : i32
          %lt3A_311 = arith.constant 3128 : i32
          %lt3A_312 = arith.cmpi slt, %sub3A_304, %lt3A_311 : i32
          %and3A_313 = arith.andi %ge3A_310, %lt3A_312 : i1
          %convert_element_type3A_314 = arith.extui %and3A_313 : i1 to i32
          %cond3A_315 = arith.constant 0 : i32
          %cond3A_316 = arith.cmpi ne, %convert_element_type3A_314, %cond3A_315 : i32
          scf.if %cond3A_316 {
            %mul3A_377 = arith.constant 32 : i32
            %mul3A_378 = arith.muli %sub3A_304, %mul3A_377 : i32
            %get3A_379 = arith.index_cast %mul3A_378 : i32 to index
            %get3A_380 = tpu.vector_load %arg13[%get3A_379] {strides = array<i32>} : memref<100096xf32, #tpu.memory_space<vmem>>, vector<16xf32>,
            %get3A_381 = vector.shape_cast %get3A_380 : vector<16xf32> to vector<16xf32>
            %get3A_382 = arith.index_cast %add3A_308 : i32 to index
            %get3A_383 = arith.constant 0 : index
            %get3A_384 = tpu.vector_load %arg12[%get3A_382, %get3A_383] {strides = array<i32>} : memref<112x32xf32, #tpu.memory_space<vmem>>, vector<1x16xf32>,
            %get3A_385 = vector.shape_cast %get3A_384 : vector<1x16xf32> to vector<16xf32>
            %max3A = arith.maximumf %get3A_381, %get3A_385 : vector<16xf32>
            %swap3A = arith.index_cast %mul3A_378 : i32 to index
            %swap3A_386 = tpu.vector_load %arg13[%swap3A] {strides = array<i32>} : memref<100096xf32, #tpu.memory_space<vmem>>, vector<16xf32>,
            %swap3A_387 = vector.shape_cast %swap3A_386 : vector<16xf32> to vector<16xf32>
            %swap3A_388 = vector.shape_cast %max3A : vector<16xf32> to vector<16xf32>
            tpu.vector_store %arg13[%swap3A], %swap3A_388 {strides = array<i32>} : memref<100096xf32, #tpu.memory_space<vmem>>, vector<16xf32>,
            %add3A_389 = arith.constant 16 : i32
            %add3A_390 = arith.addi %mul3A_378, %add3A_389 : i32
            %get3A_391 = arith.index_cast %add3A_390 : i32 to index
            %get3A_392 = tpu.vector_load %arg13[%get3A_391] {strides = array<i32>} : memref<100096xf32, #tpu.memory_space<vmem>>, vector<16xf32>,
            %get3A_393 = vector.shape_cast %get3A_392 : vector<16xf32> to vector<16xf32>
            %get3A_394 = arith.index_cast %add3A_308 : i32 to index
            %get3A_395 = arith.constant 16 : index
            %get3A_396 = tpu.vector_load %arg12[%get3A_394, %get3A_395] {strides = array<i32>} : memref<112x32xf32, #tpu.memory_space<vmem>>, vector<1x16xf32>,
            %get3A_397 = vector.shape_cast %get3A_396 : vector<1x16xf32> to vector<16xf32>
            %max3A_398 = arith.maximumf %get3A_393, %get3A_397 : vector<16xf32>
            %add3A_399 = arith.constant 16 : i32
            %add3A_400 = arith.addi %mul3A_378, %add3A_399 : i32
            %swap3A_401 = arith.index_cast %add3A_400 : i32 to index
            %swap3A_402 = tpu.vector_load %arg13[%swap3A_401] {strides = array<i32>} : memref<100096xf32, #tpu.memory_space<vmem>>, vector<16xf32>,
            %swap3A_403 = vector.shape_cast %swap3A_402 : vector<16xf32> to vector<16xf32>
            %swap3A_404 = vector.shape_cast %max3A_398 : vector<16xf32> to vector<16xf32>
            tpu.vector_store %arg13[%swap3A_401], %swap3A_404 {strides = array<i32>} : memref<100096xf32, #tpu.memory_space<vmem>>, vector<16xf32>,
          } else {
          }
          %slice3A_317 = vector.extract_strided_slice %get3A_137 {offsets = [12], sizes = [1], strides = [1]} : vector<16xi32> to vector<1xi32>
          %squeeze3A_318 = vector.extract %slice3A_317[0] : i32 from vector<1xi32>
          %sub3A_319 = arith.subi %squeeze3A_318, %multiple_of3A : i32
          %mul3A_320 = arith.constant 16 : i32
          %mul3A_321 = arith.muli %scan3A_132, %mul3A_320 : i32
          %add3A_322 = arith.constant 12 : i32
          %add3A_323 = arith.addi %mul3A_321, %add3A_322 : i32
          %ge3A_324 = arith.constant 0 : i32
          %ge3A_325 = arith.cmpi sge, %sub3A_319, %ge3A_324 : i32
          %lt3A_326 = arith.constant 3128 : i32
          %lt3A_327 = arith.cmpi slt, %sub3A_319, %lt3A_326 : i32
          %and3A_328 = arith.andi %ge3A_325, %lt3A_327 : i1
          %convert_element_type3A_329 = arith.extui %and3A_328 : i1 to i32
          %cond3A_330 = arith.constant 0 : i32
          %cond3A_331 = arith.cmpi ne, %convert_element_type3A_329, %cond3A_330 : i32
          scf.if %cond3A_331 {
            %mul3A_377 = arith.constant 32 : i32
            %mul3A_378 = arith.muli %sub3A_319, %mul3A_377 : i32
            %get3A_379 = arith.index_cast %mul3A_378 : i32 to index
            %get3A_380 = tpu.vector_load %arg13[%get3A_379] {strides = array<i32>} : memref<100096xf32, #tpu.memory_space<vmem>>, vector<16xf32>,
            %get3A_381 = vector.shape_cast %get3A_380 : vector<16xf32> to vector<16xf32>
            %get3A_382 = arith.index_cast %add3A_323 : i32 to index
            %get3A_383 = arith.constant 0 : index
            %get3A_384 = tpu.vector_load %arg12[%get3A_382, %get3A_383] {strides = array<i32>} : memref<112x32xf32, #tpu.memory_space<vmem>>, vector<1x16xf32>,
            %get3A_385 = vector.shape_cast %get3A_384 : vector<1x16xf32> to vector<16xf32>
            %max3A = arith.maximumf %get3A_381, %get3A_385 : vector<16xf32>
            %swap3A = arith.index_cast %mul3A_378 : i32 to index
            %swap3A_386 = tpu.vector_load %arg13[%swap3A] {strides = array<i32>} : memref<100096xf32, #tpu.memory_space<vmem>>, vector<16xf32>,
            %swap3A_387 = vector.shape_cast %swap3A_386 : vector<16xf32> to vector<16xf32>
            %swap3A_388 = vector.shape_cast %max3A : vector<16xf32> to vector<16xf32>
            tpu.vector_store %arg13[%swap3A], %swap3A_388 {strides = array<i32>} : memref<100096xf32, #tpu.memory_space<vmem>>, vector<16xf32>,
            %add3A_389 = arith.constant 16 : i32
            %add3A_390 = arith.addi %mul3A_378, %add3A_389 : i32
            %get3A_391 = arith.index_cast %add3A_390 : i32 to index
            %get3A_392 = tpu.vector_load %arg13[%get3A_391] {strides = array<i32>} : memref<100096xf32, #tpu.memory_space<vmem>>, vector<16xf32>,
            %get3A_393 = vector.shape_cast %get3A_392 : vector<16xf32> to vector<16xf32>
            %get3A_394 = arith.index_cast %add3A_323 : i32 to index
            %get3A_395 = arith.constant 16 : index
            %get3A_396 = tpu.vector_load %arg12[%get3A_394, %get3A_395] {strides = array<i32>} : memref<112x32xf32, #tpu.memory_space<vmem>>, vector<1x16xf32>,
            %get3A_397 = vector.shape_cast %get3A_396 : vector<1x16xf32> to vector<16xf32>
            %max3A_398 = arith.maximumf %get3A_393, %get3A_397 : vector<16xf32>
            %add3A_399 = arith.constant 16 : i32
            %add3A_400 = arith.addi %mul3A_378, %add3A_399 : i32
            %swap3A_401 = arith.index_cast %add3A_400 : i32 to index
            %swap3A_402 = tpu.vector_load %arg13[%swap3A_401] {strides = array<i32>} : memref<100096xf32, #tpu.memory_space<vmem>>, vector<16xf32>,
            %swap3A_403 = vector.shape_cast %swap3A_402 : vector<16xf32> to vector<16xf32>
            %swap3A_404 = vector.shape_cast %max3A_398 : vector<16xf32> to vector<16xf32>
            tpu.vector_store %arg13[%swap3A_401], %swap3A_404 {strides = array<i32>} : memref<100096xf32, #tpu.memory_space<vmem>>, vector<16xf32>,
          } else {
          }
          %slice3A_332 = vector.extract_strided_slice %get3A_137 {offsets = [13], sizes = [1], strides = [1]} : vector<16xi32> to vector<1xi32>
          %squeeze3A_333 = vector.extract %slice3A_332[0] : i32 from vector<1xi32>
          %sub3A_334 = arith.subi %squeeze3A_333, %multiple_of3A : i32
          %mul3A_335 = arith.constant 16 : i32
          %mul3A_336 = arith.muli %scan3A_132, %mul3A_335 : i32
          %add3A_337 = arith.constant 13 : i32
          %add3A_338 = arith.addi %mul3A_336, %add3A_337 : i32
          %ge3A_339 = arith.constant 0 : i32
          %ge3A_340 = arith.cmpi sge, %sub3A_334, %ge3A_339 : i32
          %lt3A_341 = arith.constant 3128 : i32
          %lt3A_342 = arith.cmpi slt, %sub3A_334, %lt3A_341 : i32
          %and3A_343 = arith.andi %ge3A_340, %lt3A_342 : i1
          %convert_element_type3A_344 = arith.extui %and3A_343 : i1 to i32
          %cond3A_345 = arith.constant 0 : i32
          %cond3A_346 = arith.cmpi ne, %convert_element_type3A_344, %cond3A_345 : i32
          scf.if %cond3A_346 {
            %mul3A_377 = arith.constant 32 : i32
            %mul3A_378 = arith.muli %sub3A_334, %mul3A_377 : i32
            %get3A_379 = arith.index_cast %mul3A_378 : i32 to index
            %get3A_380 = tpu.vector_load %arg13[%get3A_379] {strides = array<i32>} : memref<100096xf32, #tpu.memory_space<vmem>>, vector<16xf32>,
            %get3A_381 = vector.shape_cast %get3A_380 : vector<16xf32> to vector<16xf32>
            %get3A_382 = arith.index_cast %add3A_338 : i32 to index
            %get3A_383 = arith.constant 0 : index
            %get3A_384 = tpu.vector_load %arg12[%get3A_382, %get3A_383] {strides = array<i32>} : memref<112x32xf32, #tpu.memory_space<vmem>>, vector<1x16xf32>,
            %get3A_385 = vector.shape_cast %get3A_384 : vector<1x16xf32> to vector<16xf32>
            %max3A = arith.maximumf %get3A_381, %get3A_385 : vector<16xf32>
            %swap3A = arith.index_cast %mul3A_378 : i32 to index
            %swap3A_386 = tpu.vector_load %arg13[%swap3A] {strides = array<i32>} : memref<100096xf32, #tpu.memory_space<vmem>>, vector<16xf32>,
            %swap3A_387 = vector.shape_cast %swap3A_386 : vector<16xf32> to vector<16xf32>
            %swap3A_388 = vector.shape_cast %max3A : vector<16xf32> to vector<16xf32>
            tpu.vector_store %arg13[%swap3A], %swap3A_388 {strides = array<i32>} : memref<100096xf32, #tpu.memory_space<vmem>>, vector<16xf32>,
            %add3A_389 = arith.constant 16 : i32
            %add3A_390 = arith.addi %mul3A_378, %add3A_389 : i32
            %get3A_391 = arith.index_cast %add3A_390 : i32 to index
            %get3A_392 = tpu.vector_load %arg13[%get3A_391] {strides = array<i32>} : memref<100096xf32, #tpu.memory_space<vmem>>, vector<16xf32>,
            %get3A_393 = vector.shape_cast %get3A_392 : vector<16xf32> to vector<16xf32>
            %get3A_394 = arith.index_cast %add3A_338 : i32 to index
            %get3A_395 = arith.constant 16 : index
            %get3A_396 = tpu.vector_load %arg12[%get3A_394, %get3A_395] {strides = array<i32>} : memref<112x32xf32, #tpu.memory_space<vmem>>, vector<1x16xf32>,
            %get3A_397 = vector.shape_cast %get3A_396 : vector<1x16xf32> to vector<16xf32>
            %max3A_398 = arith.maximumf %get3A_393, %get3A_397 : vector<16xf32>
            %add3A_399 = arith.constant 16 : i32
            %add3A_400 = arith.addi %mul3A_378, %add3A_399 : i32
            %swap3A_401 = arith.index_cast %add3A_400 : i32 to index
            %swap3A_402 = tpu.vector_load %arg13[%swap3A_401] {strides = array<i32>} : memref<100096xf32, #tpu.memory_space<vmem>>, vector<16xf32>,
            %swap3A_403 = vector.shape_cast %swap3A_402 : vector<16xf32> to vector<16xf32>
            %swap3A_404 = vector.shape_cast %max3A_398 : vector<16xf32> to vector<16xf32>
            tpu.vector_store %arg13[%swap3A_401], %swap3A_404 {strides = array<i32>} : memref<100096xf32, #tpu.memory_space<vmem>>, vector<16xf32>,
          } else {
          }
          %slice3A_347 = vector.extract_strided_slice %get3A_137 {offsets = [14], sizes = [1], strides = [1]} : vector<16xi32> to vector<1xi32>
          %squeeze3A_348 = vector.extract %slice3A_347[0] : i32 from vector<1xi32>
          %sub3A_349 = arith.subi %squeeze3A_348, %multiple_of3A : i32
          %mul3A_350 = arith.constant 16 : i32
          %mul3A_351 = arith.muli %scan3A_132, %mul3A_350 : i32
          %add3A_352 = arith.constant 14 : i32
          %add3A_353 = arith.addi %mul3A_351, %add3A_352 : i32
          %ge3A_354 = arith.constant 0 : i32
          %ge3A_355 = arith.cmpi sge, %sub3A_349, %ge3A_354 : i32
          %lt3A_356 = arith.constant 3128 : i32
          %lt3A_357 = arith.cmpi slt, %sub3A_349, %lt3A_356 : i32
          %and3A_358 = arith.andi %ge3A_355, %lt3A_357 : i1
          %convert_element_type3A_359 = arith.extui %and3A_358 : i1 to i32
          %cond3A_360 = arith.constant 0 : i32
          %cond3A_361 = arith.cmpi ne, %convert_element_type3A_359, %cond3A_360 : i32
          scf.if %cond3A_361 {
            %mul3A_377 = arith.constant 32 : i32
            %mul3A_378 = arith.muli %sub3A_349, %mul3A_377 : i32
            %get3A_379 = arith.index_cast %mul3A_378 : i32 to index
            %get3A_380 = tpu.vector_load %arg13[%get3A_379] {strides = array<i32>} : memref<100096xf32, #tpu.memory_space<vmem>>, vector<16xf32>,
            %get3A_381 = vector.shape_cast %get3A_380 : vector<16xf32> to vector<16xf32>
            %get3A_382 = arith.index_cast %add3A_353 : i32 to index
            %get3A_383 = arith.constant 0 : index
            %get3A_384 = tpu.vector_load %arg12[%get3A_382, %get3A_383] {strides = array<i32>} : memref<112x32xf32, #tpu.memory_space<vmem>>, vector<1x16xf32>,
            %get3A_385 = vector.shape_cast %get3A_384 : vector<1x16xf32> to vector<16xf32>
            %max3A = arith.maximumf %get3A_381, %get3A_385 : vector<16xf32>
            %swap3A = arith.index_cast %mul3A_378 : i32 to index
            %swap3A_386 = tpu.vector_load %arg13[%swap3A] {strides = array<i32>} : memref<100096xf32, #tpu.memory_space<vmem>>, vector<16xf32>,
            %swap3A_387 = vector.shape_cast %swap3A_386 : vector<16xf32> to vector<16xf32>
            %swap3A_388 = vector.shape_cast %max3A : vector<16xf32> to vector<16xf32>
            tpu.vector_store %arg13[%swap3A], %swap3A_388 {strides = array<i32>} : memref<100096xf32, #tpu.memory_space<vmem>>, vector<16xf32>,
            %add3A_389 = arith.constant 16 : i32
            %add3A_390 = arith.addi %mul3A_378, %add3A_389 : i32
            %get3A_391 = arith.index_cast %add3A_390 : i32 to index
            %get3A_392 = tpu.vector_load %arg13[%get3A_391] {strides = array<i32>} : memref<100096xf32, #tpu.memory_space<vmem>>, vector<16xf32>,
            %get3A_393 = vector.shape_cast %get3A_392 : vector<16xf32> to vector<16xf32>
            %get3A_394 = arith.index_cast %add3A_353 : i32 to index
            %get3A_395 = arith.constant 16 : index
            %get3A_396 = tpu.vector_load %arg12[%get3A_394, %get3A_395] {strides = array<i32>} : memref<112x32xf32, #tpu.memory_space<vmem>>, vector<1x16xf32>,
            %get3A_397 = vector.shape_cast %get3A_396 : vector<1x16xf32> to vector<16xf32>
            %max3A_398 = arith.maximumf %get3A_393, %get3A_397 : vector<16xf32>
            %add3A_399 = arith.constant 16 : i32
            %add3A_400 = arith.addi %mul3A_378, %add3A_399 : i32
            %swap3A_401 = arith.index_cast %add3A_400 : i32 to index
            %swap3A_402 = tpu.vector_load %arg13[%swap3A_401] {strides = array<i32>} : memref<100096xf32, #tpu.memory_space<vmem>>, vector<16xf32>,
            %swap3A_403 = vector.shape_cast %swap3A_402 : vector<16xf32> to vector<16xf32>
            %swap3A_404 = vector.shape_cast %max3A_398 : vector<16xf32> to vector<16xf32>
            tpu.vector_store %arg13[%swap3A_401], %swap3A_404 {strides = array<i32>} : memref<100096xf32, #tpu.memory_space<vmem>>, vector<16xf32>,
          } else {
          }
          %slice3A_362 = vector.extract_strided_slice %get3A_137 {offsets = [15], sizes = [1], strides = [1]} : vector<16xi32> to vector<1xi32>
          %squeeze3A_363 = vector.extract %slice3A_362[0] : i32 from vector<1xi32>
          %sub3A_364 = arith.subi %squeeze3A_363, %multiple_of3A : i32
          %mul3A_365 = arith.constant 16 : i32
          %mul3A_366 = arith.muli %scan3A_132, %mul3A_365 : i32
          %add3A_367 = arith.constant 15 : i32
          %add3A_368 = arith.addi %mul3A_366, %add3A_367 : i32
          %ge3A_369 = arith.constant 0 : i32
          %ge3A_370 = arith.cmpi sge, %sub3A_364, %ge3A_369 : i32
          %lt3A_371 = arith.constant 3128 : i32
          %lt3A_372 = arith.cmpi slt, %sub3A_364, %lt3A_371 : i32
          %and3A_373 = arith.andi %ge3A_370, %lt3A_372 : i1
          %convert_element_type3A_374 = arith.extui %and3A_373 : i1 to i32
          %cond3A_375 = arith.constant 0 : i32
          %cond3A_376 = arith.cmpi ne, %convert_element_type3A_374, %cond3A_375 : i32
          scf.if %cond3A_376 {
            %mul3A_377 = arith.constant 32 : i32
            %mul3A_378 = arith.muli %sub3A_364, %mul3A_377 : i32
            %get3A_379 = arith.index_cast %mul3A_378 : i32 to index
            %get3A_380 = tpu.vector_load %arg13[%get3A_379] {strides = array<i32>} : memref<100096xf32, #tpu.memory_space<vmem>>, vector<16xf32>,
            %get3A_381 = vector.shape_cast %get3A_380 : vector<16xf32> to vector<16xf32>
            %get3A_382 = arith.index_cast %add3A_368 : i32 to index
            %get3A_383 = arith.constant 0 : index
            %get3A_384 = tpu.vector_load %arg12[%get3A_382, %get3A_383] {strides = array<i32>} : memref<112x32xf32, #tpu.memory_space<vmem>>, vector<1x16xf32>,
            %get3A_385 = vector.shape_cast %get3A_384 : vector<1x16xf32> to vector<16xf32>
            %max3A = arith.maximumf %get3A_381, %get3A_385 : vector<16xf32>
            %swap3A = arith.index_cast %mul3A_378 : i32 to index
            %swap3A_386 = tpu.vector_load %arg13[%swap3A] {strides = array<i32>} : memref<100096xf32, #tpu.memory_space<vmem>>, vector<16xf32>,
            %swap3A_387 = vector.shape_cast %swap3A_386 : vector<16xf32> to vector<16xf32>
            %swap3A_388 = vector.shape_cast %max3A : vector<16xf32> to vector<16xf32>
            tpu.vector_store %arg13[%swap3A], %swap3A_388 {strides = array<i32>} : memref<100096xf32, #tpu.memory_space<vmem>>, vector<16xf32>,
            %add3A_389 = arith.constant 16 : i32
            %add3A_390 = arith.addi %mul3A_378, %add3A_389 : i32
            %get3A_391 = arith.index_cast %add3A_390 : i32 to index
            %get3A_392 = tpu.vector_load %arg13[%get3A_391] {strides = array<i32>} : memref<100096xf32, #tpu.memory_space<vmem>>, vector<16xf32>,
            %get3A_393 = vector.shape_cast %get3A_392 : vector<16xf32> to vector<16xf32>
            %get3A_394 = arith.index_cast %add3A_368 : i32 to index
            %get3A_395 = arith.constant 16 : index
            %get3A_396 = tpu.vector_load %arg12[%get3A_394, %get3A_395] {strides = array<i32>} : memref<112x32xf32, #tpu.memory_space<vmem>>, vector<1x16xf32>,
            %get3A_397 = vector.shape_cast %get3A_396 : vector<1x16xf32> to vector<16xf32>
            %max3A_398 = arith.maximumf %get3A_393, %get3A_397 : vector<16xf32>
            %add3A_399 = arith.constant 16 : i32
            %add3A_400 = arith.addi %mul3A_378, %add3A_399 : i32
            %swap3A_401 = arith.index_cast %add3A_400 : i32 to index
            %swap3A_402 = tpu.vector_load %arg13[%swap3A_401] {strides = array<i32>} : memref<100096xf32, #tpu.memory_space<vmem>>, vector<16xf32>,
            %swap3A_403 = vector.shape_cast %swap3A_402 : vector<16xf32> to vector<16xf32>
            %swap3A_404 = vector.shape_cast %max3A_398 : vector<16xf32> to vector<16xf32>
            tpu.vector_store %arg13[%swap3A_401], %swap3A_404 {strides = array<i32>} : memref<100096xf32, #tpu.memory_space<vmem>>, vector<16xf32>,
          } else {
          }
        }
        %scan3A_125 = arith.constant 7 : i32
        %add3A_126 = arith.constant 2 : i32
        %add3A_127 = arith.addi %add3A_103, %add3A_126 : i32
        %lt3A_128 = arith.cmpi slt, %add3A_127, %select_n3A : i32
        %convert_element_type3A_129 = arith.extui %lt3A_128 : i1 to i32
        %cond3A_130 = arith.constant 0 : i32
        %cond3A_131 = arith.cmpi ne, %convert_element_type3A_129, %cond3A_130 : i32
        scf.if %cond3A_131 {
          %add3A_132 = arith.constant 2 : i32
          %add3A_133 = arith.addi %add3A_103, %add3A_132 : i32
          %mul3A_134 = arith.constant 112 : i32
          %mul3A_135 = arith.muli %add3A_133, %mul3A_134 : i32
          %add3A_136 = arith.addi %and3A_7, %mul3A_135 : i32
          %multiple_of3A_137 = tpu.assume_multiple %add3A_136, 8 : i32
          %dma_start3A = tpu.memref_slice %arg3[%multiple_of3A_137] : memref<1600112xi32, #tpu.memory_space<hbm>> -> memref<112xi32, #tpu.memory_space<hbm>>
          %dma_start3A_138 = tpu.memref_slice %arg3[%multiple_of3A_137] : memref<1600112xi32, #tpu.memory_space<hbm>> -> memref<112xi32, #tpu.memory_space<hbm>>
          tpu.enqueue_dma source(%dma_start3A_138 : memref<112xi32, #tpu.memory_space<hbm>>) target(%arg10 : memref<112xi32, #tpu.memory_space<vmem>>) target_semaphore(%arg15 : memref<!tpu.dma_semaphore, #tpu.memory_space<semaphore_mem>>)
          %dma_start3A_139 = arith.constant 0 : i32
          %dma_start3A_140 = tpu.memref_slice %arg2[%multiple_of3A_137, %dma_start3A_139] : memref<1600112x32xf32, #tpu.memory_space<hbm>> -> memref<112x32xf32, #tpu.memory_space<hbm>>
          %dma_start3A_141 = arith.constant 0 : i32
          %dma_start3A_142 = tpu.memref_slice %arg2[%multiple_of3A_137, %dma_start3A_141] : memref<1600112x32xf32, #tpu.memory_space<hbm>> -> memref<112x32xf32, #tpu.memory_space<hbm>>
          tpu.enqueue_dma source(%dma_start3A_142 : memref<112x32xf32, #tpu.memory_space<hbm>>) target(%arg12 : memref<112x32xf32, #tpu.memory_space<vmem>>) target_semaphore(%arg15 : memref<!tpu.dma_semaphore, #tpu.memory_space<semaphore_mem>>)
        } else {
        }
      } else {
      }
    }
    %while3A_75 = arith.constant 1 : i32
    scf.for %while3A_99 = %while3A_73 to %while3A_69 step %while3A_75  : i32 {
      %mul3A_100 = arith.constant 2 : i32
      %mul3A_101 = arith.muli %mul3A_100, %while3A_99 : i32
      %add3A_102 = arith.constant 1 : i32
      %add3A_103 = arith.addi %mul3A_101, %add3A_102 : i32
      %lt3A = arith.cmpi slt, %mul3A_101, %select_n3A : i32
      %convert_element_type3A_104 = arith.extui %lt3A : i1 to i32
      %cond3A_105 = arith.constant 0 : i32
      %cond3A_106 = arith.cmpi ne, %convert_element_type3A_104, %cond3A_105 : i32
      scf.if %cond3A_106 {
        %dma_wait3A = arith.constant 0 : i32
        %dma_wait3A_111 = tpu.memref_slice %arg3[%dma_wait3A] : memref<1600112xi32, #tpu.memory_space<hbm>> -> memref<112xi32, #tpu.memory_space<hbm>>
        %dma_wait3A_112 = arith.constant 0 : i32
        %dma_wait3A_113 = tpu.memref_slice %arg3[%dma_wait3A_112] : memref<1600112xi32, #tpu.memory_space<hbm>> -> memref<112xi32, #tpu.memory_space<hbm>>
        tpu.wait_dma2 semaphore(%arg14 : memref<!tpu.dma_semaphore, #tpu.memory_space<semaphore_mem>>) src(%dma_wait3A_113 : memref<112xi32, #tpu.memory_space<hbm>>) dst(%arg9 : memref<112xi32, #tpu.memory_space<vmem>>)
        %dma_wait3A_114 = arith.constant 0 : i32
        %dma_wait3A_115 = arith.constant 0 : i32
        %dma_wait3A_116 = tpu.memref_slice %arg2[%dma_wait3A_114, %dma_wait3A_115] : memref<1600112x32xf32, #tpu.memory_space<hbm>> -> memref<112x32xf32, #tpu.memory_space<hbm>>
        %dma_wait3A_117 = arith.constant 0 : i32
        %dma_wait3A_118 = arith.constant 0 : i32
        %dma_wait3A_119 = tpu.memref_slice %arg2[%dma_wait3A_117, %dma_wait3A_118] : memref<1600112x32xf32, #tpu.memory_space<hbm>> -> memref<112x32xf32, #tpu.memory_space<hbm>>
        tpu.wait_dma2 semaphore(%arg14 : memref<!tpu.dma_semaphore, #tpu.memory_space<semaphore_mem>>) src(%dma_wait3A_119 : memref<112x32xf32, #tpu.memory_space<hbm>>) dst(%arg11 : memref<112x32xf32, #tpu.memory_space<vmem>>)
        %scan3A_120 = arith.constant 0 : i32
        %scan3A_121 = arith.constant 0 : i32
        %scan3A_122 = arith.constant 7 : i32
        %scan3A_123 = arith.addi %scan3A_121, %scan3A_122 : i32
        %scan3A_124 = arith.constant 1 : i32
        scf.for %scan3A_132 = %scan3A_121 to %scan3A_123 step %scan3A_124  : i32 {
          %mul3A_133 = arith.constant 16 : i32
          %mul3A_134 = arith.muli %scan3A_132, %mul3A_133 : i32
          %get3A_135 = arith.index_cast %mul3A_134 : i32 to index
          %get3A_136 = tpu.vector_load %arg9[%get3A_135] {strides = array<i32>} : memref<112xi32, #tpu.memory_space<vmem>>, vector<16xi32>,
          %get3A_137 = vector.shape_cast %get3A_136 : vector<16xi32> to vector<16xi32>
          %slice3A_138 = vector.extract_strided_slice %get3A_137 {offsets = [0], sizes = [1], strides = [1]} : vector<16xi32> to vector<1xi32>
          %squeeze3A_139 = vector.extract %slice3A_138[0] : i32 from vector<1xi32>
          %sub3A_140 = arith.subi %squeeze3A_139, %multiple_of3A : i32
          %mul3A_141 = arith.constant 16 : i32
          %mul3A_142 = arith.muli %scan3A_132, %mul3A_141 : i32
          %add3A_143 = arith.constant 0 : i32
          %add3A_144 = arith.addi %mul3A_142, %add3A_143 : i32
          %ge3A = arith.constant 0 : i32
          %ge3A_145 = arith.cmpi sge, %sub3A_140, %ge3A : i32
          %lt3A_146 = arith.constant 3128 : i32
          %lt3A_147 = arith.cmpi slt, %sub3A_140, %lt3A_146 : i32
          %and3A_148 = arith.andi %ge3A_145, %lt3A_147 : i1
          %convert_element_type3A_149 = arith.extui %and3A_148 : i1 to i32
          %cond3A_150 = arith.constant 0 : i32
          %cond3A_151 = arith.cmpi ne, %convert_element_type3A_149, %cond3A_150 : i32
          scf.if %cond3A_151 {
            %mul3A_377 = arith.constant 32 : i32
            %mul3A_378 = arith.muli %sub3A_140, %mul3A_377 : i32
            %get3A_379 = arith.index_cast %mul3A_378 : i32 to index
            %get3A_380 = tpu.vector_load %arg13[%get3A_379] {strides = array<i32>} : memref<100096xf32, #tpu.memory_space<vmem>>, vector<16xf32>,
            %get3A_381 = vector.shape_cast %get3A_380 : vector<16xf32> to vector<16xf32>
            %get3A_382 = arith.index_cast %add3A_144 : i32 to index
            %get3A_383 = arith.constant 0 : index
            %get3A_384 = tpu.vector_load %arg11[%get3A_382, %get3A_383] {strides = array<i32>} : memref<112x32xf32, #tpu.memory_space<vmem>>, vector<1x16xf32>,
            %get3A_385 = vector.shape_cast %get3A_384 : vector<1x16xf32> to vector<16xf32>
            %max3A = arith.maximumf %get3A_381, %get3A_385 : vector<16xf32>
            %swap3A = arith.index_cast %mul3A_378 : i32 to index
            %swap3A_386 = tpu.vector_load %arg13[%swap3A] {strides = array<i32>} : memref<100096xf32, #tpu.memory_space<vmem>>, vector<16xf32>,
            %swap3A_387 = vector.shape_cast %swap3A_386 : vector<16xf32> to vector<16xf32>
            %swap3A_388 = vector.shape_cast %max3A : vector<16xf32> to vector<16xf32>
            tpu.vector_store %arg13[%swap3A], %swap3A_388 {strides = array<i32>} : memref<100096xf32, #tpu.memory_space<vmem>>, vector<16xf32>,
            %add3A_389 = arith.constant 16 : i32
            %add3A_390 = arith.addi %mul3A_378, %add3A_389 : i32
            %get3A_391 = arith.index_cast %add3A_390 : i32 to index
            %get3A_392 = tpu.vector_load %arg13[%get3A_391] {strides = array<i32>} : memref<100096xf32, #tpu.memory_space<vmem>>, vector<16xf32>,
            %get3A_393 = vector.shape_cast %get3A_392 : vector<16xf32> to vector<16xf32>
            %get3A_394 = arith.index_cast %add3A_144 : i32 to index
            %get3A_395 = arith.constant 16 : index
            %get3A_396 = tpu.vector_load %arg11[%get3A_394, %get3A_395] {strides = array<i32>} : memref<112x32xf32, #tpu.memory_space<vmem>>, vector<1x16xf32>,
            %get3A_397 = vector.shape_cast %get3A_396 : vector<1x16xf32> to vector<16xf32>
            %max3A_398 = arith.maximumf %get3A_393, %get3A_397 : vector<16xf32>
            %add3A_399 = arith.constant 16 : i32
            %add3A_400 = arith.addi %mul3A_378, %add3A_399 : i32
            %swap3A_401 = arith.index_cast %add3A_400 : i32 to index
            %swap3A_402 = tpu.vector_load %arg13[%swap3A_401] {strides = array<i32>} : memref<100096xf32, #tpu.memory_space<vmem>>, vector<16xf32>,
            %swap3A_403 = vector.shape_cast %swap3A_402 : vector<16xf32> to vector<16xf32>
            %swap3A_404 = vector.shape_cast %max3A_398 : vector<16xf32> to vector<16xf32>
            tpu.vector_store %arg13[%swap3A_401], %swap3A_404 {strides = array<i32>} : memref<100096xf32, #tpu.memory_space<vmem>>, vector<16xf32>,
          } else {
          }
          %slice3A_152 = vector.extract_strided_slice %get3A_137 {offsets = [1], sizes = [1], strides = [1]} : vector<16xi32> to vector<1xi32>
          %squeeze3A_153 = vector.extract %slice3A_152[0] : i32 from vector<1xi32>
          %sub3A_154 = arith.subi %squeeze3A_153, %multiple_of3A : i32
          %mul3A_155 = arith.constant 16 : i32
          %mul3A_156 = arith.muli %scan3A_132, %mul3A_155 : i32
          %add3A_157 = arith.constant 1 : i32
          %add3A_158 = arith.addi %mul3A_156, %add3A_157 : i32
          %ge3A_159 = arith.constant 0 : i32
          %ge3A_160 = arith.cmpi sge, %sub3A_154, %ge3A_159 : i32
          %lt3A_161 = arith.constant 3128 : i32
          %lt3A_162 = arith.cmpi slt, %sub3A_154, %lt3A_161 : i32
          %and3A_163 = arith.andi %ge3A_160, %lt3A_162 : i1
          %convert_element_type3A_164 = arith.extui %and3A_163 : i1 to i32
          %cond3A_165 = arith.constant 0 : i32
          %cond3A_166 = arith.cmpi ne, %convert_element_type3A_164, %cond3A_165 : i32
          scf.if %cond3A_166 {
            %mul3A_377 = arith.constant 32 : i32
            %mul3A_378 = arith.muli %sub3A_154, %mul3A_377 : i32
            %get3A_379 = arith.index_cast %mul3A_378 : i32 to index
            %get3A_380 = tpu.vector_load %arg13[%get3A_379] {strides = array<i32>} : memref<100096xf32, #tpu.memory_space<vmem>>, vector<16xf32>,
            %get3A_381 = vector.shape_cast %get3A_380 : vector<16xf32> to vector<16xf32>
            %get3A_382 = arith.index_cast %add3A_158 : i32 to index
            %get3A_383 = arith.constant 0 : index
            %get3A_384 = tpu.vector_load %arg11[%get3A_382, %get3A_383] {strides = array<i32>} : memref<112x32xf32, #tpu.memory_space<vmem>>, vector<1x16xf32>,
            %get3A_385 = vector.shape_cast %get3A_384 : vector<1x16xf32> to vector<16xf32>
            %max3A = arith.maximumf %get3A_381, %get3A_385 : vector<16xf32>
            %swap3A = arith.index_cast %mul3A_378 : i32 to index
            %swap3A_386 = tpu.vector_load %arg13[%swap3A] {strides = array<i32>} : memref<100096xf32, #tpu.memory_space<vmem>>, vector<16xf32>,
            %swap3A_387 = vector.shape_cast %swap3A_386 : vector<16xf32> to vector<16xf32>
            %swap3A_388 = vector.shape_cast %max3A : vector<16xf32> to vector<16xf32>
            tpu.vector_store %arg13[%swap3A], %swap3A_388 {strides = array<i32>} : memref<100096xf32, #tpu.memory_space<vmem>>, vector<16xf32>,
            %add3A_389 = arith.constant 16 : i32
            %add3A_390 = arith.addi %mul3A_378, %add3A_389 : i32
            %get3A_391 = arith.index_cast %add3A_390 : i32 to index
            %get3A_392 = tpu.vector_load %arg13[%get3A_391] {strides = array<i32>} : memref<100096xf32, #tpu.memory_space<vmem>>, vector<16xf32>,
            %get3A_393 = vector.shape_cast %get3A_392 : vector<16xf32> to vector<16xf32>
            %get3A_394 = arith.index_cast %add3A_158 : i32 to index
            %get3A_395 = arith.constant 16 : index
            %get3A_396 = tpu.vector_load %arg11[%get3A_394, %get3A_395] {strides = array<i32>} : memref<112x32xf32, #tpu.memory_space<vmem>>, vector<1x16xf32>,
            %get3A_397 = vector.shape_cast %get3A_396 : vector<1x16xf32> to vector<16xf32>
            %max3A_398 = arith.maximumf %get3A_393, %get3A_397 : vector<16xf32>
            %add3A_399 = arith.constant 16 : i32
            %add3A_400 = arith.addi %mul3A_378, %add3A_399 : i32
            %swap3A_401 = arith.index_cast %add3A_400 : i32 to index
            %swap3A_402 = tpu.vector_load %arg13[%swap3A_401] {strides = array<i32>} : memref<100096xf32, #tpu.memory_space<vmem>>, vector<16xf32>,
            %swap3A_403 = vector.shape_cast %swap3A_402 : vector<16xf32> to vector<16xf32>
            %swap3A_404 = vector.shape_cast %max3A_398 : vector<16xf32> to vector<16xf32>
            tpu.vector_store %arg13[%swap3A_401], %swap3A_404 {strides = array<i32>} : memref<100096xf32, #tpu.memory_space<vmem>>, vector<16xf32>,
          } else {
          }
          %slice3A_167 = vector.extract_strided_slice %get3A_137 {offsets = [2], sizes = [1], strides = [1]} : vector<16xi32> to vector<1xi32>
          %squeeze3A_168 = vector.extract %slice3A_167[0] : i32 from vector<1xi32>
          %sub3A_169 = arith.subi %squeeze3A_168, %multiple_of3A : i32
          %mul3A_170 = arith.constant 16 : i32
          %mul3A_171 = arith.muli %scan3A_132, %mul3A_170 : i32
          %add3A_172 = arith.constant 2 : i32
          %add3A_173 = arith.addi %mul3A_171, %add3A_172 : i32
          %ge3A_174 = arith.constant 0 : i32
          %ge3A_175 = arith.cmpi sge, %sub3A_169, %ge3A_174 : i32
          %lt3A_176 = arith.constant 3128 : i32
          %lt3A_177 = arith.cmpi slt, %sub3A_169, %lt3A_176 : i32
          %and3A_178 = arith.andi %ge3A_175, %lt3A_177 : i1
          %convert_element_type3A_179 = arith.extui %and3A_178 : i1 to i32
          %cond3A_180 = arith.constant 0 : i32
          %cond3A_181 = arith.cmpi ne, %convert_element_type3A_179, %cond3A_180 : i32
          scf.if %cond3A_181 {
            %mul3A_377 = arith.constant 32 : i32
            %mul3A_378 = arith.muli %sub3A_169, %mul3A_377 : i32
            %get3A_379 = arith.index_cast %mul3A_378 : i32 to index
            %get3A_380 = tpu.vector_load %arg13[%get3A_379] {strides = array<i32>} : memref<100096xf32, #tpu.memory_space<vmem>>, vector<16xf32>,
            %get3A_381 = vector.shape_cast %get3A_380 : vector<16xf32> to vector<16xf32>
            %get3A_382 = arith.index_cast %add3A_173 : i32 to index
            %get3A_383 = arith.constant 0 : index
            %get3A_384 = tpu.vector_load %arg11[%get3A_382, %get3A_383] {strides = array<i32>} : memref<112x32xf32, #tpu.memory_space<vmem>>, vector<1x16xf32>,
            %get3A_385 = vector.shape_cast %get3A_384 : vector<1x16xf32> to vector<16xf32>
            %max3A = arith.maximumf %get3A_381, %get3A_385 : vector<16xf32>
            %swap3A = arith.index_cast %mul3A_378 : i32 to index
            %swap3A_386 = tpu.vector_load %arg13[%swap3A] {strides = array<i32>} : memref<100096xf32, #tpu.memory_space<vmem>>, vector<16xf32>,
            %swap3A_387 = vector.shape_cast %swap3A_386 : vector<16xf32> to vector<16xf32>
            %swap3A_388 = vector.shape_cast %max3A : vector<16xf32> to vector<16xf32>
            tpu.vector_store %arg13[%swap3A], %swap3A_388 {strides = array<i32>} : memref<100096xf32, #tpu.memory_space<vmem>>, vector<16xf32>,
            %add3A_389 = arith.constant 16 : i32
            %add3A_390 = arith.addi %mul3A_378, %add3A_389 : i32
            %get3A_391 = arith.index_cast %add3A_390 : i32 to index
            %get3A_392 = tpu.vector_load %arg13[%get3A_391] {strides = array<i32>} : memref<100096xf32, #tpu.memory_space<vmem>>, vector<16xf32>,
            %get3A_393 = vector.shape_cast %get3A_392 : vector<16xf32> to vector<16xf32>
            %get3A_394 = arith.index_cast %add3A_173 : i32 to index
            %get3A_395 = arith.constant 16 : index
            %get3A_396 = tpu.vector_load %arg11[%get3A_394, %get3A_395] {strides = array<i32>} : memref<112x32xf32, #tpu.memory_space<vmem>>, vector<1x16xf32>,
            %get3A_397 = vector.shape_cast %get3A_396 : vector<1x16xf32> to vector<16xf32>
            %max3A_398 = arith.maximumf %get3A_393, %get3A_397 : vector<16xf32>
            %add3A_399 = arith.constant 16 : i32
            %add3A_400 = arith.addi %mul3A_378, %add3A_399 : i32
            %swap3A_401 = arith.index_cast %add3A_400 : i32 to index
            %swap3A_402 = tpu.vector_load %arg13[%swap3A_401] {strides = array<i32>} : memref<100096xf32, #tpu.memory_space<vmem>>, vector<16xf32>,
            %swap3A_403 = vector.shape_cast %swap3A_402 : vector<16xf32> to vector<16xf32>
            %swap3A_404 = vector.shape_cast %max3A_398 : vector<16xf32> to vector<16xf32>
            tpu.vector_store %arg13[%swap3A_401], %swap3A_404 {strides = array<i32>} : memref<100096xf32, #tpu.memory_space<vmem>>, vector<16xf32>,
          } else {
          }
          %slice3A_182 = vector.extract_strided_slice %get3A_137 {offsets = [3], sizes = [1], strides = [1]} : vector<16xi32> to vector<1xi32>
          %squeeze3A_183 = vector.extract %slice3A_182[0] : i32 from vector<1xi32>
          %sub3A_184 = arith.subi %squeeze3A_183, %multiple_of3A : i32
          %mul3A_185 = arith.constant 16 : i32
          %mul3A_186 = arith.muli %scan3A_132, %mul3A_185 : i32
          %add3A_187 = arith.constant 3 : i32
          %add3A_188 = arith.addi %mul3A_186, %add3A_187 : i32
          %ge3A_189 = arith.constant 0 : i32
          %ge3A_190 = arith.cmpi sge, %sub3A_184, %ge3A_189 : i32
          %lt3A_191 = arith.constant 3128 : i32
          %lt3A_192 = arith.cmpi slt, %sub3A_184, %lt3A_191 : i32
          %and3A_193 = arith.andi %ge3A_190, %lt3A_192 : i1
          %convert_element_type3A_194 = arith.extui %and3A_193 : i1 to i32
          %cond3A_195 = arith.constant 0 : i32
          %cond3A_196 = arith.cmpi ne, %convert_element_type3A_194, %cond3A_195 : i32
          scf.if %cond3A_196 {
            %mul3A_377 = arith.constant 32 : i32
            %mul3A_378 = arith.muli %sub3A_184, %mul3A_377 : i32
            %get3A_379 = arith.index_cast %mul3A_378 : i32 to index
            %get3A_380 = tpu.vector_load %arg13[%get3A_379] {strides = array<i32>} : memref<100096xf32, #tpu.memory_space<vmem>>, vector<16xf32>,
            %get3A_381 = vector.shape_cast %get3A_380 : vector<16xf32> to vector<16xf32>
            %get3A_382 = arith.index_cast %add3A_188 : i32 to index
            %get3A_383 = arith.constant 0 : index
            %get3A_384 = tpu.vector_load %arg11[%get3A_382, %get3A_383] {strides = array<i32>} : memref<112x32xf32, #tpu.memory_space<vmem>>, vector<1x16xf32>,
            %get3A_385 = vector.shape_cast %get3A_384 : vector<1x16xf32> to vector<16xf32>
            %max3A = arith.maximumf %get3A_381, %get3A_385 : vector<16xf32>
            %swap3A = arith.index_cast %mul3A_378 : i32 to index
            %swap3A_386 = tpu.vector_load %arg13[%swap3A] {strides = array<i32>} : memref<100096xf32, #tpu.memory_space<vmem>>, vector<16xf32>,
            %swap3A_387 = vector.shape_cast %swap3A_386 : vector<16xf32> to vector<16xf32>
            %swap3A_388 = vector.shape_cast %max3A : vector<16xf32> to vector<16xf32>
            tpu.vector_store %arg13[%swap3A], %swap3A_388 {strides = array<i32>} : memref<100096xf32, #tpu.memory_space<vmem>>, vector<16xf32>,
            %add3A_389 = arith.constant 16 : i32
            %add3A_390 = arith.addi %mul3A_378, %add3A_389 : i32
            %get3A_391 = arith.index_cast %add3A_390 : i32 to index
            %get3A_392 = tpu.vector_load %arg13[%get3A_391] {strides = array<i32>} : memref<100096xf32, #tpu.memory_space<vmem>>, vector<16xf32>,
            %get3A_393 = vector.shape_cast %get3A_392 : vector<16xf32> to vector<16xf32>
            %get3A_394 = arith.index_cast %add3A_188 : i32 to index
            %get3A_395 = arith.constant 16 : index
            %get3A_396 = tpu.vector_load %arg11[%get3A_394, %get3A_395] {strides = array<i32>} : memref<112x32xf32, #tpu.memory_space<vmem>>, vector<1x16xf32>,
            %get3A_397 = vector.shape_cast %get3A_396 : vector<1x16xf32> to vector<16xf32>
            %max3A_398 = arith.maximumf %get3A_393, %get3A_397 : vector<16xf32>
            %add3A_399 = arith.constant 16 : i32
            %add3A_400 = arith.addi %mul3A_378, %add3A_399 : i32
            %swap3A_401 = arith.index_cast %add3A_400 : i32 to index
            %swap3A_402 = tpu.vector_load %arg13[%swap3A_401] {strides = array<i32>} : memref<100096xf32, #tpu.memory_space<vmem>>, vector<16xf32>,
            %swap3A_403 = vector.shape_cast %swap3A_402 : vector<16xf32> to vector<16xf32>
            %swap3A_404 = vector.shape_cast %max3A_398 : vector<16xf32> to vector<16xf32>
            tpu.vector_store %arg13[%swap3A_401], %swap3A_404 {strides = array<i32>} : memref<100096xf32, #tpu.memory_space<vmem>>, vector<16xf32>,
          } else {
          }
          %slice3A_197 = vector.extract_strided_slice %get3A_137 {offsets = [4], sizes = [1], strides = [1]} : vector<16xi32> to vector<1xi32>
          %squeeze3A_198 = vector.extract %slice3A_197[0] : i32 from vector<1xi32>
          %sub3A_199 = arith.subi %squeeze3A_198, %multiple_of3A : i32
          %mul3A_200 = arith.constant 16 : i32
          %mul3A_201 = arith.muli %scan3A_132, %mul3A_200 : i32
          %add3A_202 = arith.constant 4 : i32
          %add3A_203 = arith.addi %mul3A_201, %add3A_202 : i32
          %ge3A_204 = arith.constant 0 : i32
          %ge3A_205 = arith.cmpi sge, %sub3A_199, %ge3A_204 : i32
          %lt3A_206 = arith.constant 3128 : i32
          %lt3A_207 = arith.cmpi slt, %sub3A_199, %lt3A_206 : i32
          %and3A_208 = arith.andi %ge3A_205, %lt3A_207 : i1
          %convert_element_type3A_209 = arith.extui %and3A_208 : i1 to i32
          %cond3A_210 = arith.constant 0 : i32
          %cond3A_211 = arith.cmpi ne, %convert_element_type3A_209, %cond3A_210 : i32
          scf.if %cond3A_211 {
            %mul3A_377 = arith.constant 32 : i32
            %mul3A_378 = arith.muli %sub3A_199, %mul3A_377 : i32
            %get3A_379 = arith.index_cast %mul3A_378 : i32 to index
            %get3A_380 = tpu.vector_load %arg13[%get3A_379] {strides = array<i32>} : memref<100096xf32, #tpu.memory_space<vmem>>, vector<16xf32>,
            %get3A_381 = vector.shape_cast %get3A_380 : vector<16xf32> to vector<16xf32>
            %get3A_382 = arith.index_cast %add3A_203 : i32 to index
            %get3A_383 = arith.constant 0 : index
            %get3A_384 = tpu.vector_load %arg11[%get3A_382, %get3A_383] {strides = array<i32>} : memref<112x32xf32, #tpu.memory_space<vmem>>, vector<1x16xf32>,
            %get3A_385 = vector.shape_cast %get3A_384 : vector<1x16xf32> to vector<16xf32>
            %max3A = arith.maximumf %get3A_381, %get3A_385 : vector<16xf32>
            %swap3A = arith.index_cast %mul3A_378 : i32 to index
            %swap3A_386 = tpu.vector_load %arg13[%swap3A] {strides = array<i32>} : memref<100096xf32, #tpu.memory_space<vmem>>, vector<16xf32>,
            %swap3A_387 = vector.shape_cast %swap3A_386 : vector<16xf32> to vector<16xf32>
            %swap3A_388 = vector.shape_cast %max3A : vector<16xf32> to vector<16xf32>
            tpu.vector_store %arg13[%swap3A], %swap3A_388 {strides = array<i32>} : memref<100096xf32, #tpu.memory_space<vmem>>, vector<16xf32>,
            %add3A_389 = arith.constant 16 : i32
            %add3A_390 = arith.addi %mul3A_378, %add3A_389 : i32
            %get3A_391 = arith.index_cast %add3A_390 : i32 to index
            %get3A_392 = tpu.vector_load %arg13[%get3A_391] {strides = array<i32>} : memref<100096xf32, #tpu.memory_space<vmem>>, vector<16xf32>,
            %get3A_393 = vector.shape_cast %get3A_392 : vector<16xf32> to vector<16xf32>
            %get3A_394 = arith.index_cast %add3A_203 : i32 to index
            %get3A_395 = arith.constant 16 : index
            %get3A_396 = tpu.vector_load %arg11[%get3A_394, %get3A_395] {strides = array<i32>} : memref<112x32xf32, #tpu.memory_space<vmem>>, vector<1x16xf32>,
            %get3A_397 = vector.shape_cast %get3A_396 : vector<1x16xf32> to vector<16xf32>
            %max3A_398 = arith.maximumf %get3A_393, %get3A_397 : vector<16xf32>
            %add3A_399 = arith.constant 16 : i32
            %add3A_400 = arith.addi %mul3A_378, %add3A_399 : i32
            %swap3A_401 = arith.index_cast %add3A_400 : i32 to index
            %swap3A_402 = tpu.vector_load %arg13[%swap3A_401] {strides = array<i32>} : memref<100096xf32, #tpu.memory_space<vmem>>, vector<16xf32>,
            %swap3A_403 = vector.shape_cast %swap3A_402 : vector<16xf32> to vector<16xf32>
            %swap3A_404 = vector.shape_cast %max3A_398 : vector<16xf32> to vector<16xf32>
            tpu.vector_store %arg13[%swap3A_401], %swap3A_404 {strides = array<i32>} : memref<100096xf32, #tpu.memory_space<vmem>>, vector<16xf32>,
          } else {
          }
          %slice3A_212 = vector.extract_strided_slice %get3A_137 {offsets = [5], sizes = [1], strides = [1]} : vector<16xi32> to vector<1xi32>
          %squeeze3A_213 = vector.extract %slice3A_212[0] : i32 from vector<1xi32>
          %sub3A_214 = arith.subi %squeeze3A_213, %multiple_of3A : i32
          %mul3A_215 = arith.constant 16 : i32
          %mul3A_216 = arith.muli %scan3A_132, %mul3A_215 : i32
          %add3A_217 = arith.constant 5 : i32
          %add3A_218 = arith.addi %mul3A_216, %add3A_217 : i32
          %ge3A_219 = arith.constant 0 : i32
          %ge3A_220 = arith.cmpi sge, %sub3A_214, %ge3A_219 : i32
          %lt3A_221 = arith.constant 3128 : i32
          %lt3A_222 = arith.cmpi slt, %sub3A_214, %lt3A_221 : i32
          %and3A_223 = arith.andi %ge3A_220, %lt3A_222 : i1
          %convert_element_type3A_224 = arith.extui %and3A_223 : i1 to i32
          %cond3A_225 = arith.constant 0 : i32
          %cond3A_226 = arith.cmpi ne, %convert_element_type3A_224, %cond3A_225 : i32
          scf.if %cond3A_226 {
            %mul3A_377 = arith.constant 32 : i32
            %mul3A_378 = arith.muli %sub3A_214, %mul3A_377 : i32
            %get3A_379 = arith.index_cast %mul3A_378 : i32 to index
            %get3A_380 = tpu.vector_load %arg13[%get3A_379] {strides = array<i32>} : memref<100096xf32, #tpu.memory_space<vmem>>, vector<16xf32>,
            %get3A_381 = vector.shape_cast %get3A_380 : vector<16xf32> to vector<16xf32>
            %get3A_382 = arith.index_cast %add3A_218 : i32 to index
            %get3A_383 = arith.constant 0 : index
            %get3A_384 = tpu.vector_load %arg11[%get3A_382, %get3A_383] {strides = array<i32>} : memref<112x32xf32, #tpu.memory_space<vmem>>, vector<1x16xf32>,
            %get3A_385 = vector.shape_cast %get3A_384 : vector<1x16xf32> to vector<16xf32>
            %max3A = arith.maximumf %get3A_381, %get3A_385 : vector<16xf32>
            %swap3A = arith.index_cast %mul3A_378 : i32 to index
            %swap3A_386 = tpu.vector_load %arg13[%swap3A] {strides = array<i32>} : memref<100096xf32, #tpu.memory_space<vmem>>, vector<16xf32>,
            %swap3A_387 = vector.shape_cast %swap3A_386 : vector<16xf32> to vector<16xf32>
            %swap3A_388 = vector.shape_cast %max3A : vector<16xf32> to vector<16xf32>
            tpu.vector_store %arg13[%swap3A], %swap3A_388 {strides = array<i32>} : memref<100096xf32, #tpu.memory_space<vmem>>, vector<16xf32>,
            %add3A_389 = arith.constant 16 : i32
            %add3A_390 = arith.addi %mul3A_378, %add3A_389 : i32
            %get3A_391 = arith.index_cast %add3A_390 : i32 to index
            %get3A_392 = tpu.vector_load %arg13[%get3A_391] {strides = array<i32>} : memref<100096xf32, #tpu.memory_space<vmem>>, vector<16xf32>,
            %get3A_393 = vector.shape_cast %get3A_392 : vector<16xf32> to vector<16xf32>
            %get3A_394 = arith.index_cast %add3A_218 : i32 to index
            %get3A_395 = arith.constant 16 : index
            %get3A_396 = tpu.vector_load %arg11[%get3A_394, %get3A_395] {strides = array<i32>} : memref<112x32xf32, #tpu.memory_space<vmem>>, vector<1x16xf32>,
            %get3A_397 = vector.shape_cast %get3A_396 : vector<1x16xf32> to vector<16xf32>
            %max3A_398 = arith.maximumf %get3A_393, %get3A_397 : vector<16xf32>
            %add3A_399 = arith.constant 16 : i32
            %add3A_400 = arith.addi %mul3A_378, %add3A_399 : i32
            %swap3A_401 = arith.index_cast %add3A_400 : i32 to index
            %swap3A_402 = tpu.vector_load %arg13[%swap3A_401] {strides = array<i32>} : memref<100096xf32, #tpu.memory_space<vmem>>, vector<16xf32>,
            %swap3A_403 = vector.shape_cast %swap3A_402 : vector<16xf32> to vector<16xf32>
            %swap3A_404 = vector.shape_cast %max3A_398 : vector<16xf32> to vector<16xf32>
            tpu.vector_store %arg13[%swap3A_401], %swap3A_404 {strides = array<i32>} : memref<100096xf32, #tpu.memory_space<vmem>>, vector<16xf32>,
          } else {
          }
          %slice3A_227 = vector.extract_strided_slice %get3A_137 {offsets = [6], sizes = [1], strides = [1]} : vector<16xi32> to vector<1xi32>
          %squeeze3A_228 = vector.extract %slice3A_227[0] : i32 from vector<1xi32>
          %sub3A_229 = arith.subi %squeeze3A_228, %multiple_of3A : i32
          %mul3A_230 = arith.constant 16 : i32
          %mul3A_231 = arith.muli %scan3A_132, %mul3A_230 : i32
          %add3A_232 = arith.constant 6 : i32
          %add3A_233 = arith.addi %mul3A_231, %add3A_232 : i32
          %ge3A_234 = arith.constant 0 : i32
          %ge3A_235 = arith.cmpi sge, %sub3A_229, %ge3A_234 : i32
          %lt3A_236 = arith.constant 3128 : i32
          %lt3A_237 = arith.cmpi slt, %sub3A_229, %lt3A_236 : i32
          %and3A_238 = arith.andi %ge3A_235, %lt3A_237 : i1
          %convert_element_type3A_239 = arith.extui %and3A_238 : i1 to i32
          %cond3A_240 = arith.constant 0 : i32
          %cond3A_241 = arith.cmpi ne, %convert_element_type3A_239, %cond3A_240 : i32
          scf.if %cond3A_241 {
            %mul3A_377 = arith.constant 32 : i32
            %mul3A_378 = arith.muli %sub3A_229, %mul3A_377 : i32
            %get3A_379 = arith.index_cast %mul3A_378 : i32 to index
            %get3A_380 = tpu.vector_load %arg13[%get3A_379] {strides = array<i32>} : memref<100096xf32, #tpu.memory_space<vmem>>, vector<16xf32>,
            %get3A_381 = vector.shape_cast %get3A_380 : vector<16xf32> to vector<16xf32>
            %get3A_382 = arith.index_cast %add3A_233 : i32 to index
            %get3A_383 = arith.constant 0 : index
            %get3A_384 = tpu.vector_load %arg11[%get3A_382, %get3A_383] {strides = array<i32>} : memref<112x32xf32, #tpu.memory_space<vmem>>, vector<1x16xf32>,
            %get3A_385 = vector.shape_cast %get3A_384 : vector<1x16xf32> to vector<16xf32>
            %max3A = arith.maximumf %get3A_381, %get3A_385 : vector<16xf32>
            %swap3A = arith.index_cast %mul3A_378 : i32 to index
            %swap3A_386 = tpu.vector_load %arg13[%swap3A] {strides = array<i32>} : memref<100096xf32, #tpu.memory_space<vmem>>, vector<16xf32>,
            %swap3A_387 = vector.shape_cast %swap3A_386 : vector<16xf32> to vector<16xf32>
            %swap3A_388 = vector.shape_cast %max3A : vector<16xf32> to vector<16xf32>
            tpu.vector_store %arg13[%swap3A], %swap3A_388 {strides = array<i32>} : memref<100096xf32, #tpu.memory_space<vmem>>, vector<16xf32>,
            %add3A_389 = arith.constant 16 : i32
            %add3A_390 = arith.addi %mul3A_378, %add3A_389 : i32
            %get3A_391 = arith.index_cast %add3A_390 : i32 to index
            %get3A_392 = tpu.vector_load %arg13[%get3A_391] {strides = array<i32>} : memref<100096xf32, #tpu.memory_space<vmem>>, vector<16xf32>,
            %get3A_393 = vector.shape_cast %get3A_392 : vector<16xf32> to vector<16xf32>
            %get3A_394 = arith.index_cast %add3A_233 : i32 to index
            %get3A_395 = arith.constant 16 : index
            %get3A_396 = tpu.vector_load %arg11[%get3A_394, %get3A_395] {strides = array<i32>} : memref<112x32xf32, #tpu.memory_space<vmem>>, vector<1x16xf32>,
            %get3A_397 = vector.shape_cast %get3A_396 : vector<1x16xf32> to vector<16xf32>
            %max3A_398 = arith.maximumf %get3A_393, %get3A_397 : vector<16xf32>
            %add3A_399 = arith.constant 16 : i32
            %add3A_400 = arith.addi %mul3A_378, %add3A_399 : i32
            %swap3A_401 = arith.index_cast %add3A_400 : i32 to index
            %swap3A_402 = tpu.vector_load %arg13[%swap3A_401] {strides = array<i32>} : memref<100096xf32, #tpu.memory_space<vmem>>, vector<16xf32>,
            %swap3A_403 = vector.shape_cast %swap3A_402 : vector<16xf32> to vector<16xf32>
            %swap3A_404 = vector.shape_cast %max3A_398 : vector<16xf32> to vector<16xf32>
            tpu.vector_store %arg13[%swap3A_401], %swap3A_404 {strides = array<i32>} : memref<100096xf32, #tpu.memory_space<vmem>>, vector<16xf32>,
          } else {
          }
          %slice3A_242 = vector.extract_strided_slice %get3A_137 {offsets = [7], sizes = [1], strides = [1]} : vector<16xi32> to vector<1xi32>
          %squeeze3A_243 = vector.extract %slice3A_242[0] : i32 from vector<1xi32>
          %sub3A_244 = arith.subi %squeeze3A_243, %multiple_of3A : i32
          %mul3A_245 = arith.constant 16 : i32
          %mul3A_246 = arith.muli %scan3A_132, %mul3A_245 : i32
          %add3A_247 = arith.constant 7 : i32
          %add3A_248 = arith.addi %mul3A_246, %add3A_247 : i32
          %ge3A_249 = arith.constant 0 : i32
          %ge3A_250 = arith.cmpi sge, %sub3A_244, %ge3A_249 : i32
          %lt3A_251 = arith.constant 3128 : i32
          %lt3A_252 = arith.cmpi slt, %sub3A_244, %lt3A_251 : i32
          %and3A_253 = arith.andi %ge3A_250, %lt3A_252 : i1
          %convert_element_type3A_254 = arith.extui %and3A_253 : i1 to i32
          %cond3A_255 = arith.constant 0 : i32
          %cond3A_256 = arith.cmpi ne, %convert_element_type3A_254, %cond3A_255 : i32
          scf.if %cond3A_256 {
            %mul3A_377 = arith.constant 32 : i32
            %mul3A_378 = arith.muli %sub3A_244, %mul3A_377 : i32
            %get3A_379 = arith.index_cast %mul3A_378 : i32 to index
            %get3A_380 = tpu.vector_load %arg13[%get3A_379] {strides = array<i32>} : memref<100096xf32, #tpu.memory_space<vmem>>, vector<16xf32>,
            %get3A_381 = vector.shape_cast %get3A_380 : vector<16xf32> to vector<16xf32>
            %get3A_382 = arith.index_cast %add3A_248 : i32 to index
            %get3A_383 = arith.constant 0 : index
            %get3A_384 = tpu.vector_load %arg11[%get3A_382, %get3A_383] {strides = array<i32>} : memref<112x32xf32, #tpu.memory_space<vmem>>, vector<1x16xf32>,
            %get3A_385 = vector.shape_cast %get3A_384 : vector<1x16xf32> to vector<16xf32>
            %max3A = arith.maximumf %get3A_381, %get3A_385 : vector<16xf32>
            %swap3A = arith.index_cast %mul3A_378 : i32 to index
            %swap3A_386 = tpu.vector_load %arg13[%swap3A] {strides = array<i32>} : memref<100096xf32, #tpu.memory_space<vmem>>, vector<16xf32>,
            %swap3A_387 = vector.shape_cast %swap3A_386 : vector<16xf32> to vector<16xf32>
            %swap3A_388 = vector.shape_cast %max3A : vector<16xf32> to vector<16xf32>
            tpu.vector_store %arg13[%swap3A], %swap3A_388 {strides = array<i32>} : memref<100096xf32, #tpu.memory_space<vmem>>, vector<16xf32>,
            %add3A_389 = arith.constant 16 : i32
            %add3A_390 = arith.addi %mul3A_378, %add3A_389 : i32
            %get3A_391 = arith.index_cast %add3A_390 : i32 to index
            %get3A_392 = tpu.vector_load %arg13[%get3A_391] {strides = array<i32>} : memref<100096xf32, #tpu.memory_space<vmem>>, vector<16xf32>,
            %get3A_393 = vector.shape_cast %get3A_392 : vector<16xf32> to vector<16xf32>
            %get3A_394 = arith.index_cast %add3A_248 : i32 to index
            %get3A_395 = arith.constant 16 : index
            %get3A_396 = tpu.vector_load %arg11[%get3A_394, %get3A_395] {strides = array<i32>} : memref<112x32xf32, #tpu.memory_space<vmem>>, vector<1x16xf32>,
            %get3A_397 = vector.shape_cast %get3A_396 : vector<1x16xf32> to vector<16xf32>
            %max3A_398 = arith.maximumf %get3A_393, %get3A_397 : vector<16xf32>
            %add3A_399 = arith.constant 16 : i32
            %add3A_400 = arith.addi %mul3A_378, %add3A_399 : i32
            %swap3A_401 = arith.index_cast %add3A_400 : i32 to index
            %swap3A_402 = tpu.vector_load %arg13[%swap3A_401] {strides = array<i32>} : memref<100096xf32, #tpu.memory_space<vmem>>, vector<16xf32>,
            %swap3A_403 = vector.shape_cast %swap3A_402 : vector<16xf32> to vector<16xf32>
            %swap3A_404 = vector.shape_cast %max3A_398 : vector<16xf32> to vector<16xf32>
            tpu.vector_store %arg13[%swap3A_401], %swap3A_404 {strides = array<i32>} : memref<100096xf32, #tpu.memory_space<vmem>>, vector<16xf32>,
          } else {
          }
          %slice3A_257 = vector.extract_strided_slice %get3A_137 {offsets = [8], sizes = [1], strides = [1]} : vector<16xi32> to vector<1xi32>
          %squeeze3A_258 = vector.extract %slice3A_257[0] : i32 from vector<1xi32>
          %sub3A_259 = arith.subi %squeeze3A_258, %multiple_of3A : i32
          %mul3A_260 = arith.constant 16 : i32
          %mul3A_261 = arith.muli %scan3A_132, %mul3A_260 : i32
          %add3A_262 = arith.constant 8 : i32
          %add3A_263 = arith.addi %mul3A_261, %add3A_262 : i32
          %ge3A_264 = arith.constant 0 : i32
          %ge3A_265 = arith.cmpi sge, %sub3A_259, %ge3A_264 : i32
          %lt3A_266 = arith.constant 3128 : i32
          %lt3A_267 = arith.cmpi slt, %sub3A_259, %lt3A_266 : i32
          %and3A_268 = arith.andi %ge3A_265, %lt3A_267 : i1
          %convert_element_type3A_269 = arith.extui %and3A_268 : i1 to i32
          %cond3A_270 = arith.constant 0 : i32
          %cond3A_271 = arith.cmpi ne, %convert_element_type3A_269, %cond3A_270 : i32
          scf.if %cond3A_271 {
            %mul3A_377 = arith.constant 32 : i32
            %mul3A_378 = arith.muli %sub3A_259, %mul3A_377 : i32
            %get3A_379 = arith.index_cast %mul3A_378 : i32 to index
            %get3A_380 = tpu.vector_load %arg13[%get3A_379] {strides = array<i32>} : memref<100096xf32, #tpu.memory_space<vmem>>, vector<16xf32>,
            %get3A_381 = vector.shape_cast %get3A_380 : vector<16xf32> to vector<16xf32>
            %get3A_382 = arith.index_cast %add3A_263 : i32 to index
            %get3A_383 = arith.constant 0 : index
            %get3A_384 = tpu.vector_load %arg11[%get3A_382, %get3A_383] {strides = array<i32>} : memref<112x32xf32, #tpu.memory_space<vmem>>, vector<1x16xf32>,
            %get3A_385 = vector.shape_cast %get3A_384 : vector<1x16xf32> to vector<16xf32>
            %max3A = arith.maximumf %get3A_381, %get3A_385 : vector<16xf32>
            %swap3A = arith.index_cast %mul3A_378 : i32 to index
            %swap3A_386 = tpu.vector_load %arg13[%swap3A] {strides = array<i32>} : memref<100096xf32, #tpu.memory_space<vmem>>, vector<16xf32>,
            %swap3A_387 = vector.shape_cast %swap3A_386 : vector<16xf32> to vector<16xf32>
            %swap3A_388 = vector.shape_cast %max3A : vector<16xf32> to vector<16xf32>
            tpu.vector_store %arg13[%swap3A], %swap3A_388 {strides = array<i32>} : memref<100096xf32, #tpu.memory_space<vmem>>, vector<16xf32>,
            %add3A_389 = arith.constant 16 : i32
            %add3A_390 = arith.addi %mul3A_378, %add3A_389 : i32
            %get3A_391 = arith.index_cast %add3A_390 : i32 to index
            %get3A_392 = tpu.vector_load %arg13[%get3A_391] {strides = array<i32>} : memref<100096xf32, #tpu.memory_space<vmem>>, vector<16xf32>,
            %get3A_393 = vector.shape_cast %get3A_392 : vector<16xf32> to vector<16xf32>
            %get3A_394 = arith.index_cast %add3A_263 : i32 to index
            %get3A_395 = arith.constant 16 : index
            %get3A_396 = tpu.vector_load %arg11[%get3A_394, %get3A_395] {strides = array<i32>} : memref<112x32xf32, #tpu.memory_space<vmem>>, vector<1x16xf32>,
            %get3A_397 = vector.shape_cast %get3A_396 : vector<1x16xf32> to vector<16xf32>
            %max3A_398 = arith.maximumf %get3A_393, %get3A_397 : vector<16xf32>
            %add3A_399 = arith.constant 16 : i32
            %add3A_400 = arith.addi %mul3A_378, %add3A_399 : i32
            %swap3A_401 = arith.index_cast %add3A_400 : i32 to index
            %swap3A_402 = tpu.vector_load %arg13[%swap3A_401] {strides = array<i32>} : memref<100096xf32, #tpu.memory_space<vmem>>, vector<16xf32>,
            %swap3A_403 = vector.shape_cast %swap3A_402 : vector<16xf32> to vector<16xf32>
            %swap3A_404 = vector.shape_cast %max3A_398 : vector<16xf32> to vector<16xf32>
            tpu.vector_store %arg13[%swap3A_401], %swap3A_404 {strides = array<i32>} : memref<100096xf32, #tpu.memory_space<vmem>>, vector<16xf32>,
          } else {
          }
          %slice3A_272 = vector.extract_strided_slice %get3A_137 {offsets = [9], sizes = [1], strides = [1]} : vector<16xi32> to vector<1xi32>
          %squeeze3A_273 = vector.extract %slice3A_272[0] : i32 from vector<1xi32>
          %sub3A_274 = arith.subi %squeeze3A_273, %multiple_of3A : i32
          %mul3A_275 = arith.constant 16 : i32
          %mul3A_276 = arith.muli %scan3A_132, %mul3A_275 : i32
          %add3A_277 = arith.constant 9 : i32
          %add3A_278 = arith.addi %mul3A_276, %add3A_277 : i32
          %ge3A_279 = arith.constant 0 : i32
          %ge3A_280 = arith.cmpi sge, %sub3A_274, %ge3A_279 : i32
          %lt3A_281 = arith.constant 3128 : i32
          %lt3A_282 = arith.cmpi slt, %sub3A_274, %lt3A_281 : i32
          %and3A_283 = arith.andi %ge3A_280, %lt3A_282 : i1
          %convert_element_type3A_284 = arith.extui %and3A_283 : i1 to i32
          %cond3A_285 = arith.constant 0 : i32
          %cond3A_286 = arith.cmpi ne, %convert_element_type3A_284, %cond3A_285 : i32
          scf.if %cond3A_286 {
            %mul3A_377 = arith.constant 32 : i32
            %mul3A_378 = arith.muli %sub3A_274, %mul3A_377 : i32
            %get3A_379 = arith.index_cast %mul3A_378 : i32 to index
            %get3A_380 = tpu.vector_load %arg13[%get3A_379] {strides = array<i32>} : memref<100096xf32, #tpu.memory_space<vmem>>, vector<16xf32>,
            %get3A_381 = vector.shape_cast %get3A_380 : vector<16xf32> to vector<16xf32>
            %get3A_382 = arith.index_cast %add3A_278 : i32 to index
            %get3A_383 = arith.constant 0 : index
            %get3A_384 = tpu.vector_load %arg11[%get3A_382, %get3A_383] {strides = array<i32>} : memref<112x32xf32, #tpu.memory_space<vmem>>, vector<1x16xf32>,
            %get3A_385 = vector.shape_cast %get3A_384 : vector<1x16xf32> to vector<16xf32>
            %max3A = arith.maximumf %get3A_381, %get3A_385 : vector<16xf32>
            %swap3A = arith.index_cast %mul3A_378 : i32 to index
            %swap3A_386 = tpu.vector_load %arg13[%swap3A] {strides = array<i32>} : memref<100096xf32, #tpu.memory_space<vmem>>, vector<16xf32>,
            %swap3A_387 = vector.shape_cast %swap3A_386 : vector<16xf32> to vector<16xf32>
            %swap3A_388 = vector.shape_cast %max3A : vector<16xf32> to vector<16xf32>
            tpu.vector_store %arg13[%swap3A], %swap3A_388 {strides = array<i32>} : memref<100096xf32, #tpu.memory_space<vmem>>, vector<16xf32>,
            %add3A_389 = arith.constant 16 : i32
            %add3A_390 = arith.addi %mul3A_378, %add3A_389 : i32
            %get3A_391 = arith.index_cast %add3A_390 : i32 to index
            %get3A_392 = tpu.vector_load %arg13[%get3A_391] {strides = array<i32>} : memref<100096xf32, #tpu.memory_space<vmem>>, vector<16xf32>,
            %get3A_393 = vector.shape_cast %get3A_392 : vector<16xf32> to vector<16xf32>
            %get3A_394 = arith.index_cast %add3A_278 : i32 to index
            %get3A_395 = arith.constant 16 : index
            %get3A_396 = tpu.vector_load %arg11[%get3A_394, %get3A_395] {strides = array<i32>} : memref<112x32xf32, #tpu.memory_space<vmem>>, vector<1x16xf32>,
            %get3A_397 = vector.shape_cast %get3A_396 : vector<1x16xf32> to vector<16xf32>
            %max3A_398 = arith.maximumf %get3A_393, %get3A_397 : vector<16xf32>
            %add3A_399 = arith.constant 16 : i32
            %add3A_400 = arith.addi %mul3A_378, %add3A_399 : i32
            %swap3A_401 = arith.index_cast %add3A_400 : i32 to index
            %swap3A_402 = tpu.vector_load %arg13[%swap3A_401] {strides = array<i32>} : memref<100096xf32, #tpu.memory_space<vmem>>, vector<16xf32>,
            %swap3A_403 = vector.shape_cast %swap3A_402 : vector<16xf32> to vector<16xf32>
            %swap3A_404 = vector.shape_cast %max3A_398 : vector<16xf32> to vector<16xf32>
            tpu.vector_store %arg13[%swap3A_401], %swap3A_404 {strides = array<i32>} : memref<100096xf32, #tpu.memory_space<vmem>>, vector<16xf32>,
          } else {
          }
          %slice3A_287 = vector.extract_strided_slice %get3A_137 {offsets = [10], sizes = [1], strides = [1]} : vector<16xi32> to vector<1xi32>
          %squeeze3A_288 = vector.extract %slice3A_287[0] : i32 from vector<1xi32>
          %sub3A_289 = arith.subi %squeeze3A_288, %multiple_of3A : i32
          %mul3A_290 = arith.constant 16 : i32
          %mul3A_291 = arith.muli %scan3A_132, %mul3A_290 : i32
          %add3A_292 = arith.constant 10 : i32
          %add3A_293 = arith.addi %mul3A_291, %add3A_292 : i32
          %ge3A_294 = arith.constant 0 : i32
          %ge3A_295 = arith.cmpi sge, %sub3A_289, %ge3A_294 : i32
          %lt3A_296 = arith.constant 3128 : i32
          %lt3A_297 = arith.cmpi slt, %sub3A_289, %lt3A_296 : i32
          %and3A_298 = arith.andi %ge3A_295, %lt3A_297 : i1
          %convert_element_type3A_299 = arith.extui %and3A_298 : i1 to i32
          %cond3A_300 = arith.constant 0 : i32
          %cond3A_301 = arith.cmpi ne, %convert_element_type3A_299, %cond3A_300 : i32
          scf.if %cond3A_301 {
            %mul3A_377 = arith.constant 32 : i32
            %mul3A_378 = arith.muli %sub3A_289, %mul3A_377 : i32
            %get3A_379 = arith.index_cast %mul3A_378 : i32 to index
            %get3A_380 = tpu.vector_load %arg13[%get3A_379] {strides = array<i32>} : memref<100096xf32, #tpu.memory_space<vmem>>, vector<16xf32>,
            %get3A_381 = vector.shape_cast %get3A_380 : vector<16xf32> to vector<16xf32>
            %get3A_382 = arith.index_cast %add3A_293 : i32 to index
            %get3A_383 = arith.constant 0 : index
            %get3A_384 = tpu.vector_load %arg11[%get3A_382, %get3A_383] {strides = array<i32>} : memref<112x32xf32, #tpu.memory_space<vmem>>, vector<1x16xf32>,
            %get3A_385 = vector.shape_cast %get3A_384 : vector<1x16xf32> to vector<16xf32>
            %max3A = arith.maximumf %get3A_381, %get3A_385 : vector<16xf32>
            %swap3A = arith.index_cast %mul3A_378 : i32 to index
            %swap3A_386 = tpu.vector_load %arg13[%swap3A] {strides = array<i32>} : memref<100096xf32, #tpu.memory_space<vmem>>, vector<16xf32>,
            %swap3A_387 = vector.shape_cast %swap3A_386 : vector<16xf32> to vector<16xf32>
            %swap3A_388 = vector.shape_cast %max3A : vector<16xf32> to vector<16xf32>
            tpu.vector_store %arg13[%swap3A], %swap3A_388 {strides = array<i32>} : memref<100096xf32, #tpu.memory_space<vmem>>, vector<16xf32>,
            %add3A_389 = arith.constant 16 : i32
            %add3A_390 = arith.addi %mul3A_378, %add3A_389 : i32
            %get3A_391 = arith.index_cast %add3A_390 : i32 to index
            %get3A_392 = tpu.vector_load %arg13[%get3A_391] {strides = array<i32>} : memref<100096xf32, #tpu.memory_space<vmem>>, vector<16xf32>,
            %get3A_393 = vector.shape_cast %get3A_392 : vector<16xf32> to vector<16xf32>
            %get3A_394 = arith.index_cast %add3A_293 : i32 to index
            %get3A_395 = arith.constant 16 : index
            %get3A_396 = tpu.vector_load %arg11[%get3A_394, %get3A_395] {strides = array<i32>} : memref<112x32xf32, #tpu.memory_space<vmem>>, vector<1x16xf32>,
            %get3A_397 = vector.shape_cast %get3A_396 : vector<1x16xf32> to vector<16xf32>
            %max3A_398 = arith.maximumf %get3A_393, %get3A_397 : vector<16xf32>
            %add3A_399 = arith.constant 16 : i32
            %add3A_400 = arith.addi %mul3A_378, %add3A_399 : i32
            %swap3A_401 = arith.index_cast %add3A_400 : i32 to index
            %swap3A_402 = tpu.vector_load %arg13[%swap3A_401] {strides = array<i32>} : memref<100096xf32, #tpu.memory_space<vmem>>, vector<16xf32>,
            %swap3A_403 = vector.shape_cast %swap3A_402 : vector<16xf32> to vector<16xf32>
            %swap3A_404 = vector.shape_cast %max3A_398 : vector<16xf32> to vector<16xf32>
            tpu.vector_store %arg13[%swap3A_401], %swap3A_404 {strides = array<i32>} : memref<100096xf32, #tpu.memory_space<vmem>>, vector<16xf32>,
          } else {
          }
          %slice3A_302 = vector.extract_strided_slice %get3A_137 {offsets = [11], sizes = [1], strides = [1]} : vector<16xi32> to vector<1xi32>
          %squeeze3A_303 = vector.extract %slice3A_302[0] : i32 from vector<1xi32>
          %sub3A_304 = arith.subi %squeeze3A_303, %multiple_of3A : i32
          %mul3A_305 = arith.constant 16 : i32
          %mul3A_306 = arith.muli %scan3A_132, %mul3A_305 : i32
          %add3A_307 = arith.constant 11 : i32
          %add3A_308 = arith.addi %mul3A_306, %add3A_307 : i32
          %ge3A_309 = arith.constant 0 : i32
          %ge3A_310 = arith.cmpi sge, %sub3A_304, %ge3A_309 : i32
          %lt3A_311 = arith.constant 3128 : i32
          %lt3A_312 = arith.cmpi slt, %sub3A_304, %lt3A_311 : i32
          %and3A_313 = arith.andi %ge3A_310, %lt3A_312 : i1
          %convert_element_type3A_314 = arith.extui %and3A_313 : i1 to i32
          %cond3A_315 = arith.constant 0 : i32
          %cond3A_316 = arith.cmpi ne, %convert_element_type3A_314, %cond3A_315 : i32
          scf.if %cond3A_316 {
            %mul3A_377 = arith.constant 32 : i32
            %mul3A_378 = arith.muli %sub3A_304, %mul3A_377 : i32
            %get3A_379 = arith.index_cast %mul3A_378 : i32 to index
            %get3A_380 = tpu.vector_load %arg13[%get3A_379] {strides = array<i32>} : memref<100096xf32, #tpu.memory_space<vmem>>, vector<16xf32>,
            %get3A_381 = vector.shape_cast %get3A_380 : vector<16xf32> to vector<16xf32>
            %get3A_382 = arith.index_cast %add3A_308 : i32 to index
            %get3A_383 = arith.constant 0 : index
            %get3A_384 = tpu.vector_load %arg11[%get3A_382, %get3A_383] {strides = array<i32>} : memref<112x32xf32, #tpu.memory_space<vmem>>, vector<1x16xf32>,
            %get3A_385 = vector.shape_cast %get3A_384 : vector<1x16xf32> to vector<16xf32>
            %max3A = arith.maximumf %get3A_381, %get3A_385 : vector<16xf32>
            %swap3A = arith.index_cast %mul3A_378 : i32 to index
            %swap3A_386 = tpu.vector_load %arg13[%swap3A] {strides = array<i32>} : memref<100096xf32, #tpu.memory_space<vmem>>, vector<16xf32>,
            %swap3A_387 = vector.shape_cast %swap3A_386 : vector<16xf32> to vector<16xf32>
            %swap3A_388 = vector.shape_cast %max3A : vector<16xf32> to vector<16xf32>
            tpu.vector_store %arg13[%swap3A], %swap3A_388 {strides = array<i32>} : memref<100096xf32, #tpu.memory_space<vmem>>, vector<16xf32>,
            %add3A_389 = arith.constant 16 : i32
            %add3A_390 = arith.addi %mul3A_378, %add3A_389 : i32
            %get3A_391 = arith.index_cast %add3A_390 : i32 to index
            %get3A_392 = tpu.vector_load %arg13[%get3A_391] {strides = array<i32>} : memref<100096xf32, #tpu.memory_space<vmem>>, vector<16xf32>,
            %get3A_393 = vector.shape_cast %get3A_392 : vector<16xf32> to vector<16xf32>
            %get3A_394 = arith.index_cast %add3A_308 : i32 to index
            %get3A_395 = arith.constant 16 : index
            %get3A_396 = tpu.vector_load %arg11[%get3A_394, %get3A_395] {strides = array<i32>} : memref<112x32xf32, #tpu.memory_space<vmem>>, vector<1x16xf32>,
            %get3A_397 = vector.shape_cast %get3A_396 : vector<1x16xf32> to vector<16xf32>
            %max3A_398 = arith.maximumf %get3A_393, %get3A_397 : vector<16xf32>
            %add3A_399 = arith.constant 16 : i32
            %add3A_400 = arith.addi %mul3A_378, %add3A_399 : i32
            %swap3A_401 = arith.index_cast %add3A_400 : i32 to index
            %swap3A_402 = tpu.vector_load %arg13[%swap3A_401] {strides = array<i32>} : memref<100096xf32, #tpu.memory_space<vmem>>, vector<16xf32>,
            %swap3A_403 = vector.shape_cast %swap3A_402 : vector<16xf32> to vector<16xf32>
            %swap3A_404 = vector.shape_cast %max3A_398 : vector<16xf32> to vector<16xf32>
            tpu.vector_store %arg13[%swap3A_401], %swap3A_404 {strides = array<i32>} : memref<100096xf32, #tpu.memory_space<vmem>>, vector<16xf32>,
          } else {
          }
          %slice3A_317 = vector.extract_strided_slice %get3A_137 {offsets = [12], sizes = [1], strides = [1]} : vector<16xi32> to vector<1xi32>
          %squeeze3A_318 = vector.extract %slice3A_317[0] : i32 from vector<1xi32>
          %sub3A_319 = arith.subi %squeeze3A_318, %multiple_of3A : i32
          %mul3A_320 = arith.constant 16 : i32
          %mul3A_321 = arith.muli %scan3A_132, %mul3A_320 : i32
          %add3A_322 = arith.constant 12 : i32
          %add3A_323 = arith.addi %mul3A_321, %add3A_322 : i32
          %ge3A_324 = arith.constant 0 : i32
          %ge3A_325 = arith.cmpi sge, %sub3A_319, %ge3A_324 : i32
          %lt3A_326 = arith.constant 3128 : i32
          %lt3A_327 = arith.cmpi slt, %sub3A_319, %lt3A_326 : i32
          %and3A_328 = arith.andi %ge3A_325, %lt3A_327 : i1
          %convert_element_type3A_329 = arith.extui %and3A_328 : i1 to i32
          %cond3A_330 = arith.constant 0 : i32
          %cond3A_331 = arith.cmpi ne, %convert_element_type3A_329, %cond3A_330 : i32
          scf.if %cond3A_331 {
            %mul3A_377 = arith.constant 32 : i32
            %mul3A_378 = arith.muli %sub3A_319, %mul3A_377 : i32
            %get3A_379 = arith.index_cast %mul3A_378 : i32 to index
            %get3A_380 = tpu.vector_load %arg13[%get3A_379] {strides = array<i32>} : memref<100096xf32, #tpu.memory_space<vmem>>, vector<16xf32>,
            %get3A_381 = vector.shape_cast %get3A_380 : vector<16xf32> to vector<16xf32>
            %get3A_382 = arith.index_cast %add3A_323 : i32 to index
            %get3A_383 = arith.constant 0 : index
            %get3A_384 = tpu.vector_load %arg11[%get3A_382, %get3A_383] {strides = array<i32>} : memref<112x32xf32, #tpu.memory_space<vmem>>, vector<1x16xf32>,
            %get3A_385 = vector.shape_cast %get3A_384 : vector<1x16xf32> to vector<16xf32>
            %max3A = arith.maximumf %get3A_381, %get3A_385 : vector<16xf32>
            %swap3A = arith.index_cast %mul3A_378 : i32 to index
            %swap3A_386 = tpu.vector_load %arg13[%swap3A] {strides = array<i32>} : memref<100096xf32, #tpu.memory_space<vmem>>, vector<16xf32>,
            %swap3A_387 = vector.shape_cast %swap3A_386 : vector<16xf32> to vector<16xf32>
            %swap3A_388 = vector.shape_cast %max3A : vector<16xf32> to vector<16xf32>
            tpu.vector_store %arg13[%swap3A], %swap3A_388 {strides = array<i32>} : memref<100096xf32, #tpu.memory_space<vmem>>, vector<16xf32>,
            %add3A_389 = arith.constant 16 : i32
            %add3A_390 = arith.addi %mul3A_378, %add3A_389 : i32
            %get3A_391 = arith.index_cast %add3A_390 : i32 to index
            %get3A_392 = tpu.vector_load %arg13[%get3A_391] {strides = array<i32>} : memref<100096xf32, #tpu.memory_space<vmem>>, vector<16xf32>,
            %get3A_393 = vector.shape_cast %get3A_392 : vector<16xf32> to vector<16xf32>
            %get3A_394 = arith.index_cast %add3A_323 : i32 to index
            %get3A_395 = arith.constant 16 : index
            %get3A_396 = tpu.vector_load %arg11[%get3A_394, %get3A_395] {strides = array<i32>} : memref<112x32xf32, #tpu.memory_space<vmem>>, vector<1x16xf32>,
            %get3A_397 = vector.shape_cast %get3A_396 : vector<1x16xf32> to vector<16xf32>
            %max3A_398 = arith.maximumf %get3A_393, %get3A_397 : vector<16xf32>
            %add3A_399 = arith.constant 16 : i32
            %add3A_400 = arith.addi %mul3A_378, %add3A_399 : i32
            %swap3A_401 = arith.index_cast %add3A_400 : i32 to index
            %swap3A_402 = tpu.vector_load %arg13[%swap3A_401] {strides = array<i32>} : memref<100096xf32, #tpu.memory_space<vmem>>, vector<16xf32>,
            %swap3A_403 = vector.shape_cast %swap3A_402 : vector<16xf32> to vector<16xf32>
            %swap3A_404 = vector.shape_cast %max3A_398 : vector<16xf32> to vector<16xf32>
            tpu.vector_store %arg13[%swap3A_401], %swap3A_404 {strides = array<i32>} : memref<100096xf32, #tpu.memory_space<vmem>>, vector<16xf32>,
          } else {
          }
          %slice3A_332 = vector.extract_strided_slice %get3A_137 {offsets = [13], sizes = [1], strides = [1]} : vector<16xi32> to vector<1xi32>
          %squeeze3A_333 = vector.extract %slice3A_332[0] : i32 from vector<1xi32>
          %sub3A_334 = arith.subi %squeeze3A_333, %multiple_of3A : i32
          %mul3A_335 = arith.constant 16 : i32
          %mul3A_336 = arith.muli %scan3A_132, %mul3A_335 : i32
          %add3A_337 = arith.constant 13 : i32
          %add3A_338 = arith.addi %mul3A_336, %add3A_337 : i32
          %ge3A_339 = arith.constant 0 : i32
          %ge3A_340 = arith.cmpi sge, %sub3A_334, %ge3A_339 : i32
          %lt3A_341 = arith.constant 3128 : i32
          %lt3A_342 = arith.cmpi slt, %sub3A_334, %lt3A_341 : i32
          %and3A_343 = arith.andi %ge3A_340, %lt3A_342 : i1
          %convert_element_type3A_344 = arith.extui %and3A_343 : i1 to i32
          %cond3A_345 = arith.constant 0 : i32
          %cond3A_346 = arith.cmpi ne, %convert_element_type3A_344, %cond3A_345 : i32
          scf.if %cond3A_346 {
            %mul3A_377 = arith.constant 32 : i32
            %mul3A_378 = arith.muli %sub3A_334, %mul3A_377 : i32
            %get3A_379 = arith.index_cast %mul3A_378 : i32 to index
            %get3A_380 = tpu.vector_load %arg13[%get3A_379] {strides = array<i32>} : memref<100096xf32, #tpu.memory_space<vmem>>, vector<16xf32>,
            %get3A_381 = vector.shape_cast %get3A_380 : vector<16xf32> to vector<16xf32>
            %get3A_382 = arith.index_cast %add3A_338 : i32 to index
            %get3A_383 = arith.constant 0 : index
            %get3A_384 = tpu.vector_load %arg11[%get3A_382, %get3A_383] {strides = array<i32>} : memref<112x32xf32, #tpu.memory_space<vmem>>, vector<1x16xf32>,
            %get3A_385 = vector.shape_cast %get3A_384 : vector<1x16xf32> to vector<16xf32>
            %max3A = arith.maximumf %get3A_381, %get3A_385 : vector<16xf32>
            %swap3A = arith.index_cast %mul3A_378 : i32 to index
            %swap3A_386 = tpu.vector_load %arg13[%swap3A] {strides = array<i32>} : memref<100096xf32, #tpu.memory_space<vmem>>, vector<16xf32>,
            %swap3A_387 = vector.shape_cast %swap3A_386 : vector<16xf32> to vector<16xf32>
            %swap3A_388 = vector.shape_cast %max3A : vector<16xf32> to vector<16xf32>
            tpu.vector_store %arg13[%swap3A], %swap3A_388 {strides = array<i32>} : memref<100096xf32, #tpu.memory_space<vmem>>, vector<16xf32>,
            %add3A_389 = arith.constant 16 : i32
            %add3A_390 = arith.addi %mul3A_378, %add3A_389 : i32
            %get3A_391 = arith.index_cast %add3A_390 : i32 to index
            %get3A_392 = tpu.vector_load %arg13[%get3A_391] {strides = array<i32>} : memref<100096xf32, #tpu.memory_space<vmem>>, vector<16xf32>,
            %get3A_393 = vector.shape_cast %get3A_392 : vector<16xf32> to vector<16xf32>
            %get3A_394 = arith.index_cast %add3A_338 : i32 to index
            %get3A_395 = arith.constant 16 : index
            %get3A_396 = tpu.vector_load %arg11[%get3A_394, %get3A_395] {strides = array<i32>} : memref<112x32xf32, #tpu.memory_space<vmem>>, vector<1x16xf32>,
            %get3A_397 = vector.shape_cast %get3A_396 : vector<1x16xf32> to vector<16xf32>
            %max3A_398 = arith.maximumf %get3A_393, %get3A_397 : vector<16xf32>
            %add3A_399 = arith.constant 16 : i32
            %add3A_400 = arith.addi %mul3A_378, %add3A_399 : i32
            %swap3A_401 = arith.index_cast %add3A_400 : i32 to index
            %swap3A_402 = tpu.vector_load %arg13[%swap3A_401] {strides = array<i32>} : memref<100096xf32, #tpu.memory_space<vmem>>, vector<16xf32>,
            %swap3A_403 = vector.shape_cast %swap3A_402 : vector<16xf32> to vector<16xf32>
            %swap3A_404 = vector.shape_cast %max3A_398 : vector<16xf32> to vector<16xf32>
            tpu.vector_store %arg13[%swap3A_401], %swap3A_404 {strides = array<i32>} : memref<100096xf32, #tpu.memory_space<vmem>>, vector<16xf32>,
          } else {
          }
          %slice3A_347 = vector.extract_strided_slice %get3A_137 {offsets = [14], sizes = [1], strides = [1]} : vector<16xi32> to vector<1xi32>
          %squeeze3A_348 = vector.extract %slice3A_347[0] : i32 from vector<1xi32>
          %sub3A_349 = arith.subi %squeeze3A_348, %multiple_of3A : i32
          %mul3A_350 = arith.constant 16 : i32
          %mul3A_351 = arith.muli %scan3A_132, %mul3A_350 : i32
          %add3A_352 = arith.constant 14 : i32
          %add3A_353 = arith.addi %mul3A_351, %add3A_352 : i32
          %ge3A_354 = arith.constant 0 : i32
          %ge3A_355 = arith.cmpi sge, %sub3A_349, %ge3A_354 : i32
          %lt3A_356 = arith.constant 3128 : i32
          %lt3A_357 = arith.cmpi slt, %sub3A_349, %lt3A_356 : i32
          %and3A_358 = arith.andi %ge3A_355, %lt3A_357 : i1
          %convert_element_type3A_359 = arith.extui %and3A_358 : i1 to i32
          %cond3A_360 = arith.constant 0 : i32
          %cond3A_361 = arith.cmpi ne, %convert_element_type3A_359, %cond3A_360 : i32
          scf.if %cond3A_361 {
            %mul3A_377 = arith.constant 32 : i32
            %mul3A_378 = arith.muli %sub3A_349, %mul3A_377 : i32
            %get3A_379 = arith.index_cast %mul3A_378 : i32 to index
            %get3A_380 = tpu.vector_load %arg13[%get3A_379] {strides = array<i32>} : memref<100096xf32, #tpu.memory_space<vmem>>, vector<16xf32>,
            %get3A_381 = vector.shape_cast %get3A_380 : vector<16xf32> to vector<16xf32>
            %get3A_382 = arith.index_cast %add3A_353 : i32 to index
            %get3A_383 = arith.constant 0 : index
            %get3A_384 = tpu.vector_load %arg11[%get3A_382, %get3A_383] {strides = array<i32>} : memref<112x32xf32, #tpu.memory_space<vmem>>, vector<1x16xf32>,
            %get3A_385 = vector.shape_cast %get3A_384 : vector<1x16xf32> to vector<16xf32>
            %max3A = arith.maximumf %get3A_381, %get3A_385 : vector<16xf32>
            %swap3A = arith.index_cast %mul3A_378 : i32 to index
            %swap3A_386 = tpu.vector_load %arg13[%swap3A] {strides = array<i32>} : memref<100096xf32, #tpu.memory_space<vmem>>, vector<16xf32>,
            %swap3A_387 = vector.shape_cast %swap3A_386 : vector<16xf32> to vector<16xf32>
            %swap3A_388 = vector.shape_cast %max3A : vector<16xf32> to vector<16xf32>
            tpu.vector_store %arg13[%swap3A], %swap3A_388 {strides = array<i32>} : memref<100096xf32, #tpu.memory_space<vmem>>, vector<16xf32>,
            %add3A_389 = arith.constant 16 : i32
            %add3A_390 = arith.addi %mul3A_378, %add3A_389 : i32
            %get3A_391 = arith.index_cast %add3A_390 : i32 to index
            %get3A_392 = tpu.vector_load %arg13[%get3A_391] {strides = array<i32>} : memref<100096xf32, #tpu.memory_space<vmem>>, vector<16xf32>,
            %get3A_393 = vector.shape_cast %get3A_392 : vector<16xf32> to vector<16xf32>
            %get3A_394 = arith.index_cast %add3A_353 : i32 to index
            %get3A_395 = arith.constant 16 : index
            %get3A_396 = tpu.vector_load %arg11[%get3A_394, %get3A_395] {strides = array<i32>} : memref<112x32xf32, #tpu.memory_space<vmem>>, vector<1x16xf32>,
            %get3A_397 = vector.shape_cast %get3A_396 : vector<1x16xf32> to vector<16xf32>
            %max3A_398 = arith.maximumf %get3A_393, %get3A_397 : vector<16xf32>
            %add3A_399 = arith.constant 16 : i32
            %add3A_400 = arith.addi %mul3A_378, %add3A_399 : i32
            %swap3A_401 = arith.index_cast %add3A_400 : i32 to index
            %swap3A_402 = tpu.vector_load %arg13[%swap3A_401] {strides = array<i32>} : memref<100096xf32, #tpu.memory_space<vmem>>, vector<16xf32>,
            %swap3A_403 = vector.shape_cast %swap3A_402 : vector<16xf32> to vector<16xf32>
            %swap3A_404 = vector.shape_cast %max3A_398 : vector<16xf32> to vector<16xf32>
            tpu.vector_store %arg13[%swap3A_401], %swap3A_404 {strides = array<i32>} : memref<100096xf32, #tpu.memory_space<vmem>>, vector<16xf32>,
          } else {
          }
          %slice3A_362 = vector.extract_strided_slice %get3A_137 {offsets = [15], sizes = [1], strides = [1]} : vector<16xi32> to vector<1xi32>
          %squeeze3A_363 = vector.extract %slice3A_362[0] : i32 from vector<1xi32>
          %sub3A_364 = arith.subi %squeeze3A_363, %multiple_of3A : i32
          %mul3A_365 = arith.constant 16 : i32
          %mul3A_366 = arith.muli %scan3A_132, %mul3A_365 : i32
          %add3A_367 = arith.constant 15 : i32
          %add3A_368 = arith.addi %mul3A_366, %add3A_367 : i32
          %ge3A_369 = arith.constant 0 : i32
          %ge3A_370 = arith.cmpi sge, %sub3A_364, %ge3A_369 : i32
          %lt3A_371 = arith.constant 3128 : i32
          %lt3A_372 = arith.cmpi slt, %sub3A_364, %lt3A_371 : i32
          %and3A_373 = arith.andi %ge3A_370, %lt3A_372 : i1
          %convert_element_type3A_374 = arith.extui %and3A_373 : i1 to i32
          %cond3A_375 = arith.constant 0 : i32
          %cond3A_376 = arith.cmpi ne, %convert_element_type3A_374, %cond3A_375 : i32
          scf.if %cond3A_376 {
            %mul3A_377 = arith.constant 32 : i32
            %mul3A_378 = arith.muli %sub3A_364, %mul3A_377 : i32
            %get3A_379 = arith.index_cast %mul3A_378 : i32 to index
            %get3A_380 = tpu.vector_load %arg13[%get3A_379] {strides = array<i32>} : memref<100096xf32, #tpu.memory_space<vmem>>, vector<16xf32>,
            %get3A_381 = vector.shape_cast %get3A_380 : vector<16xf32> to vector<16xf32>
            %get3A_382 = arith.index_cast %add3A_368 : i32 to index
            %get3A_383 = arith.constant 0 : index
            %get3A_384 = tpu.vector_load %arg11[%get3A_382, %get3A_383] {strides = array<i32>} : memref<112x32xf32, #tpu.memory_space<vmem>>, vector<1x16xf32>,
            %get3A_385 = vector.shape_cast %get3A_384 : vector<1x16xf32> to vector<16xf32>
            %max3A = arith.maximumf %get3A_381, %get3A_385 : vector<16xf32>
            %swap3A = arith.index_cast %mul3A_378 : i32 to index
            %swap3A_386 = tpu.vector_load %arg13[%swap3A] {strides = array<i32>} : memref<100096xf32, #tpu.memory_space<vmem>>, vector<16xf32>,
            %swap3A_387 = vector.shape_cast %swap3A_386 : vector<16xf32> to vector<16xf32>
            %swap3A_388 = vector.shape_cast %max3A : vector<16xf32> to vector<16xf32>
            tpu.vector_store %arg13[%swap3A], %swap3A_388 {strides = array<i32>} : memref<100096xf32, #tpu.memory_space<vmem>>, vector<16xf32>,
            %add3A_389 = arith.constant 16 : i32
            %add3A_390 = arith.addi %mul3A_378, %add3A_389 : i32
            %get3A_391 = arith.index_cast %add3A_390 : i32 to index
            %get3A_392 = tpu.vector_load %arg13[%get3A_391] {strides = array<i32>} : memref<100096xf32, #tpu.memory_space<vmem>>, vector<16xf32>,
            %get3A_393 = vector.shape_cast %get3A_392 : vector<16xf32> to vector<16xf32>
            %get3A_394 = arith.index_cast %add3A_368 : i32 to index
            %get3A_395 = arith.constant 16 : index
            %get3A_396 = tpu.vector_load %arg11[%get3A_394, %get3A_395] {strides = array<i32>} : memref<112x32xf32, #tpu.memory_space<vmem>>, vector<1x16xf32>,
            %get3A_397 = vector.shape_cast %get3A_396 : vector<1x16xf32> to vector<16xf32>
            %max3A_398 = arith.maximumf %get3A_393, %get3A_397 : vector<16xf32>
            %add3A_399 = arith.constant 16 : i32
            %add3A_400 = arith.addi %mul3A_378, %add3A_399 : i32
            %swap3A_401 = arith.index_cast %add3A_400 : i32 to index
            %swap3A_402 = tpu.vector_load %arg13[%swap3A_401] {strides = array<i32>} : memref<100096xf32, #tpu.memory_space<vmem>>, vector<16xf32>,
            %swap3A_403 = vector.shape_cast %swap3A_402 : vector<16xf32> to vector<16xf32>
            %swap3A_404 = vector.shape_cast %max3A_398 : vector<16xf32> to vector<16xf32>
            tpu.vector_store %arg13[%swap3A_401], %swap3A_404 {strides = array<i32>} : memref<100096xf32, #tpu.memory_space<vmem>>, vector<16xf32>,
          } else {
          }
        }
        %scan3A_125 = arith.constant 7 : i32
        %add3A_126 = arith.constant 2 : i32
        %add3A_127 = arith.addi %mul3A_101, %add3A_126 : i32
        %lt3A_128 = arith.cmpi slt, %add3A_127, %select_n3A : i32
        %convert_element_type3A_129 = arith.extui %lt3A_128 : i1 to i32
        %cond3A_130 = arith.constant 0 : i32
        %cond3A_131 = arith.cmpi ne, %convert_element_type3A_129, %cond3A_130 : i32
        scf.if %cond3A_131 {
          %add3A_132 = arith.constant 2 : i32
          %add3A_133 = arith.addi %mul3A_101, %add3A_132 : i32
          %mul3A_134 = arith.constant 112 : i32
          %mul3A_135 = arith.muli %add3A_133, %mul3A_134 : i32
          %add3A_136 = arith.addi %and3A_7, %mul3A_135 : i32
          %multiple_of3A_137 = tpu.assume_multiple %add3A_136, 8 : i32
          %dma_start3A = tpu.memref_slice %arg3[%multiple_of3A_137] : memref<1600112xi32, #tpu.memory_space<hbm>> -> memref<112xi32, #tpu.memory_space<hbm>>
          %dma_start3A_138 = tpu.memref_slice %arg3[%multiple_of3A_137] : memref<1600112xi32, #tpu.memory_space<hbm>> -> memref<112xi32, #tpu.memory_space<hbm>>
          tpu.enqueue_dma source(%dma_start3A_138 : memref<112xi32, #tpu.memory_space<hbm>>) target(%arg9 : memref<112xi32, #tpu.memory_space<vmem>>) target_semaphore(%arg14 : memref<!tpu.dma_semaphore, #tpu.memory_space<semaphore_mem>>)
          %dma_start3A_139 = arith.constant 0 : i32
          %dma_start3A_140 = tpu.memref_slice %arg2[%multiple_of3A_137, %dma_start3A_139] : memref<1600112x32xf32, #tpu.memory_space<hbm>> -> memref<112x32xf32, #tpu.memory_space<hbm>>
          %dma_start3A_141 = arith.constant 0 : i32
          %dma_start3A_142 = tpu.memref_slice %arg2[%multiple_of3A_137, %dma_start3A_141] : memref<1600112x32xf32, #tpu.memory_space<hbm>> -> memref<112x32xf32, #tpu.memory_space<hbm>>
          tpu.enqueue_dma source(%dma_start3A_142 : memref<112x32xf32, #tpu.memory_space<hbm>>) target(%arg11 : memref<112x32xf32, #tpu.memory_space<vmem>>) target_semaphore(%arg14 : memref<!tpu.dma_semaphore, #tpu.memory_space<semaphore_mem>>)
        } else {
        }
      } else {
      }
      %lt3A_107 = arith.cmpi slt, %add3A_103, %select_n3A : i32
      %convert_element_type3A_108 = arith.extui %lt3A_107 : i1 to i32
      %cond3A_109 = arith.constant 0 : i32
      %cond3A_110 = arith.cmpi ne, %convert_element_type3A_108, %cond3A_109 : i32
      scf.if %cond3A_110 {
        %dma_wait3A = arith.constant 0 : i32
        %dma_wait3A_111 = tpu.memref_slice %arg3[%dma_wait3A] : memref<1600112xi32, #tpu.memory_space<hbm>> -> memref<112xi32, #tpu.memory_space<hbm>>
        %dma_wait3A_112 = arith.constant 0 : i32
        %dma_wait3A_113 = tpu.memref_slice %arg3[%dma_wait3A_112] : memref<1600112xi32, #tpu.memory_space<hbm>> -> memref<112xi32, #tpu.memory_space<hbm>>
        tpu.wait_dma2 semaphore(%arg15 : memref<!tpu.dma_semaphore, #tpu.memory_space<semaphore_mem>>) src(%dma_wait3A_113 : memref<112xi32, #tpu.memory_space<hbm>>) dst(%arg10 : memref<112xi32, #tpu.memory_space<vmem>>)
        %dma_wait3A_114 = arith.constant 0 : i32
        %dma_wait3A_115 = arith.constant 0 : i32
        %dma_wait3A_116 = tpu.memref_slice %arg2[%dma_wait3A_114, %dma_wait3A_115] : memref<1600112x32xf32, #tpu.memory_space<hbm>> -> memref<112x32xf32, #tpu.memory_space<hbm>>
        %dma_wait3A_117 = arith.constant 0 : i32
        %dma_wait3A_118 = arith.constant 0 : i32
        %dma_wait3A_119 = tpu.memref_slice %arg2[%dma_wait3A_117, %dma_wait3A_118] : memref<1600112x32xf32, #tpu.memory_space<hbm>> -> memref<112x32xf32, #tpu.memory_space<hbm>>
        tpu.wait_dma2 semaphore(%arg15 : memref<!tpu.dma_semaphore, #tpu.memory_space<semaphore_mem>>) src(%dma_wait3A_119 : memref<112x32xf32, #tpu.memory_space<hbm>>) dst(%arg12 : memref<112x32xf32, #tpu.memory_space<vmem>>)
        %scan3A_120 = arith.constant 0 : i32
        %scan3A_121 = arith.constant 0 : i32
        %scan3A_122 = arith.constant 7 : i32
        %scan3A_123 = arith.addi %scan3A_121, %scan3A_122 : i32
        %scan3A_124 = arith.constant 1 : i32
        scf.for %scan3A_132 = %scan3A_121 to %scan3A_123 step %scan3A_124  : i32 {
          %mul3A_133 = arith.constant 16 : i32
          %mul3A_134 = arith.muli %scan3A_132, %mul3A_133 : i32
          %get3A_135 = arith.index_cast %mul3A_134 : i32 to index
          %get3A_136 = tpu.vector_load %arg10[%get3A_135] {strides = array<i32>} : memref<112xi32, #tpu.memory_space<vmem>>, vector<16xi32>,
          %get3A_137 = vector.shape_cast %get3A_136 : vector<16xi32> to vector<16xi32>
          %slice3A_138 = vector.extract_strided_slice %get3A_137 {offsets = [0], sizes = [1], strides = [1]} : vector<16xi32> to vector<1xi32>
          %squeeze3A_139 = vector.extract %slice3A_138[0] : i32 from vector<1xi32>
          %sub3A_140 = arith.subi %squeeze3A_139, %multiple_of3A : i32
          %mul3A_141 = arith.constant 16 : i32
          %mul3A_142 = arith.muli %scan3A_132, %mul3A_141 : i32
          %add3A_143 = arith.constant 0 : i32
          %add3A_144 = arith.addi %mul3A_142, %add3A_143 : i32
          %ge3A = arith.constant 0 : i32
          %ge3A_145 = arith.cmpi sge, %sub3A_140, %ge3A : i32
          %lt3A_146 = arith.constant 3128 : i32
          %lt3A_147 = arith.cmpi slt, %sub3A_140, %lt3A_146 : i32
          %and3A_148 = arith.andi %ge3A_145, %lt3A_147 : i1
          %convert_element_type3A_149 = arith.extui %and3A_148 : i1 to i32
          %cond3A_150 = arith.constant 0 : i32
          %cond3A_151 = arith.cmpi ne, %convert_element_type3A_149, %cond3A_150 : i32
          scf.if %cond3A_151 {
            %mul3A_377 = arith.constant 32 : i32
            %mul3A_378 = arith.muli %sub3A_140, %mul3A_377 : i32
            %get3A_379 = arith.index_cast %mul3A_378 : i32 to index
            %get3A_380 = tpu.vector_load %arg13[%get3A_379] {strides = array<i32>} : memref<100096xf32, #tpu.memory_space<vmem>>, vector<16xf32>,
            %get3A_381 = vector.shape_cast %get3A_380 : vector<16xf32> to vector<16xf32>
            %get3A_382 = arith.index_cast %add3A_144 : i32 to index
            %get3A_383 = arith.constant 0 : index
            %get3A_384 = tpu.vector_load %arg12[%get3A_382, %get3A_383] {strides = array<i32>} : memref<112x32xf32, #tpu.memory_space<vmem>>, vector<1x16xf32>,
            %get3A_385 = vector.shape_cast %get3A_384 : vector<1x16xf32> to vector<16xf32>
            %max3A = arith.maximumf %get3A_381, %get3A_385 : vector<16xf32>
            %swap3A = arith.index_cast %mul3A_378 : i32 to index
            %swap3A_386 = tpu.vector_load %arg13[%swap3A] {strides = array<i32>} : memref<100096xf32, #tpu.memory_space<vmem>>, vector<16xf32>,
            %swap3A_387 = vector.shape_cast %swap3A_386 : vector<16xf32> to vector<16xf32>
            %swap3A_388 = vector.shape_cast %max3A : vector<16xf32> to vector<16xf32>
            tpu.vector_store %arg13[%swap3A], %swap3A_388 {strides = array<i32>} : memref<100096xf32, #tpu.memory_space<vmem>>, vector<16xf32>,
            %add3A_389 = arith.constant 16 : i32
            %add3A_390 = arith.addi %mul3A_378, %add3A_389 : i32
            %get3A_391 = arith.index_cast %add3A_390 : i32 to index
            %get3A_392 = tpu.vector_load %arg13[%get3A_391] {strides = array<i32>} : memref<100096xf32, #tpu.memory_space<vmem>>, vector<16xf32>,
            %get3A_393 = vector.shape_cast %get3A_392 : vector<16xf32> to vector<16xf32>
            %get3A_394 = arith.index_cast %add3A_144 : i32 to index
            %get3A_395 = arith.constant 16 : index
            %get3A_396 = tpu.vector_load %arg12[%get3A_394, %get3A_395] {strides = array<i32>} : memref<112x32xf32, #tpu.memory_space<vmem>>, vector<1x16xf32>,
            %get3A_397 = vector.shape_cast %get3A_396 : vector<1x16xf32> to vector<16xf32>
            %max3A_398 = arith.maximumf %get3A_393, %get3A_397 : vector<16xf32>
            %add3A_399 = arith.constant 16 : i32
            %add3A_400 = arith.addi %mul3A_378, %add3A_399 : i32
            %swap3A_401 = arith.index_cast %add3A_400 : i32 to index
            %swap3A_402 = tpu.vector_load %arg13[%swap3A_401] {strides = array<i32>} : memref<100096xf32, #tpu.memory_space<vmem>>, vector<16xf32>,
            %swap3A_403 = vector.shape_cast %swap3A_402 : vector<16xf32> to vector<16xf32>
            %swap3A_404 = vector.shape_cast %max3A_398 : vector<16xf32> to vector<16xf32>
            tpu.vector_store %arg13[%swap3A_401], %swap3A_404 {strides = array<i32>} : memref<100096xf32, #tpu.memory_space<vmem>>, vector<16xf32>,
          } else {
          }
          %slice3A_152 = vector.extract_strided_slice %get3A_137 {offsets = [1], sizes = [1], strides = [1]} : vector<16xi32> to vector<1xi32>
          %squeeze3A_153 = vector.extract %slice3A_152[0] : i32 from vector<1xi32>
          %sub3A_154 = arith.subi %squeeze3A_153, %multiple_of3A : i32
          %mul3A_155 = arith.constant 16 : i32
          %mul3A_156 = arith.muli %scan3A_132, %mul3A_155 : i32
          %add3A_157 = arith.constant 1 : i32
          %add3A_158 = arith.addi %mul3A_156, %add3A_157 : i32
          %ge3A_159 = arith.constant 0 : i32
          %ge3A_160 = arith.cmpi sge, %sub3A_154, %ge3A_159 : i32
          %lt3A_161 = arith.constant 3128 : i32
          %lt3A_162 = arith.cmpi slt, %sub3A_154, %lt3A_161 : i32
          %and3A_163 = arith.andi %ge3A_160, %lt3A_162 : i1
          %convert_element_type3A_164 = arith.extui %and3A_163 : i1 to i32
          %cond3A_165 = arith.constant 0 : i32
          %cond3A_166 = arith.cmpi ne, %convert_element_type3A_164, %cond3A_165 : i32
          scf.if %cond3A_166 {
            %mul3A_377 = arith.constant 32 : i32
            %mul3A_378 = arith.muli %sub3A_154, %mul3A_377 : i32
            %get3A_379 = arith.index_cast %mul3A_378 : i32 to index
            %get3A_380 = tpu.vector_load %arg13[%get3A_379] {strides = array<i32>} : memref<100096xf32, #tpu.memory_space<vmem>>, vector<16xf32>,
            %get3A_381 = vector.shape_cast %get3A_380 : vector<16xf32> to vector<16xf32>
            %get3A_382 = arith.index_cast %add3A_158 : i32 to index
            %get3A_383 = arith.constant 0 : index
            %get3A_384 = tpu.vector_load %arg12[%get3A_382, %get3A_383] {strides = array<i32>} : memref<112x32xf32, #tpu.memory_space<vmem>>, vector<1x16xf32>,
            %get3A_385 = vector.shape_cast %get3A_384 : vector<1x16xf32> to vector<16xf32>
            %max3A = arith.maximumf %get3A_381, %get3A_385 : vector<16xf32>
            %swap3A = arith.index_cast %mul3A_378 : i32 to index
            %swap3A_386 = tpu.vector_load %arg13[%swap3A] {strides = array<i32>} : memref<100096xf32, #tpu.memory_space<vmem>>, vector<16xf32>,
            %swap3A_387 = vector.shape_cast %swap3A_386 : vector<16xf32> to vector<16xf32>
            %swap3A_388 = vector.shape_cast %max3A : vector<16xf32> to vector<16xf32>
            tpu.vector_store %arg13[%swap3A], %swap3A_388 {strides = array<i32>} : memref<100096xf32, #tpu.memory_space<vmem>>, vector<16xf32>,
            %add3A_389 = arith.constant 16 : i32
            %add3A_390 = arith.addi %mul3A_378, %add3A_389 : i32
            %get3A_391 = arith.index_cast %add3A_390 : i32 to index
            %get3A_392 = tpu.vector_load %arg13[%get3A_391] {strides = array<i32>} : memref<100096xf32, #tpu.memory_space<vmem>>, vector<16xf32>,
            %get3A_393 = vector.shape_cast %get3A_392 : vector<16xf32> to vector<16xf32>
            %get3A_394 = arith.index_cast %add3A_158 : i32 to index
            %get3A_395 = arith.constant 16 : index
            %get3A_396 = tpu.vector_load %arg12[%get3A_394, %get3A_395] {strides = array<i32>} : memref<112x32xf32, #tpu.memory_space<vmem>>, vector<1x16xf32>,
            %get3A_397 = vector.shape_cast %get3A_396 : vector<1x16xf32> to vector<16xf32>
            %max3A_398 = arith.maximumf %get3A_393, %get3A_397 : vector<16xf32>
            %add3A_399 = arith.constant 16 : i32
            %add3A_400 = arith.addi %mul3A_378, %add3A_399 : i32
            %swap3A_401 = arith.index_cast %add3A_400 : i32 to index
            %swap3A_402 = tpu.vector_load %arg13[%swap3A_401] {strides = array<i32>} : memref<100096xf32, #tpu.memory_space<vmem>>, vector<16xf32>,
            %swap3A_403 = vector.shape_cast %swap3A_402 : vector<16xf32> to vector<16xf32>
            %swap3A_404 = vector.shape_cast %max3A_398 : vector<16xf32> to vector<16xf32>
            tpu.vector_store %arg13[%swap3A_401], %swap3A_404 {strides = array<i32>} : memref<100096xf32, #tpu.memory_space<vmem>>, vector<16xf32>,
          } else {
          }
          %slice3A_167 = vector.extract_strided_slice %get3A_137 {offsets = [2], sizes = [1], strides = [1]} : vector<16xi32> to vector<1xi32>
          %squeeze3A_168 = vector.extract %slice3A_167[0] : i32 from vector<1xi32>
          %sub3A_169 = arith.subi %squeeze3A_168, %multiple_of3A : i32
          %mul3A_170 = arith.constant 16 : i32
          %mul3A_171 = arith.muli %scan3A_132, %mul3A_170 : i32
          %add3A_172 = arith.constant 2 : i32
          %add3A_173 = arith.addi %mul3A_171, %add3A_172 : i32
          %ge3A_174 = arith.constant 0 : i32
          %ge3A_175 = arith.cmpi sge, %sub3A_169, %ge3A_174 : i32
          %lt3A_176 = arith.constant 3128 : i32
          %lt3A_177 = arith.cmpi slt, %sub3A_169, %lt3A_176 : i32
          %and3A_178 = arith.andi %ge3A_175, %lt3A_177 : i1
          %convert_element_type3A_179 = arith.extui %and3A_178 : i1 to i32
          %cond3A_180 = arith.constant 0 : i32
          %cond3A_181 = arith.cmpi ne, %convert_element_type3A_179, %cond3A_180 : i32
          scf.if %cond3A_181 {
            %mul3A_377 = arith.constant 32 : i32
            %mul3A_378 = arith.muli %sub3A_169, %mul3A_377 : i32
            %get3A_379 = arith.index_cast %mul3A_378 : i32 to index
            %get3A_380 = tpu.vector_load %arg13[%get3A_379] {strides = array<i32>} : memref<100096xf32, #tpu.memory_space<vmem>>, vector<16xf32>,
            %get3A_381 = vector.shape_cast %get3A_380 : vector<16xf32> to vector<16xf32>
            %get3A_382 = arith.index_cast %add3A_173 : i32 to index
            %get3A_383 = arith.constant 0 : index
            %get3A_384 = tpu.vector_load %arg12[%get3A_382, %get3A_383] {strides = array<i32>} : memref<112x32xf32, #tpu.memory_space<vmem>>, vector<1x16xf32>,
            %get3A_385 = vector.shape_cast %get3A_384 : vector<1x16xf32> to vector<16xf32>
            %max3A = arith.maximumf %get3A_381, %get3A_385 : vector<16xf32>
            %swap3A = arith.index_cast %mul3A_378 : i32 to index
            %swap3A_386 = tpu.vector_load %arg13[%swap3A] {strides = array<i32>} : memref<100096xf32, #tpu.memory_space<vmem>>, vector<16xf32>,
            %swap3A_387 = vector.shape_cast %swap3A_386 : vector<16xf32> to vector<16xf32>
            %swap3A_388 = vector.shape_cast %max3A : vector<16xf32> to vector<16xf32>
            tpu.vector_store %arg13[%swap3A], %swap3A_388 {strides = array<i32>} : memref<100096xf32, #tpu.memory_space<vmem>>, vector<16xf32>,
            %add3A_389 = arith.constant 16 : i32
            %add3A_390 = arith.addi %mul3A_378, %add3A_389 : i32
            %get3A_391 = arith.index_cast %add3A_390 : i32 to index
            %get3A_392 = tpu.vector_load %arg13[%get3A_391] {strides = array<i32>} : memref<100096xf32, #tpu.memory_space<vmem>>, vector<16xf32>,
            %get3A_393 = vector.shape_cast %get3A_392 : vector<16xf32> to vector<16xf32>
            %get3A_394 = arith.index_cast %add3A_173 : i32 to index
            %get3A_395 = arith.constant 16 : index
            %get3A_396 = tpu.vector_load %arg12[%get3A_394, %get3A_395] {strides = array<i32>} : memref<112x32xf32, #tpu.memory_space<vmem>>, vector<1x16xf32>,
            %get3A_397 = vector.shape_cast %get3A_396 : vector<1x16xf32> to vector<16xf32>
            %max3A_398 = arith.maximumf %get3A_393, %get3A_397 : vector<16xf32>
            %add3A_399 = arith.constant 16 : i32
            %add3A_400 = arith.addi %mul3A_378, %add3A_399 : i32
            %swap3A_401 = arith.index_cast %add3A_400 : i32 to index
            %swap3A_402 = tpu.vector_load %arg13[%swap3A_401] {strides = array<i32>} : memref<100096xf32, #tpu.memory_space<vmem>>, vector<16xf32>,
            %swap3A_403 = vector.shape_cast %swap3A_402 : vector<16xf32> to vector<16xf32>
            %swap3A_404 = vector.shape_cast %max3A_398 : vector<16xf32> to vector<16xf32>
            tpu.vector_store %arg13[%swap3A_401], %swap3A_404 {strides = array<i32>} : memref<100096xf32, #tpu.memory_space<vmem>>, vector<16xf32>,
          } else {
          }
          %slice3A_182 = vector.extract_strided_slice %get3A_137 {offsets = [3], sizes = [1], strides = [1]} : vector<16xi32> to vector<1xi32>
          %squeeze3A_183 = vector.extract %slice3A_182[0] : i32 from vector<1xi32>
          %sub3A_184 = arith.subi %squeeze3A_183, %multiple_of3A : i32
          %mul3A_185 = arith.constant 16 : i32
          %mul3A_186 = arith.muli %scan3A_132, %mul3A_185 : i32
          %add3A_187 = arith.constant 3 : i32
          %add3A_188 = arith.addi %mul3A_186, %add3A_187 : i32
          %ge3A_189 = arith.constant 0 : i32
          %ge3A_190 = arith.cmpi sge, %sub3A_184, %ge3A_189 : i32
          %lt3A_191 = arith.constant 3128 : i32
          %lt3A_192 = arith.cmpi slt, %sub3A_184, %lt3A_191 : i32
          %and3A_193 = arith.andi %ge3A_190, %lt3A_192 : i1
          %convert_element_type3A_194 = arith.extui %and3A_193 : i1 to i32
          %cond3A_195 = arith.constant 0 : i32
          %cond3A_196 = arith.cmpi ne, %convert_element_type3A_194, %cond3A_195 : i32
          scf.if %cond3A_196 {
            %mul3A_377 = arith.constant 32 : i32
            %mul3A_378 = arith.muli %sub3A_184, %mul3A_377 : i32
            %get3A_379 = arith.index_cast %mul3A_378 : i32 to index
            %get3A_380 = tpu.vector_load %arg13[%get3A_379] {strides = array<i32>} : memref<100096xf32, #tpu.memory_space<vmem>>, vector<16xf32>,
            %get3A_381 = vector.shape_cast %get3A_380 : vector<16xf32> to vector<16xf32>
            %get3A_382 = arith.index_cast %add3A_188 : i32 to index
            %get3A_383 = arith.constant 0 : index
            %get3A_384 = tpu.vector_load %arg12[%get3A_382, %get3A_383] {strides = array<i32>} : memref<112x32xf32, #tpu.memory_space<vmem>>, vector<1x16xf32>,
            %get3A_385 = vector.shape_cast %get3A_384 : vector<1x16xf32> to vector<16xf32>
            %max3A = arith.maximumf %get3A_381, %get3A_385 : vector<16xf32>
            %swap3A = arith.index_cast %mul3A_378 : i32 to index
            %swap3A_386 = tpu.vector_load %arg13[%swap3A] {strides = array<i32>} : memref<100096xf32, #tpu.memory_space<vmem>>, vector<16xf32>,
            %swap3A_387 = vector.shape_cast %swap3A_386 : vector<16xf32> to vector<16xf32>
            %swap3A_388 = vector.shape_cast %max3A : vector<16xf32> to vector<16xf32>
            tpu.vector_store %arg13[%swap3A], %swap3A_388 {strides = array<i32>} : memref<100096xf32, #tpu.memory_space<vmem>>, vector<16xf32>,
            %add3A_389 = arith.constant 16 : i32
            %add3A_390 = arith.addi %mul3A_378, %add3A_389 : i32
            %get3A_391 = arith.index_cast %add3A_390 : i32 to index
            %get3A_392 = tpu.vector_load %arg13[%get3A_391] {strides = array<i32>} : memref<100096xf32, #tpu.memory_space<vmem>>, vector<16xf32>,
            %get3A_393 = vector.shape_cast %get3A_392 : vector<16xf32> to vector<16xf32>
            %get3A_394 = arith.index_cast %add3A_188 : i32 to index
            %get3A_395 = arith.constant 16 : index
            %get3A_396 = tpu.vector_load %arg12[%get3A_394, %get3A_395] {strides = array<i32>} : memref<112x32xf32, #tpu.memory_space<vmem>>, vector<1x16xf32>,
            %get3A_397 = vector.shape_cast %get3A_396 : vector<1x16xf32> to vector<16xf32>
            %max3A_398 = arith.maximumf %get3A_393, %get3A_397 : vector<16xf32>
            %add3A_399 = arith.constant 16 : i32
            %add3A_400 = arith.addi %mul3A_378, %add3A_399 : i32
            %swap3A_401 = arith.index_cast %add3A_400 : i32 to index
            %swap3A_402 = tpu.vector_load %arg13[%swap3A_401] {strides = array<i32>} : memref<100096xf32, #tpu.memory_space<vmem>>, vector<16xf32>,
            %swap3A_403 = vector.shape_cast %swap3A_402 : vector<16xf32> to vector<16xf32>
            %swap3A_404 = vector.shape_cast %max3A_398 : vector<16xf32> to vector<16xf32>
            tpu.vector_store %arg13[%swap3A_401], %swap3A_404 {strides = array<i32>} : memref<100096xf32, #tpu.memory_space<vmem>>, vector<16xf32>,
          } else {
          }
          %slice3A_197 = vector.extract_strided_slice %get3A_137 {offsets = [4], sizes = [1], strides = [1]} : vector<16xi32> to vector<1xi32>
          %squeeze3A_198 = vector.extract %slice3A_197[0] : i32 from vector<1xi32>
          %sub3A_199 = arith.subi %squeeze3A_198, %multiple_of3A : i32
          %mul3A_200 = arith.constant 16 : i32
          %mul3A_201 = arith.muli %scan3A_132, %mul3A_200 : i32
          %add3A_202 = arith.constant 4 : i32
          %add3A_203 = arith.addi %mul3A_201, %add3A_202 : i32
          %ge3A_204 = arith.constant 0 : i32
          %ge3A_205 = arith.cmpi sge, %sub3A_199, %ge3A_204 : i32
          %lt3A_206 = arith.constant 3128 : i32
          %lt3A_207 = arith.cmpi slt, %sub3A_199, %lt3A_206 : i32
          %and3A_208 = arith.andi %ge3A_205, %lt3A_207 : i1
          %convert_element_type3A_209 = arith.extui %and3A_208 : i1 to i32
          %cond3A_210 = arith.constant 0 : i32
          %cond3A_211 = arith.cmpi ne, %convert_element_type3A_209, %cond3A_210 : i32
          scf.if %cond3A_211 {
            %mul3A_377 = arith.constant 32 : i32
            %mul3A_378 = arith.muli %sub3A_199, %mul3A_377 : i32
            %get3A_379 = arith.index_cast %mul3A_378 : i32 to index
            %get3A_380 = tpu.vector_load %arg13[%get3A_379] {strides = array<i32>} : memref<100096xf32, #tpu.memory_space<vmem>>, vector<16xf32>,
            %get3A_381 = vector.shape_cast %get3A_380 : vector<16xf32> to vector<16xf32>
            %get3A_382 = arith.index_cast %add3A_203 : i32 to index
            %get3A_383 = arith.constant 0 : index
            %get3A_384 = tpu.vector_load %arg12[%get3A_382, %get3A_383] {strides = array<i32>} : memref<112x32xf32, #tpu.memory_space<vmem>>, vector<1x16xf32>,
            %get3A_385 = vector.shape_cast %get3A_384 : vector<1x16xf32> to vector<16xf32>
            %max3A = arith.maximumf %get3A_381, %get3A_385 : vector<16xf32>
            %swap3A = arith.index_cast %mul3A_378 : i32 to index
            %swap3A_386 = tpu.vector_load %arg13[%swap3A] {strides = array<i32>} : memref<100096xf32, #tpu.memory_space<vmem>>, vector<16xf32>,
            %swap3A_387 = vector.shape_cast %swap3A_386 : vector<16xf32> to vector<16xf32>
            %swap3A_388 = vector.shape_cast %max3A : vector<16xf32> to vector<16xf32>
            tpu.vector_store %arg13[%swap3A], %swap3A_388 {strides = array<i32>} : memref<100096xf32, #tpu.memory_space<vmem>>, vector<16xf32>,
            %add3A_389 = arith.constant 16 : i32
            %add3A_390 = arith.addi %mul3A_378, %add3A_389 : i32
            %get3A_391 = arith.index_cast %add3A_390 : i32 to index
            %get3A_392 = tpu.vector_load %arg13[%get3A_391] {strides = array<i32>} : memref<100096xf32, #tpu.memory_space<vmem>>, vector<16xf32>,
            %get3A_393 = vector.shape_cast %get3A_392 : vector<16xf32> to vector<16xf32>
            %get3A_394 = arith.index_cast %add3A_203 : i32 to index
            %get3A_395 = arith.constant 16 : index
            %get3A_396 = tpu.vector_load %arg12[%get3A_394, %get3A_395] {strides = array<i32>} : memref<112x32xf32, #tpu.memory_space<vmem>>, vector<1x16xf32>,
            %get3A_397 = vector.shape_cast %get3A_396 : vector<1x16xf32> to vector<16xf32>
            %max3A_398 = arith.maximumf %get3A_393, %get3A_397 : vector<16xf32>
            %add3A_399 = arith.constant 16 : i32
            %add3A_400 = arith.addi %mul3A_378, %add3A_399 : i32
            %swap3A_401 = arith.index_cast %add3A_400 : i32 to index
            %swap3A_402 = tpu.vector_load %arg13[%swap3A_401] {strides = array<i32>} : memref<100096xf32, #tpu.memory_space<vmem>>, vector<16xf32>,
            %swap3A_403 = vector.shape_cast %swap3A_402 : vector<16xf32> to vector<16xf32>
            %swap3A_404 = vector.shape_cast %max3A_398 : vector<16xf32> to vector<16xf32>
            tpu.vector_store %arg13[%swap3A_401], %swap3A_404 {strides = array<i32>} : memref<100096xf32, #tpu.memory_space<vmem>>, vector<16xf32>,
          } else {
          }
          %slice3A_212 = vector.extract_strided_slice %get3A_137 {offsets = [5], sizes = [1], strides = [1]} : vector<16xi32> to vector<1xi32>
          %squeeze3A_213 = vector.extract %slice3A_212[0] : i32 from vector<1xi32>
          %sub3A_214 = arith.subi %squeeze3A_213, %multiple_of3A : i32
          %mul3A_215 = arith.constant 16 : i32
          %mul3A_216 = arith.muli %scan3A_132, %mul3A_215 : i32
          %add3A_217 = arith.constant 5 : i32
          %add3A_218 = arith.addi %mul3A_216, %add3A_217 : i32
          %ge3A_219 = arith.constant 0 : i32
          %ge3A_220 = arith.cmpi sge, %sub3A_214, %ge3A_219 : i32
          %lt3A_221 = arith.constant 3128 : i32
          %lt3A_222 = arith.cmpi slt, %sub3A_214, %lt3A_221 : i32
          %and3A_223 = arith.andi %ge3A_220, %lt3A_222 : i1
          %convert_element_type3A_224 = arith.extui %and3A_223 : i1 to i32
          %cond3A_225 = arith.constant 0 : i32
          %cond3A_226 = arith.cmpi ne, %convert_element_type3A_224, %cond3A_225 : i32
          scf.if %cond3A_226 {
            %mul3A_377 = arith.constant 32 : i32
            %mul3A_378 = arith.muli %sub3A_214, %mul3A_377 : i32
            %get3A_379 = arith.index_cast %mul3A_378 : i32 to index
            %get3A_380 = tpu.vector_load %arg13[%get3A_379] {strides = array<i32>} : memref<100096xf32, #tpu.memory_space<vmem>>, vector<16xf32>,
            %get3A_381 = vector.shape_cast %get3A_380 : vector<16xf32> to vector<16xf32>
            %get3A_382 = arith.index_cast %add3A_218 : i32 to index
            %get3A_383 = arith.constant 0 : index
            %get3A_384 = tpu.vector_load %arg12[%get3A_382, %get3A_383] {strides = array<i32>} : memref<112x32xf32, #tpu.memory_space<vmem>>, vector<1x16xf32>,
            %get3A_385 = vector.shape_cast %get3A_384 : vector<1x16xf32> to vector<16xf32>
            %max3A = arith.maximumf %get3A_381, %get3A_385 : vector<16xf32>
            %swap3A = arith.index_cast %mul3A_378 : i32 to index
            %swap3A_386 = tpu.vector_load %arg13[%swap3A] {strides = array<i32>} : memref<100096xf32, #tpu.memory_space<vmem>>, vector<16xf32>,
            %swap3A_387 = vector.shape_cast %swap3A_386 : vector<16xf32> to vector<16xf32>
            %swap3A_388 = vector.shape_cast %max3A : vector<16xf32> to vector<16xf32>
            tpu.vector_store %arg13[%swap3A], %swap3A_388 {strides = array<i32>} : memref<100096xf32, #tpu.memory_space<vmem>>, vector<16xf32>,
            %add3A_389 = arith.constant 16 : i32
            %add3A_390 = arith.addi %mul3A_378, %add3A_389 : i32
            %get3A_391 = arith.index_cast %add3A_390 : i32 to index
            %get3A_392 = tpu.vector_load %arg13[%get3A_391] {strides = array<i32>} : memref<100096xf32, #tpu.memory_space<vmem>>, vector<16xf32>,
            %get3A_393 = vector.shape_cast %get3A_392 : vector<16xf32> to vector<16xf32>
            %get3A_394 = arith.index_cast %add3A_218 : i32 to index
            %get3A_395 = arith.constant 16 : index
            %get3A_396 = tpu.vector_load %arg12[%get3A_394, %get3A_395] {strides = array<i32>} : memref<112x32xf32, #tpu.memory_space<vmem>>, vector<1x16xf32>,
            %get3A_397 = vector.shape_cast %get3A_396 : vector<1x16xf32> to vector<16xf32>
            %max3A_398 = arith.maximumf %get3A_393, %get3A_397 : vector<16xf32>
            %add3A_399 = arith.constant 16 : i32
            %add3A_400 = arith.addi %mul3A_378, %add3A_399 : i32
            %swap3A_401 = arith.index_cast %add3A_400 : i32 to index
            %swap3A_402 = tpu.vector_load %arg13[%swap3A_401] {strides = array<i32>} : memref<100096xf32, #tpu.memory_space<vmem>>, vector<16xf32>,
            %swap3A_403 = vector.shape_cast %swap3A_402 : vector<16xf32> to vector<16xf32>
            %swap3A_404 = vector.shape_cast %max3A_398 : vector<16xf32> to vector<16xf32>
            tpu.vector_store %arg13[%swap3A_401], %swap3A_404 {strides = array<i32>} : memref<100096xf32, #tpu.memory_space<vmem>>, vector<16xf32>,
          } else {
          }
          %slice3A_227 = vector.extract_strided_slice %get3A_137 {offsets = [6], sizes = [1], strides = [1]} : vector<16xi32> to vector<1xi32>
          %squeeze3A_228 = vector.extract %slice3A_227[0] : i32 from vector<1xi32>
          %sub3A_229 = arith.subi %squeeze3A_228, %multiple_of3A : i32
          %mul3A_230 = arith.constant 16 : i32
          %mul3A_231 = arith.muli %scan3A_132, %mul3A_230 : i32
          %add3A_232 = arith.constant 6 : i32
          %add3A_233 = arith.addi %mul3A_231, %add3A_232 : i32
          %ge3A_234 = arith.constant 0 : i32
          %ge3A_235 = arith.cmpi sge, %sub3A_229, %ge3A_234 : i32
          %lt3A_236 = arith.constant 3128 : i32
          %lt3A_237 = arith.cmpi slt, %sub3A_229, %lt3A_236 : i32
          %and3A_238 = arith.andi %ge3A_235, %lt3A_237 : i1
          %convert_element_type3A_239 = arith.extui %and3A_238 : i1 to i32
          %cond3A_240 = arith.constant 0 : i32
          %cond3A_241 = arith.cmpi ne, %convert_element_type3A_239, %cond3A_240 : i32
          scf.if %cond3A_241 {
            %mul3A_377 = arith.constant 32 : i32
            %mul3A_378 = arith.muli %sub3A_229, %mul3A_377 : i32
            %get3A_379 = arith.index_cast %mul3A_378 : i32 to index
            %get3A_380 = tpu.vector_load %arg13[%get3A_379] {strides = array<i32>} : memref<100096xf32, #tpu.memory_space<vmem>>, vector<16xf32>,
            %get3A_381 = vector.shape_cast %get3A_380 : vector<16xf32> to vector<16xf32>
            %get3A_382 = arith.index_cast %add3A_233 : i32 to index
            %get3A_383 = arith.constant 0 : index
            %get3A_384 = tpu.vector_load %arg12[%get3A_382, %get3A_383] {strides = array<i32>} : memref<112x32xf32, #tpu.memory_space<vmem>>, vector<1x16xf32>,
            %get3A_385 = vector.shape_cast %get3A_384 : vector<1x16xf32> to vector<16xf32>
            %max3A = arith.maximumf %get3A_381, %get3A_385 : vector<16xf32>
            %swap3A = arith.index_cast %mul3A_378 : i32 to index
            %swap3A_386 = tpu.vector_load %arg13[%swap3A] {strides = array<i32>} : memref<100096xf32, #tpu.memory_space<vmem>>, vector<16xf32>,
            %swap3A_387 = vector.shape_cast %swap3A_386 : vector<16xf32> to vector<16xf32>
            %swap3A_388 = vector.shape_cast %max3A : vector<16xf32> to vector<16xf32>
            tpu.vector_store %arg13[%swap3A], %swap3A_388 {strides = array<i32>} : memref<100096xf32, #tpu.memory_space<vmem>>, vector<16xf32>,
            %add3A_389 = arith.constant 16 : i32
            %add3A_390 = arith.addi %mul3A_378, %add3A_389 : i32
            %get3A_391 = arith.index_cast %add3A_390 : i32 to index
            %get3A_392 = tpu.vector_load %arg13[%get3A_391] {strides = array<i32>} : memref<100096xf32, #tpu.memory_space<vmem>>, vector<16xf32>,
            %get3A_393 = vector.shape_cast %get3A_392 : vector<16xf32> to vector<16xf32>
            %get3A_394 = arith.index_cast %add3A_233 : i32 to index
            %get3A_395 = arith.constant 16 : index
            %get3A_396 = tpu.vector_load %arg12[%get3A_394, %get3A_395] {strides = array<i32>} : memref<112x32xf32, #tpu.memory_space<vmem>>, vector<1x16xf32>,
            %get3A_397 = vector.shape_cast %get3A_396 : vector<1x16xf32> to vector<16xf32>
            %max3A_398 = arith.maximumf %get3A_393, %get3A_397 : vector<16xf32>
            %add3A_399 = arith.constant 16 : i32
            %add3A_400 = arith.addi %mul3A_378, %add3A_399 : i32
            %swap3A_401 = arith.index_cast %add3A_400 : i32 to index
            %swap3A_402 = tpu.vector_load %arg13[%swap3A_401] {strides = array<i32>} : memref<100096xf32, #tpu.memory_space<vmem>>, vector<16xf32>,
            %swap3A_403 = vector.shape_cast %swap3A_402 : vector<16xf32> to vector<16xf32>
            %swap3A_404 = vector.shape_cast %max3A_398 : vector<16xf32> to vector<16xf32>
            tpu.vector_store %arg13[%swap3A_401], %swap3A_404 {strides = array<i32>} : memref<100096xf32, #tpu.memory_space<vmem>>, vector<16xf32>,
          } else {
          }
          %slice3A_242 = vector.extract_strided_slice %get3A_137 {offsets = [7], sizes = [1], strides = [1]} : vector<16xi32> to vector<1xi32>
          %squeeze3A_243 = vector.extract %slice3A_242[0] : i32 from vector<1xi32>
          %sub3A_244 = arith.subi %squeeze3A_243, %multiple_of3A : i32
          %mul3A_245 = arith.constant 16 : i32
          %mul3A_246 = arith.muli %scan3A_132, %mul3A_245 : i32
          %add3A_247 = arith.constant 7 : i32
          %add3A_248 = arith.addi %mul3A_246, %add3A_247 : i32
          %ge3A_249 = arith.constant 0 : i32
          %ge3A_250 = arith.cmpi sge, %sub3A_244, %ge3A_249 : i32
          %lt3A_251 = arith.constant 3128 : i32
          %lt3A_252 = arith.cmpi slt, %sub3A_244, %lt3A_251 : i32
          %and3A_253 = arith.andi %ge3A_250, %lt3A_252 : i1
          %convert_element_type3A_254 = arith.extui %and3A_253 : i1 to i32
          %cond3A_255 = arith.constant 0 : i32
          %cond3A_256 = arith.cmpi ne, %convert_element_type3A_254, %cond3A_255 : i32
          scf.if %cond3A_256 {
            %mul3A_377 = arith.constant 32 : i32
            %mul3A_378 = arith.muli %sub3A_244, %mul3A_377 : i32
            %get3A_379 = arith.index_cast %mul3A_378 : i32 to index
            %get3A_380 = tpu.vector_load %arg13[%get3A_379] {strides = array<i32>} : memref<100096xf32, #tpu.memory_space<vmem>>, vector<16xf32>,
            %get3A_381 = vector.shape_cast %get3A_380 : vector<16xf32> to vector<16xf32>
            %get3A_382 = arith.index_cast %add3A_248 : i32 to index
            %get3A_383 = arith.constant 0 : index
            %get3A_384 = tpu.vector_load %arg12[%get3A_382, %get3A_383] {strides = array<i32>} : memref<112x32xf32, #tpu.memory_space<vmem>>, vector<1x16xf32>,
            %get3A_385 = vector.shape_cast %get3A_384 : vector<1x16xf32> to vector<16xf32>
            %max3A = arith.maximumf %get3A_381, %get3A_385 : vector<16xf32>
            %swap3A = arith.index_cast %mul3A_378 : i32 to index
            %swap3A_386 = tpu.vector_load %arg13[%swap3A] {strides = array<i32>} : memref<100096xf32, #tpu.memory_space<vmem>>, vector<16xf32>,
            %swap3A_387 = vector.shape_cast %swap3A_386 : vector<16xf32> to vector<16xf32>
            %swap3A_388 = vector.shape_cast %max3A : vector<16xf32> to vector<16xf32>
            tpu.vector_store %arg13[%swap3A], %swap3A_388 {strides = array<i32>} : memref<100096xf32, #tpu.memory_space<vmem>>, vector<16xf32>,
            %add3A_389 = arith.constant 16 : i32
            %add3A_390 = arith.addi %mul3A_378, %add3A_389 : i32
            %get3A_391 = arith.index_cast %add3A_390 : i32 to index
            %get3A_392 = tpu.vector_load %arg13[%get3A_391] {strides = array<i32>} : memref<100096xf32, #tpu.memory_space<vmem>>, vector<16xf32>,
            %get3A_393 = vector.shape_cast %get3A_392 : vector<16xf32> to vector<16xf32>
            %get3A_394 = arith.index_cast %add3A_248 : i32 to index
            %get3A_395 = arith.constant 16 : index
            %get3A_396 = tpu.vector_load %arg12[%get3A_394, %get3A_395] {strides = array<i32>} : memref<112x32xf32, #tpu.memory_space<vmem>>, vector<1x16xf32>,
            %get3A_397 = vector.shape_cast %get3A_396 : vector<1x16xf32> to vector<16xf32>
            %max3A_398 = arith.maximumf %get3A_393, %get3A_397 : vector<16xf32>
            %add3A_399 = arith.constant 16 : i32
            %add3A_400 = arith.addi %mul3A_378, %add3A_399 : i32
            %swap3A_401 = arith.index_cast %add3A_400 : i32 to index
            %swap3A_402 = tpu.vector_load %arg13[%swap3A_401] {strides = array<i32>} : memref<100096xf32, #tpu.memory_space<vmem>>, vector<16xf32>,
            %swap3A_403 = vector.shape_cast %swap3A_402 : vector<16xf32> to vector<16xf32>
            %swap3A_404 = vector.shape_cast %max3A_398 : vector<16xf32> to vector<16xf32>
            tpu.vector_store %arg13[%swap3A_401], %swap3A_404 {strides = array<i32>} : memref<100096xf32, #tpu.memory_space<vmem>>, vector<16xf32>,
          } else {
          }
          %slice3A_257 = vector.extract_strided_slice %get3A_137 {offsets = [8], sizes = [1], strides = [1]} : vector<16xi32> to vector<1xi32>
          %squeeze3A_258 = vector.extract %slice3A_257[0] : i32 from vector<1xi32>
          %sub3A_259 = arith.subi %squeeze3A_258, %multiple_of3A : i32
          %mul3A_260 = arith.constant 16 : i32
          %mul3A_261 = arith.muli %scan3A_132, %mul3A_260 : i32
          %add3A_262 = arith.constant 8 : i32
          %add3A_263 = arith.addi %mul3A_261, %add3A_262 : i32
          %ge3A_264 = arith.constant 0 : i32
          %ge3A_265 = arith.cmpi sge, %sub3A_259, %ge3A_264 : i32
          %lt3A_266 = arith.constant 3128 : i32
          %lt3A_267 = arith.cmpi slt, %sub3A_259, %lt3A_266 : i32
          %and3A_268 = arith.andi %ge3A_265, %lt3A_267 : i1
          %convert_element_type3A_269 = arith.extui %and3A_268 : i1 to i32
          %cond3A_270 = arith.constant 0 : i32
          %cond3A_271 = arith.cmpi ne, %convert_element_type3A_269, %cond3A_270 : i32
          scf.if %cond3A_271 {
            %mul3A_377 = arith.constant 32 : i32
            %mul3A_378 = arith.muli %sub3A_259, %mul3A_377 : i32
            %get3A_379 = arith.index_cast %mul3A_378 : i32 to index
            %get3A_380 = tpu.vector_load %arg13[%get3A_379] {strides = array<i32>} : memref<100096xf32, #tpu.memory_space<vmem>>, vector<16xf32>,
            %get3A_381 = vector.shape_cast %get3A_380 : vector<16xf32> to vector<16xf32>
            %get3A_382 = arith.index_cast %add3A_263 : i32 to index
            %get3A_383 = arith.constant 0 : index
            %get3A_384 = tpu.vector_load %arg12[%get3A_382, %get3A_383] {strides = array<i32>} : memref<112x32xf32, #tpu.memory_space<vmem>>, vector<1x16xf32>,
            %get3A_385 = vector.shape_cast %get3A_384 : vector<1x16xf32> to vector<16xf32>
            %max3A = arith.maximumf %get3A_381, %get3A_385 : vector<16xf32>
            %swap3A = arith.index_cast %mul3A_378 : i32 to index
            %swap3A_386 = tpu.vector_load %arg13[%swap3A] {strides = array<i32>} : memref<100096xf32, #tpu.memory_space<vmem>>, vector<16xf32>,
            %swap3A_387 = vector.shape_cast %swap3A_386 : vector<16xf32> to vector<16xf32>
            %swap3A_388 = vector.shape_cast %max3A : vector<16xf32> to vector<16xf32>
            tpu.vector_store %arg13[%swap3A], %swap3A_388 {strides = array<i32>} : memref<100096xf32, #tpu.memory_space<vmem>>, vector<16xf32>,
            %add3A_389 = arith.constant 16 : i32
            %add3A_390 = arith.addi %mul3A_378, %add3A_389 : i32
            %get3A_391 = arith.index_cast %add3A_390 : i32 to index
            %get3A_392 = tpu.vector_load %arg13[%get3A_391] {strides = array<i32>} : memref<100096xf32, #tpu.memory_space<vmem>>, vector<16xf32>,
            %get3A_393 = vector.shape_cast %get3A_392 : vector<16xf32> to vector<16xf32>
            %get3A_394 = arith.index_cast %add3A_263 : i32 to index
            %get3A_395 = arith.constant 16 : index
            %get3A_396 = tpu.vector_load %arg12[%get3A_394, %get3A_395] {strides = array<i32>} : memref<112x32xf32, #tpu.memory_space<vmem>>, vector<1x16xf32>,
            %get3A_397 = vector.shape_cast %get3A_396 : vector<1x16xf32> to vector<16xf32>
            %max3A_398 = arith.maximumf %get3A_393, %get3A_397 : vector<16xf32>
            %add3A_399 = arith.constant 16 : i32
            %add3A_400 = arith.addi %mul3A_378, %add3A_399 : i32
            %swap3A_401 = arith.index_cast %add3A_400 : i32 to index
            %swap3A_402 = tpu.vector_load %arg13[%swap3A_401] {strides = array<i32>} : memref<100096xf32, #tpu.memory_space<vmem>>, vector<16xf32>,
            %swap3A_403 = vector.shape_cast %swap3A_402 : vector<16xf32> to vector<16xf32>
            %swap3A_404 = vector.shape_cast %max3A_398 : vector<16xf32> to vector<16xf32>
            tpu.vector_store %arg13[%swap3A_401], %swap3A_404 {strides = array<i32>} : memref<100096xf32, #tpu.memory_space<vmem>>, vector<16xf32>,
          } else {
          }
          %slice3A_272 = vector.extract_strided_slice %get3A_137 {offsets = [9], sizes = [1], strides = [1]} : vector<16xi32> to vector<1xi32>
          %squeeze3A_273 = vector.extract %slice3A_272[0] : i32 from vector<1xi32>
          %sub3A_274 = arith.subi %squeeze3A_273, %multiple_of3A : i32
          %mul3A_275 = arith.constant 16 : i32
          %mul3A_276 = arith.muli %scan3A_132, %mul3A_275 : i32
          %add3A_277 = arith.constant 9 : i32
          %add3A_278 = arith.addi %mul3A_276, %add3A_277 : i32
          %ge3A_279 = arith.constant 0 : i32
          %ge3A_280 = arith.cmpi sge, %sub3A_274, %ge3A_279 : i32
          %lt3A_281 = arith.constant 3128 : i32
          %lt3A_282 = arith.cmpi slt, %sub3A_274, %lt3A_281 : i32
          %and3A_283 = arith.andi %ge3A_280, %lt3A_282 : i1
          %convert_element_type3A_284 = arith.extui %and3A_283 : i1 to i32
          %cond3A_285 = arith.constant 0 : i32
          %cond3A_286 = arith.cmpi ne, %convert_element_type3A_284, %cond3A_285 : i32
          scf.if %cond3A_286 {
            %mul3A_377 = arith.constant 32 : i32
            %mul3A_378 = arith.muli %sub3A_274, %mul3A_377 : i32
            %get3A_379 = arith.index_cast %mul3A_378 : i32 to index
            %get3A_380 = tpu.vector_load %arg13[%get3A_379] {strides = array<i32>} : memref<100096xf32, #tpu.memory_space<vmem>>, vector<16xf32>,
            %get3A_381 = vector.shape_cast %get3A_380 : vector<16xf32> to vector<16xf32>
            %get3A_382 = arith.index_cast %add3A_278 : i32 to index
            %get3A_383 = arith.constant 0 : index
            %get3A_384 = tpu.vector_load %arg12[%get3A_382, %get3A_383] {strides = array<i32>} : memref<112x32xf32, #tpu.memory_space<vmem>>, vector<1x16xf32>,
            %get3A_385 = vector.shape_cast %get3A_384 : vector<1x16xf32> to vector<16xf32>
            %max3A = arith.maximumf %get3A_381, %get3A_385 : vector<16xf32>
            %swap3A = arith.index_cast %mul3A_378 : i32 to index
            %swap3A_386 = tpu.vector_load %arg13[%swap3A] {strides = array<i32>} : memref<100096xf32, #tpu.memory_space<vmem>>, vector<16xf32>,
            %swap3A_387 = vector.shape_cast %swap3A_386 : vector<16xf32> to vector<16xf32>
            %swap3A_388 = vector.shape_cast %max3A : vector<16xf32> to vector<16xf32>
            tpu.vector_store %arg13[%swap3A], %swap3A_388 {strides = array<i32>} : memref<100096xf32, #tpu.memory_space<vmem>>, vector<16xf32>,
            %add3A_389 = arith.constant 16 : i32
            %add3A_390 = arith.addi %mul3A_378, %add3A_389 : i32
            %get3A_391 = arith.index_cast %add3A_390 : i32 to index
            %get3A_392 = tpu.vector_load %arg13[%get3A_391] {strides = array<i32>} : memref<100096xf32, #tpu.memory_space<vmem>>, vector<16xf32>,
            %get3A_393 = vector.shape_cast %get3A_392 : vector<16xf32> to vector<16xf32>
            %get3A_394 = arith.index_cast %add3A_278 : i32 to index
            %get3A_395 = arith.constant 16 : index
            %get3A_396 = tpu.vector_load %arg12[%get3A_394, %get3A_395] {strides = array<i32>} : memref<112x32xf32, #tpu.memory_space<vmem>>, vector<1x16xf32>,
            %get3A_397 = vector.shape_cast %get3A_396 : vector<1x16xf32> to vector<16xf32>
            %max3A_398 = arith.maximumf %get3A_393, %get3A_397 : vector<16xf32>
            %add3A_399 = arith.constant 16 : i32
            %add3A_400 = arith.addi %mul3A_378, %add3A_399 : i32
            %swap3A_401 = arith.index_cast %add3A_400 : i32 to index
            %swap3A_402 = tpu.vector_load %arg13[%swap3A_401] {strides = array<i32>} : memref<100096xf32, #tpu.memory_space<vmem>>, vector<16xf32>,
            %swap3A_403 = vector.shape_cast %swap3A_402 : vector<16xf32> to vector<16xf32>
            %swap3A_404 = vector.shape_cast %max3A_398 : vector<16xf32> to vector<16xf32>
            tpu.vector_store %arg13[%swap3A_401], %swap3A_404 {strides = array<i32>} : memref<100096xf32, #tpu.memory_space<vmem>>, vector<16xf32>,
          } else {
          }
          %slice3A_287 = vector.extract_strided_slice %get3A_137 {offsets = [10], sizes = [1], strides = [1]} : vector<16xi32> to vector<1xi32>
          %squeeze3A_288 = vector.extract %slice3A_287[0] : i32 from vector<1xi32>
          %sub3A_289 = arith.subi %squeeze3A_288, %multiple_of3A : i32
          %mul3A_290 = arith.constant 16 : i32
          %mul3A_291 = arith.muli %scan3A_132, %mul3A_290 : i32
          %add3A_292 = arith.constant 10 : i32
          %add3A_293 = arith.addi %mul3A_291, %add3A_292 : i32
          %ge3A_294 = arith.constant 0 : i32
          %ge3A_295 = arith.cmpi sge, %sub3A_289, %ge3A_294 : i32
          %lt3A_296 = arith.constant 3128 : i32
          %lt3A_297 = arith.cmpi slt, %sub3A_289, %lt3A_296 : i32
          %and3A_298 = arith.andi %ge3A_295, %lt3A_297 : i1
          %convert_element_type3A_299 = arith.extui %and3A_298 : i1 to i32
          %cond3A_300 = arith.constant 0 : i32
          %cond3A_301 = arith.cmpi ne, %convert_element_type3A_299, %cond3A_300 : i32
          scf.if %cond3A_301 {
            %mul3A_377 = arith.constant 32 : i32
            %mul3A_378 = arith.muli %sub3A_289, %mul3A_377 : i32
            %get3A_379 = arith.index_cast %mul3A_378 : i32 to index
            %get3A_380 = tpu.vector_load %arg13[%get3A_379] {strides = array<i32>} : memref<100096xf32, #tpu.memory_space<vmem>>, vector<16xf32>,
            %get3A_381 = vector.shape_cast %get3A_380 : vector<16xf32> to vector<16xf32>
            %get3A_382 = arith.index_cast %add3A_293 : i32 to index
            %get3A_383 = arith.constant 0 : index
            %get3A_384 = tpu.vector_load %arg12[%get3A_382, %get3A_383] {strides = array<i32>} : memref<112x32xf32, #tpu.memory_space<vmem>>, vector<1x16xf32>,
            %get3A_385 = vector.shape_cast %get3A_384 : vector<1x16xf32> to vector<16xf32>
            %max3A = arith.maximumf %get3A_381, %get3A_385 : vector<16xf32>
            %swap3A = arith.index_cast %mul3A_378 : i32 to index
            %swap3A_386 = tpu.vector_load %arg13[%swap3A] {strides = array<i32>} : memref<100096xf32, #tpu.memory_space<vmem>>, vector<16xf32>,
            %swap3A_387 = vector.shape_cast %swap3A_386 : vector<16xf32> to vector<16xf32>
            %swap3A_388 = vector.shape_cast %max3A : vector<16xf32> to vector<16xf32>
            tpu.vector_store %arg13[%swap3A], %swap3A_388 {strides = array<i32>} : memref<100096xf32, #tpu.memory_space<vmem>>, vector<16xf32>,
            %add3A_389 = arith.constant 16 : i32
            %add3A_390 = arith.addi %mul3A_378, %add3A_389 : i32
            %get3A_391 = arith.index_cast %add3A_390 : i32 to index
            %get3A_392 = tpu.vector_load %arg13[%get3A_391] {strides = array<i32>} : memref<100096xf32, #tpu.memory_space<vmem>>, vector<16xf32>,
            %get3A_393 = vector.shape_cast %get3A_392 : vector<16xf32> to vector<16xf32>
            %get3A_394 = arith.index_cast %add3A_293 : i32 to index
            %get3A_395 = arith.constant 16 : index
            %get3A_396 = tpu.vector_load %arg12[%get3A_394, %get3A_395] {strides = array<i32>} : memref<112x32xf32, #tpu.memory_space<vmem>>, vector<1x16xf32>,
            %get3A_397 = vector.shape_cast %get3A_396 : vector<1x16xf32> to vector<16xf32>
            %max3A_398 = arith.maximumf %get3A_393, %get3A_397 : vector<16xf32>
            %add3A_399 = arith.constant 16 : i32
            %add3A_400 = arith.addi %mul3A_378, %add3A_399 : i32
            %swap3A_401 = arith.index_cast %add3A_400 : i32 to index
            %swap3A_402 = tpu.vector_load %arg13[%swap3A_401] {strides = array<i32>} : memref<100096xf32, #tpu.memory_space<vmem>>, vector<16xf32>,
            %swap3A_403 = vector.shape_cast %swap3A_402 : vector<16xf32> to vector<16xf32>
            %swap3A_404 = vector.shape_cast %max3A_398 : vector<16xf32> to vector<16xf32>
            tpu.vector_store %arg13[%swap3A_401], %swap3A_404 {strides = array<i32>} : memref<100096xf32, #tpu.memory_space<vmem>>, vector<16xf32>,
          } else {
          }
          %slice3A_302 = vector.extract_strided_slice %get3A_137 {offsets = [11], sizes = [1], strides = [1]} : vector<16xi32> to vector<1xi32>
          %squeeze3A_303 = vector.extract %slice3A_302[0] : i32 from vector<1xi32>
          %sub3A_304 = arith.subi %squeeze3A_303, %multiple_of3A : i32
          %mul3A_305 = arith.constant 16 : i32
          %mul3A_306 = arith.muli %scan3A_132, %mul3A_305 : i32
          %add3A_307 = arith.constant 11 : i32
          %add3A_308 = arith.addi %mul3A_306, %add3A_307 : i32
          %ge3A_309 = arith.constant 0 : i32
          %ge3A_310 = arith.cmpi sge, %sub3A_304, %ge3A_309 : i32
          %lt3A_311 = arith.constant 3128 : i32
          %lt3A_312 = arith.cmpi slt, %sub3A_304, %lt3A_311 : i32
          %and3A_313 = arith.andi %ge3A_310, %lt3A_312 : i1
          %convert_element_type3A_314 = arith.extui %and3A_313 : i1 to i32
          %cond3A_315 = arith.constant 0 : i32
          %cond3A_316 = arith.cmpi ne, %convert_element_type3A_314, %cond3A_315 : i32
          scf.if %cond3A_316 {
            %mul3A_377 = arith.constant 32 : i32
            %mul3A_378 = arith.muli %sub3A_304, %mul3A_377 : i32
            %get3A_379 = arith.index_cast %mul3A_378 : i32 to index
            %get3A_380 = tpu.vector_load %arg13[%get3A_379] {strides = array<i32>} : memref<100096xf32, #tpu.memory_space<vmem>>, vector<16xf32>,
            %get3A_381 = vector.shape_cast %get3A_380 : vector<16xf32> to vector<16xf32>
            %get3A_382 = arith.index_cast %add3A_308 : i32 to index
            %get3A_383 = arith.constant 0 : index
            %get3A_384 = tpu.vector_load %arg12[%get3A_382, %get3A_383] {strides = array<i32>} : memref<112x32xf32, #tpu.memory_space<vmem>>, vector<1x16xf32>,
            %get3A_385 = vector.shape_cast %get3A_384 : vector<1x16xf32> to vector<16xf32>
            %max3A = arith.maximumf %get3A_381, %get3A_385 : vector<16xf32>
            %swap3A = arith.index_cast %mul3A_378 : i32 to index
            %swap3A_386 = tpu.vector_load %arg13[%swap3A] {strides = array<i32>} : memref<100096xf32, #tpu.memory_space<vmem>>, vector<16xf32>,
            %swap3A_387 = vector.shape_cast %swap3A_386 : vector<16xf32> to vector<16xf32>
            %swap3A_388 = vector.shape_cast %max3A : vector<16xf32> to vector<16xf32>
            tpu.vector_store %arg13[%swap3A], %swap3A_388 {strides = array<i32>} : memref<100096xf32, #tpu.memory_space<vmem>>, vector<16xf32>,
            %add3A_389 = arith.constant 16 : i32
            %add3A_390 = arith.addi %mul3A_378, %add3A_389 : i32
            %get3A_391 = arith.index_cast %add3A_390 : i32 to index
            %get3A_392 = tpu.vector_load %arg13[%get3A_391] {strides = array<i32>} : memref<100096xf32, #tpu.memory_space<vmem>>, vector<16xf32>,
            %get3A_393 = vector.shape_cast %get3A_392 : vector<16xf32> to vector<16xf32>
            %get3A_394 = arith.index_cast %add3A_308 : i32 to index
            %get3A_395 = arith.constant 16 : index
            %get3A_396 = tpu.vector_load %arg12[%get3A_394, %get3A_395] {strides = array<i32>} : memref<112x32xf32, #tpu.memory_space<vmem>>, vector<1x16xf32>,
            %get3A_397 = vector.shape_cast %get3A_396 : vector<1x16xf32> to vector<16xf32>
            %max3A_398 = arith.maximumf %get3A_393, %get3A_397 : vector<16xf32>
            %add3A_399 = arith.constant 16 : i32
            %add3A_400 = arith.addi %mul3A_378, %add3A_399 : i32
            %swap3A_401 = arith.index_cast %add3A_400 : i32 to index
            %swap3A_402 = tpu.vector_load %arg13[%swap3A_401] {strides = array<i32>} : memref<100096xf32, #tpu.memory_space<vmem>>, vector<16xf32>,
            %swap3A_403 = vector.shape_cast %swap3A_402 : vector<16xf32> to vector<16xf32>
            %swap3A_404 = vector.shape_cast %max3A_398 : vector<16xf32> to vector<16xf32>
            tpu.vector_store %arg13[%swap3A_401], %swap3A_404 {strides = array<i32>} : memref<100096xf32, #tpu.memory_space<vmem>>, vector<16xf32>,
          } else {
          }
          %slice3A_317 = vector.extract_strided_slice %get3A_137 {offsets = [12], sizes = [1], strides = [1]} : vector<16xi32> to vector<1xi32>
          %squeeze3A_318 = vector.extract %slice3A_317[0] : i32 from vector<1xi32>
          %sub3A_319 = arith.subi %squeeze3A_318, %multiple_of3A : i32
          %mul3A_320 = arith.constant 16 : i32
          %mul3A_321 = arith.muli %scan3A_132, %mul3A_320 : i32
          %add3A_322 = arith.constant 12 : i32
          %add3A_323 = arith.addi %mul3A_321, %add3A_322 : i32
          %ge3A_324 = arith.constant 0 : i32
          %ge3A_325 = arith.cmpi sge, %sub3A_319, %ge3A_324 : i32
          %lt3A_326 = arith.constant 3128 : i32
          %lt3A_327 = arith.cmpi slt, %sub3A_319, %lt3A_326 : i32
          %and3A_328 = arith.andi %ge3A_325, %lt3A_327 : i1
          %convert_element_type3A_329 = arith.extui %and3A_328 : i1 to i32
          %cond3A_330 = arith.constant 0 : i32
          %cond3A_331 = arith.cmpi ne, %convert_element_type3A_329, %cond3A_330 : i32
          scf.if %cond3A_331 {
            %mul3A_377 = arith.constant 32 : i32
            %mul3A_378 = arith.muli %sub3A_319, %mul3A_377 : i32
            %get3A_379 = arith.index_cast %mul3A_378 : i32 to index
            %get3A_380 = tpu.vector_load %arg13[%get3A_379] {strides = array<i32>} : memref<100096xf32, #tpu.memory_space<vmem>>, vector<16xf32>,
            %get3A_381 = vector.shape_cast %get3A_380 : vector<16xf32> to vector<16xf32>
            %get3A_382 = arith.index_cast %add3A_323 : i32 to index
            %get3A_383 = arith.constant 0 : index
            %get3A_384 = tpu.vector_load %arg12[%get3A_382, %get3A_383] {strides = array<i32>} : memref<112x32xf32, #tpu.memory_space<vmem>>, vector<1x16xf32>,
            %get3A_385 = vector.shape_cast %get3A_384 : vector<1x16xf32> to vector<16xf32>
            %max3A = arith.maximumf %get3A_381, %get3A_385 : vector<16xf32>
            %swap3A = arith.index_cast %mul3A_378 : i32 to index
            %swap3A_386 = tpu.vector_load %arg13[%swap3A] {strides = array<i32>} : memref<100096xf32, #tpu.memory_space<vmem>>, vector<16xf32>,
            %swap3A_387 = vector.shape_cast %swap3A_386 : vector<16xf32> to vector<16xf32>
            %swap3A_388 = vector.shape_cast %max3A : vector<16xf32> to vector<16xf32>
            tpu.vector_store %arg13[%swap3A], %swap3A_388 {strides = array<i32>} : memref<100096xf32, #tpu.memory_space<vmem>>, vector<16xf32>,
            %add3A_389 = arith.constant 16 : i32
            %add3A_390 = arith.addi %mul3A_378, %add3A_389 : i32
            %get3A_391 = arith.index_cast %add3A_390 : i32 to index
            %get3A_392 = tpu.vector_load %arg13[%get3A_391] {strides = array<i32>} : memref<100096xf32, #tpu.memory_space<vmem>>, vector<16xf32>,
            %get3A_393 = vector.shape_cast %get3A_392 : vector<16xf32> to vector<16xf32>
            %get3A_394 = arith.index_cast %add3A_323 : i32 to index
            %get3A_395 = arith.constant 16 : index
            %get3A_396 = tpu.vector_load %arg12[%get3A_394, %get3A_395] {strides = array<i32>} : memref<112x32xf32, #tpu.memory_space<vmem>>, vector<1x16xf32>,
            %get3A_397 = vector.shape_cast %get3A_396 : vector<1x16xf32> to vector<16xf32>
            %max3A_398 = arith.maximumf %get3A_393, %get3A_397 : vector<16xf32>
            %add3A_399 = arith.constant 16 : i32
            %add3A_400 = arith.addi %mul3A_378, %add3A_399 : i32
            %swap3A_401 = arith.index_cast %add3A_400 : i32 to index
            %swap3A_402 = tpu.vector_load %arg13[%swap3A_401] {strides = array<i32>} : memref<100096xf32, #tpu.memory_space<vmem>>, vector<16xf32>,
            %swap3A_403 = vector.shape_cast %swap3A_402 : vector<16xf32> to vector<16xf32>
            %swap3A_404 = vector.shape_cast %max3A_398 : vector<16xf32> to vector<16xf32>
            tpu.vector_store %arg13[%swap3A_401], %swap3A_404 {strides = array<i32>} : memref<100096xf32, #tpu.memory_space<vmem>>, vector<16xf32>,
          } else {
          }
          %slice3A_332 = vector.extract_strided_slice %get3A_137 {offsets = [13], sizes = [1], strides = [1]} : vector<16xi32> to vector<1xi32>
          %squeeze3A_333 = vector.extract %slice3A_332[0] : i32 from vector<1xi32>
          %sub3A_334 = arith.subi %squeeze3A_333, %multiple_of3A : i32
          %mul3A_335 = arith.constant 16 : i32
          %mul3A_336 = arith.muli %scan3A_132, %mul3A_335 : i32
          %add3A_337 = arith.constant 13 : i32
          %add3A_338 = arith.addi %mul3A_336, %add3A_337 : i32
          %ge3A_339 = arith.constant 0 : i32
          %ge3A_340 = arith.cmpi sge, %sub3A_334, %ge3A_339 : i32
          %lt3A_341 = arith.constant 3128 : i32
          %lt3A_342 = arith.cmpi slt, %sub3A_334, %lt3A_341 : i32
          %and3A_343 = arith.andi %ge3A_340, %lt3A_342 : i1
          %convert_element_type3A_344 = arith.extui %and3A_343 : i1 to i32
          %cond3A_345 = arith.constant 0 : i32
          %cond3A_346 = arith.cmpi ne, %convert_element_type3A_344, %cond3A_345 : i32
          scf.if %cond3A_346 {
            %mul3A_377 = arith.constant 32 : i32
            %mul3A_378 = arith.muli %sub3A_334, %mul3A_377 : i32
            %get3A_379 = arith.index_cast %mul3A_378 : i32 to index
            %get3A_380 = tpu.vector_load %arg13[%get3A_379] {strides = array<i32>} : memref<100096xf32, #tpu.memory_space<vmem>>, vector<16xf32>,
            %get3A_381 = vector.shape_cast %get3A_380 : vector<16xf32> to vector<16xf32>
            %get3A_382 = arith.index_cast %add3A_338 : i32 to index
            %get3A_383 = arith.constant 0 : index
            %get3A_384 = tpu.vector_load %arg12[%get3A_382, %get3A_383] {strides = array<i32>} : memref<112x32xf32, #tpu.memory_space<vmem>>, vector<1x16xf32>,
            %get3A_385 = vector.shape_cast %get3A_384 : vector<1x16xf32> to vector<16xf32>
            %max3A = arith.maximumf %get3A_381, %get3A_385 : vector<16xf32>
            %swap3A = arith.index_cast %mul3A_378 : i32 to index
            %swap3A_386 = tpu.vector_load %arg13[%swap3A] {strides = array<i32>} : memref<100096xf32, #tpu.memory_space<vmem>>, vector<16xf32>,
            %swap3A_387 = vector.shape_cast %swap3A_386 : vector<16xf32> to vector<16xf32>
            %swap3A_388 = vector.shape_cast %max3A : vector<16xf32> to vector<16xf32>
            tpu.vector_store %arg13[%swap3A], %swap3A_388 {strides = array<i32>} : memref<100096xf32, #tpu.memory_space<vmem>>, vector<16xf32>,
            %add3A_389 = arith.constant 16 : i32
            %add3A_390 = arith.addi %mul3A_378, %add3A_389 : i32
            %get3A_391 = arith.index_cast %add3A_390 : i32 to index
            %get3A_392 = tpu.vector_load %arg13[%get3A_391] {strides = array<i32>} : memref<100096xf32, #tpu.memory_space<vmem>>, vector<16xf32>,
            %get3A_393 = vector.shape_cast %get3A_392 : vector<16xf32> to vector<16xf32>
            %get3A_394 = arith.index_cast %add3A_338 : i32 to index
            %get3A_395 = arith.constant 16 : index
            %get3A_396 = tpu.vector_load %arg12[%get3A_394, %get3A_395] {strides = array<i32>} : memref<112x32xf32, #tpu.memory_space<vmem>>, vector<1x16xf32>,
            %get3A_397 = vector.shape_cast %get3A_396 : vector<1x16xf32> to vector<16xf32>
            %max3A_398 = arith.maximumf %get3A_393, %get3A_397 : vector<16xf32>
            %add3A_399 = arith.constant 16 : i32
            %add3A_400 = arith.addi %mul3A_378, %add3A_399 : i32
            %swap3A_401 = arith.index_cast %add3A_400 : i32 to index
            %swap3A_402 = tpu.vector_load %arg13[%swap3A_401] {strides = array<i32>} : memref<100096xf32, #tpu.memory_space<vmem>>, vector<16xf32>,
            %swap3A_403 = vector.shape_cast %swap3A_402 : vector<16xf32> to vector<16xf32>
            %swap3A_404 = vector.shape_cast %max3A_398 : vector<16xf32> to vector<16xf32>
            tpu.vector_store %arg13[%swap3A_401], %swap3A_404 {strides = array<i32>} : memref<100096xf32, #tpu.memory_space<vmem>>, vector<16xf32>,
          } else {
          }
          %slice3A_347 = vector.extract_strided_slice %get3A_137 {offsets = [14], sizes = [1], strides = [1]} : vector<16xi32> to vector<1xi32>
          %squeeze3A_348 = vector.extract %slice3A_347[0] : i32 from vector<1xi32>
          %sub3A_349 = arith.subi %squeeze3A_348, %multiple_of3A : i32
          %mul3A_350 = arith.constant 16 : i32
          %mul3A_351 = arith.muli %scan3A_132, %mul3A_350 : i32
          %add3A_352 = arith.constant 14 : i32
          %add3A_353 = arith.addi %mul3A_351, %add3A_352 : i32
          %ge3A_354 = arith.constant 0 : i32
          %ge3A_355 = arith.cmpi sge, %sub3A_349, %ge3A_354 : i32
          %lt3A_356 = arith.constant 3128 : i32
          %lt3A_357 = arith.cmpi slt, %sub3A_349, %lt3A_356 : i32
          %and3A_358 = arith.andi %ge3A_355, %lt3A_357 : i1
          %convert_element_type3A_359 = arith.extui %and3A_358 : i1 to i32
          %cond3A_360 = arith.constant 0 : i32
          %cond3A_361 = arith.cmpi ne, %convert_element_type3A_359, %cond3A_360 : i32
          scf.if %cond3A_361 {
            %mul3A_377 = arith.constant 32 : i32
            %mul3A_378 = arith.muli %sub3A_349, %mul3A_377 : i32
            %get3A_379 = arith.index_cast %mul3A_378 : i32 to index
            %get3A_380 = tpu.vector_load %arg13[%get3A_379] {strides = array<i32>} : memref<100096xf32, #tpu.memory_space<vmem>>, vector<16xf32>,
            %get3A_381 = vector.shape_cast %get3A_380 : vector<16xf32> to vector<16xf32>
            %get3A_382 = arith.index_cast %add3A_353 : i32 to index
            %get3A_383 = arith.constant 0 : index
            %get3A_384 = tpu.vector_load %arg12[%get3A_382, %get3A_383] {strides = array<i32>} : memref<112x32xf32, #tpu.memory_space<vmem>>, vector<1x16xf32>,
            %get3A_385 = vector.shape_cast %get3A_384 : vector<1x16xf32> to vector<16xf32>
            %max3A = arith.maximumf %get3A_381, %get3A_385 : vector<16xf32>
            %swap3A = arith.index_cast %mul3A_378 : i32 to index
            %swap3A_386 = tpu.vector_load %arg13[%swap3A] {strides = array<i32>} : memref<100096xf32, #tpu.memory_space<vmem>>, vector<16xf32>,
            %swap3A_387 = vector.shape_cast %swap3A_386 : vector<16xf32> to vector<16xf32>
            %swap3A_388 = vector.shape_cast %max3A : vector<16xf32> to vector<16xf32>
            tpu.vector_store %arg13[%swap3A], %swap3A_388 {strides = array<i32>} : memref<100096xf32, #tpu.memory_space<vmem>>, vector<16xf32>,
            %add3A_389 = arith.constant 16 : i32
            %add3A_390 = arith.addi %mul3A_378, %add3A_389 : i32
            %get3A_391 = arith.index_cast %add3A_390 : i32 to index
            %get3A_392 = tpu.vector_load %arg13[%get3A_391] {strides = array<i32>} : memref<100096xf32, #tpu.memory_space<vmem>>, vector<16xf32>,
            %get3A_393 = vector.shape_cast %get3A_392 : vector<16xf32> to vector<16xf32>
            %get3A_394 = arith.index_cast %add3A_353 : i32 to index
            %get3A_395 = arith.constant 16 : index
            %get3A_396 = tpu.vector_load %arg12[%get3A_394, %get3A_395] {strides = array<i32>} : memref<112x32xf32, #tpu.memory_space<vmem>>, vector<1x16xf32>,
            %get3A_397 = vector.shape_cast %get3A_396 : vector<1x16xf32> to vector<16xf32>
            %max3A_398 = arith.maximumf %get3A_393, %get3A_397 : vector<16xf32>
            %add3A_399 = arith.constant 16 : i32
            %add3A_400 = arith.addi %mul3A_378, %add3A_399 : i32
            %swap3A_401 = arith.index_cast %add3A_400 : i32 to index
            %swap3A_402 = tpu.vector_load %arg13[%swap3A_401] {strides = array<i32>} : memref<100096xf32, #tpu.memory_space<vmem>>, vector<16xf32>,
            %swap3A_403 = vector.shape_cast %swap3A_402 : vector<16xf32> to vector<16xf32>
            %swap3A_404 = vector.shape_cast %max3A_398 : vector<16xf32> to vector<16xf32>
            tpu.vector_store %arg13[%swap3A_401], %swap3A_404 {strides = array<i32>} : memref<100096xf32, #tpu.memory_space<vmem>>, vector<16xf32>,
          } else {
          }
          %slice3A_362 = vector.extract_strided_slice %get3A_137 {offsets = [15], sizes = [1], strides = [1]} : vector<16xi32> to vector<1xi32>
          %squeeze3A_363 = vector.extract %slice3A_362[0] : i32 from vector<1xi32>
          %sub3A_364 = arith.subi %squeeze3A_363, %multiple_of3A : i32
          %mul3A_365 = arith.constant 16 : i32
          %mul3A_366 = arith.muli %scan3A_132, %mul3A_365 : i32
          %add3A_367 = arith.constant 15 : i32
          %add3A_368 = arith.addi %mul3A_366, %add3A_367 : i32
          %ge3A_369 = arith.constant 0 : i32
          %ge3A_370 = arith.cmpi sge, %sub3A_364, %ge3A_369 : i32
          %lt3A_371 = arith.constant 3128 : i32
          %lt3A_372 = arith.cmpi slt, %sub3A_364, %lt3A_371 : i32
          %and3A_373 = arith.andi %ge3A_370, %lt3A_372 : i1
          %convert_element_type3A_374 = arith.extui %and3A_373 : i1 to i32
          %cond3A_375 = arith.constant 0 : i32
          %cond3A_376 = arith.cmpi ne, %convert_element_type3A_374, %cond3A_375 : i32
          scf.if %cond3A_376 {
            %mul3A_377 = arith.constant 32 : i32
            %mul3A_378 = arith.muli %sub3A_364, %mul3A_377 : i32
            %get3A_379 = arith.index_cast %mul3A_378 : i32 to index
            %get3A_380 = tpu.vector_load %arg13[%get3A_379] {strides = array<i32>} : memref<100096xf32, #tpu.memory_space<vmem>>, vector<16xf32>,
            %get3A_381 = vector.shape_cast %get3A_380 : vector<16xf32> to vector<16xf32>
            %get3A_382 = arith.index_cast %add3A_368 : i32 to index
            %get3A_383 = arith.constant 0 : index
            %get3A_384 = tpu.vector_load %arg12[%get3A_382, %get3A_383] {strides = array<i32>} : memref<112x32xf32, #tpu.memory_space<vmem>>, vector<1x16xf32>,
            %get3A_385 = vector.shape_cast %get3A_384 : vector<1x16xf32> to vector<16xf32>
            %max3A = arith.maximumf %get3A_381, %get3A_385 : vector<16xf32>
            %swap3A = arith.index_cast %mul3A_378 : i32 to index
            %swap3A_386 = tpu.vector_load %arg13[%swap3A] {strides = array<i32>} : memref<100096xf32, #tpu.memory_space<vmem>>, vector<16xf32>,
            %swap3A_387 = vector.shape_cast %swap3A_386 : vector<16xf32> to vector<16xf32>
            %swap3A_388 = vector.shape_cast %max3A : vector<16xf32> to vector<16xf32>
            tpu.vector_store %arg13[%swap3A], %swap3A_388 {strides = array<i32>} : memref<100096xf32, #tpu.memory_space<vmem>>, vector<16xf32>,
            %add3A_389 = arith.constant 16 : i32
            %add3A_390 = arith.addi %mul3A_378, %add3A_389 : i32
            %get3A_391 = arith.index_cast %add3A_390 : i32 to index
            %get3A_392 = tpu.vector_load %arg13[%get3A_391] {strides = array<i32>} : memref<100096xf32, #tpu.memory_space<vmem>>, vector<16xf32>,
            %get3A_393 = vector.shape_cast %get3A_392 : vector<16xf32> to vector<16xf32>
            %get3A_394 = arith.index_cast %add3A_368 : i32 to index
            %get3A_395 = arith.constant 16 : index
            %get3A_396 = tpu.vector_load %arg12[%get3A_394, %get3A_395] {strides = array<i32>} : memref<112x32xf32, #tpu.memory_space<vmem>>, vector<1x16xf32>,
            %get3A_397 = vector.shape_cast %get3A_396 : vector<1x16xf32> to vector<16xf32>
            %max3A_398 = arith.maximumf %get3A_393, %get3A_397 : vector<16xf32>
            %add3A_399 = arith.constant 16 : i32
            %add3A_400 = arith.addi %mul3A_378, %add3A_399 : i32
            %swap3A_401 = arith.index_cast %add3A_400 : i32 to index
            %swap3A_402 = tpu.vector_load %arg13[%swap3A_401] {strides = array<i32>} : memref<100096xf32, #tpu.memory_space<vmem>>, vector<16xf32>,
            %swap3A_403 = vector.shape_cast %swap3A_402 : vector<16xf32> to vector<16xf32>
            %swap3A_404 = vector.shape_cast %max3A_398 : vector<16xf32> to vector<16xf32>
            tpu.vector_store %arg13[%swap3A_401], %swap3A_404 {strides = array<i32>} : memref<100096xf32, #tpu.memory_space<vmem>>, vector<16xf32>,
          } else {
          }
        }
        %scan3A_125 = arith.constant 7 : i32
        %add3A_126 = arith.constant 2 : i32
        %add3A_127 = arith.addi %add3A_103, %add3A_126 : i32
        %lt3A_128 = arith.cmpi slt, %add3A_127, %select_n3A : i32
        %convert_element_type3A_129 = arith.extui %lt3A_128 : i1 to i32
        %cond3A_130 = arith.constant 0 : i32
        %cond3A_131 = arith.cmpi ne, %convert_element_type3A_129, %cond3A_130 : i32
        scf.if %cond3A_131 {
          %add3A_132 = arith.constant 2 : i32
          %add3A_133 = arith.addi %add3A_103, %add3A_132 : i32
          %mul3A_134 = arith.constant 112 : i32
          %mul3A_135 = arith.muli %add3A_133, %mul3A_134 : i32
          %add3A_136 = arith.addi %and3A_7, %mul3A_135 : i32
          %multiple_of3A_137 = tpu.assume_multiple %add3A_136, 8 : i32
          %dma_start3A = tpu.memref_slice %arg3[%multiple_of3A_137] : memref<1600112xi32, #tpu.memory_space<hbm>> -> memref<112xi32, #tpu.memory_space<hbm>>
          %dma_start3A_138 = tpu.memref_slice %arg3[%multiple_of3A_137] : memref<1600112xi32, #tpu.memory_space<hbm>> -> memref<112xi32, #tpu.memory_space<hbm>>
          tpu.enqueue_dma source(%dma_start3A_138 : memref<112xi32, #tpu.memory_space<hbm>>) target(%arg10 : memref<112xi32, #tpu.memory_space<vmem>>) target_semaphore(%arg15 : memref<!tpu.dma_semaphore, #tpu.memory_space<semaphore_mem>>)
          %dma_start3A_139 = arith.constant 0 : i32
          %dma_start3A_140 = tpu.memref_slice %arg2[%multiple_of3A_137, %dma_start3A_139] : memref<1600112x32xf32, #tpu.memory_space<hbm>> -> memref<112x32xf32, #tpu.memory_space<hbm>>
          %dma_start3A_141 = arith.constant 0 : i32
          %dma_start3A_142 = tpu.memref_slice %arg2[%multiple_of3A_137, %dma_start3A_141] : memref<1600112x32xf32, #tpu.memory_space<hbm>> -> memref<112x32xf32, #tpu.memory_space<hbm>>
          tpu.enqueue_dma source(%dma_start3A_142 : memref<112x32xf32, #tpu.memory_space<hbm>>) target(%arg12 : memref<112x32xf32, #tpu.memory_space<vmem>>) target_semaphore(%arg15 : memref<!tpu.dma_semaphore, #tpu.memory_space<semaphore_mem>>)
        } else {
        }
      } else {
      }
    }
    %get3A_76 = arith.constant 0 : index
    %get3A_77 = tpu.vector_load %arg8[%get3A_76] {strides = array<i32>} : memref<64xf32, #tpu.memory_space<vmem>>, vector<16xf32>,
    %get3A_78 = vector.shape_cast %get3A_77 : vector<16xf32> to vector<16xf32>
    %get3A_79 = arith.constant 16 : index
    %get3A_80 = tpu.vector_load %arg8[%get3A_79] {strides = array<i32>} : memref<64xf32, #tpu.memory_space<vmem>>, vector<16xf32>,
    %get3A_81 = vector.shape_cast %get3A_80 : vector<16xf32> to vector<16xf32>
    %get3A_82 = arith.constant 32 : index
    %get3A_83 = tpu.vector_load %arg8[%get3A_82] {strides = array<i32>} : memref<64xf32, #tpu.memory_space<vmem>>, vector<16xf32>,
    %get3A_84 = vector.shape_cast %get3A_83 : vector<16xf32> to vector<16xf32>
    %get3A_85 = arith.constant 48 : index
    %get3A_86 = tpu.vector_load %arg8[%get3A_85] {strides = array<i32>} : memref<64xf32, #tpu.memory_space<vmem>>, vector<16xf32>,
    %get3A_87 = vector.shape_cast %get3A_86 : vector<16xf32> to vector<16xf32>
    %broadcast_in_dim3A_88 = arith.constant 0.000000e+00 : f32
    %broadcast_in_dim3A_89 = vector.broadcast %broadcast_in_dim3A_88 : f32 to vector<16xf32>
    %scan3A_90 = arith.constant 0 : i32
    %scan3A_91 = arith.constant 0 : i32
    %scan3A_92 = arith.constant 3128 : i32
    %scan3A_93 = arith.addi %scan3A_91, %scan3A_92 : i32
    %scan3A_94 = arith.constant 1 : i32
    scf.for %scan3A_99 = %scan3A_91 to %scan3A_93 step %scan3A_94  : i32 {
      %mul3A_100 = arith.constant 32 : i32
      %mul3A_101 = arith.muli %scan3A_99, %mul3A_100 : i32
      %get3A_102 = arith.index_cast %mul3A_101 : i32 to index
      %get3A_103 = tpu.vector_load %arg13[%get3A_102] {strides = array<i32>} : memref<100096xf32, #tpu.memory_space<vmem>>, vector<16xf32>,
      %get3A_104 = vector.shape_cast %get3A_103 : vector<16xf32> to vector<16xf32>
      %mul3A_105 = arith.mulf %get3A_104, %get3A_78 : vector<16xf32>
      %add3A_106 = arith.addf %mul3A_105, %get3A_84 : vector<16xf32>
      %max3A = arith.maximumf %add3A_106, %broadcast_in_dim3A_89 : vector<16xf32>
      %swap3A = arith.index_cast %mul3A_101 : i32 to index
      %swap3A_107 = tpu.vector_load %arg13[%swap3A] {strides = array<i32>} : memref<100096xf32, #tpu.memory_space<vmem>>, vector<16xf32>,
      %swap3A_108 = vector.shape_cast %swap3A_107 : vector<16xf32> to vector<16xf32>
      %swap3A_109 = vector.shape_cast %max3A : vector<16xf32> to vector<16xf32>
      tpu.vector_store %arg13[%swap3A], %swap3A_109 {strides = array<i32>} : memref<100096xf32, #tpu.memory_space<vmem>>, vector<16xf32>,
      %add3A_110 = arith.constant 16 : i32
      %add3A_111 = arith.addi %mul3A_101, %add3A_110 : i32
      %get3A_112 = arith.index_cast %add3A_111 : i32 to index
      %get3A_113 = tpu.vector_load %arg13[%get3A_112] {strides = array<i32>} : memref<100096xf32, #tpu.memory_space<vmem>>, vector<16xf32>,
      %get3A_114 = vector.shape_cast %get3A_113 : vector<16xf32> to vector<16xf32>
      %mul3A_115 = arith.mulf %get3A_114, %get3A_81 : vector<16xf32>
      %add3A_116 = arith.addf %mul3A_115, %get3A_87 : vector<16xf32>
      %max3A_117 = arith.maximumf %add3A_116, %broadcast_in_dim3A_89 : vector<16xf32>
      %add3A_118 = arith.constant 16 : i32
      %add3A_119 = arith.addi %mul3A_101, %add3A_118 : i32
      %swap3A_120 = arith.index_cast %add3A_119 : i32 to index
      %swap3A_121 = tpu.vector_load %arg13[%swap3A_120] {strides = array<i32>} : memref<100096xf32, #tpu.memory_space<vmem>>, vector<16xf32>,
      %swap3A_122 = vector.shape_cast %swap3A_121 : vector<16xf32> to vector<16xf32>
      %swap3A_123 = vector.shape_cast %max3A_117 : vector<16xf32> to vector<16xf32>
      tpu.vector_store %arg13[%swap3A_120], %swap3A_123 {strides = array<i32>} : memref<100096xf32, #tpu.memory_space<vmem>>, vector<16xf32>,
    }
    %scan3A_95 = arith.constant 3128 : i32
    %mul3A_96 = arith.constant 100096 : i32
    %mul3A_97 = arith.muli %add3A, %mul3A_96 : i32
    %multiple_of3A_98 = tpu.assume_multiple %mul3A_97, 8 : i32
    "tpu.region"() ({
      %run_scoped3A = tpu.sem_alloc : memref<!tpu.dma_semaphore, #tpu.memory_space<semaphore_mem>>
      %dma_start3A = tpu.memref_slice %arg6[%multiple_of3A_98] : memref<3203072xf32, #tpu.memory_space<hbm>> -> memref<100096xf32, #tpu.memory_space<hbm>>
      %dma_start3A_99 = tpu.memref_slice %arg6[%multiple_of3A_98] : memref<3203072xf32, #tpu.memory_space<hbm>> -> memref<100096xf32, #tpu.memory_space<hbm>>
      tpu.enqueue_dma source(%arg13 : memref<100096xf32, #tpu.memory_space<vmem>>) target(%dma_start3A_99 : memref<100096xf32, #tpu.memory_space<hbm>>) target_semaphore(%run_scoped3A : memref<!tpu.dma_semaphore, #tpu.memory_space<semaphore_mem>>)
      %dma_wait3A = tpu.memref_slice %arg6[%multiple_of3A_98] : memref<3203072xf32, #tpu.memory_space<hbm>> -> memref<100096xf32, #tpu.memory_space<hbm>>
      %dma_wait3A_100 = tpu.memref_slice %arg6[%multiple_of3A_98] : memref<3203072xf32, #tpu.memory_space<hbm>> -> memref<100096xf32, #tpu.memory_space<hbm>>
      tpu.wait_dma2 semaphore(%run_scoped3A : memref<!tpu.dma_semaphore, #tpu.memory_space<semaphore_mem>>) src(%arg13 : memref<100096xf32, #tpu.memory_space<vmem>>) dst(%dma_wait3A_100 : memref<100096xf32, #tpu.memory_space<hbm>>)
      tpu.yield
    }) : () -> ()
    return
  }
}

module attributes {stable_mosaic.version = 14 : i64} {
  func.func @_stats1_body(%arg0: i32, %arg1: memref<16000x9xf32, #tpu.memory_space<vmem>>, %arg2: memref<9x32xf32, #tpu.memory_space<vmem>>, %arg3: memref<1x32xf32, #tpu.memory_space<vmem>>, %arg4: memref<2x32xf32, #tpu.memory_space<vmem>>) attributes {dimension_semantics = [#tpu.dimension_semantics<arbitrary>], iteration_bounds = array<i64: 100>, scalar_prefetch = 0 : i64, scratch_operands = 0 : i64, tpu.core_type = #tpu.core_type<tc>, window_params = [{transform_indices = @transform_0, window_bounds = array<i64: 16000, 9>}, {pipeline_mode = #tpu.pipeline_mode<synchronous>, transform_indices = @transform_1, window_bounds = array<i64: 9, 32>}, {pipeline_mode = #tpu.pipeline_mode<synchronous>, transform_indices = @transform_2, window_bounds = array<i64: 1, 32>}, {pipeline_mode = #tpu.pipeline_mode<synchronous>, transform_indices = @transform_3, window_bounds = array<i64: 2, 32>}]} {
    %get3A = arith.constant 0 : index
    %get3A_0 = arith.constant 0 : index
    %get3A_1 = vector.load %arg1[%get3A, %get3A_0] : memref<16000x9xf32, #tpu.memory_space<vmem>>, vector<16000x9xf32>
    %get3A_2 = arith.constant 0 : index
    %get3A_3 = arith.constant 0 : index
    %get3A_4 = vector.load %arg2[%get3A_2, %get3A_3] : memref<9x32xf32, #tpu.memory_space<vmem>>, vector<9x32xf32>
    %dot_general3A = arith.constant dense<0.000000e+00> : vector<16000x32xf32>
    %dot_general3A_5 = tpu.matmul %get3A_1, %get3A_4, %dot_general3A {dimension_numbers = #tpu.dot_dimension_numbers<[1], [0], [0], [1], [0, 0, 1, 1], [], []>, transpose_lhs_hint = false} : vector<16000x9xf32>, vector<9x32xf32>, vector<16000x32xf32> -> vector<16000x32xf32>
    %get3A_6 = arith.constant 0 : index
    %get3A_7 = arith.constant 0 : index
    %get3A_8 = vector.load %arg3[%get3A_6, %get3A_7] : memref<1x32xf32, #tpu.memory_space<vmem>>, vector<1x32xf32>
    %add3A = vector.broadcast %get3A_8 : vector<1x32xf32> to vector<16000x32xf32>
    %add3A_9 = arith.addf %dot_general3A_5, %add3A : vector<16000x32xf32>
    %reduce_sum3A = arith.constant dense<0.000000e+00> : vector<32xf32>
    %reduce_sum3A_10 = vector.multi_reduction <add>, %add3A_9, %reduce_sum3A [0] : vector<16000x32xf32> to vector<32xf32>
    %broadcast_in_dim3A = vector.shape_cast %reduce_sum3A_10 : vector<32xf32> to vector<1x32xf32>
    %mul3A = arith.mulf %add3A_9, %add3A_9 : vector<16000x32xf32>
    %reduce_sum3A_11 = arith.constant dense<0.000000e+00> : vector<32xf32>
    %reduce_sum3A_12 = vector.multi_reduction <add>, %mul3A, %reduce_sum3A_11 [0] : vector<16000x32xf32> to vector<32xf32>
    %broadcast_in_dim3A_13 = vector.shape_cast %reduce_sum3A_12 : vector<32xf32> to vector<1x32xf32>
    %concatenate3A = tpu.concatenate %broadcast_in_dim3A, %broadcast_in_dim3A_13 in 0 : vector<1x32xf32>, vector<1x32xf32> -> vector<2x32xf32>
    %eq3A = arith.constant 0 : i32
    %eq3A_14 = arith.cmpi eq, %arg0, %eq3A : i32
    %convert_element_type3A = arith.extui %eq3A_14 : i1 to i32
    %cond3A = arith.constant 0 : i32
    %cond3A_15 = arith.cmpi ne, %convert_element_type3A, %cond3A : i32
    scf.if %cond3A_15 {
      %swap3A = arith.constant 0 : index
      %swap3A_20 = arith.constant 0 : index
      %swap3A_21 = vector.load %arg4[%swap3A, %swap3A_20] : memref<2x32xf32, #tpu.memory_space<vmem>>, vector<2x32xf32>
      tpu.vector_store %arg4[%swap3A, %swap3A_20], %concatenate3A {strides = array<i32>} : memref<2x32xf32, #tpu.memory_space<vmem>>, vector<2x32xf32>,
    } else {
    }
    %ne3A = arith.constant 0 : i32
    %ne3A_16 = arith.cmpi ne, %arg0, %ne3A : i32
    %convert_element_type3A_17 = arith.extui %ne3A_16 : i1 to i32
    %cond3A_18 = arith.constant 0 : i32
    %cond3A_19 = arith.cmpi ne, %convert_element_type3A_17, %cond3A_18 : i32
    scf.if %cond3A_19 {
      %get3A_20 = arith.constant 0 : index
      %get3A_21 = arith.constant 0 : index
      %get3A_22 = vector.load %arg4[%get3A_20, %get3A_21] : memref<2x32xf32, #tpu.memory_space<vmem>>, vector<2x32xf32>
      %add3A_23 = arith.addf %get3A_22, %concatenate3A : vector<2x32xf32>
      %swap3A = arith.constant 0 : index
      %swap3A_24 = arith.constant 0 : index
      %swap3A_25 = vector.load %arg4[%swap3A, %swap3A_24] : memref<2x32xf32, #tpu.memory_space<vmem>>, vector<2x32xf32>
      tpu.vector_store %arg4[%swap3A, %swap3A_24], %add3A_23 {strides = array<i32>} : memref<2x32xf32, #tpu.memory_space<vmem>>, vector<2x32xf32>,
    } else {
    }
    return
  }
  func.func @transform_0(%arg0: i32) -> (i32, i32) {
    %c0_i32 = arith.constant 0 : i32
    %c0_i32_0 = arith.constant 0 : i32
    return %arg0, %c0_i32 : i32, i32
  }
  func.func @transform_1(%arg0: i32) -> (i32, i32) {
    %c0_i32 = arith.constant 0 : i32
    %c0_i32_0 = arith.constant 0 : i32
    %c0_i32_1 = arith.constant 0 : i32
    return %c0_i32, %c0_i32_0 : i32, i32
  }
  func.func @transform_2(%arg0: i32) -> (i32, i32) {
    %c0_i32 = arith.constant 0 : i32
    %c0_i32_0 = arith.constant 0 : i32
    %c0_i32_1 = arith.constant 0 : i32
    return %c0_i32, %c0_i32_0 : i32, i32
  }
  func.func @transform_3(%arg0: i32) -> (i32, i32) {
    %c0_i32 = arith.constant 0 : i32
    %c0_i32_0 = arith.constant 0 : i32
    %c0_i32_1 = arith.constant 0 : i32
    return %c0_i32, %c0_i32_0 : i32, i32
  }
}

module attributes {stable_mosaic.version = 14 : i64} {
  func.func @_fwd_body(%arg0: i32, %arg1: memref<16000x9xf32, #tpu.memory_space<vmem>>, %arg2: memref<9x32xf32, #tpu.memory_space<vmem>>, %arg3: memref<1x32xf32, #tpu.memory_space<vmem>>, %arg4: memref<1x32xf32, #tpu.memory_space<vmem>>, %arg5: memref<1x32xf32, #tpu.memory_space<vmem>>, %arg6: memref<32x32xf32, #tpu.memory_space<vmem>>, %arg7: memref<1x32xf32, #tpu.memory_space<vmem>>, %arg8: memref<16000x32xf32, #tpu.memory_space<vmem>>, %arg9: memref<2x32xf32, #tpu.memory_space<vmem>>) attributes {dimension_semantics = [#tpu.dimension_semantics<arbitrary>], iteration_bounds = array<i64: 100>, scalar_prefetch = 0 : i64, scratch_operands = 0 : i64, tpu.core_type = #tpu.core_type<tc>, window_params = [{transform_indices = @transform_0, window_bounds = array<i64: 16000, 9>}, {pipeline_mode = #tpu.pipeline_mode<synchronous>, transform_indices = @transform_1, window_bounds = array<i64: 9, 32>}, {pipeline_mode = #tpu.pipeline_mode<synchronous>, transform_indices = @transform_2, window_bounds = array<i64: 1, 32>}, {pipeline_mode = #tpu.pipeline_mode<synchronous>, transform_indices = @transform_3, window_bounds = array<i64: 1, 32>}, {pipeline_mode = #tpu.pipeline_mode<synchronous>, transform_indices = @transform_4, window_bounds = array<i64: 1, 32>}, {pipeline_mode = #tpu.pipeline_mode<synchronous>, transform_indices = @transform_5, window_bounds = array<i64: 32, 32>}, {pipeline_mode = #tpu.pipeline_mode<synchronous>, transform_indices = @transform_6, window_bounds = array<i64: 1, 32>}, {transform_indices = @transform_7, window_bounds = array<i64: 16000, 32>}, {pipeline_mode = #tpu.pipeline_mode<synchronous>, transform_indices = @transform_8, window_bounds = array<i64: 2, 32>}]} {
    %get3A = arith.constant 0 : index
    %get3A_0 = arith.constant 0 : index
    %get3A_1 = vector.load %arg1[%get3A, %get3A_0] : memref<16000x9xf32, #tpu.memory_space<vmem>>, vector<16000x9xf32>
    %get3A_2 = arith.constant 0 : index
    %get3A_3 = arith.constant 0 : index
    %get3A_4 = vector.load %arg2[%get3A_2, %get3A_3] : memref<9x32xf32, #tpu.memory_space<vmem>>, vector<9x32xf32>
    %dot_general3A = arith.constant dense<0.000000e+00> : vector<16000x32xf32>
    %dot_general3A_5 = tpu.matmul %get3A_1, %get3A_4, %dot_general3A {dimension_numbers = #tpu.dot_dimension_numbers<[1], [0], [0], [1], [0, 0, 1, 1], [], []>, transpose_lhs_hint = false} : vector<16000x9xf32>, vector<9x32xf32>, vector<16000x32xf32> -> vector<16000x32xf32>
    %get3A_6 = arith.constant 0 : index
    %get3A_7 = arith.constant 0 : index
    %get3A_8 = vector.load %arg3[%get3A_6, %get3A_7] : memref<1x32xf32, #tpu.memory_space<vmem>>, vector<1x32xf32>
    %add3A = vector.broadcast %get3A_8 : vector<1x32xf32> to vector<16000x32xf32>
    %add3A_9 = arith.addf %dot_general3A_5, %add3A : vector<16000x32xf32>
    %get3A_10 = arith.constant 0 : index
    %get3A_11 = arith.constant 0 : index
    %get3A_12 = vector.load %arg4[%get3A_10, %get3A_11] : memref<1x32xf32, #tpu.memory_space<vmem>>, vector<1x32xf32>
    %mul3A = vector.broadcast %get3A_12 : vector<1x32xf32> to vector<16000x32xf32>
    %mul3A_13 = arith.mulf %add3A_9, %mul3A : vector<16000x32xf32>
    %get3A_14 = arith.constant 0 : index
    %get3A_15 = arith.constant 0 : index
    %get3A_16 = vector.load %arg5[%get3A_14, %get3A_15] : memref<1x32xf32, #tpu.memory_space<vmem>>, vector<1x32xf32>
    %add3A_17 = vector.broadcast %get3A_16 : vector<1x32xf32> to vector<16000x32xf32>
    %add3A_18 = arith.addf %mul3A_13, %add3A_17 : vector<16000x32xf32>
    %max3A = arith.constant 0.000000e+00 : f32
    %max3A_19 = vector.broadcast %max3A : f32 to vector<16000x32xf32>
    %max3A_20 = arith.maximumf %add3A_18, %max3A_19 : vector<16000x32xf32>
    %get3A_21 = arith.constant 0 : index
    %get3A_22 = arith.constant 0 : index
    %get3A_23 = vector.load %arg6[%get3A_21, %get3A_22] : memref<32x32xf32, #tpu.memory_space<vmem>>, vector<32x32xf32>
    %dot_general3A_24 = arith.constant dense<0.000000e+00> : vector<16000x32xf32>
    %dot_general3A_25 = tpu.matmul %max3A_20, %get3A_23, %dot_general3A_24 {dimension_numbers = #tpu.dot_dimension_numbers<[1], [0], [0], [1], [0, 0, 1, 1], [], []>, transpose_lhs_hint = false} : vector<16000x32xf32>, vector<32x32xf32>, vector<16000x32xf32> -> vector<16000x32xf32>
    %get3A_26 = arith.constant 0 : index
    %get3A_27 = arith.constant 0 : index
    %get3A_28 = vector.load %arg7[%get3A_26, %get3A_27] : memref<1x32xf32, #tpu.memory_space<vmem>>, vector<1x32xf32>
    %add3A_29 = vector.broadcast %get3A_28 : vector<1x32xf32> to vector<16000x32xf32>
    %add3A_30 = arith.addf %dot_general3A_25, %add3A_29 : vector<16000x32xf32>
    %swap3A = arith.constant 0 : index
    %swap3A_31 = arith.constant 0 : index
    %swap3A_32 = vector.load %arg8[%swap3A, %swap3A_31] : memref<16000x32xf32, #tpu.memory_space<vmem>>, vector<16000x32xf32>
    tpu.vector_store %arg8[%swap3A, %swap3A_31], %add3A_30 {strides = array<i32>} : memref<16000x32xf32, #tpu.memory_space<vmem>>, vector<16000x32xf32>,
    %reduce_sum3A = arith.constant dense<0.000000e+00> : vector<32xf32>
    %reduce_sum3A_33 = vector.multi_reduction <add>, %add3A_30, %reduce_sum3A [0] : vector<16000x32xf32> to vector<32xf32>
    %broadcast_in_dim3A = vector.shape_cast %reduce_sum3A_33 : vector<32xf32> to vector<1x32xf32>
    %mul3A_34 = arith.mulf %add3A_30, %add3A_30 : vector<16000x32xf32>
    %reduce_sum3A_35 = arith.constant dense<0.000000e+00> : vector<32xf32>
    %reduce_sum3A_36 = vector.multi_reduction <add>, %mul3A_34, %reduce_sum3A_35 [0] : vector<16000x32xf32> to vector<32xf32>
    %broadcast_in_dim3A_37 = vector.shape_cast %reduce_sum3A_36 : vector<32xf32> to vector<1x32xf32>
    %concatenate3A = tpu.concatenate %broadcast_in_dim3A, %broadcast_in_dim3A_37 in 0 : vector<1x32xf32>, vector<1x32xf32> -> vector<2x32xf32>
    %eq3A = arith.constant 0 : i32
    %eq3A_38 = arith.cmpi eq, %arg0, %eq3A : i32
    %convert_element_type3A = arith.extui %eq3A_38 : i1 to i32
    %cond3A = arith.constant 0 : i32
    %cond3A_39 = arith.cmpi ne, %convert_element_type3A, %cond3A : i32
    scf.if %cond3A_39 {
      %swap3A_44 = arith.constant 0 : index
      %swap3A_45 = arith.constant 0 : index
      %swap3A_46 = vector.load %arg9[%swap3A_44, %swap3A_45] : memref<2x32xf32, #tpu.memory_space<vmem>>, vector<2x32xf32>
      tpu.vector_store %arg9[%swap3A_44, %swap3A_45], %concatenate3A {strides = array<i32>} : memref<2x32xf32, #tpu.memory_space<vmem>>, vector<2x32xf32>,
    } else {
    }
    %ne3A = arith.constant 0 : i32
    %ne3A_40 = arith.cmpi ne, %arg0, %ne3A : i32
    %convert_element_type3A_41 = arith.extui %ne3A_40 : i1 to i32
    %cond3A_42 = arith.constant 0 : i32
    %cond3A_43 = arith.cmpi ne, %convert_element_type3A_41, %cond3A_42 : i32
    scf.if %cond3A_43 {
      %get3A_44 = arith.constant 0 : index
      %get3A_45 = arith.constant 0 : index
      %get3A_46 = vector.load %arg9[%get3A_44, %get3A_45] : memref<2x32xf32, #tpu.memory_space<vmem>>, vector<2x32xf32>
      %add3A_47 = arith.addf %get3A_46, %concatenate3A : vector<2x32xf32>
      %swap3A_48 = arith.constant 0 : index
      %swap3A_49 = arith.constant 0 : index
      %swap3A_50 = vector.load %arg9[%swap3A_48, %swap3A_49] : memref<2x32xf32, #tpu.memory_space<vmem>>, vector<2x32xf32>
      tpu.vector_store %arg9[%swap3A_48, %swap3A_49], %add3A_47 {strides = array<i32>} : memref<2x32xf32, #tpu.memory_space<vmem>>, vector<2x32xf32>,
    } else {
    }
    return
  }
  func.func @transform_0(%arg0: i32) -> (i32, i32) {
    %c0_i32 = arith.constant 0 : i32
    %c0_i32_0 = arith.constant 0 : i32
    return %arg0, %c0_i32 : i32, i32
  }
  func.func @transform_1(%arg0: i32) -> (i32, i32) {
    %c0_i32 = arith.constant 0 : i32
    %c0_i32_0 = arith.constant 0 : i32
    %c0_i32_1 = arith.constant 0 : i32
    return %c0_i32, %c0_i32_0 : i32, i32
  }
  func.func @transform_2(%arg0: i32) -> (i32, i32) {
    %c0_i32 = arith.constant 0 : i32
    %c0_i32_0 = arith.constant 0 : i32
    %c0_i32_1 = arith.constant 0 : i32
    return %c0_i32, %c0_i32_0 : i32, i32
  }
  func.func @transform_3(%arg0: i32) -> (i32, i32) {
    %c0_i32 = arith.constant 0 : i32
    %c0_i32_0 = arith.constant 0 : i32
    %c0_i32_1 = arith.constant 0 : i32
    return %c0_i32, %c0_i32_0 : i32, i32
  }
  func.func @transform_4(%arg0: i32) -> (i32, i32) {
    %c0_i32 = arith.constant 0 : i32
    %c0_i32_0 = arith.constant 0 : i32
    %c0_i32_1 = arith.constant 0 : i32
    return %c0_i32, %c0_i32_0 : i32, i32
  }
  func.func @transform_5(%arg0: i32) -> (i32, i32) {
    %c0_i32 = arith.constant 0 : i32
    %c0_i32_0 = arith.constant 0 : i32
    %c0_i32_1 = arith.constant 0 : i32
    return %c0_i32, %c0_i32_0 : i32, i32
  }
  func.func @transform_6(%arg0: i32) -> (i32, i32) {
    %c0_i32 = arith.constant 0 : i32
    %c0_i32_0 = arith.constant 0 : i32
    %c0_i32_1 = arith.constant 0 : i32
    return %c0_i32, %c0_i32_0 : i32, i32
  }
  func.func @transform_7(%arg0: i32) -> (i32, i32) {
    %c0_i32 = arith.constant 0 : i32
    %c0_i32_0 = arith.constant 0 : i32
    return %arg0, %c0_i32 : i32, i32
  }
  func.func @transform_8(%arg0: i32) -> (i32, i32) {
    %c0_i32 = arith.constant 0 : i32
    %c0_i32_0 = arith.constant 0 : i32
    %c0_i32_1 = arith.constant 0 : i32
    return %c0_i32, %c0_i32_0 : i32, i32
  }
}

</mosaic_0001>

<sc_bundles>
// kernel: kernel.5.cloned.1.call-start
scs
__scs_entry_jumppad:
0x0: {  	(pc) =	sbr.rel $0x88, $3  }
0x1: {  	(tag) =	ssettag $0x0;
	lr =	simm.s32 $0x1  }
0x2: {  	[smem:$0x3F97] =	sst lr;
	_ =	strace $0xD0000000  }
0x3: {  	_ = 	snop  }
0x4: {  	_ = 	snop  }
0x5: {  	_ = 	snop  }
0x6: {  	_ = 	snop  }
0x7: {  	_ = 	snop  }
__scs_overlays_trampoline_lowered:
0x8: {  	[smem:$0x3FA6] =	sst s0  }
0x9: {  	[smem:$0x3FA7] =	sst s1  }
0xa: {  	[smem:$0x3FA8] =	sst s2  }
0xb: {  	[smem:$0x3FA9] =	sst s3  }
0xc: {  	[smem:$0x3FAA] =	sst s4  }
0xd: {  	[smem:$0x3FAB] =	sst s5  }
0xe: {  	[smem:$0x3FAC] =	sst s6  }
0xf: {  	[smem:$0x3FAD] =	sst s7  }
0x10: {  	[smem:$0x3FAE] =	sst s8  }
0x11: {  	[smem:$0x3FAF] =	sst s9;
	s0 =	simm.s32 @!p0 $0x0  }
0x12: {  	s1 =	sld [smem:$0x3F95];
	s0 =	simm.s32 @p0 $0x1  }
0x13: {  	[smem:$0x3FB0] =	sst s0;
	s0 =	simm.s32 @!p1 $0x0  }
0x14: {  	s2 =	sld [smem:$0x3F94];
	s0 =	simm.s32 @p1 $0x1  }
0x15: {  	[smem:$0x3FB1] =	sst s0;
	s0 =	simm.s32 @!p2 $0x0  }
0x16: {  	s3 =	sld [smem:$0x3FDB];
	s0 =	simm.s32 @p2 $0x1  }
0x17: {  	s4 =	simm.s32 $0x1BF5;
	[smem:$0x3FB3] =	sst s0  }
0x18: {  	s0 =	sld [smem:$0x3F96];
	_ =	swait.ge [sflag:s4], $0x0  }
0x19: {  	s7 =	sld [smem:$0x3F97]  }
0x1a: {  	s8 =	sadd.s32 $0xFFFFE003, lr  }
0x1b: {  	s9 =	sadd.s32 $0xFFFFFEF7, lr;
	s5 =	simm.s32 $0xFFFFFFFF;
	p2 =	slt.u32 s8, $0xFFFFF086  }
0x1c: {  	p1 =	slt.u32 s9, $0xF7A;
	s5 =	simm.s32 @!p2 $0x0  }
0x1d: {  	s5 =	simm.s32 @p1 $0x1;
	p0 =	seq.s32 s7, s2  }
0x1e: {  	s7 =	smul.u32 @!p0 $0xF7A, s2;
	p2 =	seq.s32 @!p0 s5, $0x0  }
0x1f: {  	s9 =	smul.u32 $0xF7A, s1;
	s8 =	simm.s32 @!p0 $0x1BF5;
	p2 =	por !p2, p0  }
0x20: {  	[sflag:s8] =	ssyncset.s32 @!p0 $0xFFFFF086;
	s6 =	sadd.s32 @!p0 s3, s7;
	s7 =	simm.s32 @!p0 $0x108  }
0x21: {  	s3 =	sadd.s32 s3, s9;
	s6 =	sadd.s32 @!p0 $0x88, s6;
	s7 =	simm.s32 @p2 $0x1082  }
0x22: {  	[simem:s7], [sflag:s8] =	dma.local @!p0 [hbm:s6], $0xF7A  }
0x23: {  	s9 =	sor.u32 $0xD0000000, s2;
	s6 =	simm.s32 $0x108;
	_ =	swait.ge @!p0 [sflag:s8], $0x0  }
0x24: {  	s3 =	sadd.s32 $0x88, s3;
	s6 =	simm.s32 @!p1 $0x1082;
	[sflag:s4] =	ssyncset.s32 $0xFFFFF086  }
0x25: {  	[simem:s6], [sflag:s4] =	dma.local [hbm:s3], $0xF7A  }
0x26: {  	[smem:$0x3F97] =	sst s1;
	(tag) =	ssettag s2;
	_ =	strace s9  }
0x27: {  	s1 =	sld [smem:$0x3FA7]  }
0x28: {  	s2 =	sld [smem:$0x3FA8]  }
0x29: {  	s4 =	sld [smem:$0x3FAA]  }
0x2a: {  	p0 =	seq.s32 s5, $0x0;
	s5 =	sld [smem:$0x3FAB]  }
0x2b: {  	s6 =	sld [smem:$0x3FAC]  }
0x2c: {  	s7 =	sld [smem:$0x3FAD]  }
0x2d: {  	s3 =	simm.s32 $0x108;
	s8 =	sld [smem:$0x3FAE]  }
0x2e: {  	s3 =	simm.s32 @!p0 $0x1082;
	s9 =	sld [smem:$0x3FAF]  }
0x2f: {  	lr =	sadd.s32 s0, s3;
	s0 =	sld [smem:$0x3FA6]  }
0x30: {  	s3 =	sld [smem:$0x3FA9]  }
0x31: {  	[smem:$0x3FB2] =	sst s10  }
0x32: {  	s10 =	sld [smem:$0x3FB0];
	_ =	sdelay $0x3  }
0x33: {  	p0 =	seq.s32 s10, $0x1;
	s10 =	sld [smem:$0x3FB2];
	_ =	sdelay $0x3  }
0x34: {  	[smem:$0x3FB2] =	sst s10  }
0x35: {  	s10 =	sld [smem:$0x3FB1];
	_ =	sdelay $0x3  }
0x36: {  	p1 =	seq.s32 s10, $0x1;
	s10 =	sld [smem:$0x3FB2];
	_ =	sdelay $0x3  }
0x37: {  	[smem:$0x3FB2] =	sst s10  }
0x38: {  	s10 =	sld [smem:$0x3FB3]  }
0x39: {  	_ = 	snop;
	(pc) =	sbr.ind lr, $3  }
0x3a: {  	_ = 	snop  }
0x3b: {  	_ = 	snop  }
0x3c: {  	p2 =	seq.s32 s10, $0x1;
	s10 =	sld [smem:$0x3FB2]  }
0x3d: {  	_ =	shalt  }
0x3e: {  	_ =	shalt  }
0x3f: {  	_ =	shalt  }
0x40: {  	_ =	shalt  }
0x41: {  	_ =	shalt  }
0x42: {  	_ =	shalt  }
0x43: {  	_ =	shalt  }
0x44: {  	_ =	shalt  }
0x45: {  	_ =	shalt  }
0x46: {  	_ =	shalt  }
0x47: {  	_ =	shalt  }
0x48: {  	_ =	shalt  }
0x49: {  	_ =	shalt  }
0x4a: {  	_ =	shalt  }
0x4b: {  	_ =	shalt  }
0x4c: {  	_ =	shalt  }
0x4d: {  	_ =	shalt  }
0x4e: {  	_ =	shalt  }
0x4f: {  	_ =	shalt  }
0x50: {  	_ =	shalt  }
0x51: {  	_ =	shalt  }
0x52: {  	_ =	shalt  }
0x53: {  	_ =	shalt  }
0x54: {  	_ =	shalt  }
0x55: {  	_ =	shalt  }
0x56: {  	_ =	shalt  }
0x57: {  	_ =	shalt  }
0x58: {  	_ =	shalt  }
0x59: {  	_ =	shalt  }
0x5a: {  	_ =	shalt  }
0x5b: {  	_ =	shalt  }
0x5c: {  	_ =	shalt  }
0x5d: {  	_ =	shalt  }
0x5e: {  	_ =	shalt  }
0x5f: {  	_ =	shalt  }
0x60: {  	_ =	shalt  }
0x61: {  	_ =	shalt  }
0x62: {  	_ =	shalt  }
0x63: {  	_ =	shalt  }
0x64: {  	_ =	shalt  }
0x65: {  	_ =	shalt  }
0x66: {  	_ =	shalt  }
0x67: {  	_ =	shalt  }
0x68: {  	_ =	shalt  }
0x69: {  	_ =	shalt  }
0x6a: {  	_ =	shalt  }
0x6b: {  	_ =	shalt  }
0x6c: {  	_ =	shalt  }
0x6d: {  	_ =	shalt  }
0x6e: {  	_ =	shalt  }
0x6f: {  	_ =	shalt  }
0x70: {  	_ =	shalt  }
0x71: {  	_ =	shalt  }
0x72: {  	_ =	shalt  }
0x73: {  	_ =	shalt  }
0x74: {  	_ =	shalt  }
0x75: {  	_ =	shalt  }
0x76: {  	_ =	shalt  }
0x77: {  	_ =	shalt  }
0x78: {  	_ =	shalt  }
0x79: {  	_ =	shalt  }
0x7a: {  	_ =	shalt  }
0x7b: {  	_ =	shalt  }
0x7c: {  	_ =	shalt  }
0x7d: {  	_ =	shalt  }
0x7e: {  	_ =	shalt  }
0x7f: {  	_ =	shalt  }
0x80: {  	_ =	shalt  }
0x81: {  	_ =	shalt  }
0x82: {  	_ =	shalt  }
0x83: {  	_ =	shalt  }
0x84: {  	_ =	shalt  }
0x85: {  	_ =	shalt  }
0x86: {  	_ =	shalt  }
0x87: {  	_ =	shalt  }
.Lfunc_end0:
.L_simem_size_0:
called_computation_lowered:
.L_overlay_start_0:
0x88: {  	s2 =	sld [smem:$0x3FD9]  }
0x89: {  	s3 =	sld [smem:$0x3FFE];
	_ =	sdelay $0x1  }
0x8a: {  	s1 =	srdreg.scid  }
0x8b: {  	s0 =	sand.u32 $0x1, s1  }
0x8c: {  	s17 =	sshll.u32 s0, $0xA;
	s2 =	sadd.s32 s3, s2  }
0x8d: {  	s2 =	sadd.s32 s2, s17  }
0x8e: {  	[smem:$0x3FBE] =	sst s2  }
0x8f: {  	_ = 	snop  }
0x90: {  	s2 =	sld [smem:$0x3FD0];
	(tm) =	ssettm $0x1  }
0x91: {  	s18 =	sld [smem:$0x3FFB];
	_ =	sdelay $0x3  }
0x92: {  	_ =	strace s18  }
0x93: {  	s3 =	sld [smem:$0x3FFC];
	_ =	sdelay $0x3  }
0x94: {  	_ =	strace s3  }
0x95: {  	s3 =	sld [smem:$0x3FFD];
	_ =	sdelay $0x3  }
0x96: {  	_ =	strace s3  }
0x97: {  	_ =	strace $0x8FFFFFFF  }
0x98: {  	s19 =	sld [smem:$0x3FDB];
	_ =	sdelay $0x1  }
0x99: {  	s4 =	simm.s32 $_scs_section_size  }
0x9a: {  	s5 =	simm.s32 $_size__tile_overlayer_lowered;
	s6 =	simm.s32 $_tile_overlayer_lowered  }
0x9b: {  	s22 =	simm.s32 $0x1BFF;
	s21 =	sshll.u32 s6, $0x1;
	s3 =	sadd.s32 s4, s19  }
0x9c: {  	s7 =	simm.s32 $0x0;
	s20 =	sshll.u32 s5, $0x1;
	s5 =	sadd.s32 s21, s3  }
0x9d: {  	[timem:s7], [sflag:s22] =	dma.local [hbm:s5], s20  }
0x9e: {  	_ =	swait.ge [sflag:s22], s20  }
0x9f: {  	s4 =	ssub.s32 $0x0, s20;
	[sflag:s22] =	ssyncset.done $0x0  }
0xa0: {  	[sflag:s22] =	ssyncadd.s32 s4;
	_ =	sdelay $0x1  }
0xa1: {  	s23 =	simm.s32 $0x1B8B  }
0xa2: {  	_ =	swait.ge [sflag:s23], $0x1  }
0xa3: {  	[sflag:s23] =	ssyncset.done $0x0  }
0xa4: {  	s25 =	simm.s32 $0x1B8E;
	s24 =	sld [smem:$0x3FFE];
	[sflag:s23] =	ssyncadd.s32 $0xFFFFFFFF  }
0xa5: {  	s26 =	simm.s32 $execute0_lowered;
	[smem:$0x3FD2] =	sst s25  }
0xa6: {  	s5 =	sshll.u32 s26, $0x1;
	_ =	strace $0x80000046;
	[dreg:$0x1] =	wrdreg $0xFFFFFFFF  }
0xa7: {  	s28 =	simm.s32 $_size_execute0_lowered;
	s3 =	sadd.s32 s3, s5;
	[dreg:$0x0] =	wrdreg $0x0  }
0xa8: {  	s5 =	sshll.u32 s28, $0x1;
	[dreg:$0x2] =	wrdreg s3  }
0xa9: {  	[dreg:$0x3] =	wrdreg s5  }
0xaa: {  	[dreg:$0x4] =	wrdreg $0xC0  }
0xab: {  	_ =	task [dreg:s7], $0x5FFFF  }
0xac: {  	[dreg:$0x1] =	wrdreg $0xFFFFFFFF  }
0xad: {  	[dreg:$0x0] =	wrdreg $0x60  }
0xae: {  	[dreg:$0x2] =	wrdreg s24  }
0xaf: {  	[dreg:$0x3] =	wrdreg s2  }
0xb0: {  	[dreg:$0x4] =	wrdreg $0x9  }
0xb1: {  	_ =	task.clear_ibuf [dreg:s7], $0x5FFFF;
	_ =	strace $0x90000046  }
0xb2: {  	s29 =	simm.s32 $0x9;
	_ =	strace $0x80000048  }
0xb3: {  	_ =	swait.ge [sflag:s29], $0x1  }
0xb4: {  	[sflag:s29] =	ssyncadd.s32 $0xFFFFFFFF  }
0xb5: {  	_ =	strace $0x90000048  }
0xb6: {  	_ =	sfence  }
0xb7: {  	s30 =	sld [smem:$0x0];
	_ =	sdelay $0x2  }
0xb8: {  	s31 =	sshll.u32 s1, $0xD;
	s1 =	sshrl.u32 s1, $0x2  }
0xb9: {  	s3 =	sand.u32 $0x4000, s31;
	s1 =	sadd.s32 s1, s30  }
0xba: {  	s0 =	sor.u32 s3, s0;
	s1 =	sshll.u32 s1, $0x11  }
0xbb: {  	s0 =	sor.u32 s1, s0  }
0xbc: {  	s0 =	sadd.s32 $0x8F2B, s0  }
0xbd: {  	[sflag:s0] =	ssyncadd.remote.s32 $0x1  }
0xbe: {  	_ =	sfence.sel $0xFFFF  }
0xbf: {  	[dreg:$0x0] =	wrdreg $0xFFFFFFFF;
	(pc) =	sbr.abs _section_cstart, $3  }
0xc0: {  	[dreg:$0x1] =	wrdreg $0xFFFFFFFF  }
0xc1: {  	_ =	task.clear_ibuf [dreg:s7], $0x2FFFF;
	_ =	strace $0x9FFFFFFF  }
0xc2: {  	(tm) =	ssettm $0x7FFFFFFF  }
0xc3: {  	_ =	shalt  }
tec
execute0_lowered:
.L_overlay_start_1:
0x0: {  	(tag) =	ssettag $0x1  }
0x1: {  	s0 =	rddreg [dreg:$0x0]  }
0x2: {  	s1 =	rddreg [dreg:$0x1];
	s9 =	simm.s32 $0x0  }
0x3: {  	s3 =	srdreg.scid;
	s2 =	stileid.u32;
	s13 =	simm.s32 $0x1  }
0x4: {  	[smem:$0x7FF] =	sst s9;
	s4 =	sand.u32 $0x1, s3;
	s3 =	sadd.s32 $0x189DE00, s0  }
0x5: {  	s5 =	sshll.u32 s2, $0x1;
	s8 =	sadd.s32 $0x186CE00, s0;
	_ =	strace $0x80000047  }
0x6: {  	s6 =	ssub.s32 $0x2, s4;
	s2 =	sor.u32 s4, s5;
	s5 =	sadd.s32 $0x186D000, s0  }
0x7: {  	[dreg:$0x4] =	wrdreg s8;
	s0 =	sadd.s32 $0x2A00, s0;
	s7 =	smul.u32 $0x30E0, s2  }
0x8: {  	s14 =	simm.s32 $0x2;
	s30 =	sshrl.u32 s6, $0x1;
	[dreg:$0x5] =	wrdreg s0  }
0x9: {  	[dreg:$0x3] =	wrdreg s2;
	s31 =	ssub.s32 s6, s30;
	s1 =	sadd.s32 s1, s7  }
0xa: {  	s16 =	simm.s32 $0x0;
	s0 =	smax.u32 s31, $0x1;
	[dreg:$0x6] =	wrdreg s1  }
0xb: {  	v0 =	vimm.f32 $-Inf;
	s8 =	smul.u32 $0xC38, s2;
	[dreg:$0x7] =	wrdreg s0;
	s1 =	simm.s32 $0x3  }
.LBB2_1:
0xc: {  	s0 =	rddreg [dreg:$0x4]  }
0xd: {  	[tilespmem:s9], [sflag:$0x3] =	stream.linear.gather [hbm4b:s0+s9], $0x80, $0x38;
	[tilespmem:$0x1F900] =	vst v63  }
0xe: {  	_ =	swait.ge [sflag:s1], $0x80  }
0xf: {  	[sflag:s1] =	ssyncset.done $0x0  }
0x10: {  	s2 =	simm.s32 $0x80;
	s28 =	rddreg [dreg:$0x5];
	[sflag:s1] =	ssyncadd.s32 $0xFFFFFF80  }
0x11: {  	[tilespmem:s2], [sflag:$0x3] =	stream.linear.gather [hbm4b:s28+s9], $0x80, $0x38;
	[tilespmem:$0x1F900] =	vst v63  }
0x12: {  	_ =	swait.ge [sflag:s1], $0x80  }
0x13: {  	[sflag:s1] =	ssyncset.done $0x0  }
0x14: {  	s29 =	rddreg [dreg:$0x3];
	[sflag:s1] =	ssyncadd.s32 $0xFFFFFF80  }
0x15: {  	v1 =	vld [tilespmem:s29+$0x0];
	_ =	sdelay $0x4  }
0x16: {  	(v2sf) =	vpush v1, $0x0  }
0x17: {  	(v2sf) =	vpush v1, $0x1;
	_ =	sdelay $0xd  }
0x18: {  	s0 =	spop (v2sf)  }
0x19: {  	s30 =	spop (v2sf);
	s17 =	sand.u32 $0xFFFFFFF8, s0  }
0x1a: {  	s1 =	ssub.s32 s30, s17  }
0x1b: {  	s4 =	sadd.s32 $0x6F, s1  }
0x1c: {  	s6 =	smulhi.u32 $0x92492493, s4;
	s7 =	sshra.s32 s4, $0x1F  }
0x1d: {  	s1 =	ssub.s32 $0xFFFFFF91, s1;
	s7 =	smul.u32 $0x92492493, s7  }
0x1e: {  	s6 =	sadd.s32 s1, s6  }
0x1f: {  	s6 =	sadd.s32 s7, s6  }
0x20: {  	s6 =	sadd.s32 s4, s6  }
0x21: {  	s31 =	sshrl.u32 s6, $0x1F;
	s6 =	sshra.s32 s6, $0x6  }
0x22: {  	s6 =	sadd.s32 s31, s6  }
0x23: {  	s7 =	smul.u32 $0xFFFFFF90, s6;
	_ =	sdelay $0x1  }
0x24: {  	p0 =	slt.s32 s4, $0x1;
	p1 =	sne.s32 s7, s1  }
0x25: {  	p0 =	por !p0, !p1  }
0x26: {  	s1 =	simm.s32 $0x1;
	p0 =	por !p0, !p0  }
0x27: {  	s1 =	simm.s32 @!p0 $0x0  }
0x28: {  	s18 =	ssub.s32 s6, s1  }
0x29: {  	p0 =	slt.s32 s18, $0x1  }
0x2a: {  	s1 =	sshrl.u32 @!p0 s0, $0x3;
	s4 =	simm.s32 @!p0 $0x0;
	s0 =	sshll.u32 @!p0 s0, $0x4  }
0x2b: {  	s6 =	simm.s32 @!p0 $0x100;
	s1 =	sadd.s32 @!p0 s5, s1;
	s0 =	sand.u32 @!p0 $0xFFFFF80, s0  }
0x2c: {  	[tilespmem:s6], [sflag:$0x1] =	stream.linear.gather @!p0 [hbm4b:s1+s4], $0x70, $0x38;
	[tilespmem:$0x1F900] =	vst v63  }
0x2d: {  	p1 =	seq.s32 @!p0 s18, $0x1;
	s0 =	sadd.s32 @!p0 s3, s0;
	s1 =	simm.s32 @!p0 $0x200  }
0x2e: {  	[tilespmem:s1], [sflag:$0x1] =	stream.linear.gather @!p0 [hbm4b:s0+s4], $0x3800, $0x38;
	[tilespmem:$0x1F900] =	vst v63  }
0x2f: {  	p0 =	por p1, p0  }
0x30: {  	s0 =	sadd.s32 @!p0 $0x70, s17  }
0x31: {  	s4 =	simm.s32 @!p0 $0x0;
	s1 =	sshrl.u32 @!p0 s0, $0x3  }
0x32: {  	s6 =	simm.s32 @!p0 $0x180;
	s0 =	sshll.u32 @!p0 s0, $0x4;
	s1 =	sadd.s32 @!p0 s5, s1  }
0x33: {  	[tilespmem:s6], [sflag:$0x2] =	stream.linear.gather @!p0 [hbm4b:s1+s4], $0x70, $0x38;
	[tilespmem:$0x1F900] =	vst v63  }
0x34: {  	s0 =	sadd.s32 @!p0 s3, s0;
	s1 =	simm.s32 @!p0 $0x3A00  }
0x35: {  	[tilespmem:s1], [sflag:$0x2] =	stream.linear.gather @!p0 [hbm4b:s0+s4], $0x3800, $0x38;
	[tilespmem:$0x1F900] =	vst v63  }
0x36: {  	s1 =	simm.s32 $0x80;
	s0 =	simm.s32 $0x0  }
.LBB2_2:
0x37: {  	p0 =	sne.s32 s1, $0x61B80;
	[tilespmem:s0+$0x7200] =	vst v0;
	s4 =	smov.u32 s1;
	s1 =	sadd.s32 $0x80, s1  }
.Ltmp0:
0x38: {  	[tilespmem:s0+$0x7210] =	vst v0;
	(pc) =	sbr.rel @p0 .LBB2_2-.Ltmp0, $2  }
0x39: {  	_ =	sdelay $0x2  }
0x3a: {  	s0 =	sshra.s32 s4, $0x2  }
0x3b: {  	s1 =	sadd.s32 $0x1, s18  }
0x3c: {  	s4 =	sand.u32 $0x1, s1  }
0x3d: {  	p0 =	slt.s32 s18, $0x0;
	p1 =	seq.s32 s4, $0x1  }
0x3e: {  	s31 =	sshrl.u32 s1, $0x1F;
	p0 =	por !p0, !p1  }
0x3f: {  	s1 =	sadd.s32 s31, s1;
	s4 =	simm.s32 $0x1;
	p0 =	por !p0, !p0  }
0x40: {  	s1 =	sshra.s32 s1, $0x1;
	s4 =	simm.s32 @!p0 $0x0  }
0x41: {  	s19 =	ssub.s32 s1, s4  }
0x42: {  	p0 =	slt.s32 s19, $0x1  }
.Ltmp1:
0x43: {  	_ = 	snop;
	(pc) =	sbr.rel @p0 .LBB2_14-.Ltmp1, $3  }
0x44: {  	_ =	sdelay $0x1  }
0x45: {  	[tilespmem:s0+$0x7200] =	vst v0  }
0x46: {  	[tilespmem:s0+$0x7210] =	vst v0  }
.Ltmp2:
0x47: {  	(pc) =	sbr.rel .LBB2_5-.Ltmp2, $2  }
0x48: {  	_ =	sdelay $0x2  }
0x49: {  	s20 =	sadd.s32 $0xFFFFFFFF, s18;
	s21 =	simm.s32 $0x0  }
.LBB2_13:
0x4a: {  	s21 =	sadd.s32 $0x1, s21  }
0x4b: {  	p0 =	sne.s32 s21, s19  }
.Ltmp3:
0x4c: {  	_ = 	snop;
	(pc) =	sbr.rel @!p0 .LBB2_14-.Ltmp3, $1  }
0x4d: {  	_ =	sdelay $0x3  }
.LBB2_5:
0x4e: {  	s22 =	sshll.u32 s21, $0x1  }
0x4f: {  	p0 =	sge.s32 s22, s18  }
.Ltmp4:
0x50: {  	_ = 	snop;
	(pc) =	sbr.rel @p0 .LBB2_9-.Ltmp4, $1  }
0x51: {  	_ =	sdelay $0x3  }
0x52: {  	_ =	swait.ge [sflag:s13], $0x70  }
0x53: {  	[sflag:s13] =	ssyncset.done $0x0  }
0x54: {  	[sflag:s13] =	ssyncadd.s32 $0xFFFFFF90  }
0x55: {  	_ =	swait.ge [sflag:s13], $0x3800  }
0x56: {  	[sflag:s13] =	ssyncset.done $0x0  }
0x57: {  	s0 =	simm.s32 $0x0;
	[sflag:s13] =	ssyncadd.s32 $0xFFFFC800  }
0x58: {  	v1 =	vld [tilespmem:s0+$0x100];
	_ =	sdelay $0x4  }
0x59: {  	(v2sf) =	vpush v1, $0x0;
	_ =	sdelay $0xd  }
0x5a: {  	(v2sf) =	vpush v1, $0x1  }
0x5b: {  	s4 =	spop (v2sf)  }
0x5c: {  	s0 =	ssub.s32 s4, s8  }
0x5d: {  	p1 =	sgt.u32 s0, $0xC37  }
0x5e: {  	s23 =	simm.s32 $0x600;
	s0 =	sshll.u32 @!p1 s0, $0x5  }
0x5f: {  	v2 =	vld @!p1 [tilespmem:s23+$0xFFFFFC00];
	s0 =	sand.u32 @!p1 $0x1FFE0, s0  }
0x60: {  	v3 =	vld @!p1 [tilespmem:s0+$0x7200];
	_ =	sdelay $0x4  }
0x61: {  	v2 =	vmax.f32 @!p1 v3, v2  }
0x62: {  	[tilespmem:s0+$0x7200] =	vst @!p1 v2;
	v2 =	vld @!p1 [tilespmem:s0+$0x7210]  }
0x63: {  	v3 =	vld @!p1 [tilespmem:s23+$0xFFFFFC10];
	_ =	sdelay $0x1  }
0x64: {  	(v2sf) =	vpush v1, $0x2;
	s1 =	spop (v2sf)  }
0x65: {  	s1 =	ssub.s32 s1, s8  }
0x66: {  	p0 =	sgt.u32 s1, $0xC37  }
0x67: {  	s1 =	sshll.u32 @!p0 s1, $0x5;
	v2 =	vmax.f32 @!p1 v2, v3  }
0x68: {  	[tilespmem:s0+$0x7210] =	vst @!p1 v2;
	s0 =	sand.u32 @!p0 $0x1FFE0, s1  }
0x69: {  	v2 =	vld @!p0 [tilespmem:s0+$0x7200]  }
0x6a: {  	v3 =	vld @!p0 [tilespmem:s23+$0xFFFFFC80];
	_ =	sdelay $0x4  }
0x6b: {  	v2 =	vmax.f32 @!p0 v2, v3  }
0x6c: {  	[tilespmem:s0+$0x7200] =	vst @!p0 v2;
	v2 =	vld @!p0 [tilespmem:s0+$0x7210]  }
0x6d: {  	v3 =	vld @!p0 [tilespmem:s23+$0xFFFFFC90];
	_ =	sdelay $0x1  }
0x6e: {  	(v2sf) =	vpush v1, $0x3;
	s6 =	spop (v2sf)  }
0x6f: {  	s1 =	ssub.s32 s6, s8  }
0x70: {  	p1 =	sgt.u32 s1, $0xC37  }
0x71: {  	s1 =	sshll.u32 @!p1 s1, $0x5;
	v2 =	vmax.f32 @!p0 v2, v3  }
0x72: {  	[tilespmem:s0+$0x7210] =	vst @!p0 v2;
	s0 =	sand.u32 @!p1 $0x1FFE0, s1  }
0x73: {  	v2 =	vld @!p1 [tilespmem:s0+$0x7200]  }
0x74: {  	v3 =	vld @!p1 [tilespmem:s23+$0xFFFFFD00];
	_ =	sdelay $0x4  }
0x75: {  	v2 =	vmax.f32 @!p1 v2, v3  }
0x76: {  	[tilespmem:s0+$0x7200] =	vst @!p1 v2;
	v2 =	vld @!p1 [tilespmem:s0+$0x7210]  }
0x77: {  	v3 =	vld @!p1 [tilespmem:s23+$0xFFFFFD10];
	_ =	sdelay $0x1  }
0x78: {  	(v2sf) =	vpush v1, $0x4;
	s7 =	spop (v2sf)  }
0x79: {  	s1 =	ssub.s32 s7, s8  }
0x7a: {  	p0 =	sgt.u32 s1, $0xC37  }
0x7b: {  	s1 =	sshll.u32 @!p0 s1, $0x5;
	v2 =	vmax.f32 @!p1 v2, v3  }
0x7c: {  	[tilespmem:s0+$0x7210] =	vst @!p1 v2;
	s0 =	sand.u32 @!p0 $0x1FFE0, s1  }
0x7d: {  	v2 =	vld @!p0 [tilespmem:s0+$0x7200]  }
0x7e: {  	v3 =	vld @!p0 [tilespmem:s23+$0xFFFFFD80];
	_ =	sdelay $0x4  }
0x7f: {  	v2 =	vmax.f32 @!p0 v2, v3  }
0x80: {  	[tilespmem:s0+$0x7200] =	vst @!p0 v2;
	v2 =	vld @!p0 [tilespmem:s0+$0x7210]  }
0x81: {  	v3 =	vld @!p0 [tilespmem:s23+$0xFFFFFD90];
	_ =	sdelay $0x1  }
0x82: {  	(v2sf) =	vpush v1, $0x5;
	s9 =	spop (v2sf)  }
0x83: {  	s1 =	ssub.s32 s9, s8  }
0x84: {  	p1 =	sgt.u32 s1, $0xC37  }
0x85: {  	s1 =	sshll.u32 @!p1 s1, $0x5;
	v2 =	vmax.f32 @!p0 v2, v3  }
0x86: {  	[tilespmem:s0+$0x7210] =	vst @!p0 v2;
	s0 =	sand.u32 @!p1 $0x1FFE0, s1  }
0x87: {  	v2 =	vld @!p1 [tilespmem:s0+$0x7200]  }
0x88: {  	v3 =	vld @!p1 [tilespmem:s23+$0xFFFFFE00];
	_ =	sdelay $0x4  }
0x89: {  	v2 =	vmax.f32 @!p1 v2, v3  }
0x8a: {  	[tilespmem:s0+$0x7200] =	vst @!p1 v2;
	v2 =	vld @!p1 [tilespmem:s0+$0x7210]  }
0x8b: {  	v3 =	vld @!p1 [tilespmem:s23+$0xFFFFFE10];
	_ =	sdelay $0x1  }
0x8c: {  	(v2sf) =	vpush v1, $0x6;
	s10 =	spop (v2sf)  }
0x8d: {  	s1 =	ssub.s32 s10, s8  }
0x8e: {  	p0 =	sgt.u32 s1, $0xC37  }
0x8f: {  	s1 =	sshll.u32 @!p0 s1, $0x5;
	v2 =	vmax.f32 @!p1 v2, v3  }
0x90: {  	[tilespmem:s0+$0x7210] =	vst @!p1 v2;
	s0 =	sand.u32 @!p0 $0x1FFE0, s1  }
0x91: {  	v2 =	vld @!p0 [tilespmem:s0+$0x7200]  }
0x92: {  	v3 =	vld @!p0 [tilespmem:s23+$0xFFFFFE80];
	_ =	sdelay $0x4  }
0x93: {  	v2 =	vmax.f32 @!p0 v2, v3  }
0x94: {  	[tilespmem:s0+$0x7200] =	vst @!p0 v2;
	v2 =	vld @!p0 [tilespmem:s0+$0x7210]  }
0x95: {  	v3 =	vld @!p0 [tilespmem:s23+$0xFFFFFE90];
	_ =	sdelay $0x1  }
0x96: {  	(v2sf) =	vpush v1, $0x7;
	s11 =	spop (v2sf)  }
0x97: {  	s1 =	ssub.s32 s11, s8  }
0x98: {  	p1 =	sgt.u32 s1, $0xC37  }
0x99: {  	s1 =	sshll.u32 @!p1 s1, $0x5;
	v2 =	vmax.f32 @!p0 v2, v3  }
0x9a: {  	[tilespmem:s0+$0x7210] =	vst @!p0 v2;
	s0 =	sand.u32 @!p1 $0x1FFE0, s1  }
0x9b: {  	v2 =	vld @!p1 [tilespmem:s0+$0x7200]  }
0x9c: {  	v3 =	vld @!p1 [tilespmem:s23+$0xFFFFFF00];
	_ =	sdelay $0x4  }
0x9d: {  	v2 =	vmax.f32 @!p1 v2, v3  }
0x9e: {  	[tilespmem:s0+$0x7200] =	vst @!p1 v2;
	v2 =	vld @!p1 [tilespmem:s0+$0x7210]  }
0x9f: {  	v3 =	vld @!p1 [tilespmem:s23+$0xFFFFFF10];
	_ =	sdelay $0x1  }
0xa0: {  	(v2sf) =	vpush v1, $0x8;
	s12 =	spop (v2sf)  }
0xa1: {  	s1 =	ssub.s32 s12, s8  }
0xa2: {  	p0 =	sgt.u32 s1, $0xC37  }
0xa3: {  	s1 =	sshll.u32 @!p0 s1, $0x5;
	v2 =	vmax.f32 @!p1 v2, v3  }
0xa4: {  	[tilespmem:s0+$0x7210] =	vst @!p1 v2;
	s0 =	sand.u32 @!p0 $0x1FFE0, s1  }
0xa5: {  	v2 =	vld @!p0 [tilespmem:s0+$0x7200]  }
0xa6: {  	v3 =	vld @!p0 [tilespmem:s23+$0xFFFFFF80];
	_ =	sdelay $0x4  }
0xa7: {  	v2 =	vmax.f32 @!p0 v2, v3  }
0xa8: {  	[tilespmem:s0+$0x7200] =	vst @!p0 v2;
	v2 =	vld @!p0 [tilespmem:s0+$0x7210]  }
0xa9: {  	v3 =	vld @!p0 [tilespmem:s23+$0xFFFFFF90];
	_ =	sdelay $0x1  }
0xaa: {  	(v2sf) =	vpush v1, $0x9;
	s15 =	spop (v2sf)  }
0xab: {  	s1 =	ssub.s32 s15, s8  }
0xac: {  	p1 =	sgt.u32 s1, $0xC37  }
0xad: {  	s1 =	sshll.u32 @!p1 s1, $0x5;
	v2 =	vmax.f32 @!p0 v2, v3  }
0xae: {  	[tilespmem:s0+$0x7210] =	vst @!p0 v2;
	s0 =	sand.u32 @!p1 $0x1FFE0, s1  }
0xaf: {  	v2 =	vld @!p1 [tilespmem:s0+$0x7200]  }
0xb0: {  	v3 =	vld @!p1 [tilespmem:s23+$0x0];
	_ =	sdelay $0x4  }
0xb1: {  	v2 =	vmax.f32 @!p1 v2, v3  }
0xb2: {  	[tilespmem:s0+$0x7200] =	vst @!p1 v2;
	v2 =	vld @!p1 [tilespmem:s0+$0x7210]  }
0xb3: {  	v3 =	vld @!p1 [tilespmem:s23+$0x10];
	_ =	sdelay $0x1  }
0xb4: {  	(v2sf) =	vpush v1, $0xA;
	s24 =	spop (v2sf)  }
0xb5: {  	s1 =	ssub.s32 s24, s8  }
0xb6: {  	p0 =	sgt.u32 s1, $0xC37  }
0xb7: {  	s1 =	sshll.u32 @!p0 s1, $0x5;
	v2 =	vmax.f32 @!p1 v2, v3  }
0xb8: {  	[tilespmem:s0+$0x7210] =	vst @!p1 v2;
	s0 =	sand.u32 @!p0 $0x1FFE0, s1  }
0xb9: {  	v2 =	vld @!p0 [tilespmem:s0+$0x7200]  }
0xba: {  	v3 =	vld @!p0 [tilespmem:s23+$0x80];
	_ =	sdelay $0x4  }
0xbb: {  	v2 =	vmax.f32 @!p0 v2, v3  }
0xbc: {  	v3 =	vld @!p0 [tilespmem:s0+$0x7210];
	[tilespmem:s0+$0x7200] =	vst @!p0 v2  }
0xbd: {  	v2 =	vld @!p0 [tilespmem:s23+$0x90];
	_ =	sdelay $0x1  }
0xbe: {  	(v2sf) =	vpush v1, $0xB;
	s25 =	spop (v2sf)  }
0xbf: {  	s1 =	ssub.s32 s25, s8  }
0xc0: {  	p1 =	sgt.u32 s1, $0xC37  }
0xc1: {  	s1 =	sshll.u32 @!p1 s1, $0x5;
	v2 =	vmax.f32 @!p0 v3, v2  }
0xc2: {  	[tilespmem:s0+$0x7210] =	vst @!p0 v2;
	s0 =	sand.u32 @!p1 $0x1FFE0, s1  }
0xc3: {  	v2 =	vld @!p1 [tilespmem:s0+$0x7200]  }
0xc4: {  	v3 =	vld @!p1 [tilespmem:s23+$0x100];
	_ =	sdelay $0x4  }
0xc5: {  	v2 =	vmax.f32 @!p1 v2, v3  }
0xc6: {  	v3 =	vld @!p1 [tilespmem:s0+$0x7210];
	[tilespmem:s0+$0x7200] =	vst @!p1 v2  }
0xc7: {  	v2 =	vld @!p1 [tilespmem:s23+$0x110];
	_ =	sdelay $0x1  }
0xc8: {  	(v2sf) =	vpush v1, $0xC;
	s26 =	spop (v2sf)  }
0xc9: {  	s1 =	ssub.s32 s26, s8  }
0xca: {  	p0 =	sgt.u32 s1, $0xC37  }
0xcb: {  	s1 =	sshll.u32 @!p0 s1, $0x5;
	v2 =	vmax.f32 @!p1 v3, v2  }
0xcc: {  	[tilespmem:s0+$0x7210] =	vst @!p1 v2;
	s0 =	sand.u32 @!p0 $0x1FFE0, s1  }
0xcd: {  	v2 =	vld @!p0 [tilespmem:s0+$0x7200]  }
0xce: {  	v3 =	vld @!p0 [tilespmem:s23+$0x180];
	_ =	sdelay $0x4  }
0xcf: {  	v2 =	vmax.f32 @!p0 v2, v3  }
0xd0: {  	v3 =	vld @!p0 [tilespmem:s0+$0x7210];
	[tilespmem:s0+$0x7200] =	vst @!p0 v2  }
0xd1: {  	v2 =	vld @!p0 [tilespmem:s23+$0x190];
	_ =	sdelay $0x1  }
0xd2: {  	(v2sf) =	vpush v1, $0xD;
	s28 =	spop (v2sf)  }
0xd3: {  	s1 =	ssub.s32 s28, s8  }
0xd4: {  	p1 =	sgt.u32 s1, $0xC37  }
0xd5: {  	s1 =	sshll.u32 @!p1 s1, $0x5;
	v2 =	vmax.f32 @!p0 v3, v2  }
0xd6: {  	[tilespmem:s0+$0x7210] =	vst @!p0 v2;
	s0 =	sand.u32 @!p1 $0x1FFE0, s1  }
0xd7: {  	v2 =	vld @!p1 [tilespmem:s0+$0x7200]  }
0xd8: {  	v3 =	vld @!p1 [tilespmem:s23+$0x200];
	_ =	sdelay $0x4  }
0xd9: {  	v2 =	vmax.f32 @!p1 v2, v3  }
0xda: {  	v3 =	vld @!p1 [tilespmem:s0+$0x7210];
	[tilespmem:s0+$0x7200] =	vst @!p1 v2  }
0xdb: {  	v2 =	vld @!p1 [tilespmem:s23+$0x210];
	_ =	sdelay $0x1  }
0xdc: {  	(v2sf) =	vpush v1, $0xE;
	s29 =	spop (v2sf)  }
0xdd: {  	s1 =	ssub.s32 s29, s8  }
0xde: {  	p0 =	sgt.u32 s1, $0xC37  }
0xdf: {  	s1 =	sshll.u32 @!p0 s1, $0x5;
	v2 =	vmax.f32 @!p1 v3, v2  }
0xe0: {  	[tilespmem:s0+$0x7210] =	vst @!p1 v2;
	s0 =	sand.u32 @!p0 $0x1FFE0, s1  }
0xe1: {  	v2 =	vld @!p0 [tilespmem:s0+$0x7200]  }
0xe2: {  	v3 =	vld @!p0 [tilespmem:s23+$0x280];
	_ =	sdelay $0x4  }
0xe3: {  	v2 =	vmax.f32 @!p0 v2, v3  }
0xe4: {  	(v2sf) =	vpush v1, $0xF;
	v1 =	vld @!p0 [tilespmem:s0+$0x7210];
	[tilespmem:s0+$0x7200] =	vst @!p0 v2  }
0xe5: {  	v2 =	vld @!p0 [tilespmem:s23+$0x290];
	_ =	sdelay $0x1  }
0xe6: {  	s30 =	spop (v2sf)  }
0xe7: {  	s1 =	ssub.s32 s30, s8  }
0xe8: {  	p1 =	sgt.u32 s1, $0xC37  }
0xe9: {  	s1 =	sshll.u32 @!p1 s1, $0x5;
	v1 =	vmax.f32 @!p0 v1, v2  }
0xea: {  	[tilespmem:s0+$0x7210] =	vst @!p0 v1;
	s0 =	sand.u32 @!p1 $0x1FFE0, s1  }
0xeb: {  	v2 =	vld @!p1 [tilespmem:s0+$0x7200]  }
0xec: {  	v3 =	vld @!p1 [tilespmem:s23+$0x300];
	_ =	sdelay $0x4  }
0xed: {  	v2 =	vmax.f32 @!p1 v2, v3  }
0xee: {  	s31 =	spop (v2sf);
	v1 =	vld @!p1 [tilespmem:s0+$0x7210];
	[tilespmem:s0+$0x7200] =	vst @!p1 v2  }
0xef: {  	s24 =	simm.s32 $0x600;
	s25 =	simm.s32 $0x40;
	s26 =	ssub.s32 s31, s8;
	v2 =	vld @!p1 [tilespmem:s23+$0x310]  }
.LBB2_7:
0xf0: {  	_ =	sdelay $0x1  }
0xf1: {  	s23 =	sadd.s32 $0x800, s23;
	s1 =	smov.u32 s25;
	s25 =	sadd.s32 $0x40, s25  }
0xf2: {  	p2 =	sgt.u32 s26, $0xC37;
	p0 =	sne.s32 s25, $0x1C0  }
0xf3: {  	s4 =	sshll.u32 @!p2 s26, $0x5;
	v1 =	vmax.f32 @!p1 v1, v2  }
0xf4: {  	[tilespmem:s0+$0x7210] =	vst @!p1 v1;
	s0 =	sand.u32 @!p2 $0x1FFE0, s4  }
0xf5: {  	v1 =	vld @!p2 [tilespmem:s0+$0x7200]  }
0xf6: {  	v2 =	vld @!p2 [tilespmem:s24+$0x380]  }
0xf7: {  	v3 =	vld @!p2 [tilespmem:s0+$0x7210];
	_ =	sdelay $0x3  }
0xf8: {  	v1 =	vmax.f32 @!p2 v1, v2  }
0xf9: {  	[tilespmem:s0+$0x7200] =	vst @!p2 v1  }
0xfa: {  	v1 =	vld @!p2 [tilespmem:s24+$0x390];
	s24 =	smov.u32 s23;
	_ =	sdelay $0x2  }
0xfb: {  	s1 =	sshra.s32 s1, $0x2;
	_ =	sdelay $0x1  }
0xfc: {  	v1 =	vmax.f32 @!p2 v3, v1  }
0xfd: {  	[tilespmem:s0+$0x7210] =	vst @!p2 v1  }
0xfe: {  	v1 =	vld [tilespmem:s1+$0x100];
	_ =	sdelay $0x4  }
0xff: {  	(v2sf) =	vpush v1, $0x0  }
0x100: {  	(v2sf) =	vpush v1, $0x1  }
0x101: {  	(v2sf) =	vpush v1, $0x2  }
0x102: {  	(v2sf) =	vpush v1, $0x3  }
0x103: {  	(v2sf) =	vpush v1, $0x4  }
0x104: {  	(v2sf) =	vpush v1, $0x5  }
0x105: {  	(v2sf) =	vpush v1, $0x6  }
0x106: {  	(v2sf) =	vpush v1, $0x7  }
0x107: {  	(v2sf) =	vpush v1, $0x8  }
0x108: {  	(v2sf) =	vpush v1, $0x9  }
0x109: {  	(v2sf) =	vpush v1, $0xA  }
0x10a: {  	(v2sf) =	vpush v1, $0xB  }
0x10b: {  	(v2sf) =	vpush v1, $0xC  }
0x10c: {  	(v2sf) =	vpush v1, $0xD  }
0x10d: {  	(v2sf) =	vpush v1, $0xE  }
0x10e: {  	s0 =	spop (v2sf);
	(v2sf) =	vpush v1, $0xF  }
0x10f: {  	s0 =	ssub.s32 s0, s8;
	s1 =	spop (v2sf)  }
0x110: {  	p1 =	sgt.u32 s0, $0xC37;
	s2 =	ssub.s32 s1, s8;
	s1 =	spop (v2sf)  }
0x111: {  	s0 =	sshll.u32 @!p1 s0, $0x5;
	s4 =	ssub.s32 s1, s8;
	s1 =	spop (v2sf)  }
0x112: {  	s11 =	sand.u32 @!p1 $0x1FFE0, s0;
	v1 =	vld @!p1 [tilespmem:s23+$0xFFFFFC00];
	s10 =	ssub.s32 s1, s8;
	s0 =	spop (v2sf)  }
0x113: {  	v2 =	vld @!p1 [tilespmem:s11+$0x7200];
	s9 =	ssub.s32 s0, s8;
	s0 =	spop (v2sf)  }
0x114: {  	s7 =	ssub.s32 s0, s8;
	s0 =	spop (v2sf)  }
0x115: {  	s6 =	ssub.s32 s0, s8;
	s0 =	spop (v2sf)  }
0x116: {  	s15 =	ssub.s32 s0, s8;
	s0 =	spop (v2sf)  }
0x117: {  	s12 =	ssub.s32 s0, s8;
	s0 =	spop (v2sf)  }
0x118: {  	v1 =	vmax.f32 @!p1 v2, v1;
	s1 =	ssub.s32 s0, s8;
	s0 =	spop (v2sf)  }
0x119: {  	[tilespmem:s11+$0x7200] =	vst @!p1 v1;
	v1 =	vld @!p1 [tilespmem:s11+$0x7210];
	s0 =	ssub.s32 s0, s8;
	s26 =	spop (v2sf)  }
0x11a: {  	v2 =	vld @!p1 [tilespmem:s23+$0xFFFFFC10];
	s31 =	ssub.s32 s26, s8;
	s26 =	spop (v2sf)  }
0x11b: {  	s30 =	ssub.s32 s26, s8;
	s26 =	spop (v2sf)  }
0x11c: {  	s29 =	ssub.s32 s26, s8;
	s26 =	spop (v2sf)  }
0x11d: {  	s28 =	ssub.s32 s26, s8;
	s26 =	spop (v2sf)  }
0x11e: {  	p2 =	sgt.u32 s2, $0xC37;
	s26 =	ssub.s32 s26, s8  }
0x11f: {  	s2 =	sshll.u32 @!p2 s2, $0x5;
	v1 =	vmax.f32 @!p1 v1, v2  }
0x120: {  	s2 =	sand.u32 @!p2 $0x1FFE0, s2;
	[tilespmem:s11+$0x7210] =	vst @!p1 v1  }
0x121: {  	v1 =	vld @!p2 [tilespmem:s2+$0x7200]  }
0x122: {  	v2 =	vld @!p2 [tilespmem:s23+$0xFFFFFC80];
	_ =	sdelay $0x4  }
0x123: {  	v1 =	vmax.f32 @!p2 v1, v2  }
0x124: {  	[tilespmem:s2+$0x7200] =	vst @!p2 v1;
	v1 =	vld @!p2 [tilespmem:s2+$0x7210]  }
0x125: {  	v2 =	vld @!p2 [tilespmem:s23+$0xFFFFFC90];
	_ =	sdelay $0x3  }
0x126: {  	p1 =	sgt.u32 s4, $0xC37  }
0x127: {  	s4 =	sshll.u32 @!p1 s4, $0x5;
	v1 =	vmax.f32 @!p2 v1, v2  }
0x128: {  	[tilespmem:s2+$0x7210] =	vst @!p2 v1;
	s2 =	sand.u32 @!p1 $0x1FFE0, s4  }
0x129: {  	v1 =	vld @!p1 [tilespmem:s2+$0x7200]  }
0x12a: {  	v2 =	vld @!p1 [tilespmem:s23+$0xFFFFFD00];
	_ =	sdelay $0x4  }
0x12b: {  	v1 =	vmax.f32 @!p1 v1, v2  }
0x12c: {  	[tilespmem:s2+$0x7200] =	vst @!p1 v1;
	v1 =	vld @!p1 [tilespmem:s2+$0x7210]  }
0x12d: {  	v2 =	vld @!p1 [tilespmem:s23+$0xFFFFFD10];
	_ =	sdelay $0x3  }
0x12e: {  	p2 =	sgt.u32 s10, $0xC37  }
0x12f: {  	s4 =	sshll.u32 @!p2 s10, $0x5;
	v1 =	vmax.f32 @!p1 v1, v2  }
0x130: {  	[tilespmem:s2+$0x7210] =	vst @!p1 v1;
	s2 =	sand.u32 @!p2 $0x1FFE0, s4  }
0x131: {  	v1 =	vld @!p2 [tilespmem:s2+$0x7200]  }
0x132: {  	v2 =	vld @!p2 [tilespmem:s23+$0xFFFFFD80];
	_ =	sdelay $0x4  }
0x133: {  	v1 =	vmax.f32 @!p2 v1, v2  }
0x134: {  	[tilespmem:s2+$0x7200] =	vst @!p2 v1;
	v1 =	vld @!p2 [tilespmem:s2+$0x7210]  }
0x135: {  	v2 =	vld @!p2 [tilespmem:s23+$0xFFFFFD90];
	_ =	sdelay $0x3  }
0x136: {  	p1 =	sgt.u32 s9, $0xC37  }
0x137: {  	s4 =	sshll.u32 @!p1 s9, $0x5;
	v1 =	vmax.f32 @!p2 v1, v2  }
0x138: {  	[tilespmem:s2+$0x7210] =	vst @!p2 v1;
	s2 =	sand.u32 @!p1 $0x1FFE0, s4  }
0x139: {  	v1 =	vld @!p1 [tilespmem:s2+$0x7200]  }
0x13a: {  	v2 =	vld @!p1 [tilespmem:s23+$0xFFFFFE00];
	_ =	sdelay $0x4  }
0x13b: {  	v1 =	vmax.f32 @!p1 v1, v2  }
0x13c: {  	[tilespmem:s2+$0x7200] =	vst @!p1 v1;
	v1 =	vld @!p1 [tilespmem:s2+$0x7210]  }
0x13d: {  	v2 =	vld @!p1 [tilespmem:s23+$0xFFFFFE10];
	_ =	sdelay $0x3  }
0x13e: {  	p2 =	sgt.u32 s7, $0xC37  }
0x13f: {  	s4 =	sshll.u32 @!p2 s7, $0x5;
	v1 =	vmax.f32 @!p1 v1, v2  }
0x140: {  	[tilespmem:s2+$0x7210] =	vst @!p1 v1;
	s2 =	sand.u32 @!p2 $0x1FFE0, s4  }
0x141: {  	v1 =	vld @!p2 [tilespmem:s2+$0x7200]  }
0x142: {  	v2 =	vld @!p2 [tilespmem:s23+$0xFFFFFE80];
	_ =	sdelay $0x4  }
0x143: {  	v1 =	vmax.f32 @!p2 v1, v2  }
0x144: {  	[tilespmem:s2+$0x7200] =	vst @!p2 v1;
	v1 =	vld @!p2 [tilespmem:s2+$0x7210]  }
0x145: {  	v2 =	vld @!p2 [tilespmem:s23+$0xFFFFFE90];
	_ =	sdelay $0x3  }
0x146: {  	p1 =	sgt.u32 s6, $0xC37  }
0x147: {  	s4 =	sshll.u32 @!p1 s6, $0x5;
	v1 =	vmax.f32 @!p2 v1, v2  }
0x148: {  	[tilespmem:s2+$0x7210] =	vst @!p2 v1;
	s2 =	sand.u32 @!p1 $0x1FFE0, s4  }
0x149: {  	v1 =	vld @!p1 [tilespmem:s2+$0x7200]  }
0x14a: {  	v2 =	vld @!p1 [tilespmem:s23+$0xFFFFFF00];
	_ =	sdelay $0x4  }
0x14b: {  	v1 =	vmax.f32 @!p1 v1, v2  }
0x14c: {  	[tilespmem:s2+$0x7200] =	vst @!p1 v1;
	v1 =	vld @!p1 [tilespmem:s2+$0x7210]  }
0x14d: {  	v2 =	vld @!p1 [tilespmem:s23+$0xFFFFFF10];
	_ =	sdelay $0x3  }
0x14e: {  	p2 =	sgt.u32 s15, $0xC37  }
0x14f: {  	s4 =	sshll.u32 @!p2 s15, $0x5;
	v1 =	vmax.f32 @!p1 v1, v2  }
0x150: {  	[tilespmem:s2+$0x7210] =	vst @!p1 v1;
	s2 =	sand.u32 @!p2 $0x1FFE0, s4  }
0x151: {  	v1 =	vld @!p2 [tilespmem:s2+$0x7200]  }
0x152: {  	v2 =	vld @!p2 [tilespmem:s23+$0xFFFFFF80];
	_ =	sdelay $0x4  }
0x153: {  	v1 =	vmax.f32 @!p2 v1, v2  }
0x154: {  	[tilespmem:s2+$0x7200] =	vst @!p2 v1;
	v1 =	vld @!p2 [tilespmem:s2+$0x7210]  }
0x155: {  	v2 =	vld @!p2 [tilespmem:s23+$0xFFFFFF90];
	_ =	sdelay $0x3  }
0x156: {  	p1 =	sgt.u32 s12, $0xC37  }
0x157: {  	s4 =	sshll.u32 @!p1 s12, $0x5;
	v1 =	vmax.f32 @!p2 v1, v2  }
0x158: {  	[tilespmem:s2+$0x7210] =	vst @!p2 v1;
	s2 =	sand.u32 @!p1 $0x1FFE0, s4  }
0x159: {  	v1 =	vld @!p1 [tilespmem:s2+$0x7200]  }
0x15a: {  	v2 =	vld @!p1 [tilespmem:s23+$0x0];
	_ =	sdelay $0x4  }
0x15b: {  	v1 =	vmax.f32 @!p1 v1, v2  }
0x15c: {  	[tilespmem:s2+$0x7200] =	vst @!p1 v1;
	v1 =	vld @!p1 [tilespmem:s2+$0x7210]  }
0x15d: {  	v2 =	vld @!p1 [tilespmem:s23+$0x10];
	_ =	sdelay $0x3  }
0x15e: {  	p2 =	sgt.u32 s1, $0xC37  }
0x15f: {  	s1 =	sshll.u32 @!p2 s1, $0x5;
	v1 =	vmax.f32 @!p1 v1, v2  }
0x160: {  	s1 =	sand.u32 @!p2 $0x1FFE0, s1;
	[tilespmem:s2+$0x7210] =	vst @!p1 v1  }
0x161: {  	v1 =	vld @!p2 [tilespmem:s1+$0x7200]  }
0x162: {  	v2 =	vld @!p2 [tilespmem:s23+$0x80]  }
0x163: {  	v3 =	vld @!p2 [tilespmem:s1+$0x7210];
	_ =	sdelay $0x3  }
0x164: {  	v1 =	vmax.f32 @!p2 v1, v2  }
0x165: {  	[tilespmem:s1+$0x7200] =	vst @!p2 v1  }
0x166: {  	v1 =	vld @!p2 [tilespmem:s23+$0x90];
	_ =	sdelay $0x3  }
0x167: {  	p1 =	sgt.u32 s0, $0xC37  }
0x168: {  	s0 =	sshll.u32 @!p1 s0, $0x5;
	v1 =	vmax.f32 @!p2 v3, v1  }
0x169: {  	s0 =	sand.u32 @!p1 $0x1FFE0, s0;
	[tilespmem:s1+$0x7210] =	vst @!p2 v1  }
0x16a: {  	v1 =	vld @!p1 [tilespmem:s0+$0x7200]  }
0x16b: {  	v2 =	vld @!p1 [tilespmem:s23+$0x100]  }
0x16c: {  	v3 =	vld @!p1 [tilespmem:s0+$0x7210];
	_ =	sdelay $0x3  }
0x16d: {  	v1 =	vmax.f32 @!p1 v1, v2  }
0x16e: {  	[tilespmem:s0+$0x7200] =	vst @!p1 v1  }
0x16f: {  	v1 =	vld @!p1 [tilespmem:s23+$0x110];
	_ =	sdelay $0x3  }
0x170: {  	p2 =	sgt.u32 s31, $0xC37  }
0x171: {  	s1 =	sshll.u32 @!p2 s31, $0x5;
	v1 =	vmax.f32 @!p1 v3, v1  }
0x172: {  	[tilespmem:s0+$0x7210] =	vst @!p1 v1;
	s0 =	sand.u32 @!p2 $0x1FFE0, s1  }
0x173: {  	v1 =	vld @!p2 [tilespmem:s0+$0x7200]  }
0x174: {  	v2 =	vld @!p2 [tilespmem:s23+$0x180]  }
0x175: {  	v3 =	vld @!p2 [tilespmem:s0+$0x7210];
	_ =	sdelay $0x3  }
0x176: {  	v1 =	vmax.f32 @!p2 v1, v2  }
0x177: {  	[tilespmem:s0+$0x7200] =	vst @!p2 v1  }
0x178: {  	v1 =	vld @!p2 [tilespmem:s23+$0x190];
	_ =	sdelay $0x3  }
0x179: {  	p1 =	sgt.u32 s30, $0xC37  }
0x17a: {  	s1 =	sshll.u32 @!p1 s30, $0x5;
	v1 =	vmax.f32 @!p2 v3, v1  }
0x17b: {  	[tilespmem:s0+$0x7210] =	vst @!p2 v1;
	s0 =	sand.u32 @!p1 $0x1FFE0, s1  }
0x17c: {  	v1 =	vld @!p1 [tilespmem:s0+$0x7200]  }
0x17d: {  	v2 =	vld @!p1 [tilespmem:s23+$0x200]  }
0x17e: {  	v3 =	vld @!p1 [tilespmem:s0+$0x7210];
	_ =	sdelay $0x3  }
0x17f: {  	v1 =	vmax.f32 @!p1 v1, v2  }
0x180: {  	[tilespmem:s0+$0x7200] =	vst @!p1 v1  }
0x181: {  	v1 =	vld @!p1 [tilespmem:s23+$0x210];
	_ =	sdelay $0x3  }
0x182: {  	p2 =	sgt.u32 s29, $0xC37  }
0x183: {  	s1 =	sshll.u32 @!p2 s29, $0x5;
	v1 =	vmax.f32 @!p1 v3, v1  }
0x184: {  	[tilespmem:s0+$0x7210] =	vst @!p1 v1;
	s0 =	sand.u32 @!p2 $0x1FFE0, s1  }
0x185: {  	v1 =	vld @!p2 [tilespmem:s0+$0x7200]  }
0x186: {  	v2 =	vld @!p2 [tilespmem:s23+$0x280]  }
0x187: {  	v3 =	vld @!p2 [tilespmem:s0+$0x7210];
	_ =	sdelay $0x3  }
0x188: {  	v1 =	vmax.f32 @!p2 v1, v2  }
0x189: {  	[tilespmem:s0+$0x7200] =	vst @!p2 v1  }
0x18a: {  	v1 =	vld @!p2 [tilespmem:s23+$0x290];
	_ =	sdelay $0x3  }
0x18b: {  	p1 =	sgt.u32 s28, $0xC37  }
0x18c: {  	s1 =	sshll.u32 @!p1 s28, $0x5;
	v1 =	vmax.f32 @!p2 v3, v1  }
0x18d: {  	[tilespmem:s0+$0x7210] =	vst @!p2 v1;
	s0 =	sand.u32 @!p1 $0x1FFE0, s1  }
0x18e: {  	v2 =	vld @!p1 [tilespmem:s0+$0x7200]  }
0x18f: {  	v3 =	vld @!p1 [tilespmem:s23+$0x300]  }
0x190: {  	v1 =	vld @!p1 [tilespmem:s0+$0x7210];
	_ =	sdelay $0x1  }
.Ltmp5:
0x191: {  	(pc) =	sbr.rel @p0 .LBB2_7-.Ltmp5, $4  }
0x192: {  	_ = 	snop  }
0x193: {  	v2 =	vmax.f32 @!p1 v2, v3  }
0x194: {  	[tilespmem:s0+$0x7200] =	vst @!p1 v2  }
0x195: {  	v2 =	vld @!p1 [tilespmem:s23+$0x310]  }
0x196: {  	_ =	sdelay $0x2  }
0x197: {  	p0 =	sgt.u32 s26, $0xC37  }
0x198: {  	s1 =	sshll.u32 @!p0 s26, $0x5;
	v1 =	vmax.f32 @!p1 v1, v2  }
0x199: {  	[tilespmem:s0+$0x7210] =	vst @!p1 v1;
	s0 =	sand.u32 @!p0 $0x1FFE0, s1  }
0x19a: {  	v1 =	vld @!p0 [tilespmem:s0+$0x7200]  }
0x19b: {  	v2 =	vld @!p0 [tilespmem:s24+$0x380];
	_ =	sdelay $0x4  }
0x19c: {  	v1 =	vmax.f32 @!p0 v1, v2  }
0x19d: {  	v2 =	vld @!p0 [tilespmem:s0+$0x7210];
	[tilespmem:s0+$0x7200] =	vst @!p0 v1  }
0x19e: {  	s1 =	sadd.s32 $0x2, s22;
	v1 =	vld @!p0 [tilespmem:s24+$0x390]  }
0x19f: {  	p1 =	sge.s32 s1, s18  }
0x1a0: {  	s1 =	smul.u32 @!p1 $0x70, s1;
	_ =	sdelay $0x1  }
0x1a1: {  	s1 =	sadd.s32 @!p1 s17, s1  }
0x1a2: {  	s2 =	sshrl.u32 @!p1 s1, $0x3;
	v1 =	vmax.f32 @!p0 v2, v1  }
0x1a3: {  	s4 =	simm.s32 @!p1 $0x100;
	[tilespmem:s0+$0x7210] =	vst @!p0 v1;
	s0 =	sadd.s32 @!p1 s5, s2;
	s2 =	simm.s32 @!p1 $0x0  }
0x1a4: {  	[tilespmem:s4], [sflag:$0x1] =	stream.linear.gather @!p1 [hbm4b:s0+s2], $0x70, $0x38;
	[tilespmem:$0x1F900] =	vst v63  }
0x1a5: {  	s0 =	sshll.u32 @!p1 s1, $0x4  }
0x1a6: {  	s1 =	simm.s32 @!p1 $0x200;
	s0 =	sadd.s32 @!p1 s3, s0  }
0x1a7: {  	[tilespmem:s1], [sflag:$0x1] =	stream.linear.gather @!p1 [hbm4b:s0+s2], $0x3800, $0x38;
	[tilespmem:$0x1F900] =	vst v63  }
.LBB2_9:
0x1a8: {  	p0 =	sge.s32 s22, s20  }
.Ltmp6:
0x1a9: {  	_ = 	snop;
	(pc) =	sbr.rel @p0 .LBB2_13-.Ltmp6, $1  }
0x1aa: {  	_ =	sdelay $0x3  }
0x1ab: {  	_ =	swait.ge [sflag:s14], $0x70  }
0x1ac: {  	[sflag:s14] =	ssyncset.done $0x0  }
0x1ad: {  	[sflag:s14] =	ssyncadd.s32 $0xFFFFFF90  }
0x1ae: {  	_ =	swait.ge [sflag:s14], $0x3800  }
0x1af: {  	[sflag:s14] =	ssyncset.done $0x0  }
0x1b0: {  	s0 =	simm.s32 $0x0;
	[sflag:s14] =	ssyncadd.s32 $0xFFFFC800  }
0x1b1: {  	v1 =	vld [tilespmem:s0+$0x180];
	_ =	sdelay $0x4  }
0x1b2: {  	(v2sf) =	vpush v1, $0x0;
	_ =	sdelay $0xd  }
0x1b3: {  	(v2sf) =	vpush v1, $0x1  }
0x1b4: {  	s4 =	spop (v2sf)  }
0x1b5: {  	s0 =	ssub.s32 s4, s8  }
0x1b6: {  	p1 =	sgt.u32 s0, $0xC37  }
0x1b7: {  	s23 =	simm.s32 $0x3E00;
	s0 =	sshll.u32 @!p1 s0, $0x5  }
0x1b8: {  	v2 =	vld @!p1 [tilespmem:s23+$0xFFFFFC00];
	s0 =	sand.u32 @!p1 $0x1FFE0, s0  }
0x1b9: {  	v3 =	vld @!p1 [tilespmem:s0+$0x7200];
	_ =	sdelay $0x4  }
0x1ba: {  	v2 =	vmax.f32 @!p1 v3, v2  }
0x1bb: {  	[tilespmem:s0+$0x7200] =	vst @!p1 v2;
	v2 =	vld @!p1 [tilespmem:s0+$0x7210]  }
0x1bc: {  	v3 =	vld @!p1 [tilespmem:s23+$0xFFFFFC10];
	_ =	sdelay $0x1  }
0x1bd: {  	(v2sf) =	vpush v1, $0x2;
	s1 =	spop (v2sf)  }
0x1be: {  	s1 =	ssub.s32 s1, s8  }
0x1bf: {  	p0 =	sgt.u32 s1, $0xC37  }
0x1c0: {  	s1 =	sshll.u32 @!p0 s1, $0x5;
	v2 =	vmax.f32 @!p1 v2, v3  }
0x1c1: {  	[tilespmem:s0+$0x7210] =	vst @!p1 v2;
	s0 =	sand.u32 @!p0 $0x1FFE0, s1  }
0x1c2: {  	v2 =	vld @!p0 [tilespmem:s0+$0x7200]  }
0x1c3: {  	v3 =	vld @!p0 [tilespmem:s23+$0xFFFFFC80];
	_ =	sdelay $0x4  }
0x1c4: {  	v2 =	vmax.f32 @!p0 v2, v3  }
0x1c5: {  	[tilespmem:s0+$0x7200] =	vst @!p0 v2;
	v2 =	vld @!p0 [tilespmem:s0+$0x7210]  }
0x1c6: {  	v3 =	vld @!p0 [tilespmem:s23+$0xFFFFFC90];
	_ =	sdelay $0x1  }
0x1c7: {  	(v2sf) =	vpush v1, $0x3;
	s6 =	spop (v2sf)  }
0x1c8: {  	s1 =	ssub.s32 s6, s8  }
0x1c9: {  	p1 =	sgt.u32 s1, $0xC37  }
0x1ca: {  	s1 =	sshll.u32 @!p1 s1, $0x5;
	v2 =	vmax.f32 @!p0 v2, v3  }
0x1cb: {  	[tilespmem:s0+$0x7210] =	vst @!p0 v2;
	s0 =	sand.u32 @!p1 $0x1FFE0, s1  }
0x1cc: {  	v2 =	vld @!p1 [tilespmem:s0+$0x7200]  }
0x1cd: {  	v3 =	vld @!p1 [tilespmem:s23+$0xFFFFFD00];
	_ =	sdelay $0x4  }
0x1ce: {  	v2 =	vmax.f32 @!p1 v2, v3  }
0x1cf: {  	[tilespmem:s0+$0x7200] =	vst @!p1 v2;
	v2 =	vld @!p1 [tilespmem:s0+$0x7210]  }
0x1d0: {  	v3 =	vld @!p1 [tilespmem:s23+$0xFFFFFD10];
	_ =	sdelay $0x1  }
0x1d1: {  	(v2sf) =	vpush v1, $0x4;
	s7 =	spop (v2sf)  }
0x1d2: {  	s1 =	ssub.s32 s7, s8  }
0x1d3: {  	p0 =	sgt.u32 s1, $0xC37  }
0x1d4: {  	s1 =	sshll.u32 @!p0 s1, $0x5;
	v2 =	vmax.f32 @!p1 v2, v3  }
0x1d5: {  	[tilespmem:s0+$0x7210] =	vst @!p1 v2;
	s0 =	sand.u32 @!p0 $0x1FFE0, s1  }
0x1d6: {  	v2 =	vld @!p0 [tilespmem:s0+$0x7200]  }
0x1d7: {  	v3 =	vld @!p0 [tilespmem:s23+$0xFFFFFD80];
	_ =	sdelay $0x4  }
0x1d8: {  	v2 =	vmax.f32 @!p0 v2, v3  }
0x1d9: {  	[tilespmem:s0+$0x7200] =	vst @!p0 v2;
	v2 =	vld @!p0 [tilespmem:s0+$0x7210]  }
0x1da: {  	v3 =	vld @!p0 [tilespmem:s23+$0xFFFFFD90];
	_ =	sdelay $0x1  }
0x1db: {  	(v2sf) =	vpush v1, $0x5;
	s9 =	spop (v2sf)  }
0x1dc: {  	s1 =	ssub.s32 s9, s8  }
0x1dd: {  	p1 =	sgt.u32 s1, $0xC37  }
0x1de: {  	s1 =	sshll.u32 @!p1 s1, $0x5;
	v2 =	vmax.f32 @!p0 v2, v3  }
0x1df: {  	[tilespmem:s0+$0x7210] =	vst @!p0 v2;
	s0 =	sand.u32 @!p1 $0x1FFE0, s1  }
0x1e0: {  	v2 =	vld @!p1 [tilespmem:s0+$0x7200]  }
0x1e1: {  	v3 =	vld @!p1 [tilespmem:s23+$0xFFFFFE00];
	_ =	sdelay $0x4  }
0x1e2: {  	v2 =	vmax.f32 @!p1 v2, v3  }
0x1e3: {  	[tilespmem:s0+$0x7200] =	vst @!p1 v2;
	v2 =	vld @!p1 [tilespmem:s0+$0x7210]  }
0x1e4: {  	v3 =	vld @!p1 [tilespmem:s23+$0xFFFFFE10];
	_ =	sdelay $0x1  }
0x1e5: {  	(v2sf) =	vpush v1, $0x6;
	s10 =	spop (v2sf)  }
0x1e6: {  	s1 =	ssub.s32 s10, s8  }
0x1e7: {  	p0 =	sgt.u32 s1, $0xC37  }
0x1e8: {  	s1 =	sshll.u32 @!p0 s1, $0x5;
	v2 =	vmax.f32 @!p1 v2, v3  }
0x1e9: {  	[tilespmem:s0+$0x7210] =	vst @!p1 v2;
	s0 =	sand.u32 @!p0 $0x1FFE0, s1  }
0x1ea: {  	v2 =	vld @!p0 [tilespmem:s0+$0x7200]  }
0x1eb: {  	v3 =	vld @!p0 [tilespmem:s23+$0xFFFFFE80];
	_ =	sdelay $0x4  }
0x1ec: {  	v2 =	vmax.f32 @!p0 v2, v3  }
0x1ed: {  	[tilespmem:s0+$0x7200] =	vst @!p0 v2;
	v2 =	vld @!p0 [tilespmem:s0+$0x7210]  }
0x1ee: {  	v3 =	vld @!p0 [tilespmem:s23+$0xFFFFFE90];
	_ =	sdelay $0x1  }
0x1ef: {  	(v2sf) =	vpush v1, $0x7;
	s11 =	spop (v2sf)  }
0x1f0: {  	s1 =	ssub.s32 s11, s8  }
0x1f1: {  	p1 =	sgt.u32 s1, $0xC37  }
0x1f2: {  	s1 =	sshll.u32 @!p1 s1, $0x5;
	v2 =	vmax.f32 @!p0 v2, v3  }
0x1f3: {  	[tilespmem:s0+$0x7210] =	vst @!p0 v2;
	s0 =	sand.u32 @!p1 $0x1FFE0, s1  }
0x1f4: {  	v2 =	vld @!p1 [tilespmem:s0+$0x7200]  }
0x1f5: {  	v3 =	vld @!p1 [tilespmem:s23+$0xFFFFFF00];
	_ =	sdelay $0x4  }
0x1f6: {  	v2 =	vmax.f32 @!p1 v2, v3  }
0x1f7: {  	[tilespmem:s0+$0x7200] =	vst @!p1 v2;
	v2 =	vld @!p1 [tilespmem:s0+$0x7210]  }
0x1f8: {  	v3 =	vld @!p1 [tilespmem:s23+$0xFFFFFF10];
	_ =	sdelay $0x1  }
0x1f9: {  	(v2sf) =	vpush v1, $0x8;
	s12 =	spop (v2sf)  }
0x1fa: {  	s1 =	ssub.s32 s12, s8  }
0x1fb: {  	p0 =	sgt.u32 s1, $0xC37  }
0x1fc: {  	s1 =	sshll.u32 @!p0 s1, $0x5;
	v2 =	vmax.f32 @!p1 v2, v3  }
0x1fd: {  	[tilespmem:s0+$0x7210] =	vst @!p1 v2;
	s0 =	sand.u32 @!p0 $0x1FFE0, s1  }
0x1fe: {  	v2 =	vld @!p0 [tilespmem:s0+$0x7200]  }
0x1ff: {  	v3 =	vld @!p0 [tilespmem:s23+$0xFFFFFF80];
	_ =	sdelay $0x4  }
0x200: {  	v2 =	vmax.f32 @!p0 v2, v3  }
0x201: {  	[tilespmem:s0+$0x7200] =	vst @!p0 v2;
	v2 =	vld @!p0 [tilespmem:s0+$0x7210]  }
0x202: {  	v3 =	vld @!p0 [tilespmem:s23+$0xFFFFFF90];
	_ =	sdelay $0x1  }
0x203: {  	(v2sf) =	vpush v1, $0x9;
	s15 =	spop (v2sf)  }
0x204: {  	s1 =	ssub.s32 s15, s8  }
0x205: {  	p1 =	sgt.u32 s1, $0xC37  }
0x206: {  	s1 =	sshll.u32 @!p1 s1, $0x5;
	v2 =	vmax.f32 @!p0 v2, v3  }
0x207: {  	[tilespmem:s0+$0x7210] =	vst @!p0 v2;
	s0 =	sand.u32 @!p1 $0x1FFE0, s1  }
0x208: {  	v2 =	vld @!p1 [tilespmem:s0+$0x7200]  }
0x209: {  	v3 =	vld @!p1 [tilespmem:s23+$0x0];
	_ =	sdelay $0x4  }
0x20a: {  	v2 =	vmax.f32 @!p1 v2, v3  }
0x20b: {  	[tilespmem:s0+$0x7200] =	vst @!p1 v2;
	v2 =	vld @!p1 [tilespmem:s0+$0x7210]  }
0x20c: {  	v3 =	vld @!p1 [tilespmem:s23+$0x10];
	_ =	sdelay $0x1  }
0x20d: {  	(v2sf) =	vpush v1, $0xA;
	s24 =	spop (v2sf)  }
0x20e: {  	s1 =	ssub.s32 s24, s8  }
0x20f: {  	p0 =	sgt.u32 s1, $0xC37  }
0x210: {  	s1 =	sshll.u32 @!p0 s1, $0x5;
	v2 =	vmax.f32 @!p1 v2, v3  }
0x211: {  	[tilespmem:s0+$0x7210] =	vst @!p1 v2;
	s0 =	sand.u32 @!p0 $0x1FFE0, s1  }
0x212: {  	v2 =	vld @!p0 [tilespmem:s0+$0x7200]  }
0x213: {  	v3 =	vld @!p0 [tilespmem:s23+$0x80];
	_ =	sdelay $0x4  }
0x214: {  	v2 =	vmax.f32 @!p0 v2, v3  }
0x215: {  	v3 =	vld @!p0 [tilespmem:s0+$0x7210];
	[tilespmem:s0+$0x7200] =	vst @!p0 v2  }
0x216: {  	v2 =	vld @!p0 [tilespmem:s23+$0x90];
	_ =	sdelay $0x1  }
0x217: {  	(v2sf) =	vpush v1, $0xB;
	s25 =	spop (v2sf)  }
0x218: {  	s1 =	ssub.s32 s25, s8  }
0x219: {  	p1 =	sgt.u32 s1, $0xC37  }
0x21a: {  	s1 =	sshll.u32 @!p1 s1, $0x5;
	v2 =	vmax.f32 @!p0 v3, v2  }
0x21b: {  	[tilespmem:s0+$0x7210] =	vst @!p0 v2;
	s0 =	sand.u32 @!p1 $0x1FFE0, s1  }
0x21c: {  	v2 =	vld @!p1 [tilespmem:s0+$0x7200]  }
0x21d: {  	v3 =	vld @!p1 [tilespmem:s23+$0x100];
	_ =	sdelay $0x4  }
0x21e: {  	v2 =	vmax.f32 @!p1 v2, v3  }
0x21f: {  	v3 =	vld @!p1 [tilespmem:s0+$0x7210];
	[tilespmem:s0+$0x7200] =	vst @!p1 v2  }
0x220: {  	v2 =	vld @!p1 [tilespmem:s23+$0x110];
	_ =	sdelay $0x1  }
0x221: {  	(v2sf) =	vpush v1, $0xC;
	s26 =	spop (v2sf)  }
0x222: {  	s1 =	ssub.s32 s26, s8  }
0x223: {  	p0 =	sgt.u32 s1, $0xC37  }
0x224: {  	s1 =	sshll.u32 @!p0 s1, $0x5;
	v2 =	vmax.f32 @!p1 v3, v2  }
0x225: {  	[tilespmem:s0+$0x7210] =	vst @!p1 v2;
	s0 =	sand.u32 @!p0 $0x1FFE0, s1  }
0x226: {  	v2 =	vld @!p0 [tilespmem:s0+$0x7200]  }
0x227: {  	v3 =	vld @!p0 [tilespmem:s23+$0x180];
	_ =	sdelay $0x4  }
0x228: {  	v2 =	vmax.f32 @!p0 v2, v3  }
0x229: {  	v3 =	vld @!p0 [tilespmem:s0+$0x7210];
	[tilespmem:s0+$0x7200] =	vst @!p0 v2  }
0x22a: {  	v2 =	vld @!p0 [tilespmem:s23+$0x190];
	_ =	sdelay $0x1  }
0x22b: {  	(v2sf) =	vpush v1, $0xD;
	s28 =	spop (v2sf)  }
0x22c: {  	s1 =	ssub.s32 s28, s8  }
0x22d: {  	p1 =	sgt.u32 s1, $0xC37  }
0x22e: {  	s1 =	sshll.u32 @!p1 s1, $0x5;
	v2 =	vmax.f32 @!p0 v3, v2  }
0x22f: {  	[tilespmem:s0+$0x7210] =	vst @!p0 v2;
	s0 =	sand.u32 @!p1 $0x1FFE0, s1  }
0x230: {  	v2 =	vld @!p1 [tilespmem:s0+$0x7200]  }
0x231: {  	v3 =	vld @!p1 [tilespmem:s23+$0x200];
	_ =	sdelay $0x4  }
0x232: {  	v2 =	vmax.f32 @!p1 v2, v3  }
0x233: {  	v3 =	vld @!p1 [tilespmem:s0+$0x7210];
	[tilespmem:s0+$0x7200] =	vst @!p1 v2  }
0x234: {  	v2 =	vld @!p1 [tilespmem:s23+$0x210];
	_ =	sdelay $0x1  }
0x235: {  	(v2sf) =	vpush v1, $0xE;
	s29 =	spop (v2sf)  }
0x236: {  	s1 =	ssub.s32 s29, s8  }
0x237: {  	p0 =	sgt.u32 s1, $0xC37  }
0x238: {  	s1 =	sshll.u32 @!p0 s1, $0x5;
	v2 =	vmax.f32 @!p1 v3, v2  }
0x239: {  	[tilespmem:s0+$0x7210] =	vst @!p1 v2;
	s0 =	sand.u32 @!p0 $0x1FFE0, s1  }
0x23a: {  	v2 =	vld @!p0 [tilespmem:s0+$0x7200]  }
0x23b: {  	v3 =	vld @!p0 [tilespmem:s23+$0x280];
	_ =	sdelay $0x4  }
0x23c: {  	v2 =	vmax.f32 @!p0 v2, v3  }
0x23d: {  	(v2sf) =	vpush v1, $0xF;
	v1 =	vld @!p0 [tilespmem:s0+$0x7210];
	[tilespmem:s0+$0x7200] =	vst @!p0 v2  }
0x23e: {  	v2 =	vld @!p0 [tilespmem:s23+$0x290];
	_ =	sdelay $0x1  }
0x23f: {  	s30 =	spop (v2sf)  }
0x240: {  	s1 =	ssub.s32 s30, s8  }
0x241: {  	p1 =	sgt.u32 s1, $0xC37  }
0x242: {  	s1 =	sshll.u32 @!p1 s1, $0x5;
	v1 =	vmax.f32 @!p0 v1, v2  }
0x243: {  	[tilespmem:s0+$0x7210] =	vst @!p0 v1;
	s0 =	sand.u32 @!p1 $0x1FFE0, s1  }
0x244: {  	v2 =	vld @!p1 [tilespmem:s0+$0x7200]  }
0x245: {  	v3 =	vld @!p1 [tilespmem:s23+$0x300];
	_ =	sdelay $0x4  }
0x246: {  	v2 =	vmax.f32 @!p1 v2, v3  }
0x247: {  	s31 =	spop (v2sf);
	v1 =	vld @!p1 [tilespmem:s0+$0x7210];
	[tilespmem:s0+$0x7200] =	vst @!p1 v2  }
0x248: {  	s24 =	simm.s32 $0x3E00;
	s25 =	simm.s32 $0x40;
	s26 =	ssub.s32 s31, s8;
	v2 =	vld @!p1 [tilespmem:s23+$0x310]  }
.LBB2_11:
0x249: {  	_ =	sdelay $0x1  }
0x24a: {  	s23 =	sadd.s32 $0x800, s23;
	s1 =	smov.u32 s25;
	s25 =	sadd.s32 $0x40, s25  }
0x24b: {  	p2 =	sgt.u32 s26, $0xC37;
	p0 =	sne.s32 s25, $0x1C0  }
0x24c: {  	s2 =	sshll.u32 @!p2 s26, $0x5;
	v1 =	vmax.f32 @!p1 v1, v2  }
0x24d: {  	[tilespmem:s0+$0x7210] =	vst @!p1 v1;
	s0 =	sand.u32 @!p2 $0x1FFE0, s2  }
0x24e: {  	v1 =	vld @!p2 [tilespmem:s0+$0x7200]  }
0x24f: {  	v2 =	vld @!p2 [tilespmem:s24+$0x380]  }
0x250: {  	v3 =	vld @!p2 [tilespmem:s0+$0x7210];
	_ =	sdelay $0x3  }
0x251: {  	v1 =	vmax.f32 @!p2 v1, v2  }
0x252: {  	[tilespmem:s0+$0x7200] =	vst @!p2 v1  }
0x253: {  	v1 =	vld @!p2 [tilespmem:s24+$0x390];
	s24 =	smov.u32 s23;
	_ =	sdelay $0x2  }
0x254: {  	s1 =	sshra.s32 s1, $0x2;
	_ =	sdelay $0x1  }
0x255: {  	v1 =	vmax.f32 @!p2 v3, v1  }
0x256: {  	[tilespmem:s0+$0x7210] =	vst @!p2 v1  }
0x257: {  	v1 =	vld [tilespmem:s1+$0x180];
	_ =	sdelay $0x4  }
0x258: {  	(v2sf) =	vpush v1, $0x0  }
0x259: {  	(v2sf) =	vpush v1, $0x1  }
0x25a: {  	(v2sf) =	vpush v1, $0x2  }
0x25b: {  	(v2sf) =	vpush v1, $0x3  }
0x25c: {  	(v2sf) =	vpush v1, $0x4  }
0x25d: {  	(v2sf) =	vpush v1, $0x5  }
0x25e: {  	(v2sf) =	vpush v1, $0x6  }
0x25f: {  	(v2sf) =	vpush v1, $0x7  }
0x260: {  	(v2sf) =	vpush v1, $0x8  }
0x261: {  	(v2sf) =	vpush v1, $0x9  }
0x262: {  	(v2sf) =	vpush v1, $0xA  }
0x263: {  	(v2sf) =	vpush v1, $0xB  }
0x264: {  	(v2sf) =	vpush v1, $0xC  }
0x265: {  	(v2sf) =	vpush v1, $0xD  }
0x266: {  	(v2sf) =	vpush v1, $0xE  }
0x267: {  	s0 =	spop (v2sf);
	(v2sf) =	vpush v1, $0xF  }
0x268: {  	s0 =	ssub.s32 s0, s8;
	s1 =	spop (v2sf)  }
0x269: {  	p1 =	sgt.u32 s0, $0xC37;
	s2 =	ssub.s32 s1, s8;
	s1 =	spop (v2sf)  }
0x26a: {  	s0 =	sshll.u32 @!p1 s0, $0x5;
	s4 =	ssub.s32 s1, s8;
	s1 =	spop (v2sf)  }
0x26b: {  	s11 =	sand.u32 @!p1 $0x1FFE0, s0;
	v1 =	vld @!p1 [tilespmem:s23+$0xFFFFFC00];
	s10 =	ssub.s32 s1, s8;
	s0 =	spop (v2sf)  }
0x26c: {  	v2 =	vld @!p1 [tilespmem:s11+$0x7200];
	s9 =	ssub.s32 s0, s8;
	s0 =	spop (v2sf)  }
0x26d: {  	s7 =	ssub.s32 s0, s8;
	s0 =	spop (v2sf)  }
0x26e: {  	s6 =	ssub.s32 s0, s8;
	s0 =	spop (v2sf)  }
0x26f: {  	s15 =	ssub.s32 s0, s8;
	s0 =	spop (v2sf)  }
0x270: {  	s12 =	ssub.s32 s0, s8;
	s0 =	spop (v2sf)  }
0x271: {  	v1 =	vmax.f32 @!p1 v2, v1;
	s1 =	ssub.s32 s0, s8;
	s0 =	spop (v2sf)  }
0x272: {  	[tilespmem:s11+$0x7200] =	vst @!p1 v1;
	v1 =	vld @!p1 [tilespmem:s11+$0x7210];
	s0 =	ssub.s32 s0, s8;
	s26 =	spop (v2sf)  }
0x273: {  	v2 =	vld @!p1 [tilespmem:s23+$0xFFFFFC10];
	s31 =	ssub.s32 s26, s8;
	s26 =	spop (v2sf)  }
0x274: {  	s30 =	ssub.s32 s26, s8;
	s26 =	spop (v2sf)  }
0x275: {  	s29 =	ssub.s32 s26, s8;
	s26 =	spop (v2sf)  }
0x276: {  	s28 =	ssub.s32 s26, s8;
	s26 =	spop (v2sf)  }
0x277: {  	p2 =	sgt.u32 s2, $0xC37;
	s26 =	ssub.s32 s26, s8  }
0x278: {  	s2 =	sshll.u32 @!p2 s2, $0x5;
	v1 =	vmax.f32 @!p1 v1, v2  }
0x279: {  	s2 =	sand.u32 @!p2 $0x1FFE0, s2;
	[tilespmem:s11+$0x7210] =	vst @!p1 v1  }
0x27a: {  	v1 =	vld @!p2 [tilespmem:s2+$0x7200]  }
0x27b: {  	v2 =	vld @!p2 [tilespmem:s23+$0xFFFFFC80];
	_ =	sdelay $0x4  }
0x27c: {  	v1 =	vmax.f32 @!p2 v1, v2  }
0x27d: {  	[tilespmem:s2+$0x7200] =	vst @!p2 v1;
	v1 =	vld @!p2 [tilespmem:s2+$0x7210]  }
0x27e: {  	v2 =	vld @!p2 [tilespmem:s23+$0xFFFFFC90];
	_ =	sdelay $0x3  }
0x27f: {  	p1 =	sgt.u32 s4, $0xC37  }
0x280: {  	s4 =	sshll.u32 @!p1 s4, $0x5;
	v1 =	vmax.f32 @!p2 v1, v2  }
0x281: {  	[tilespmem:s2+$0x7210] =	vst @!p2 v1;
	s2 =	sand.u32 @!p1 $0x1FFE0, s4  }
0x282: {  	v1 =	vld @!p1 [tilespmem:s2+$0x7200]  }
0x283: {  	v2 =	vld @!p1 [tilespmem:s23+$0xFFFFFD00];
	_ =	sdelay $0x4  }
0x284: {  	v1 =	vmax.f32 @!p1 v1, v2  }
0x285: {  	[tilespmem:s2+$0x7200] =	vst @!p1 v1;
	v1 =	vld @!p1 [tilespmem:s2+$0x7210]  }
0x286: {  	v2 =	vld @!p1 [tilespmem:s23+$0xFFFFFD10];
	_ =	sdelay $0x3  }
0x287: {  	p2 =	sgt.u32 s10, $0xC37  }
0x288: {  	s4 =	sshll.u32 @!p2 s10, $0x5;
	v1 =	vmax.f32 @!p1 v1, v2  }
0x289: {  	[tilespmem:s2+$0x7210] =	vst @!p1 v1;
	s2 =	sand.u32 @!p2 $0x1FFE0, s4  }
0x28a: {  	v1 =	vld @!p2 [tilespmem:s2+$0x7200]  }
0x28b: {  	v2 =	vld @!p2 [tilespmem:s23+$0xFFFFFD80];
	_ =	sdelay $0x4  }
0x28c: {  	v1 =	vmax.f32 @!p2 v1, v2  }
0x28d: {  	[tilespmem:s2+$0x7200] =	vst @!p2 v1;
	v1 =	vld @!p2 [tilespmem:s2+$0x7210]  }
0x28e: {  	v2 =	vld @!p2 [tilespmem:s23+$0xFFFFFD90];
	_ =	sdelay $0x3  }
0x28f: {  	p1 =	sgt.u32 s9, $0xC37  }
0x290: {  	s4 =	sshll.u32 @!p1 s9, $0x5;
	v1 =	vmax.f32 @!p2 v1, v2  }
0x291: {  	[tilespmem:s2+$0x7210] =	vst @!p2 v1;
	s2 =	sand.u32 @!p1 $0x1FFE0, s4  }
0x292: {  	v1 =	vld @!p1 [tilespmem:s2+$0x7200]  }
0x293: {  	v2 =	vld @!p1 [tilespmem:s23+$0xFFFFFE00];
	_ =	sdelay $0x4  }
0x294: {  	v1 =	vmax.f32 @!p1 v1, v2  }
0x295: {  	[tilespmem:s2+$0x7200] =	vst @!p1 v1;
	v1 =	vld @!p1 [tilespmem:s2+$0x7210]  }
0x296: {  	v2 =	vld @!p1 [tilespmem:s23+$0xFFFFFE10];
	_ =	sdelay $0x3  }
0x297: {  	p2 =	sgt.u32 s7, $0xC37  }
0x298: {  	s4 =	sshll.u32 @!p2 s7, $0x5;
	v1 =	vmax.f32 @!p1 v1, v2  }
0x299: {  	[tilespmem:s2+$0x7210] =	vst @!p1 v1;
	s2 =	sand.u32 @!p2 $0x1FFE0, s4  }
0x29a: {  	v1 =	vld @!p2 [tilespmem:s2+$0x7200]  }
0x29b: {  	v2 =	vld @!p2 [tilespmem:s23+$0xFFFFFE80];
	_ =	sdelay $0x4  }
0x29c: {  	v1 =	vmax.f32 @!p2 v1, v2  }
0x29d: {  	[tilespmem:s2+$0x7200] =	vst @!p2 v1;
	v1 =	vld @!p2 [tilespmem:s2+$0x7210]  }
0x29e: {  	v2 =	vld @!p2 [tilespmem:s23+$0xFFFFFE90];
	_ =	sdelay $0x3  }
0x29f: {  	p1 =	sgt.u32 s6, $0xC37  }
0x2a0: {  	s4 =	sshll.u32 @!p1 s6, $0x5;
	v1 =	vmax.f32 @!p2 v1, v2  }
0x2a1: {  	[tilespmem:s2+$0x7210] =	vst @!p2 v1;
	s2 =	sand.u32 @!p1 $0x1FFE0, s4  }
0x2a2: {  	v1 =	vld @!p1 [tilespmem:s2+$0x7200]  }
0x2a3: {  	v2 =	vld @!p1 [tilespmem:s23+$0xFFFFFF00];
	_ =	sdelay $0x4  }
0x2a4: {  	v1 =	vmax.f32 @!p1 v1, v2  }
0x2a5: {  	[tilespmem:s2+$0x7200] =	vst @!p1 v1;
	v1 =	vld @!p1 [tilespmem:s2+$0x7210]  }
0x2a6: {  	v2 =	vld @!p1 [tilespmem:s23+$0xFFFFFF10];
	_ =	sdelay $0x3  }
0x2a7: {  	p2 =	sgt.u32 s15, $0xC37  }
0x2a8: {  	s4 =	sshll.u32 @!p2 s15, $0x5;
	v1 =	vmax.f32 @!p1 v1, v2  }
0x2a9: {  	[tilespmem:s2+$0x7210] =	vst @!p1 v1;
	s2 =	sand.u32 @!p2 $0x1FFE0, s4  }
0x2aa: {  	v1 =	vld @!p2 [tilespmem:s2+$0x7200]  }
0x2ab: {  	v2 =	vld @!p2 [tilespmem:s23+$0xFFFFFF80];
	_ =	sdelay $0x4  }
0x2ac: {  	v1 =	vmax.f32 @!p2 v1, v2  }
0x2ad: {  	[tilespmem:s2+$0x7200] =	vst @!p2 v1;
	v1 =	vld @!p2 [tilespmem:s2+$0x7210]  }
0x2ae: {  	v2 =	vld @!p2 [tilespmem:s23+$0xFFFFFF90];
	_ =	sdelay $0x3  }
0x2af: {  	p1 =	sgt.u32 s12, $0xC37  }
0x2b0: {  	s4 =	sshll.u32 @!p1 s12, $0x5;
	v1 =	vmax.f32 @!p2 v1, v2  }
0x2b1: {  	[tilespmem:s2+$0x7210] =	vst @!p2 v1;
	s2 =	sand.u32 @!p1 $0x1FFE0, s4  }
0x2b2: {  	v1 =	vld @!p1 [tilespmem:s2+$0x7200]  }
0x2b3: {  	v2 =	vld @!p1 [tilespmem:s23+$0x0];
	_ =	sdelay $0x4  }
0x2b4: {  	v1 =	vmax.f32 @!p1 v1, v2  }
0x2b5: {  	[tilespmem:s2+$0x7200] =	vst @!p1 v1;
	v1 =	vld @!p1 [tilespmem:s2+$0x7210]  }
0x2b6: {  	v2 =	vld @!p1 [tilespmem:s23+$0x10];
	_ =	sdelay $0x3  }
0x2b7: {  	p2 =	sgt.u32 s1, $0xC37  }
0x2b8: {  	s1 =	sshll.u32 @!p2 s1, $0x5;
	v1 =	vmax.f32 @!p1 v1, v2  }
0x2b9: {  	s1 =	sand.u32 @!p2 $0x1FFE0, s1;
	[tilespmem:s2+$0x7210] =	vst @!p1 v1  }
0x2ba: {  	v1 =	vld @!p2 [tilespmem:s1+$0x7200]  }
0x2bb: {  	v2 =	vld @!p2 [tilespmem:s23+$0x80]  }
0x2bc: {  	v3 =	vld @!p2 [tilespmem:s1+$0x7210];
	_ =	sdelay $0x3  }
0x2bd: {  	v1 =	vmax.f32 @!p2 v1, v2  }
0x2be: {  	[tilespmem:s1+$0x7200] =	vst @!p2 v1  }
0x2bf: {  	v1 =	vld @!p2 [tilespmem:s23+$0x90];
	_ =	sdelay $0x3  }
0x2c0: {  	p1 =	sgt.u32 s0, $0xC37  }
0x2c1: {  	s0 =	sshll.u32 @!p1 s0, $0x5;
	v1 =	vmax.f32 @!p2 v3, v1  }
0x2c2: {  	s0 =	sand.u32 @!p1 $0x1FFE0, s0;
	[tilespmem:s1+$0x7210] =	vst @!p2 v1  }
0x2c3: {  	v1 =	vld @!p1 [tilespmem:s0+$0x7200]  }
0x2c4: {  	v2 =	vld @!p1 [tilespmem:s23+$0x100]  }
0x2c5: {  	v3 =	vld @!p1 [tilespmem:s0+$0x7210];
	_ =	sdelay $0x3  }
0x2c6: {  	v1 =	vmax.f32 @!p1 v1, v2  }
0x2c7: {  	[tilespmem:s0+$0x7200] =	vst @!p1 v1  }
0x2c8: {  	v1 =	vld @!p1 [tilespmem:s23+$0x110];
	_ =	sdelay $0x3  }
0x2c9: {  	p2 =	sgt.u32 s31, $0xC37  }
0x2ca: {  	s1 =	sshll.u32 @!p2 s31, $0x5;
	v1 =	vmax.f32 @!p1 v3, v1  }
0x2cb: {  	[tilespmem:s0+$0x7210] =	vst @!p1 v1;
	s0 =	sand.u32 @!p2 $0x1FFE0, s1  }
0x2cc: {  	v1 =	vld @!p2 [tilespmem:s0+$0x7200]  }
0x2cd: {  	v2 =	vld @!p2 [tilespmem:s23+$0x180]  }
0x2ce: {  	v3 =	vld @!p2 [tilespmem:s0+$0x7210];
	_ =	sdelay $0x3  }
0x2cf: {  	v1 =	vmax.f32 @!p2 v1, v2  }
0x2d0: {  	[tilespmem:s0+$0x7200] =	vst @!p2 v1  }
0x2d1: {  	v1 =	vld @!p2 [tilespmem:s23+$0x190];
	_ =	sdelay $0x3  }
0x2d2: {  	p1 =	sgt.u32 s30, $0xC37  }
0x2d3: {  	s1 =	sshll.u32 @!p1 s30, $0x5;
	v1 =	vmax.f32 @!p2 v3, v1  }
0x2d4: {  	[tilespmem:s0+$0x7210] =	vst @!p2 v1;
	s0 =	sand.u32 @!p1 $0x1FFE0, s1  }
0x2d5: {  	v1 =	vld @!p1 [tilespmem:s0+$0x7200]  }
0x2d6: {  	v2 =	vld @!p1 [tilespmem:s23+$0x200]  }
0x2d7: {  	v3 =	vld @!p1 [tilespmem:s0+$0x7210];
	_ =	sdelay $0x3  }
0x2d8: {  	v1 =	vmax.f32 @!p1 v1, v2  }
0x2d9: {  	[tilespmem:s0+$0x7200] =	vst @!p1 v1  }
0x2da: {  	v1 =	vld @!p1 [tilespmem:s23+$0x210];
	_ =	sdelay $0x3  }
0x2db: {  	p2 =	sgt.u32 s29, $0xC37  }
0x2dc: {  	s1 =	sshll.u32 @!p2 s29, $0x5;
	v1 =	vmax.f32 @!p1 v3, v1  }
0x2dd: {  	[tilespmem:s0+$0x7210] =	vst @!p1 v1;
	s0 =	sand.u32 @!p2 $0x1FFE0, s1  }
0x2de: {  	v1 =	vld @!p2 [tilespmem:s0+$0x7200]  }
0x2df: {  	v2 =	vld @!p2 [tilespmem:s23+$0x280]  }
0x2e0: {  	v3 =	vld @!p2 [tilespmem:s0+$0x7210];
	_ =	sdelay $0x3  }
0x2e1: {  	v1 =	vmax.f32 @!p2 v1, v2  }
0x2e2: {  	[tilespmem:s0+$0x7200] =	vst @!p2 v1  }
0x2e3: {  	v1 =	vld @!p2 [tilespmem:s23+$0x290];
	_ =	sdelay $0x3  }
0x2e4: {  	p1 =	sgt.u32 s28, $0xC37  }
0x2e5: {  	s1 =	sshll.u32 @!p1 s28, $0x5;
	v1 =	vmax.f32 @!p2 v3, v1  }
0x2e6: {  	[tilespmem:s0+$0x7210] =	vst @!p2 v1;
	s0 =	sand.u32 @!p1 $0x1FFE0, s1  }
0x2e7: {  	v2 =	vld @!p1 [tilespmem:s0+$0x7200]  }
0x2e8: {  	v3 =	vld @!p1 [tilespmem:s23+$0x300]  }
0x2e9: {  	v1 =	vld @!p1 [tilespmem:s0+$0x7210];
	_ =	sdelay $0x1  }
.Ltmp7:
0x2ea: {  	(pc) =	sbr.rel @p0 .LBB2_11-.Ltmp7, $4  }
0x2eb: {  	_ = 	snop  }
0x2ec: {  	v2 =	vmax.f32 @!p1 v2, v3  }
0x2ed: {  	[tilespmem:s0+$0x7200] =	vst @!p1 v2  }
0x2ee: {  	v2 =	vld @!p1 [tilespmem:s23+$0x310]  }
0x2ef: {  	_ =	sdelay $0x2  }
0x2f0: {  	p0 =	sgt.u32 s26, $0xC37  }
0x2f1: {  	s1 =	sshll.u32 @!p0 s26, $0x5;
	v1 =	vmax.f32 @!p1 v1, v2  }
0x2f2: {  	[tilespmem:s0+$0x7210] =	vst @!p1 v1;
	s0 =	sand.u32 @!p0 $0x1FFE0, s1  }
0x2f3: {  	v1 =	vld @!p0 [tilespmem:s0+$0x7200]  }
0x2f4: {  	v2 =	vld @!p0 [tilespmem:s24+$0x380];
	_ =	sdelay $0x4  }
0x2f5: {  	v1 =	vmax.f32 @!p0 v1, v2  }
0x2f6: {  	v2 =	vld @!p0 [tilespmem:s0+$0x7210];
	[tilespmem:s0+$0x7200] =	vst @!p0 v1  }
0x2f7: {  	s1 =	sadd.s32 $0x3, s22;
	v1 =	vld @!p0 [tilespmem:s24+$0x390]  }
0x2f8: {  	p1 =	sge.s32 s1, s18  }
0x2f9: {  	s1 =	smul.u32 @!p1 $0x70, s1;
	_ =	sdelay $0x1  }
0x2fa: {  	s1 =	sadd.s32 @!p1 s17, s1  }
0x2fb: {  	s4 =	simm.s32 @!p1 $0x180;
	s2 =	sshrl.u32 @!p1 s1, $0x3;
	v1 =	vmax.f32 @!p0 v2, v1  }
.Ltmp8:
0x2fc: {  	[tilespmem:s0+$0x7210] =	vst @!p0 v1;
	s0 =	sadd.s32 @!p1 s5, s2;
	s2 =	simm.s32 @!p1 $0x0;
	(pc) =	sbr.rel .LBB2_13-.Ltmp8, $4  }
0x2fd: {  	[tilespmem:s4], [sflag:$0x2] =	stream.linear.gather @!p1 [hbm4b:s0+s2], $0x70, $0x38;
	[tilespmem:$0x1F900] =	vst v63  }
0x2fe: {  	s0 =	sshll.u32 @!p1 s1, $0x4  }
0x2ff: {  	s1 =	simm.s32 @!p1 $0x3A00;
	s0 =	sadd.s32 @!p1 s3, s0  }
0x300: {  	[tilespmem:s1], [sflag:$0x2] =	stream.linear.gather @!p1 [hbm4b:s0+s2], $0x3800, $0x38;
	[tilespmem:$0x1F900] =	vst v63  }
.LBB2_14:
0x301: {  	v1 =	vld [tilespmem:$0x80]  }
0x302: {  	v2 =	vld [tilespmem:$0x90]  }
0x303: {  	v3 =	vld [tilespmem:$0xA0]  }
0x304: {  	v4 =	vld [tilespmem:$0xB0];
	s0 =	simm.s32 $0x0  }
0x305: {  	s1 =	simm.s32 $0x80;
	v5 =	vld [tilespmem:s0+$0x7200]  }
.LBB2_15:
0x306: {  	p0 =	sne.s32 s1, $0x61B80;
	v6 =	vld [tilespmem:s0+$0x7210];
	_ =	sdelay $0x3  }
0x307: {  	v5 =	vmul.f32 v5, v1  }
0x308: {  	v6 =	vmul.f32 v6, v2  }
.Ltmp9:
0x309: {  	v5 =	vadd.f32 v5, v3;
	(pc) =	sbr.rel @p0 .LBB2_15-.Ltmp9, $4  }
0x30a: {  	v6 =	vadd.f32 v6, v4  }
0x30b: {  	v5 =	vmax.f32 v5, $0.0e+00  }
0x30c: {  	s2 =	sshra.s32 s1, $0x2;
	[tilespmem:s0+$0x7200] =	vst v5;
	v6 =	vmax.f32 v6, $0.0e+00  }
0x30d: {  	s1 =	sadd.s32 $0x80, s1;
	v5 =	vld [tilespmem:s2+$0x7200];
	[tilespmem:s0+$0x7210] =	vst v6;
	s0 =	smov.u32 s2  }
0x30e: {  	v6 =	vld [tilespmem:s0+$0x7210];
	_ =	sdelay $0x3  }
0x30f: {  	v1 =	vmul.f32 v5, v1  }
0x310: {  	v2 =	vmul.f32 v6, v2  }
0x311: {  	v1 =	vadd.f32 v1, v3  }
0x312: {  	v2 =	vadd.f32 v2, v4  }
0x313: {  	v1 =	vmax.f32 v1, $0.0e+00  }
0x314: {  	[tilespmem:s0+$0x7200] =	vst v1;
	v1 =	vmax.f32 v2, $0.0e+00  }
0x315: {  	s9 =	simm.s32 $0x0;
	s30 =	rddreg [dreg:$0x6];
	s1 =	simm.s32 $0x7200;
	[tilespmem:s0+$0x7210] =	vst v1  }
0x316: {  	[hbm4b:s30+s9] =	stream.linear.scatter [tilespmem:s1], [sflag:$0x3], $0x18700, $0x38;
	[tilespmem:$0x1F900] =	vst v63  }
0x317: {  	s1 =	simm.s32 $0x3  }
0x318: {  	_ =	swait.ge [sflag:s1], $0x18700  }
0x319: {  	s16 =	sadd.s32 $0x1, s16;
	s31 =	rddreg [dreg:$0x7]  }
0x31a: {  	p0 =	sne.s32 s16, s31  }
.Ltmp10:
0x31b: {  	_ = 	snop;
	(pc) =	sbr.rel @p0 .LBB2_1-.Ltmp10, $3  }
0x31c: {  	_ =	sdelay $0x1  }
0x31d: {  	[sflag:s1] =	ssyncset.done $0x0  }
0x31e: {  	[sflag:s1] =	ssyncadd.s32 $0xFFFE7900  }
0x31f: {  	_ =	sfence.sel $0x180000  }
0x320: {  	[bflag:$0x0] =	sbarrier.arrive $0xFFFF  }
0x321: {  	_ =	strace $0x90000047  }
0x322: {  	s0 =	stileid.u32;
	[bflag:$0x2] =	sbarrier.arrive $0xFFFF  }
0x323: {  	p0 =	sne.s32 s0, $0x0;
	s0 =	rddreg [dreg:$0x2]  }
0x324: {  	s0 =	sadd.s32 @!p0 $0x100000, s0  }
0x325: {  	[sflag:s0] =	ssyncadd.tile.s32 @!p0 $0x1;
	_ =	shalt  }
.Lfunc_end2:
_tile_overlayer_lowered:
.L_overlay_start_2:
0x326: {  	(tag) =	ssettag $0x2  }
0x327: {  	s0 =	rddreg [dreg:$0x0];
	s2 =	stileid.u32  }
0x328: {  	s1 =	rddreg [dreg:$0x1];
	p0 =	sne.s32 s2, $0x0  }
0x329: {  	s3 =	rddreg [dreg:$0x2];
	[bflag:$0x3] =	sbarrier.arrive $0xFFFF;
	s2 =	simm.s32 @!p0 $0x1C03  }
0x32a: {  	[timem:s3], [sflag:s2] =	dma.local @!p0 [hbm:s0], s1  }
0x32b: {  	s0 =	simm.s32 @!p0 $0x3  }
0x32c: {  	_ =	swait.ge @!p0 [sflag:s0], s1  }
0x32d: {  	s1 =	ssub.s32 @!p0 $0x0, s1;
	[sflag:s0] =	ssyncset.done @!p0 $0x0  }
0x32e: {  	[sflag:s0] =	ssyncadd.s32 @!p0 s1  }
0x32f: {  	[bflag:$0x3] =	sbarrier.arrive $0xFFFF  }
0x330: {  	_ =	shalt  }

</sc_bundles>
